<compile_context>
chip_gen: v7x
topology: tpu7x:2x2x1
jax: 0.10.2.dev20260603
libtpu: 0.0.44.dev20260713+nightly
codegen_flags: <defaults>
</compile_context>

<pallas_src>
import functools

import jax
import jax.numpy as jnp
from jax import lax
from jax.experimental import pallas as pl
from jax.experimental.pallas import tpu as pltpu
from jax.experimental.pallas import tpu_sc as plsc

NCH = 7
SEL_CAP = 16 * NCH
SEL_PAD = SEL_CAP + 16
SENTINEL = 2.0e9
CHUNK = 128
TOPK = 128


def _nms_scan_call(nb, ncand):
    mesh = plsc.VectorSubcoreMesh(core_axis_name="c", subcore_axis_name="s")
    nchunks = ncand // CHUNK

    @functools.partial(
        pl.kernel,
        out_type=(
            jax.ShapeDtypeStruct((SEL_PAD,), jnp.int32),
            jax.ShapeDtypeStruct((16,), jnp.int32),
        ),
        mesh=mesh,
        scratch_types=[
            pltpu.VMEM((4 * nb + 16,), jnp.float32),
            pltpu.VMEM((ncand + 16,), jnp.int32),
            pltpu.VMEM((ncand + 16,), jnp.float32),
            pltpu.VMEM((16,), jnp.float32),
            pltpu.VMEM((SEL_PAD,), jnp.int32),
            pltpu.VMEM((32,), jnp.float32),
            pltpu.VMEM((16,), jnp.int32),
        ],
    )
    def scan(boxes_hbm, order_hbm, ss_hbm, pf_hbm,
             sel_hbm, cnt_hbm,
             boxesf_v, order_v, ss_v, pf_v,
             sidx, red_v, cnt_v):
        wid = lax.axis_index("s") * 2 + lax.axis_index("c")
        one_if_t0 = jnp.where(wid == 0, 1, 0).astype(jnp.int32)

        def stage(_, carry):
            pltpu.sync_copy(boxes_hbm, boxesf_v.at[pl.ds(0, 4 * nb)])
            pltpu.sync_copy(order_hbm, order_v.at[pl.ds(0, ncand)])
            pltpu.sync_copy(ss_hbm, ss_v.at[pl.ds(0, ncand)])
            pltpu.sync_copy(pf_hbm, pf_v)
            boxesf_v[pl.ds(4 * nb, 16)] = jnp.zeros((16,), jnp.float32)
            order_v[pl.ds(ncand, 16)] = jnp.zeros((16,), jnp.int32)
            ss_v[pl.ds(ncand, 16)] = jnp.full((16,), -3e38, jnp.float32)
            return carry

        lax.fori_loop(0, one_if_t0, stage, jnp.int32(0))

        pf = pf_v[...]
        iou_t = pf[0]
        score_t = pf[1]
        max_out = jnp.minimum(pf[2].astype(jnp.int32), SEL_CAP)

        lanes = lax.iota(jnp.int32, 16)
        lanes_f = lanes.astype(jnp.float32)
        hot_i = jnp.maximum(1 - lanes, 0)
        sent = jnp.full((16,), SENTINEL, jnp.float32)

        for k in range(SEL_PAD // 16):
            sidx[pl.ds(k * 16, 16)] = jnp.zeros((16,), jnp.int32)
        red_v[pl.ds(16, 16)] = jnp.full((16,), -3e38, jnp.float32)

        def cand(j, carry):
            base, count, sel_regs = carry
            idx = base + j
            sc = ss_v[pl.ds(idx, 16)][0]
            oi = order_v[pl.ds(idx, 16)][0]
            brow = boxesf_v[pl.ds(oi * 4, 16)]
            bx1 = brow[0]
            by1 = brow[1]
            bx2 = brow[2]
            by2 = brow[3]
            barea = (bx2 - bx1) * (by2 - by1)

            viol = jnp.full((16,), -1.0, jnp.float32)
            for k in range(NCH):
                cx1, cy1, cx2, cy2 = sel_regs[k]
                carea = (cx2 - cx1) * (cy2 - cy1)
                ix1 = jnp.maximum(bx1, cx1)
                iy1 = jnp.maximum(by1, cy1)
                ix2 = jnp.minimum(bx2, cx2)
                iy2 = jnp.minimum(by2, cy2)
                inter = (jnp.maximum(ix2 - ix1, 0.0)
                         * jnp.maximum(iy2 - iy1, 0.0))
                union = jnp.maximum(barea + carea - inter, 1e-6)
                viol = jnp.maximum(viol, inter - iou_t * union)

            m16 = viol
            for shift in (8, 4, 2, 1):
                red_v[pl.ds(0, 16)] = m16
                m16 = jnp.maximum(m16, red_v[pl.ds(shift, 16)])
            suppressed = m16[0] >= 0.0

            ok = (sc > score_t) & (count < max_out) & jnp.logical_not(suppressed)
            okf = jnp.where(ok, 1.0, 0.0).astype(jnp.float32)
            oki = jnp.where(ok, 1, 0).astype(jnp.int32)

            count_f = count.astype(jnp.float32)
            new_regs = []
            for k in range(NCH):
                cx1, cy1, cx2, cy2 = sel_regs[k]
                oh = jnp.maximum(
                    1.0 - jnp.abs(lanes_f - (count_f - 16.0 * k)), 0.0) * okf
                new_regs.append((cx1 + oh * (bx1 - cx1),
                                 cy1 + oh * (by1 - cy1),
                                 cx2 + oh * (bx2 - cx2),
                                 cy2 + oh * (by2 - cy2)))
            new_regs = tuple(new_regs)

            mi = hot_i * oki
            sl = pl.ds(count, 16)
            sidx[sl] = sidx[sl] + mi * (oi - sidx[sl])
            return (base, count + oki, new_regs)

        sel0 = tuple((sent, sent, sent, sent) for _ in range(NCH))

        def chunk(t, carry):
            count, sel_regs = carry
            base = t * CHUNK
            sc0 = ss_v[pl.ds(base, 16)][0]
            active = (count < max_out) & (sc0 > score_t)
            trip = jnp.where(active, CHUNK, 0).astype(jnp.int32)
            _, count, sel_regs = lax.fori_loop(
                0, trip, cand, (base, count, sel_regs))
            return (count, sel_regs)

        count, _ = lax.fori_loop(0, nchunks * one_if_t0, chunk,
                                 (jnp.int32(0), sel0))

        def emit(_, carry):
            pltpu.sync_copy(sidx, sel_hbm)
            cnt_v[...] = jnp.zeros((16,), jnp.int32) + count
            pltpu.sync_copy(cnt_v, cnt_hbm)
            return carry

        lax.fori_loop(0, one_if_t0, emit, jnp.int32(0))

    return scan


def kernel(boxes, scores, max_output_size, iou_threshold, scores_threshold,
           pad_to_max_output_size=True):
    del pad_to_max_output_size
    boxes = boxes.astype(jnp.float32)
    scores = scores.astype(jnp.float32)
    n = boxes.shape[0]
    boxesf = boxes.reshape(-1)
    if n % 16 != 0:
        boxesf = jnp.pad(boxesf, (0, (16 - (4 * n) % 16) % 16))
    nb = boxesf.shape[0] // 4

    pf = jnp.stack([
        jnp.asarray(iou_threshold, jnp.float32),
        jnp.asarray(scores_threshold, jnp.float32),
        jnp.asarray(max_output_size, jnp.float32),
    ])
    pf = jnp.concatenate([pf, jnp.zeros((13,), jnp.float32)])

    k = min(TOPK, ((n + CHUNK - 1) // CHUNK) * CHUNK)
    npad_full = ((n + CHUNK - 1) // CHUNK) * CHUNK

    if k >= n or k == npad_full:
        neg_sorted, order = lax.sort(
            (-scores, jnp.arange(n, dtype=jnp.int32)), num_keys=1,
            is_stable=True)
        ss = jnp.pad(-neg_sorted, (0, npad_full - n), constant_values=-3e38)
        order = jnp.pad(order, (0, npad_full - n))
        sel, cnt = _nms_scan_call(nb, npad_full)(boxesf, order, ss, pf)
        return sel[:100], cnt[0]

    ssk, ordk = scores[:k], jnp.arange(k, dtype=jnp.int32)
    sel_f, cnt_f = _nms_scan_call(nb, k)(boxesf, ordk, ssk, pf)
    max_out_i = jnp.minimum(jnp.asarray(max_output_size, jnp.int32), SEL_CAP)
    complete = (cnt_f[0] >= max_out_i) | (ssk[k - 1] <= jnp.asarray(
        scores_threshold, jnp.float32))

    def fast_path(_):
        return sel_f[:100], cnt_f[0]

    def full_path(_):
        neg_sorted, order = lax.sort(
            (-scores, jnp.arange(n, dtype=jnp.int32)), num_keys=1,
            is_stable=True)
        ss = jnp.pad(-neg_sorted, (0, npad_full - n), constant_values=-3e38)
        order = jnp.pad(order, (0, npad_full - n))
        sel, cnt = _nms_scan_call(nb, npad_full)(boxesf, order, ss, pf)
        return sel[:100], cnt[0]

    return lax.cond(complete, fast_path, full_path, operand=None)

# --- scband reference (transcript-rebuilt; emitter-appended) ---
"""Pipeline reference for scband-model-51453708206373 (READ-ONLY COPY).

The authoritative reference and input builder live on the scoring server;
editing this copy changes nothing except your own understanding.
"""

import jax, jax.numpy as jnp
import numpy as np

N = 20000
MAX_OUT = 100
IOU_T = 0.5
SCORE_T = 0.05


def _nms(boxes, scores, max_output_size, iou_threshold, scores_threshold, static_size):
    n = boxes.shape[0]
    order = jnp.argsort(-scores)
    sb = boxes[order]
    ss = scores[order]
    suppressed0 = ss <= scores_threshold
    areas = (sb[:, 2] - sb[:, 0]) * (sb[:, 3] - sb[:, 1])
    idxs = jnp.arange(n)

    def body(i, state):
        suppressed, selected, count = state
        active = jnp.logical_and(jnp.logical_not(suppressed[i]), count < max_output_size)
        selected = jnp.where(active, selected.at[count].set(order[i].astype(jnp.int32)), selected)
        count = count + jnp.where(active, jnp.int32(1), jnp.int32(0))
        cur = sb[i]
        x1 = jnp.maximum(cur[0], sb[:, 0])
        y1 = jnp.maximum(cur[1], sb[:, 1])
        x2 = jnp.minimum(cur[2], sb[:, 2])
        y2 = jnp.minimum(cur[3], sb[:, 3])
        inter = jnp.clip(x2 - x1, 0.0) * jnp.clip(y2 - y1, 0.0)
        union = jnp.clip(areas[i] + areas - inter, 1e-6)
        iou = inter / union
        sup_new = jnp.logical_and(jnp.logical_and(iou >= iou_threshold, idxs > i), active)
        suppressed = jnp.logical_or(suppressed, sup_new)
        return (suppressed, selected, count)

    selected0 = jnp.zeros((static_size,), dtype=jnp.int32)
    suppressed, selected, count = jax.lax.fori_loop(0, n, body, (suppressed0, selected0, jnp.int32(0)))
    return selected, count


def setup_inputs(seed: int = 0):
    key = jax.random.key(seed)
    k1, k2, k3 = jax.random.split(key, 3)
    xy = jax.random.uniform(k1, (N, 2), dtype=jnp.float32) * 1000.0
    wh = jax.random.uniform(k2, (N, 2), dtype=jnp.float32) * 100.0 + 1.0
    boxes = jnp.concatenate([xy, xy + wh], axis=1)
    scores = jax.random.uniform(k3, (N,), dtype=jnp.float32)
    return {"boxes": boxes, "scores": scores, "max_output_size": MAX_OUT,
            "iou_threshold": IOU_T, "scores_threshold": SCORE_T,
            "pad_to_max_output_size": True}


def reference(boxes, scores, max_output_size, iou_threshold, scores_threshold, pad_to_max_output_size=True):
    selected, count = _nms(boxes.astype(jnp.float32), scores.astype(jnp.float32),
                           max_output_size, iou_threshold, scores_threshold, MAX_OUT)
    return selected, count

if __name__ == "__main__":
    import jax
    _d = setup_inputs()
    print(jax.jit(kernel)(*tuple(_d.values())))

</pallas_src>

<mosaic_0001>
#map = affine_map<(d0, d1) -> (0)>
module attributes {stable_mosaic.version = 14 : i64} {
  func.func @scan(%arg0: i32, %arg1: i32, %arg2: memref<80000xf32, #tpu.memory_space<hbm>>, %arg3: memref<20096xi32, #tpu.memory_space<hbm>>, %arg4: memref<20096xf32, #tpu.memory_space<hbm>>, %arg5: memref<16xf32, #tpu.memory_space<hbm>>, %arg6: memref<128xi32, #tpu.memory_space<hbm>>, %arg7: memref<16xi32, #tpu.memory_space<hbm>>, %arg8: memref<80016xf32, #tpu.memory_space<vmem>>, %arg9: memref<20112xi32, #tpu.memory_space<vmem>>, %arg10: memref<20112xf32, #tpu.memory_space<vmem>>, %arg11: memref<16xf32, #tpu.memory_space<vmem>>, %arg12: memref<128xi32, #tpu.memory_space<vmem>>, %arg13: memref<32xf32, #tpu.memory_space<vmem>>, %arg14: memref<16xi32, #tpu.memory_space<vmem>>) attributes {dimension_semantics = [#tpu.dimension_semantics<core_parallel>, #tpu.dimension_semantics<subcore_parallel>], iteration_bounds = array<i64: 2, 16>, scalar_prefetch = 0 : i64, scratch_operands = 7 : i64, tpu.core_type = #tpu.core_type<sc_vector_subcore>, window_params = [{transform_indices = #map}, {transform_indices = #map}, {transform_indices = #map}, {transform_indices = #map}, {transform_indices = #map}, {transform_indices = #map}]} {
    %mul3A = arith.constant 2 : i32
    %mul3A_0 = arith.muli %arg1, %mul3A : i32
    %add3A = arith.addi %mul3A_0, %arg0 : i32
    %eq3A = arith.constant 0 : i32
    %eq3A_1 = arith.cmpi eq, %add3A, %eq3A : i32
    %jit3A = arith.constant 1 : i32
    %jit3A_2 = arith.constant 0 : i32
    %select_n3A = arith.select %eq3A_1, %jit3A, %jit3A_2 : i32
    %while3A = arith.constant 0 : i32
    %while3A_3 = arith.constant 0 : i32
    %while3A_4 = arith.subi %select_n3A, %while3A_3 : i32
    %while3A_5 = arith.addi %while3A_3, %while3A_4 : i32
    %while3A_6 = arith.constant 1 : i32
    %while3A_7 = arith.divsi %while3A_4, %while3A_6 : i32
    %while3A_8 = arith.muli %while3A_7, %while3A_6 : i32
    %while3A_9 = arith.addi %while3A_3, %while3A_8 : i32
    %while3A_10 = arith.constant 1 : i32
    scf.for %while3A_102 = %while3A_3 to %while3A_9 step %while3A_10  : i32 {
      "tpu.region"() ({
        %run_scoped3A = tpu.sem_alloc : memref<!tpu.dma_semaphore, #tpu.memory_space<semaphore_mem>>
        %dma_start3A = arith.constant 0 : i32
        %dma_start3A_121 = tpu.memref_slice %arg8[%dma_start3A] : memref<80016xf32, #tpu.memory_space<vmem>> -> memref<80000xf32, #tpu.memory_space<vmem>>
        %dma_start3A_122 = arith.constant 0 : i32
        %dma_start3A_123 = tpu.memref_slice %arg8[%dma_start3A_122] : memref<80016xf32, #tpu.memory_space<vmem>> -> memref<80000xf32, #tpu.memory_space<vmem>>
        tpu.enqueue_dma source(%arg2 : memref<80000xf32, #tpu.memory_space<hbm>>) target(%dma_start3A_123 : memref<80000xf32, #tpu.memory_space<vmem>>) target_semaphore(%run_scoped3A : memref<!tpu.dma_semaphore, #tpu.memory_space<semaphore_mem>>)
        %dma_wait3A = arith.constant 0 : i32
        %dma_wait3A_124 = tpu.memref_slice %arg8[%dma_wait3A] : memref<80016xf32, #tpu.memory_space<vmem>> -> memref<80000xf32, #tpu.memory_space<vmem>>
        %dma_wait3A_125 = arith.constant 0 : i32
        %dma_wait3A_126 = tpu.memref_slice %arg8[%dma_wait3A_125] : memref<80016xf32, #tpu.memory_space<vmem>> -> memref<80000xf32, #tpu.memory_space<vmem>>
        tpu.wait_dma2 semaphore(%run_scoped3A : memref<!tpu.dma_semaphore, #tpu.memory_space<semaphore_mem>>) src(%arg2 : memref<80000xf32, #tpu.memory_space<hbm>>) dst(%dma_wait3A_126 : memref<80000xf32, #tpu.memory_space<vmem>>)
        tpu.yield
      }) : () -> ()
      "tpu.region"() ({
        %run_scoped3A = tpu.sem_alloc : memref<!tpu.dma_semaphore, #tpu.memory_space<semaphore_mem>>
        %dma_start3A = arith.constant 0 : i32
        %dma_start3A_121 = tpu.memref_slice %arg9[%dma_start3A] : memref<20112xi32, #tpu.memory_space<vmem>> -> memref<20096xi32, #tpu.memory_space<vmem>>
        %dma_start3A_122 = arith.constant 0 : i32
        %dma_start3A_123 = tpu.memref_slice %arg9[%dma_start3A_122] : memref<20112xi32, #tpu.memory_space<vmem>> -> memref<20096xi32, #tpu.memory_space<vmem>>
        tpu.enqueue_dma source(%arg3 : memref<20096xi32, #tpu.memory_space<hbm>>) target(%dma_start3A_123 : memref<20096xi32, #tpu.memory_space<vmem>>) target_semaphore(%run_scoped3A : memref<!tpu.dma_semaphore, #tpu.memory_space<semaphore_mem>>)
        %dma_wait3A = arith.constant 0 : i32
        %dma_wait3A_124 = tpu.memref_slice %arg9[%dma_wait3A] : memref<20112xi32, #tpu.memory_space<vmem>> -> memref<20096xi32, #tpu.memory_space<vmem>>
        %dma_wait3A_125 = arith.constant 0 : i32
        %dma_wait3A_126 = tpu.memref_slice %arg9[%dma_wait3A_125] : memref<20112xi32, #tpu.memory_space<vmem>> -> memref<20096xi32, #tpu.memory_space<vmem>>
        tpu.wait_dma2 semaphore(%run_scoped3A : memref<!tpu.dma_semaphore, #tpu.memory_space<semaphore_mem>>) src(%arg3 : memref<20096xi32, #tpu.memory_space<hbm>>) dst(%dma_wait3A_126 : memref<20096xi32, #tpu.memory_space<vmem>>)
        tpu.yield
      }) : () -> ()
      "tpu.region"() ({
        %run_scoped3A = tpu.sem_alloc : memref<!tpu.dma_semaphore, #tpu.memory_space<semaphore_mem>>
        %dma_start3A = arith.constant 0 : i32
        %dma_start3A_121 = tpu.memref_slice %arg10[%dma_start3A] : memref<20112xf32, #tpu.memory_space<vmem>> -> memref<20096xf32, #tpu.memory_space<vmem>>
        %dma_start3A_122 = arith.constant 0 : i32
        %dma_start3A_123 = tpu.memref_slice %arg10[%dma_start3A_122] : memref<20112xf32, #tpu.memory_space<vmem>> -> memref<20096xf32, #tpu.memory_space<vmem>>
        tpu.enqueue_dma source(%arg4 : memref<20096xf32, #tpu.memory_space<hbm>>) target(%dma_start3A_123 : memref<20096xf32, #tpu.memory_space<vmem>>) target_semaphore(%run_scoped3A : memref<!tpu.dma_semaphore, #tpu.memory_space<semaphore_mem>>)
        %dma_wait3A = arith.constant 0 : i32
        %dma_wait3A_124 = tpu.memref_slice %arg10[%dma_wait3A] : memref<20112xf32, #tpu.memory_space<vmem>> -> memref<20096xf32, #tpu.memory_space<vmem>>
        %dma_wait3A_125 = arith.constant 0 : i32
        %dma_wait3A_126 = tpu.memref_slice %arg10[%dma_wait3A_125] : memref<20112xf32, #tpu.memory_space<vmem>> -> memref<20096xf32, #tpu.memory_space<vmem>>
        tpu.wait_dma2 semaphore(%run_scoped3A : memref<!tpu.dma_semaphore, #tpu.memory_space<semaphore_mem>>) src(%arg4 : memref<20096xf32, #tpu.memory_space<hbm>>) dst(%dma_wait3A_126 : memref<20096xf32, #tpu.memory_space<vmem>>)
        tpu.yield
      }) : () -> ()
      "tpu.region"() ({
        %run_scoped3A = tpu.sem_alloc : memref<!tpu.dma_semaphore, #tpu.memory_space<semaphore_mem>>
        tpu.enqueue_dma source(%arg5 : memref<16xf32, #tpu.memory_space<hbm>>) target(%arg11 : memref<16xf32, #tpu.memory_space<vmem>>) target_semaphore(%run_scoped3A : memref<!tpu.dma_semaphore, #tpu.memory_space<semaphore_mem>>)
        tpu.wait_dma2 semaphore(%run_scoped3A : memref<!tpu.dma_semaphore, #tpu.memory_space<semaphore_mem>>) src(%arg5 : memref<16xf32, #tpu.memory_space<hbm>>) dst(%arg11 : memref<16xf32, #tpu.memory_space<vmem>>)
        tpu.yield
      }) : () -> ()
      %broadcast_in_dim3A_103 = arith.constant 0.000000e+00 : f32
      %broadcast_in_dim3A_104 = vector.broadcast %broadcast_in_dim3A_103 : f32 to vector<16xf32>
      %swap3A_105 = arith.constant 80000 : index
      %swap3A_106 = tpu.vector_load %arg8[%swap3A_105] {strides = array<i32>} : memref<80016xf32, #tpu.memory_space<vmem>>, vector<16xf32>,
      %swap3A_107 = vector.shape_cast %swap3A_106 : vector<16xf32> to vector<16xf32>
      %swap3A_108 = vector.shape_cast %broadcast_in_dim3A_104 : vector<16xf32> to vector<16xf32>
      tpu.vector_store %arg8[%swap3A_105], %swap3A_108 {strides = array<i32>} : memref<80016xf32, #tpu.memory_space<vmem>>, vector<16xf32>,
      %broadcast_in_dim3A_109 = arith.constant 0 : i32
      %broadcast_in_dim3A_110 = vector.broadcast %broadcast_in_dim3A_109 : i32 to vector<16xi32>
      %swap3A_111 = arith.constant 20096 : index
      %swap3A_112 = tpu.vector_load %arg9[%swap3A_111] {strides = array<i32>} : memref<20112xi32, #tpu.memory_space<vmem>>, vector<16xi32>,
      %swap3A_113 = vector.shape_cast %swap3A_112 : vector<16xi32> to vector<16xi32>
      %swap3A_114 = vector.shape_cast %broadcast_in_dim3A_110 : vector<16xi32> to vector<16xi32>
      tpu.vector_store %arg9[%swap3A_111], %swap3A_114 {strides = array<i32>} : memref<20112xi32, #tpu.memory_space<vmem>>, vector<16xi32>,
      %broadcast_in_dim3A_115 = arith.constant -3.000000e+38 : f32
      %broadcast_in_dim3A_116 = vector.broadcast %broadcast_in_dim3A_115 : f32 to vector<16xf32>
      %swap3A_117 = arith.constant 20096 : index
      %swap3A_118 = tpu.vector_load %arg10[%swap3A_117] {strides = array<i32>} : memref<20112xf32, #tpu.memory_space<vmem>>, vector<16xf32>,
      %swap3A_119 = vector.shape_cast %swap3A_118 : vector<16xf32> to vector<16xf32>
      %swap3A_120 = vector.shape_cast %broadcast_in_dim3A_116 : vector<16xf32> to vector<16xf32>
      tpu.vector_store %arg10[%swap3A_117], %swap3A_120 {strides = array<i32>} : memref<20112xf32, #tpu.memory_space<vmem>>, vector<16xf32>,
    }
    %while3A_11 = arith.constant 1 : i32
    scf.for %while3A_102 = %while3A_9 to %while3A_5 step %while3A_11  : i32 {
      "tpu.region"() ({
        %run_scoped3A = tpu.sem_alloc : memref<!tpu.dma_semaphore, #tpu.memory_space<semaphore_mem>>
        %dma_start3A = arith.constant 0 : i32
        %dma_start3A_121 = tpu.memref_slice %arg8[%dma_start3A] : memref<80016xf32, #tpu.memory_space<vmem>> -> memref<80000xf32, #tpu.memory_space<vmem>>
        %dma_start3A_122 = arith.constant 0 : i32
        %dma_start3A_123 = tpu.memref_slice %arg8[%dma_start3A_122] : memref<80016xf32, #tpu.memory_space<vmem>> -> memref<80000xf32, #tpu.memory_space<vmem>>
        tpu.enqueue_dma source(%arg2 : memref<80000xf32, #tpu.memory_space<hbm>>) target(%dma_start3A_123 : memref<80000xf32, #tpu.memory_space<vmem>>) target_semaphore(%run_scoped3A : memref<!tpu.dma_semaphore, #tpu.memory_space<semaphore_mem>>)
        %dma_wait3A = arith.constant 0 : i32
        %dma_wait3A_124 = tpu.memref_slice %arg8[%dma_wait3A] : memref<80016xf32, #tpu.memory_space<vmem>> -> memref<80000xf32, #tpu.memory_space<vmem>>
        %dma_wait3A_125 = arith.constant 0 : i32
        %dma_wait3A_126 = tpu.memref_slice %arg8[%dma_wait3A_125] : memref<80016xf32, #tpu.memory_space<vmem>> -> memref<80000xf32, #tpu.memory_space<vmem>>
        tpu.wait_dma2 semaphore(%run_scoped3A : memref<!tpu.dma_semaphore, #tpu.memory_space<semaphore_mem>>) src(%arg2 : memref<80000xf32, #tpu.memory_space<hbm>>) dst(%dma_wait3A_126 : memref<80000xf32, #tpu.memory_space<vmem>>)
        tpu.yield
      }) : () -> ()
      "tpu.region"() ({
        %run_scoped3A = tpu.sem_alloc : memref<!tpu.dma_semaphore, #tpu.memory_space<semaphore_mem>>
        %dma_start3A = arith.constant 0 : i32
        %dma_start3A_121 = tpu.memref_slice %arg9[%dma_start3A] : memref<20112xi32, #tpu.memory_space<vmem>> -> memref<20096xi32, #tpu.memory_space<vmem>>
        %dma_start3A_122 = arith.constant 0 : i32
        %dma_start3A_123 = tpu.memref_slice %arg9[%dma_start3A_122] : memref<20112xi32, #tpu.memory_space<vmem>> -> memref<20096xi32, #tpu.memory_space<vmem>>
        tpu.enqueue_dma source(%arg3 : memref<20096xi32, #tpu.memory_space<hbm>>) target(%dma_start3A_123 : memref<20096xi32, #tpu.memory_space<vmem>>) target_semaphore(%run_scoped3A : memref<!tpu.dma_semaphore, #tpu.memory_space<semaphore_mem>>)
        %dma_wait3A = arith.constant 0 : i32
        %dma_wait3A_124 = tpu.memref_slice %arg9[%dma_wait3A] : memref<20112xi32, #tpu.memory_space<vmem>> -> memref<20096xi32, #tpu.memory_space<vmem>>
        %dma_wait3A_125 = arith.constant 0 : i32
        %dma_wait3A_126 = tpu.memref_slice %arg9[%dma_wait3A_125] : memref<20112xi32, #tpu.memory_space<vmem>> -> memref<20096xi32, #tpu.memory_space<vmem>>
        tpu.wait_dma2 semaphore(%run_scoped3A : memref<!tpu.dma_semaphore, #tpu.memory_space<semaphore_mem>>) src(%arg3 : memref<20096xi32, #tpu.memory_space<hbm>>) dst(%dma_wait3A_126 : memref<20096xi32, #tpu.memory_space<vmem>>)
        tpu.yield
      }) : () -> ()
      "tpu.region"() ({
        %run_scoped3A = tpu.sem_alloc : memref<!tpu.dma_semaphore, #tpu.memory_space<semaphore_mem>>
        %dma_start3A = arith.constant 0 : i32
        %dma_start3A_121 = tpu.memref_slice %arg10[%dma_start3A] : memref<20112xf32, #tpu.memory_space<vmem>> -> memref<20096xf32, #tpu.memory_space<vmem>>
        %dma_start3A_122 = arith.constant 0 : i32
        %dma_start3A_123 = tpu.memref_slice %arg10[%dma_start3A_122] : memref<20112xf32, #tpu.memory_space<vmem>> -> memref<20096xf32, #tpu.memory_space<vmem>>
        tpu.enqueue_dma source(%arg4 : memref<20096xf32, #tpu.memory_space<hbm>>) target(%dma_start3A_123 : memref<20096xf32, #tpu.memory_space<vmem>>) target_semaphore(%run_scoped3A : memref<!tpu.dma_semaphore, #tpu.memory_space<semaphore_mem>>)
        %dma_wait3A = arith.constant 0 : i32
        %dma_wait3A_124 = tpu.memref_slice %arg10[%dma_wait3A] : memref<20112xf32, #tpu.memory_space<vmem>> -> memref<20096xf32, #tpu.memory_space<vmem>>
        %dma_wait3A_125 = arith.constant 0 : i32
        %dma_wait3A_126 = tpu.memref_slice %arg10[%dma_wait3A_125] : memref<20112xf32, #tpu.memory_space<vmem>> -> memref<20096xf32, #tpu.memory_space<vmem>>
        tpu.wait_dma2 semaphore(%run_scoped3A : memref<!tpu.dma_semaphore, #tpu.memory_space<semaphore_mem>>) src(%arg4 : memref<20096xf32, #tpu.memory_space<hbm>>) dst(%dma_wait3A_126 : memref<20096xf32, #tpu.memory_space<vmem>>)
        tpu.yield
      }) : () -> ()
      "tpu.region"() ({
        %run_scoped3A = tpu.sem_alloc : memref<!tpu.dma_semaphore, #tpu.memory_space<semaphore_mem>>
        tpu.enqueue_dma source(%arg5 : memref<16xf32, #tpu.memory_space<hbm>>) target(%arg11 : memref<16xf32, #tpu.memory_space<vmem>>) target_semaphore(%run_scoped3A : memref<!tpu.dma_semaphore, #tpu.memory_space<semaphore_mem>>)
        tpu.wait_dma2 semaphore(%run_scoped3A : memref<!tpu.dma_semaphore, #tpu.memory_space<semaphore_mem>>) src(%arg5 : memref<16xf32, #tpu.memory_space<hbm>>) dst(%arg11 : memref<16xf32, #tpu.memory_space<vmem>>)
        tpu.yield
      }) : () -> ()
      %broadcast_in_dim3A_103 = arith.constant 0.000000e+00 : f32
      %broadcast_in_dim3A_104 = vector.broadcast %broadcast_in_dim3A_103 : f32 to vector<16xf32>
      %swap3A_105 = arith.constant 80000 : index
      %swap3A_106 = tpu.vector_load %arg8[%swap3A_105] {strides = array<i32>} : memref<80016xf32, #tpu.memory_space<vmem>>, vector<16xf32>,
      %swap3A_107 = vector.shape_cast %swap3A_106 : vector<16xf32> to vector<16xf32>
      %swap3A_108 = vector.shape_cast %broadcast_in_dim3A_104 : vector<16xf32> to vector<16xf32>
      tpu.vector_store %arg8[%swap3A_105], %swap3A_108 {strides = array<i32>} : memref<80016xf32, #tpu.memory_space<vmem>>, vector<16xf32>,
      %broadcast_in_dim3A_109 = arith.constant 0 : i32
      %broadcast_in_dim3A_110 = vector.broadcast %broadcast_in_dim3A_109 : i32 to vector<16xi32>
      %swap3A_111 = arith.constant 20096 : index
      %swap3A_112 = tpu.vector_load %arg9[%swap3A_111] {strides = array<i32>} : memref<20112xi32, #tpu.memory_space<vmem>>, vector<16xi32>,
      %swap3A_113 = vector.shape_cast %swap3A_112 : vector<16xi32> to vector<16xi32>
      %swap3A_114 = vector.shape_cast %broadcast_in_dim3A_110 : vector<16xi32> to vector<16xi32>
      tpu.vector_store %arg9[%swap3A_111], %swap3A_114 {strides = array<i32>} : memref<20112xi32, #tpu.memory_space<vmem>>, vector<16xi32>,
      %broadcast_in_dim3A_115 = arith.constant -3.000000e+38 : f32
      %broadcast_in_dim3A_116 = vector.broadcast %broadcast_in_dim3A_115 : f32 to vector<16xf32>
      %swap3A_117 = arith.constant 20096 : index
      %swap3A_118 = tpu.vector_load %arg10[%swap3A_117] {strides = array<i32>} : memref<20112xf32, #tpu.memory_space<vmem>>, vector<16xf32>,
      %swap3A_119 = vector.shape_cast %swap3A_118 : vector<16xf32> to vector<16xf32>
      %swap3A_120 = vector.shape_cast %broadcast_in_dim3A_116 : vector<16xf32> to vector<16xf32>
      tpu.vector_store %arg10[%swap3A_117], %swap3A_120 {strides = array<i32>} : memref<20112xf32, #tpu.memory_space<vmem>>, vector<16xf32>,
    }
    %get3A = arith.constant 0 : index
    %get3A_12 = tpu.vector_load %arg11[%get3A] {strides = array<i32>} : memref<16xf32, #tpu.memory_space<vmem>>, vector<16xf32>,
    %get3A_13 = vector.shape_cast %get3A_12 : vector<16xf32> to vector<16xf32>
    %slice3A = vector.extract_strided_slice %get3A_13 {offsets = [0], sizes = [1], strides = [1]} : vector<16xf32> to vector<1xf32>
    %squeeze3A = vector.extract %slice3A[0] : f32 from vector<1xf32>
    %slice3A_14 = vector.extract_strided_slice %get3A_13 {offsets = [1], sizes = [1], strides = [1]} : vector<16xf32> to vector<1xf32>
    %squeeze3A_15 = vector.extract %slice3A_14[0] : f32 from vector<1xf32>
    %slice3A_16 = vector.extract_strided_slice %get3A_13 {offsets = [2], sizes = [1], strides = [1]} : vector<16xf32> to vector<1xf32>
    %squeeze3A_17 = vector.extract %slice3A_16[0] : f32 from vector<1xf32>
    %convert_element_type3A = arith.fptosi %squeeze3A_17 : f32 to i32
    %min3A = arith.constant 112 : i32
    %min3A_18 = arith.minsi %convert_element_type3A, %min3A : i32
    %iota3A = tpu.iota {dimensions = array<i32: 0>} : vector<16xi32>
    %convert_element_type3A_19 = arith.sitofp %iota3A : vector<16xi32> to vector<16xf32>
    %sub3A = arith.constant 1 : i32
    %sub3A_20 = vector.broadcast %sub3A : i32 to vector<16xi32>
    %sub3A_21 = arith.subi %sub3A_20, %iota3A : vector<16xi32>
    %max3A = arith.constant 0 : i32
    %max3A_22 = vector.broadcast %max3A : i32 to vector<16xi32>
    %max3A_23 = arith.maxsi %sub3A_21, %max3A_22 : vector<16xi32>
    %broadcast_in_dim3A = arith.constant 2.000000e+09 : f32
    %broadcast_in_dim3A_24 = vector.broadcast %broadcast_in_dim3A : f32 to vector<16xf32>
    %broadcast_in_dim3A_25 = arith.constant 0 : i32
    %broadcast_in_dim3A_26 = vector.broadcast %broadcast_in_dim3A_25 : i32 to vector<16xi32>
    %swap3A = arith.constant 0 : index
    %swap3A_27 = tpu.vector_load %arg12[%swap3A] {strides = array<i32>} : memref<128xi32, #tpu.memory_space<vmem>>, vector<16xi32>,
    %swap3A_28 = vector.shape_cast %swap3A_27 : vector<16xi32> to vector<16xi32>
    %swap3A_29 = vector.shape_cast %broadcast_in_dim3A_26 : vector<16xi32> to vector<16xi32>
    tpu.vector_store %arg12[%swap3A], %swap3A_29 {strides = array<i32>} : memref<128xi32, #tpu.memory_space<vmem>>, vector<16xi32>,
    %broadcast_in_dim3A_30 = arith.constant 0 : i32
    %broadcast_in_dim3A_31 = vector.broadcast %broadcast_in_dim3A_30 : i32 to vector<16xi32>
    %swap3A_32 = arith.constant 16 : index
    %swap3A_33 = tpu.vector_load %arg12[%swap3A_32] {strides = array<i32>} : memref<128xi32, #tpu.memory_space<vmem>>, vector<16xi32>,
    %swap3A_34 = vector.shape_cast %swap3A_33 : vector<16xi32> to vector<16xi32>
    %swap3A_35 = vector.shape_cast %broadcast_in_dim3A_31 : vector<16xi32> to vector<16xi32>
    tpu.vector_store %arg12[%swap3A_32], %swap3A_35 {strides = array<i32>} : memref<128xi32, #tpu.memory_space<vmem>>, vector<16xi32>,
    %broadcast_in_dim3A_36 = arith.constant 0 : i32
    %broadcast_in_dim3A_37 = vector.broadcast %broadcast_in_dim3A_36 : i32 to vector<16xi32>
    %swap3A_38 = arith.constant 32 : index
    %swap3A_39 = tpu.vector_load %arg12[%swap3A_38] {strides = array<i32>} : memref<128xi32, #tpu.memory_space<vmem>>, vector<16xi32>,
    %swap3A_40 = vector.shape_cast %swap3A_39 : vector<16xi32> to vector<16xi32>
    %swap3A_41 = vector.shape_cast %broadcast_in_dim3A_37 : vector<16xi32> to vector<16xi32>
    tpu.vector_store %arg12[%swap3A_38], %swap3A_41 {strides = array<i32>} : memref<128xi32, #tpu.memory_space<vmem>>, vector<16xi32>,
    %broadcast_in_dim3A_42 = arith.constant 0 : i32
    %broadcast_in_dim3A_43 = vector.broadcast %broadcast_in_dim3A_42 : i32 to vector<16xi32>
    %swap3A_44 = arith.constant 48 : index
    %swap3A_45 = tpu.vector_load %arg12[%swap3A_44] {strides = array<i32>} : memref<128xi32, #tpu.memory_space<vmem>>, vector<16xi32>,
    %swap3A_46 = vector.shape_cast %swap3A_45 : vector<16xi32> to vector<16xi32>
    %swap3A_47 = vector.shape_cast %broadcast_in_dim3A_43 : vector<16xi32> to vector<16xi32>
    tpu.vector_store %arg12[%swap3A_44], %swap3A_47 {strides = array<i32>} : memref<128xi32, #tpu.memory_space<vmem>>, vector<16xi32>,
    %broadcast_in_dim3A_48 = arith.constant 0 : i32
    %broadcast_in_dim3A_49 = vector.broadcast %broadcast_in_dim3A_48 : i32 to vector<16xi32>
    %swap3A_50 = arith.constant 64 : index
    %swap3A_51 = tpu.vector_load %arg12[%swap3A_50] {strides = array<i32>} : memref<128xi32, #tpu.memory_space<vmem>>, vector<16xi32>,
    %swap3A_52 = vector.shape_cast %swap3A_51 : vector<16xi32> to vector<16xi32>
    %swap3A_53 = vector.shape_cast %broadcast_in_dim3A_49 : vector<16xi32> to vector<16xi32>
    tpu.vector_store %arg12[%swap3A_50], %swap3A_53 {strides = array<i32>} : memref<128xi32, #tpu.memory_space<vmem>>, vector<16xi32>,
    %broadcast_in_dim3A_54 = arith.constant 0 : i32
    %broadcast_in_dim3A_55 = vector.broadcast %broadcast_in_dim3A_54 : i32 to vector<16xi32>
    %swap3A_56 = arith.constant 80 : index
    %swap3A_57 = tpu.vector_load %arg12[%swap3A_56] {strides = array<i32>} : memref<128xi32, #tpu.memory_space<vmem>>, vector<16xi32>,
    %swap3A_58 = vector.shape_cast %swap3A_57 : vector<16xi32> to vector<16xi32>
    %swap3A_59 = vector.shape_cast %broadcast_in_dim3A_55 : vector<16xi32> to vector<16xi32>
    tpu.vector_store %arg12[%swap3A_56], %swap3A_59 {strides = array<i32>} : memref<128xi32, #tpu.memory_space<vmem>>, vector<16xi32>,
    %broadcast_in_dim3A_60 = arith.constant 0 : i32
    %broadcast_in_dim3A_61 = vector.broadcast %broadcast_in_dim3A_60 : i32 to vector<16xi32>
    %swap3A_62 = arith.constant 96 : index
    %swap3A_63 = tpu.vector_load %arg12[%swap3A_62] {strides = array<i32>} : memref<128xi32, #tpu.memory_space<vmem>>, vector<16xi32>,
    %swap3A_64 = vector.shape_cast %swap3A_63 : vector<16xi32> to vector<16xi32>
    %swap3A_65 = vector.shape_cast %broadcast_in_dim3A_61 : vector<16xi32> to vector<16xi32>
    tpu.vector_store %arg12[%swap3A_62], %swap3A_65 {strides = array<i32>} : memref<128xi32, #tpu.memory_space<vmem>>, vector<16xi32>,
    %broadcast_in_dim3A_66 = arith.constant 0 : i32
    %broadcast_in_dim3A_67 = vector.broadcast %broadcast_in_dim3A_66 : i32 to vector<16xi32>
    %swap3A_68 = arith.constant 112 : index
    %swap3A_69 = tpu.vector_load %arg12[%swap3A_68] {strides = array<i32>} : memref<128xi32, #tpu.memory_space<vmem>>, vector<16xi32>,
    %swap3A_70 = vector.shape_cast %swap3A_69 : vector<16xi32> to vector<16xi32>
    %swap3A_71 = vector.shape_cast %broadcast_in_dim3A_67 : vector<16xi32> to vector<16xi32>
    tpu.vector_store %arg12[%swap3A_68], %swap3A_71 {strides = array<i32>} : memref<128xi32, #tpu.memory_space<vmem>>, vector<16xi32>,
    %broadcast_in_dim3A_72 = arith.constant -3.000000e+38 : f32
    %broadcast_in_dim3A_73 = vector.broadcast %broadcast_in_dim3A_72 : f32 to vector<16xf32>
    %swap3A_74 = arith.constant 16 : index
    %swap3A_75 = tpu.vector_load %arg13[%swap3A_74] {strides = array<i32>} : memref<32xf32, #tpu.memory_space<vmem>>, vector<16xf32>,
    %swap3A_76 = vector.shape_cast %swap3A_75 : vector<16xf32> to vector<16xf32>
    %swap3A_77 = vector.shape_cast %broadcast_in_dim3A_73 : vector<16xf32> to vector<16xf32>
    tpu.vector_store %arg13[%swap3A_74], %swap3A_77 {strides = array<i32>} : memref<32xf32, #tpu.memory_space<vmem>>, vector<16xf32>,
    %mul3A_78 = arith.constant 157 : i32
    %mul3A_79 = arith.muli %mul3A_78, %select_n3A : i32
    %while3A_80 = arith.constant 0 : i32
    %while3A_81 = arith.constant 0 : i32
    %while3A_82 = arith.subi %mul3A_79, %while3A_80 : i32
    %while3A_83 = arith.addi %while3A_80, %while3A_82 : i32
    %while3A_84 = arith.constant 1 : i32
    %while3A_85 = arith.divsi %while3A_82, %while3A_84 : i32
    %while3A_86 = arith.muli %while3A_85, %while3A_84 : i32
    %while3A_87 = arith.addi %while3A_80, %while3A_86 : i32
    %while3A_88 = arith.constant 1 : i32
    %while3A_89:29 = scf.for %while3A_102 = %while3A_80 to %while3A_87 step %while3A_88 iter_args(%while3A_103 = %while3A_81, %while3A_104 = %broadcast_in_dim3A_24, %while3A_105 = %broadcast_in_dim3A_24, %while3A_106 = %broadcast_in_dim3A_24, %while3A_107 = %broadcast_in_dim3A_24, %while3A_108 = %broadcast_in_dim3A_24, %while3A_109 = %broadcast_in_dim3A_24, %while3A_110 = %broadcast_in_dim3A_24, %while3A_111 = %broadcast_in_dim3A_24, %while3A_112 = %broadcast_in_dim3A_24, %while3A_113 = %broadcast_in_dim3A_24, %while3A_114 = %broadcast_in_dim3A_24, %while3A_115 = %broadcast_in_dim3A_24, %while3A_116 = %broadcast_in_dim3A_24, %while3A_117 = %broadcast_in_dim3A_24, %while3A_118 = %broadcast_in_dim3A_24, %while3A_119 = %broadcast_in_dim3A_24, %while3A_120 = %broadcast_in_dim3A_24, %while3A_121 = %broadcast_in_dim3A_24, %while3A_122 = %broadcast_in_dim3A_24, %while3A_123 = %broadcast_in_dim3A_24, %while3A_124 = %broadcast_in_dim3A_24, %while3A_125 = %broadcast_in_dim3A_24, %while3A_126 = %broadcast_in_dim3A_24, %while3A_127 = %broadcast_in_dim3A_24, %while3A_128 = %broadcast_in_dim3A_24, %while3A_129 = %broadcast_in_dim3A_24, %while3A_130 = %broadcast_in_dim3A_24, %while3A_131 = %broadcast_in_dim3A_24) -> (i32, vector<16xf32>, vector<16xf32>, vector<16xf32>, vector<16xf32>, vector<16xf32>, vector<16xf32>, vector<16xf32>, vector<16xf32>, vector<16xf32>, vector<16xf32>, vector<16xf32>, vector<16xf32>, vector<16xf32>, vector<16xf32>, vector<16xf32>, vector<16xf32>, vector<16xf32>, vector<16xf32>, vector<16xf32>, vector<16xf32>, vector<16xf32>, vector<16xf32>, vector<16xf32>, vector<16xf32>, vector<16xf32>, vector<16xf32>, vector<16xf32>, vector<16xf32>)  : i32 {
      %mul3A_132 = arith.constant 128 : i32
      %mul3A_133 = arith.muli %while3A_102, %mul3A_132 : i32
      %get3A_134 = arith.index_cast %mul3A_133 : i32 to index
      %get3A_135 = tpu.vector_load %arg10[%get3A_134] {strides = array<i32>} : memref<20112xf32, #tpu.memory_space<vmem>>, vector<16xf32>,
      %get3A_136 = vector.shape_cast %get3A_135 : vector<16xf32> to vector<16xf32>
      %slice3A_137 = vector.extract_strided_slice %get3A_136 {offsets = [0], sizes = [1], strides = [1]} : vector<16xf32> to vector<1xf32>
      %squeeze3A_138 = vector.extract %slice3A_137[0] : f32 from vector<1xf32>
      %lt3A = arith.cmpi slt, %while3A_103, %min3A_18 : i32
      %gt3A = arith.cmpf ogt, %squeeze3A_138, %squeeze3A_15 : f32
      %and3A = arith.andi %lt3A, %gt3A : i1
      %jit3A_139 = arith.constant 128 : i32
      %jit3A_140 = arith.constant 0 : i32
      %select_n3A_141 = arith.select %and3A, %jit3A_139, %jit3A_140 : i32
      %while3A_142 = arith.constant 0 : i32
      %while3A_143 = arith.subi %select_n3A_141, %while3A_142 : i32
      %while3A_144 = arith.addi %while3A_142, %while3A_143 : i32
      %while3A_145 = arith.constant 1 : i32
      %while3A_146 = arith.divsi %while3A_143, %while3A_145 : i32
      %while3A_147 = arith.muli %while3A_146, %while3A_145 : i32
      %while3A_148 = arith.addi %while3A_142, %while3A_147 : i32
      %while3A_149 = arith.constant 1 : i32
      %while3A_150:29 = scf.for %while3A_153 = %while3A_142 to %while3A_148 step %while3A_149 iter_args(%while3A_154 = %while3A_103, %while3A_155 = %while3A_104, %while3A_156 = %while3A_105, %while3A_157 = %while3A_106, %while3A_158 = %while3A_107, %while3A_159 = %while3A_108, %while3A_160 = %while3A_109, %while3A_161 = %while3A_110, %while3A_162 = %while3A_111, %while3A_163 = %while3A_112, %while3A_164 = %while3A_113, %while3A_165 = %while3A_114, %while3A_166 = %while3A_115, %while3A_167 = %while3A_116, %while3A_168 = %while3A_117, %while3A_169 = %while3A_118, %while3A_170 = %while3A_119, %while3A_171 = %while3A_120, %while3A_172 = %while3A_121, %while3A_173 = %while3A_122, %while3A_174 = %while3A_123, %while3A_175 = %while3A_124, %while3A_176 = %while3A_125, %while3A_177 = %while3A_126, %while3A_178 = %while3A_127, %while3A_179 = %while3A_128, %while3A_180 = %while3A_129, %while3A_181 = %while3A_130, %while3A_182 = %while3A_131) -> (i32, vector<16xf32>, vector<16xf32>, vector<16xf32>, vector<16xf32>, vector<16xf32>, vector<16xf32>, vector<16xf32>, vector<16xf32>, vector<16xf32>, vector<16xf32>, vector<16xf32>, vector<16xf32>, vector<16xf32>, vector<16xf32>, vector<16xf32>, vector<16xf32>, vector<16xf32>, vector<16xf32>, vector<16xf32>, vector<16xf32>, vector<16xf32>, vector<16xf32>, vector<16xf32>, vector<16xf32>, vector<16xf32>, vector<16xf32>, vector<16xf32>, vector<16xf32>)  : i32 {
        %add3A_183 = arith.addi %mul3A_133, %while3A_153 : i32
        %get3A_184 = arith.index_cast %add3A_183 : i32 to index
        %get3A_185 = tpu.vector_load %arg10[%get3A_184] {strides = array<i32>} : memref<20112xf32, #tpu.memory_space<vmem>>, vector<16xf32>,
        %get3A_186 = vector.shape_cast %get3A_185 : vector<16xf32> to vector<16xf32>
        %slice3A_187 = vector.extract_strided_slice %get3A_186 {offsets = [0], sizes = [1], strides = [1]} : vector<16xf32> to vector<1xf32>
        %squeeze3A_188 = vector.extract %slice3A_187[0] : f32 from vector<1xf32>
        %get3A_189 = arith.index_cast %add3A_183 : i32 to index
        %get3A_190 = tpu.vector_load %arg9[%get3A_189] {strides = array<i32>} : memref<20112xi32, #tpu.memory_space<vmem>>, vector<16xi32>,
        %get3A_191 = vector.shape_cast %get3A_190 : vector<16xi32> to vector<16xi32>
        %slice3A_192 = vector.extract_strided_slice %get3A_191 {offsets = [0], sizes = [1], strides = [1]} : vector<16xi32> to vector<1xi32>
        %squeeze3A_193 = vector.extract %slice3A_192[0] : i32 from vector<1xi32>
        %mul3A_194 = arith.constant 4 : i32
        %mul3A_195 = arith.muli %squeeze3A_193, %mul3A_194 : i32
        %get3A_196 = arith.index_cast %mul3A_195 : i32 to index
        %get3A_197 = tpu.vector_load %arg8[%get3A_196] {strides = array<i32>} : memref<80016xf32, #tpu.memory_space<vmem>>, vector<16xf32>,
        %get3A_198 = vector.shape_cast %get3A_197 : vector<16xf32> to vector<16xf32>
        %slice3A_199 = vector.extract_strided_slice %get3A_198 {offsets = [0], sizes = [1], strides = [1]} : vector<16xf32> to vector<1xf32>
        %squeeze3A_200 = vector.extract %slice3A_199[0] : f32 from vector<1xf32>
        %slice3A_201 = vector.extract_strided_slice %get3A_198 {offsets = [1], sizes = [1], strides = [1]} : vector<16xf32> to vector<1xf32>
        %squeeze3A_202 = vector.extract %slice3A_201[0] : f32 from vector<1xf32>
        %slice3A_203 = vector.extract_strided_slice %get3A_198 {offsets = [2], sizes = [1], strides = [1]} : vector<16xf32> to vector<1xf32>
        %squeeze3A_204 = vector.extract %slice3A_203[0] : f32 from vector<1xf32>
        %slice3A_205 = vector.extract_strided_slice %get3A_198 {offsets = [3], sizes = [1], strides = [1]} : vector<16xf32> to vector<1xf32>
        %squeeze3A_206 = vector.extract %slice3A_205[0] : f32 from vector<1xf32>
        %sub3A_207 = arith.subf %squeeze3A_204, %squeeze3A_200 : f32
        %sub3A_208 = arith.subf %squeeze3A_206, %squeeze3A_202 : f32
        %mul3A_209 = arith.mulf %sub3A_207, %sub3A_208 : f32
        %broadcast_in_dim3A_210 = arith.constant -1.000000e+00 : f32
        %broadcast_in_dim3A_211 = vector.broadcast %broadcast_in_dim3A_210 : f32 to vector<16xf32>
        %sub3A_212 = arith.subf %while3A_157, %while3A_155 : vector<16xf32>
        %sub3A_213 = arith.subf %while3A_158, %while3A_156 : vector<16xf32>
        %mul3A_214 = arith.mulf %sub3A_212, %sub3A_213 : vector<16xf32>
        %max3A_215 = vector.broadcast %squeeze3A_200 : f32 to vector<16xf32>
        %max3A_216 = arith.maximumf %max3A_215, %while3A_155 : vector<16xf32>
        %max3A_217 = vector.broadcast %squeeze3A_202 : f32 to vector<16xf32>
        %max3A_218 = arith.maximumf %max3A_217, %while3A_156 : vector<16xf32>
        %min3A_219 = vector.broadcast %squeeze3A_204 : f32 to vector<16xf32>
        %min3A_220 = arith.minimumf %min3A_219, %while3A_157 : vector<16xf32>
        %min3A_221 = vector.broadcast %squeeze3A_206 : f32 to vector<16xf32>
        %min3A_222 = arith.minimumf %min3A_221, %while3A_158 : vector<16xf32>
        %sub3A_223 = arith.subf %min3A_220, %max3A_216 : vector<16xf32>
        %max3A_224 = arith.constant 0.000000e+00 : f32
        %max3A_225 = vector.broadcast %max3A_224 : f32 to vector<16xf32>
        %max3A_226 = arith.maximumf %sub3A_223, %max3A_225 : vector<16xf32>
        %sub3A_227 = arith.subf %min3A_222, %max3A_218 : vector<16xf32>
        %max3A_228 = arith.constant 0.000000e+00 : f32
        %max3A_229 = vector.broadcast %max3A_228 : f32 to vector<16xf32>
        %max3A_230 = arith.maximumf %sub3A_227, %max3A_229 : vector<16xf32>
        %mul3A_231 = arith.mulf %max3A_226, %max3A_230 : vector<16xf32>
        %add3A_232 = vector.broadcast %mul3A_209 : f32 to vector<16xf32>
        %add3A_233 = arith.addf %add3A_232, %mul3A_214 : vector<16xf32>
        %sub3A_234 = arith.subf %add3A_233, %mul3A_231 : vector<16xf32>
        %max3A_235 = arith.constant 9.99999997E-7 : f32
        %max3A_236 = vector.broadcast %max3A_235 : f32 to vector<16xf32>
        %max3A_237 = arith.maximumf %sub3A_234, %max3A_236 : vector<16xf32>
        %mul3A_238 = vector.broadcast %squeeze3A : f32 to vector<16xf32>
        %mul3A_239 = arith.mulf %mul3A_238, %max3A_237 : vector<16xf32>
        %sub3A_240 = arith.subf %mul3A_231, %mul3A_239 : vector<16xf32>
        %max3A_241 = arith.maximumf %broadcast_in_dim3A_211, %sub3A_240 : vector<16xf32>
        %sub3A_242 = arith.subf %while3A_161, %while3A_159 : vector<16xf32>
        %sub3A_243 = arith.subf %while3A_162, %while3A_160 : vector<16xf32>
        %mul3A_244 = arith.mulf %sub3A_242, %sub3A_243 : vector<16xf32>
        %max3A_245 = vector.broadcast %squeeze3A_200 : f32 to vector<16xf32>
        %max3A_246 = arith.maximumf %max3A_245, %while3A_159 : vector<16xf32>
        %max3A_247 = vector.broadcast %squeeze3A_202 : f32 to vector<16xf32>
        %max3A_248 = arith.maximumf %max3A_247, %while3A_160 : vector<16xf32>
        %min3A_249 = vector.broadcast %squeeze3A_204 : f32 to vector<16xf32>
        %min3A_250 = arith.minimumf %min3A_249, %while3A_161 : vector<16xf32>
        %min3A_251 = vector.broadcast %squeeze3A_206 : f32 to vector<16xf32>
        %min3A_252 = arith.minimumf %min3A_251, %while3A_162 : vector<16xf32>
        %sub3A_253 = arith.subf %min3A_250, %max3A_246 : vector<16xf32>
        %max3A_254 = arith.constant 0.000000e+00 : f32
        %max3A_255 = vector.broadcast %max3A_254 : f32 to vector<16xf32>
        %max3A_256 = arith.maximumf %sub3A_253, %max3A_255 : vector<16xf32>
        %sub3A_257 = arith.subf %min3A_252, %max3A_248 : vector<16xf32>
        %max3A_258 = arith.constant 0.000000e+00 : f32
        %max3A_259 = vector.broadcast %max3A_258 : f32 to vector<16xf32>
        %max3A_260 = arith.maximumf %sub3A_257, %max3A_259 : vector<16xf32>
        %mul3A_261 = arith.mulf %max3A_256, %max3A_260 : vector<16xf32>
        %add3A_262 = vector.broadcast %mul3A_209 : f32 to vector<16xf32>
        %add3A_263 = arith.addf %add3A_262, %mul3A_244 : vector<16xf32>
        %sub3A_264 = arith.subf %add3A_263, %mul3A_261 : vector<16xf32>
        %max3A_265 = arith.constant 9.99999997E-7 : f32
        %max3A_266 = vector.broadcast %max3A_265 : f32 to vector<16xf32>
        %max3A_267 = arith.maximumf %sub3A_264, %max3A_266 : vector<16xf32>
        %mul3A_268 = vector.broadcast %squeeze3A : f32 to vector<16xf32>
        %mul3A_269 = arith.mulf %mul3A_268, %max3A_267 : vector<16xf32>
        %sub3A_270 = arith.subf %mul3A_261, %mul3A_269 : vector<16xf32>
        %max3A_271 = arith.maximumf %max3A_241, %sub3A_270 : vector<16xf32>
        %sub3A_272 = arith.subf %while3A_165, %while3A_163 : vector<16xf32>
        %sub3A_273 = arith.subf %while3A_166, %while3A_164 : vector<16xf32>
        %mul3A_274 = arith.mulf %sub3A_272, %sub3A_273 : vector<16xf32>
        %max3A_275 = vector.broadcast %squeeze3A_200 : f32 to vector<16xf32>
        %max3A_276 = arith.maximumf %max3A_275, %while3A_163 : vector<16xf32>
        %max3A_277 = vector.broadcast %squeeze3A_202 : f32 to vector<16xf32>
        %max3A_278 = arith.maximumf %max3A_277, %while3A_164 : vector<16xf32>
        %min3A_279 = vector.broadcast %squeeze3A_204 : f32 to vector<16xf32>
        %min3A_280 = arith.minimumf %min3A_279, %while3A_165 : vector<16xf32>
        %min3A_281 = vector.broadcast %squeeze3A_206 : f32 to vector<16xf32>
        %min3A_282 = arith.minimumf %min3A_281, %while3A_166 : vector<16xf32>
        %sub3A_283 = arith.subf %min3A_280, %max3A_276 : vector<16xf32>
        %max3A_284 = arith.constant 0.000000e+00 : f32
        %max3A_285 = vector.broadcast %max3A_284 : f32 to vector<16xf32>
        %max3A_286 = arith.maximumf %sub3A_283, %max3A_285 : vector<16xf32>
        %sub3A_287 = arith.subf %min3A_282, %max3A_278 : vector<16xf32>
        %max3A_288 = arith.constant 0.000000e+00 : f32
        %max3A_289 = vector.broadcast %max3A_288 : f32 to vector<16xf32>
        %max3A_290 = arith.maximumf %sub3A_287, %max3A_289 : vector<16xf32>
        %mul3A_291 = arith.mulf %max3A_286, %max3A_290 : vector<16xf32>
        %add3A_292 = vector.broadcast %mul3A_209 : f32 to vector<16xf32>
        %add3A_293 = arith.addf %add3A_292, %mul3A_274 : vector<16xf32>
        %sub3A_294 = arith.subf %add3A_293, %mul3A_291 : vector<16xf32>
        %max3A_295 = arith.constant 9.99999997E-7 : f32
        %max3A_296 = vector.broadcast %max3A_295 : f32 to vector<16xf32>
        %max3A_297 = arith.maximumf %sub3A_294, %max3A_296 : vector<16xf32>
        %mul3A_298 = vector.broadcast %squeeze3A : f32 to vector<16xf32>
        %mul3A_299 = arith.mulf %mul3A_298, %max3A_297 : vector<16xf32>
        %sub3A_300 = arith.subf %mul3A_291, %mul3A_299 : vector<16xf32>
        %max3A_301 = arith.maximumf %max3A_271, %sub3A_300 : vector<16xf32>
        %sub3A_302 = arith.subf %while3A_169, %while3A_167 : vector<16xf32>
        %sub3A_303 = arith.subf %while3A_170, %while3A_168 : vector<16xf32>
        %mul3A_304 = arith.mulf %sub3A_302, %sub3A_303 : vector<16xf32>
        %max3A_305 = vector.broadcast %squeeze3A_200 : f32 to vector<16xf32>
        %max3A_306 = arith.maximumf %max3A_305, %while3A_167 : vector<16xf32>
        %max3A_307 = vector.broadcast %squeeze3A_202 : f32 to vector<16xf32>
        %max3A_308 = arith.maximumf %max3A_307, %while3A_168 : vector<16xf32>
        %min3A_309 = vector.broadcast %squeeze3A_204 : f32 to vector<16xf32>
        %min3A_310 = arith.minimumf %min3A_309, %while3A_169 : vector<16xf32>
        %min3A_311 = vector.broadcast %squeeze3A_206 : f32 to vector<16xf32>
        %min3A_312 = arith.minimumf %min3A_311, %while3A_170 : vector<16xf32>
        %sub3A_313 = arith.subf %min3A_310, %max3A_306 : vector<16xf32>
        %max3A_314 = arith.constant 0.000000e+00 : f32
        %max3A_315 = vector.broadcast %max3A_314 : f32 to vector<16xf32>
        %max3A_316 = arith.maximumf %sub3A_313, %max3A_315 : vector<16xf32>
        %sub3A_317 = arith.subf %min3A_312, %max3A_308 : vector<16xf32>
        %max3A_318 = arith.constant 0.000000e+00 : f32
        %max3A_319 = vector.broadcast %max3A_318 : f32 to vector<16xf32>
        %max3A_320 = arith.maximumf %sub3A_317, %max3A_319 : vector<16xf32>
        %mul3A_321 = arith.mulf %max3A_316, %max3A_320 : vector<16xf32>
        %add3A_322 = vector.broadcast %mul3A_209 : f32 to vector<16xf32>
        %add3A_323 = arith.addf %add3A_322, %mul3A_304 : vector<16xf32>
        %sub3A_324 = arith.subf %add3A_323, %mul3A_321 : vector<16xf32>
        %max3A_325 = arith.constant 9.99999997E-7 : f32
        %max3A_326 = vector.broadcast %max3A_325 : f32 to vector<16xf32>
        %max3A_327 = arith.maximumf %sub3A_324, %max3A_326 : vector<16xf32>
        %mul3A_328 = vector.broadcast %squeeze3A : f32 to vector<16xf32>
        %mul3A_329 = arith.mulf %mul3A_328, %max3A_327 : vector<16xf32>
        %sub3A_330 = arith.subf %mul3A_321, %mul3A_329 : vector<16xf32>
        %max3A_331 = arith.maximumf %max3A_301, %sub3A_330 : vector<16xf32>
        %sub3A_332 = arith.subf %while3A_173, %while3A_171 : vector<16xf32>
        %sub3A_333 = arith.subf %while3A_174, %while3A_172 : vector<16xf32>
        %mul3A_334 = arith.mulf %sub3A_332, %sub3A_333 : vector<16xf32>
        %max3A_335 = vector.broadcast %squeeze3A_200 : f32 to vector<16xf32>
        %max3A_336 = arith.maximumf %max3A_335, %while3A_171 : vector<16xf32>
        %max3A_337 = vector.broadcast %squeeze3A_202 : f32 to vector<16xf32>
        %max3A_338 = arith.maximumf %max3A_337, %while3A_172 : vector<16xf32>
        %min3A_339 = vector.broadcast %squeeze3A_204 : f32 to vector<16xf32>
        %min3A_340 = arith.minimumf %min3A_339, %while3A_173 : vector<16xf32>
        %min3A_341 = vector.broadcast %squeeze3A_206 : f32 to vector<16xf32>
        %min3A_342 = arith.minimumf %min3A_341, %while3A_174 : vector<16xf32>
        %sub3A_343 = arith.subf %min3A_340, %max3A_336 : vector<16xf32>
        %max3A_344 = arith.constant 0.000000e+00 : f32
        %max3A_345 = vector.broadcast %max3A_344 : f32 to vector<16xf32>
        %max3A_346 = arith.maximumf %sub3A_343, %max3A_345 : vector<16xf32>
        %sub3A_347 = arith.subf %min3A_342, %max3A_338 : vector<16xf32>
        %max3A_348 = arith.constant 0.000000e+00 : f32
        %max3A_349 = vector.broadcast %max3A_348 : f32 to vector<16xf32>
        %max3A_350 = arith.maximumf %sub3A_347, %max3A_349 : vector<16xf32>
        %mul3A_351 = arith.mulf %max3A_346, %max3A_350 : vector<16xf32>
        %add3A_352 = vector.broadcast %mul3A_209 : f32 to vector<16xf32>
        %add3A_353 = arith.addf %add3A_352, %mul3A_334 : vector<16xf32>
        %sub3A_354 = arith.subf %add3A_353, %mul3A_351 : vector<16xf32>
        %max3A_355 = arith.constant 9.99999997E-7 : f32
        %max3A_356 = vector.broadcast %max3A_355 : f32 to vector<16xf32>
        %max3A_357 = arith.maximumf %sub3A_354, %max3A_356 : vector<16xf32>
        %mul3A_358 = vector.broadcast %squeeze3A : f32 to vector<16xf32>
        %mul3A_359 = arith.mulf %mul3A_358, %max3A_357 : vector<16xf32>
        %sub3A_360 = arith.subf %mul3A_351, %mul3A_359 : vector<16xf32>
        %max3A_361 = arith.maximumf %max3A_331, %sub3A_360 : vector<16xf32>
        %sub3A_362 = arith.subf %while3A_177, %while3A_175 : vector<16xf32>
        %sub3A_363 = arith.subf %while3A_178, %while3A_176 : vector<16xf32>
        %mul3A_364 = arith.mulf %sub3A_362, %sub3A_363 : vector<16xf32>
        %max3A_365 = vector.broadcast %squeeze3A_200 : f32 to vector<16xf32>
        %max3A_366 = arith.maximumf %max3A_365, %while3A_175 : vector<16xf32>
        %max3A_367 = vector.broadcast %squeeze3A_202 : f32 to vector<16xf32>
        %max3A_368 = arith.maximumf %max3A_367, %while3A_176 : vector<16xf32>
        %min3A_369 = vector.broadcast %squeeze3A_204 : f32 to vector<16xf32>
        %min3A_370 = arith.minimumf %min3A_369, %while3A_177 : vector<16xf32>
        %min3A_371 = vector.broadcast %squeeze3A_206 : f32 to vector<16xf32>
        %min3A_372 = arith.minimumf %min3A_371, %while3A_178 : vector<16xf32>
        %sub3A_373 = arith.subf %min3A_370, %max3A_366 : vector<16xf32>
        %max3A_374 = arith.constant 0.000000e+00 : f32
        %max3A_375 = vector.broadcast %max3A_374 : f32 to vector<16xf32>
        %max3A_376 = arith.maximumf %sub3A_373, %max3A_375 : vector<16xf32>
        %sub3A_377 = arith.subf %min3A_372, %max3A_368 : vector<16xf32>
        %max3A_378 = arith.constant 0.000000e+00 : f32
        %max3A_379 = vector.broadcast %max3A_378 : f32 to vector<16xf32>
        %max3A_380 = arith.maximumf %sub3A_377, %max3A_379 : vector<16xf32>
        %mul3A_381 = arith.mulf %max3A_376, %max3A_380 : vector<16xf32>
        %add3A_382 = vector.broadcast %mul3A_209 : f32 to vector<16xf32>
        %add3A_383 = arith.addf %add3A_382, %mul3A_364 : vector<16xf32>
        %sub3A_384 = arith.subf %add3A_383, %mul3A_381 : vector<16xf32>
        %max3A_385 = arith.constant 9.99999997E-7 : f32
        %max3A_386 = vector.broadcast %max3A_385 : f32 to vector<16xf32>
        %max3A_387 = arith.maximumf %sub3A_384, %max3A_386 : vector<16xf32>
        %mul3A_388 = vector.broadcast %squeeze3A : f32 to vector<16xf32>
        %mul3A_389 = arith.mulf %mul3A_388, %max3A_387 : vector<16xf32>
        %sub3A_390 = arith.subf %mul3A_381, %mul3A_389 : vector<16xf32>
        %max3A_391 = arith.maximumf %max3A_361, %sub3A_390 : vector<16xf32>
        %sub3A_392 = arith.subf %while3A_181, %while3A_179 : vector<16xf32>
        %sub3A_393 = arith.subf %while3A_182, %while3A_180 : vector<16xf32>
        %mul3A_394 = arith.mulf %sub3A_392, %sub3A_393 : vector<16xf32>
        %max3A_395 = vector.broadcast %squeeze3A_200 : f32 to vector<16xf32>
        %max3A_396 = arith.maximumf %max3A_395, %while3A_179 : vector<16xf32>
        %max3A_397 = vector.broadcast %squeeze3A_202 : f32 to vector<16xf32>
        %max3A_398 = arith.maximumf %max3A_397, %while3A_180 : vector<16xf32>
        %min3A_399 = vector.broadcast %squeeze3A_204 : f32 to vector<16xf32>
        %min3A_400 = arith.minimumf %min3A_399, %while3A_181 : vector<16xf32>
        %min3A_401 = vector.broadcast %squeeze3A_206 : f32 to vector<16xf32>
        %min3A_402 = arith.minimumf %min3A_401, %while3A_182 : vector<16xf32>
        %sub3A_403 = arith.subf %min3A_400, %max3A_396 : vector<16xf32>
        %max3A_404 = arith.constant 0.000000e+00 : f32
        %max3A_405 = vector.broadcast %max3A_404 : f32 to vector<16xf32>
        %max3A_406 = arith.maximumf %sub3A_403, %max3A_405 : vector<16xf32>
        %sub3A_407 = arith.subf %min3A_402, %max3A_398 : vector<16xf32>
        %max3A_408 = arith.constant 0.000000e+00 : f32
        %max3A_409 = vector.broadcast %max3A_408 : f32 to vector<16xf32>
        %max3A_410 = arith.maximumf %sub3A_407, %max3A_409 : vector<16xf32>
        %mul3A_411 = arith.mulf %max3A_406, %max3A_410 : vector<16xf32>
        %add3A_412 = vector.broadcast %mul3A_209 : f32 to vector<16xf32>
        %add3A_413 = arith.addf %add3A_412, %mul3A_394 : vector<16xf32>
        %sub3A_414 = arith.subf %add3A_413, %mul3A_411 : vector<16xf32>
        %max3A_415 = arith.constant 9.99999997E-7 : f32
        %max3A_416 = vector.broadcast %max3A_415 : f32 to vector<16xf32>
        %max3A_417 = arith.maximumf %sub3A_414, %max3A_416 : vector<16xf32>
        %mul3A_418 = vector.broadcast %squeeze3A : f32 to vector<16xf32>
        %mul3A_419 = arith.mulf %mul3A_418, %max3A_417 : vector<16xf32>
        %sub3A_420 = arith.subf %mul3A_411, %mul3A_419 : vector<16xf32>
        %max3A_421 = arith.maximumf %max3A_391, %sub3A_420 : vector<16xf32>
        %swap3A_422 = arith.constant 0 : index
        %swap3A_423 = tpu.vector_load %arg13[%swap3A_422] {strides = array<i32>} : memref<32xf32, #tpu.memory_space<vmem>>, vector<16xf32>,
        %swap3A_424 = vector.shape_cast %swap3A_423 : vector<16xf32> to vector<16xf32>
        %swap3A_425 = vector.shape_cast %max3A_421 : vector<16xf32> to vector<16xf32>
        tpu.vector_store %arg13[%swap3A_422], %swap3A_425 {strides = array<i32>} : memref<32xf32, #tpu.memory_space<vmem>>, vector<16xf32>,
        %get3A_426 = arith.constant 8 : index
        %get3A_427 = tpu.vector_load %arg13[%get3A_426] {strides = array<i32>} : memref<32xf32, #tpu.memory_space<vmem>>, vector<16xf32>,
        %get3A_428 = vector.shape_cast %get3A_427 : vector<16xf32> to vector<16xf32>
        %max3A_429 = arith.maximumf %max3A_421, %get3A_428 : vector<16xf32>
        %swap3A_430 = arith.constant 0 : index
        %swap3A_431 = tpu.vector_load %arg13[%swap3A_430] {strides = array<i32>} : memref<32xf32, #tpu.memory_space<vmem>>, vector<16xf32>,
        %swap3A_432 = vector.shape_cast %swap3A_431 : vector<16xf32> to vector<16xf32>
        %swap3A_433 = vector.shape_cast %max3A_429 : vector<16xf32> to vector<16xf32>
        tpu.vector_store %arg13[%swap3A_430], %swap3A_433 {strides = array<i32>} : memref<32xf32, #tpu.memory_space<vmem>>, vector<16xf32>,
        %get3A_434 = arith.constant 4 : index
        %get3A_435 = tpu.vector_load %arg13[%get3A_434] {strides = array<i32>} : memref<32xf32, #tpu.memory_space<vmem>>, vector<16xf32>,
        %get3A_436 = vector.shape_cast %get3A_435 : vector<16xf32> to vector<16xf32>
        %max3A_437 = arith.maximumf %max3A_429, %get3A_436 : vector<16xf32>
        %swap3A_438 = arith.constant 0 : index
        %swap3A_439 = tpu.vector_load %arg13[%swap3A_438] {strides = array<i32>} : memref<32xf32, #tpu.memory_space<vmem>>, vector<16xf32>,
        %swap3A_440 = vector.shape_cast %swap3A_439 : vector<16xf32> to vector<16xf32>
        %swap3A_441 = vector.shape_cast %max3A_437 : vector<16xf32> to vector<16xf32>
        tpu.vector_store %arg13[%swap3A_438], %swap3A_441 {strides = array<i32>} : memref<32xf32, #tpu.memory_space<vmem>>, vector<16xf32>,
        %get3A_442 = arith.constant 2 : index
        %get3A_443 = tpu.vector_load %arg13[%get3A_442] {strides = array<i32>} : memref<32xf32, #tpu.memory_space<vmem>>, vector<16xf32>,
        %get3A_444 = vector.shape_cast %get3A_443 : vector<16xf32> to vector<16xf32>
        %max3A_445 = arith.maximumf %max3A_437, %get3A_444 : vector<16xf32>
        %swap3A_446 = arith.constant 0 : index
        %swap3A_447 = tpu.vector_load %arg13[%swap3A_446] {strides = array<i32>} : memref<32xf32, #tpu.memory_space<vmem>>, vector<16xf32>,
        %swap3A_448 = vector.shape_cast %swap3A_447 : vector<16xf32> to vector<16xf32>
        %swap3A_449 = vector.shape_cast %max3A_445 : vector<16xf32> to vector<16xf32>
        tpu.vector_store %arg13[%swap3A_446], %swap3A_449 {strides = array<i32>} : memref<32xf32, #tpu.memory_space<vmem>>, vector<16xf32>,
        %get3A_450 = arith.constant 1 : index
        %get3A_451 = tpu.vector_load %arg13[%get3A_450] {strides = array<i32>} : memref<32xf32, #tpu.memory_space<vmem>>, vector<16xf32>,
        %get3A_452 = vector.shape_cast %get3A_451 : vector<16xf32> to vector<16xf32>
        %max3A_453 = arith.maximumf %max3A_445, %get3A_452 : vector<16xf32>
        %slice3A_454 = vector.extract_strided_slice %max3A_453 {offsets = [0], sizes = [1], strides = [1]} : vector<16xf32> to vector<1xf32>
        %squeeze3A_455 = vector.extract %slice3A_454[0] : f32 from vector<1xf32>
        %ge3A = arith.constant 0.000000e+00 : f32
        %ge3A_456 = arith.cmpf oge, %squeeze3A_455, %ge3A : f32
        %gt3A_457 = arith.cmpf ogt, %squeeze3A_188, %squeeze3A_15 : f32
        %lt3A_458 = arith.cmpi slt, %while3A_154, %min3A_18 : i32
        %and3A_459 = arith.andi %gt3A_457, %lt3A_458 : i1
        %not3A = arith.constant true
        %not3A_460 = arith.xori %ge3A_456, %not3A : i1
        %and3A_461 = arith.andi %and3A_459, %not3A_460 : i1
        %jit3A_462 = arith.constant 1.000000e+00 : f32
        %jit3A_463 = arith.constant 0.000000e+00 : f32
        %select_n3A_464 = arith.select %and3A_461, %jit3A_462, %jit3A_463 : f32
        %jit3A_465 = arith.constant 1 : i32
        %jit3A_466 = arith.constant 0 : i32
        %select_n3A_467 = arith.select %and3A_461, %jit3A_465, %jit3A_466 : i32
        %convert_element_type3A_468 = arith.sitofp %while3A_154 : i32 to f32
        %sub3A_469 = arith.constant 0.000000e+00 : f32
        %sub3A_470 = arith.subf %convert_element_type3A_468, %sub3A_469 : f32
        %sub3A_471 = vector.broadcast %sub3A_470 : f32 to vector<16xf32>
        %sub3A_472 = arith.subf %convert_element_type3A_19, %sub3A_471 : vector<16xf32>
        %abs3A = math.absf %sub3A_472 : vector<16xf32>
        %sub3A_473 = arith.constant 1.000000e+00 : f32
        %sub3A_474 = vector.broadcast %sub3A_473 : f32 to vector<16xf32>
        %sub3A_475 = arith.subf %sub3A_474, %abs3A : vector<16xf32>
        %max3A_476 = arith.constant 0.000000e+00 : f32
        %max3A_477 = vector.broadcast %max3A_476 : f32 to vector<16xf32>
        %max3A_478 = arith.maximumf %sub3A_475, %max3A_477 : vector<16xf32>
        %mul3A_479 = vector.broadcast %select_n3A_464 : f32 to vector<16xf32>
        %mul3A_480 = arith.mulf %max3A_478, %mul3A_479 : vector<16xf32>
        %sub3A_481 = vector.broadcast %squeeze3A_200 : f32 to vector<16xf32>
        %sub3A_482 = arith.subf %sub3A_481, %while3A_155 : vector<16xf32>
        %mul3A_483 = arith.mulf %mul3A_480, %sub3A_482 : vector<16xf32>
        %add3A_484 = arith.addf %while3A_155, %mul3A_483 : vector<16xf32>
        %sub3A_485 = vector.broadcast %squeeze3A_202 : f32 to vector<16xf32>
        %sub3A_486 = arith.subf %sub3A_485, %while3A_156 : vector<16xf32>
        %mul3A_487 = arith.mulf %mul3A_480, %sub3A_486 : vector<16xf32>
        %add3A_488 = arith.addf %while3A_156, %mul3A_487 : vector<16xf32>
        %sub3A_489 = vector.broadcast %squeeze3A_204 : f32 to vector<16xf32>
        %sub3A_490 = arith.subf %sub3A_489, %while3A_157 : vector<16xf32>
        %mul3A_491 = arith.mulf %mul3A_480, %sub3A_490 : vector<16xf32>
        %add3A_492 = arith.addf %while3A_157, %mul3A_491 : vector<16xf32>
        %sub3A_493 = vector.broadcast %squeeze3A_206 : f32 to vector<16xf32>
        %sub3A_494 = arith.subf %sub3A_493, %while3A_158 : vector<16xf32>
        %mul3A_495 = arith.mulf %mul3A_480, %sub3A_494 : vector<16xf32>
        %add3A_496 = arith.addf %while3A_158, %mul3A_495 : vector<16xf32>
        %sub3A_497 = arith.constant 1.600000e+01 : f32
        %sub3A_498 = arith.subf %convert_element_type3A_468, %sub3A_497 : f32
        %sub3A_499 = vector.broadcast %sub3A_498 : f32 to vector<16xf32>
        %sub3A_500 = arith.subf %convert_element_type3A_19, %sub3A_499 : vector<16xf32>
        %abs3A_501 = math.absf %sub3A_500 : vector<16xf32>
        %sub3A_502 = arith.constant 1.000000e+00 : f32
        %sub3A_503 = vector.broadcast %sub3A_502 : f32 to vector<16xf32>
        %sub3A_504 = arith.subf %sub3A_503, %abs3A_501 : vector<16xf32>
        %max3A_505 = arith.constant 0.000000e+00 : f32
        %max3A_506 = vector.broadcast %max3A_505 : f32 to vector<16xf32>
        %max3A_507 = arith.maximumf %sub3A_504, %max3A_506 : vector<16xf32>
        %mul3A_508 = vector.broadcast %select_n3A_464 : f32 to vector<16xf32>
        %mul3A_509 = arith.mulf %max3A_507, %mul3A_508 : vector<16xf32>
        %sub3A_510 = vector.broadcast %squeeze3A_200 : f32 to vector<16xf32>
        %sub3A_511 = arith.subf %sub3A_510, %while3A_159 : vector<16xf32>
        %mul3A_512 = arith.mulf %mul3A_509, %sub3A_511 : vector<16xf32>
        %add3A_513 = arith.addf %while3A_159, %mul3A_512 : vector<16xf32>
        %sub3A_514 = vector.broadcast %squeeze3A_202 : f32 to vector<16xf32>
        %sub3A_515 = arith.subf %sub3A_514, %while3A_160 : vector<16xf32>
        %mul3A_516 = arith.mulf %mul3A_509, %sub3A_515 : vector<16xf32>
        %add3A_517 = arith.addf %while3A_160, %mul3A_516 : vector<16xf32>
        %sub3A_518 = vector.broadcast %squeeze3A_204 : f32 to vector<16xf32>
        %sub3A_519 = arith.subf %sub3A_518, %while3A_161 : vector<16xf32>
        %mul3A_520 = arith.mulf %mul3A_509, %sub3A_519 : vector<16xf32>
        %add3A_521 = arith.addf %while3A_161, %mul3A_520 : vector<16xf32>
        %sub3A_522 = vector.broadcast %squeeze3A_206 : f32 to vector<16xf32>
        %sub3A_523 = arith.subf %sub3A_522, %while3A_162 : vector<16xf32>
        %mul3A_524 = arith.mulf %mul3A_509, %sub3A_523 : vector<16xf32>
        %add3A_525 = arith.addf %while3A_162, %mul3A_524 : vector<16xf32>
        %sub3A_526 = arith.constant 3.200000e+01 : f32
        %sub3A_527 = arith.subf %convert_element_type3A_468, %sub3A_526 : f32
        %sub3A_528 = vector.broadcast %sub3A_527 : f32 to vector<16xf32>
        %sub3A_529 = arith.subf %convert_element_type3A_19, %sub3A_528 : vector<16xf32>
        %abs3A_530 = math.absf %sub3A_529 : vector<16xf32>
        %sub3A_531 = arith.constant 1.000000e+00 : f32
        %sub3A_532 = vector.broadcast %sub3A_531 : f32 to vector<16xf32>
        %sub3A_533 = arith.subf %sub3A_532, %abs3A_530 : vector<16xf32>
        %max3A_534 = arith.constant 0.000000e+00 : f32
        %max3A_535 = vector.broadcast %max3A_534 : f32 to vector<16xf32>
        %max3A_536 = arith.maximumf %sub3A_533, %max3A_535 : vector<16xf32>
        %mul3A_537 = vector.broadcast %select_n3A_464 : f32 to vector<16xf32>
        %mul3A_538 = arith.mulf %max3A_536, %mul3A_537 : vector<16xf32>
        %sub3A_539 = vector.broadcast %squeeze3A_200 : f32 to vector<16xf32>
        %sub3A_540 = arith.subf %sub3A_539, %while3A_163 : vector<16xf32>
        %mul3A_541 = arith.mulf %mul3A_538, %sub3A_540 : vector<16xf32>
        %add3A_542 = arith.addf %while3A_163, %mul3A_541 : vector<16xf32>
        %sub3A_543 = vector.broadcast %squeeze3A_202 : f32 to vector<16xf32>
        %sub3A_544 = arith.subf %sub3A_543, %while3A_164 : vector<16xf32>
        %mul3A_545 = arith.mulf %mul3A_538, %sub3A_544 : vector<16xf32>
        %add3A_546 = arith.addf %while3A_164, %mul3A_545 : vector<16xf32>
        %sub3A_547 = vector.broadcast %squeeze3A_204 : f32 to vector<16xf32>
        %sub3A_548 = arith.subf %sub3A_547, %while3A_165 : vector<16xf32>
        %mul3A_549 = arith.mulf %mul3A_538, %sub3A_548 : vector<16xf32>
        %add3A_550 = arith.addf %while3A_165, %mul3A_549 : vector<16xf32>
        %sub3A_551 = vector.broadcast %squeeze3A_206 : f32 to vector<16xf32>
        %sub3A_552 = arith.subf %sub3A_551, %while3A_166 : vector<16xf32>
        %mul3A_553 = arith.mulf %mul3A_538, %sub3A_552 : vector<16xf32>
        %add3A_554 = arith.addf %while3A_166, %mul3A_553 : vector<16xf32>
        %sub3A_555 = arith.constant 4.800000e+01 : f32
        %sub3A_556 = arith.subf %convert_element_type3A_468, %sub3A_555 : f32
        %sub3A_557 = vector.broadcast %sub3A_556 : f32 to vector<16xf32>
        %sub3A_558 = arith.subf %convert_element_type3A_19, %sub3A_557 : vector<16xf32>
        %abs3A_559 = math.absf %sub3A_558 : vector<16xf32>
        %sub3A_560 = arith.constant 1.000000e+00 : f32
        %sub3A_561 = vector.broadcast %sub3A_560 : f32 to vector<16xf32>
        %sub3A_562 = arith.subf %sub3A_561, %abs3A_559 : vector<16xf32>
        %max3A_563 = arith.constant 0.000000e+00 : f32
        %max3A_564 = vector.broadcast %max3A_563 : f32 to vector<16xf32>
        %max3A_565 = arith.maximumf %sub3A_562, %max3A_564 : vector<16xf32>
        %mul3A_566 = vector.broadcast %select_n3A_464 : f32 to vector<16xf32>
        %mul3A_567 = arith.mulf %max3A_565, %mul3A_566 : vector<16xf32>
        %sub3A_568 = vector.broadcast %squeeze3A_200 : f32 to vector<16xf32>
        %sub3A_569 = arith.subf %sub3A_568, %while3A_167 : vector<16xf32>
        %mul3A_570 = arith.mulf %mul3A_567, %sub3A_569 : vector<16xf32>
        %add3A_571 = arith.addf %while3A_167, %mul3A_570 : vector<16xf32>
        %sub3A_572 = vector.broadcast %squeeze3A_202 : f32 to vector<16xf32>
        %sub3A_573 = arith.subf %sub3A_572, %while3A_168 : vector<16xf32>
        %mul3A_574 = arith.mulf %mul3A_567, %sub3A_573 : vector<16xf32>
        %add3A_575 = arith.addf %while3A_168, %mul3A_574 : vector<16xf32>
        %sub3A_576 = vector.broadcast %squeeze3A_204 : f32 to vector<16xf32>
        %sub3A_577 = arith.subf %sub3A_576, %while3A_169 : vector<16xf32>
        %mul3A_578 = arith.mulf %mul3A_567, %sub3A_577 : vector<16xf32>
        %add3A_579 = arith.addf %while3A_169, %mul3A_578 : vector<16xf32>
        %sub3A_580 = vector.broadcast %squeeze3A_206 : f32 to vector<16xf32>
        %sub3A_581 = arith.subf %sub3A_580, %while3A_170 : vector<16xf32>
        %mul3A_582 = arith.mulf %mul3A_567, %sub3A_581 : vector<16xf32>
        %add3A_583 = arith.addf %while3A_170, %mul3A_582 : vector<16xf32>
        %sub3A_584 = arith.constant 6.400000e+01 : f32
        %sub3A_585 = arith.subf %convert_element_type3A_468, %sub3A_584 : f32
        %sub3A_586 = vector.broadcast %sub3A_585 : f32 to vector<16xf32>
        %sub3A_587 = arith.subf %convert_element_type3A_19, %sub3A_586 : vector<16xf32>
        %abs3A_588 = math.absf %sub3A_587 : vector<16xf32>
        %sub3A_589 = arith.constant 1.000000e+00 : f32
        %sub3A_590 = vector.broadcast %sub3A_589 : f32 to vector<16xf32>
        %sub3A_591 = arith.subf %sub3A_590, %abs3A_588 : vector<16xf32>
        %max3A_592 = arith.constant 0.000000e+00 : f32
        %max3A_593 = vector.broadcast %max3A_592 : f32 to vector<16xf32>
        %max3A_594 = arith.maximumf %sub3A_591, %max3A_593 : vector<16xf32>
        %mul3A_595 = vector.broadcast %select_n3A_464 : f32 to vector<16xf32>
        %mul3A_596 = arith.mulf %max3A_594, %mul3A_595 : vector<16xf32>
        %sub3A_597 = vector.broadcast %squeeze3A_200 : f32 to vector<16xf32>
        %sub3A_598 = arith.subf %sub3A_597, %while3A_171 : vector<16xf32>
        %mul3A_599 = arith.mulf %mul3A_596, %sub3A_598 : vector<16xf32>
        %add3A_600 = arith.addf %while3A_171, %mul3A_599 : vector<16xf32>
        %sub3A_601 = vector.broadcast %squeeze3A_202 : f32 to vector<16xf32>
        %sub3A_602 = arith.subf %sub3A_601, %while3A_172 : vector<16xf32>
        %mul3A_603 = arith.mulf %mul3A_596, %sub3A_602 : vector<16xf32>
        %add3A_604 = arith.addf %while3A_172, %mul3A_603 : vector<16xf32>
        %sub3A_605 = vector.broadcast %squeeze3A_204 : f32 to vector<16xf32>
        %sub3A_606 = arith.subf %sub3A_605, %while3A_173 : vector<16xf32>
        %mul3A_607 = arith.mulf %mul3A_596, %sub3A_606 : vector<16xf32>
        %add3A_608 = arith.addf %while3A_173, %mul3A_607 : vector<16xf32>
        %sub3A_609 = vector.broadcast %squeeze3A_206 : f32 to vector<16xf32>
        %sub3A_610 = arith.subf %sub3A_609, %while3A_174 : vector<16xf32>
        %mul3A_611 = arith.mulf %mul3A_596, %sub3A_610 : vector<16xf32>
        %add3A_612 = arith.addf %while3A_174, %mul3A_611 : vector<16xf32>
        %sub3A_613 = arith.constant 8.000000e+01 : f32
        %sub3A_614 = arith.subf %convert_element_type3A_468, %sub3A_613 : f32
        %sub3A_615 = vector.broadcast %sub3A_614 : f32 to vector<16xf32>
        %sub3A_616 = arith.subf %convert_element_type3A_19, %sub3A_615 : vector<16xf32>
        %abs3A_617 = math.absf %sub3A_616 : vector<16xf32>
        %sub3A_618 = arith.constant 1.000000e+00 : f32
        %sub3A_619 = vector.broadcast %sub3A_618 : f32 to vector<16xf32>
        %sub3A_620 = arith.subf %sub3A_619, %abs3A_617 : vector<16xf32>
        %max3A_621 = arith.constant 0.000000e+00 : f32
        %max3A_622 = vector.broadcast %max3A_621 : f32 to vector<16xf32>
        %max3A_623 = arith.maximumf %sub3A_620, %max3A_622 : vector<16xf32>
        %mul3A_624 = vector.broadcast %select_n3A_464 : f32 to vector<16xf32>
        %mul3A_625 = arith.mulf %max3A_623, %mul3A_624 : vector<16xf32>
        %sub3A_626 = vector.broadcast %squeeze3A_200 : f32 to vector<16xf32>
        %sub3A_627 = arith.subf %sub3A_626, %while3A_175 : vector<16xf32>
        %mul3A_628 = arith.mulf %mul3A_625, %sub3A_627 : vector<16xf32>
        %add3A_629 = arith.addf %while3A_175, %mul3A_628 : vector<16xf32>
        %sub3A_630 = vector.broadcast %squeeze3A_202 : f32 to vector<16xf32>
        %sub3A_631 = arith.subf %sub3A_630, %while3A_176 : vector<16xf32>
        %mul3A_632 = arith.mulf %mul3A_625, %sub3A_631 : vector<16xf32>
        %add3A_633 = arith.addf %while3A_176, %mul3A_632 : vector<16xf32>
        %sub3A_634 = vector.broadcast %squeeze3A_204 : f32 to vector<16xf32>
        %sub3A_635 = arith.subf %sub3A_634, %while3A_177 : vector<16xf32>
        %mul3A_636 = arith.mulf %mul3A_625, %sub3A_635 : vector<16xf32>
        %add3A_637 = arith.addf %while3A_177, %mul3A_636 : vector<16xf32>
        %sub3A_638 = vector.broadcast %squeeze3A_206 : f32 to vector<16xf32>
        %sub3A_639 = arith.subf %sub3A_638, %while3A_178 : vector<16xf32>
        %mul3A_640 = arith.mulf %mul3A_625, %sub3A_639 : vector<16xf32>
        %add3A_641 = arith.addf %while3A_178, %mul3A_640 : vector<16xf32>
        %sub3A_642 = arith.constant 9.600000e+01 : f32
        %sub3A_643 = arith.subf %convert_element_type3A_468, %sub3A_642 : f32
        %sub3A_644 = vector.broadcast %sub3A_643 : f32 to vector<16xf32>
        %sub3A_645 = arith.subf %convert_element_type3A_19, %sub3A_644 : vector<16xf32>
        %abs3A_646 = math.absf %sub3A_645 : vector<16xf32>
        %sub3A_647 = arith.constant 1.000000e+00 : f32
        %sub3A_648 = vector.broadcast %sub3A_647 : f32 to vector<16xf32>
        %sub3A_649 = arith.subf %sub3A_648, %abs3A_646 : vector<16xf32>
        %max3A_650 = arith.constant 0.000000e+00 : f32
        %max3A_651 = vector.broadcast %max3A_650 : f32 to vector<16xf32>
        %max3A_652 = arith.maximumf %sub3A_649, %max3A_651 : vector<16xf32>
        %mul3A_653 = vector.broadcast %select_n3A_464 : f32 to vector<16xf32>
        %mul3A_654 = arith.mulf %max3A_652, %mul3A_653 : vector<16xf32>
        %sub3A_655 = vector.broadcast %squeeze3A_200 : f32 to vector<16xf32>
        %sub3A_656 = arith.subf %sub3A_655, %while3A_179 : vector<16xf32>
        %mul3A_657 = arith.mulf %mul3A_654, %sub3A_656 : vector<16xf32>
        %add3A_658 = arith.addf %while3A_179, %mul3A_657 : vector<16xf32>
        %sub3A_659 = vector.broadcast %squeeze3A_202 : f32 to vector<16xf32>
        %sub3A_660 = arith.subf %sub3A_659, %while3A_180 : vector<16xf32>
        %mul3A_661 = arith.mulf %mul3A_654, %sub3A_660 : vector<16xf32>
        %add3A_662 = arith.addf %while3A_180, %mul3A_661 : vector<16xf32>
        %sub3A_663 = vector.broadcast %squeeze3A_204 : f32 to vector<16xf32>
        %sub3A_664 = arith.subf %sub3A_663, %while3A_181 : vector<16xf32>
        %mul3A_665 = arith.mulf %mul3A_654, %sub3A_664 : vector<16xf32>
        %add3A_666 = arith.addf %while3A_181, %mul3A_665 : vector<16xf32>
        %sub3A_667 = vector.broadcast %squeeze3A_206 : f32 to vector<16xf32>
        %sub3A_668 = arith.subf %sub3A_667, %while3A_182 : vector<16xf32>
        %mul3A_669 = arith.mulf %mul3A_654, %sub3A_668 : vector<16xf32>
        %add3A_670 = arith.addf %while3A_182, %mul3A_669 : vector<16xf32>
        %mul3A_671 = vector.broadcast %select_n3A_467 : i32 to vector<16xi32>
        %mul3A_672 = arith.muli %max3A_23, %mul3A_671 : vector<16xi32>
        %get3A_673 = arith.index_cast %while3A_154 : i32 to index
        %get3A_674 = tpu.vector_load %arg12[%get3A_673] {strides = array<i32>} : memref<128xi32, #tpu.memory_space<vmem>>, vector<16xi32>,
        %get3A_675 = vector.shape_cast %get3A_674 : vector<16xi32> to vector<16xi32>
        %get3A_676 = arith.index_cast %while3A_154 : i32 to index
        %get3A_677 = tpu.vector_load %arg12[%get3A_676] {strides = array<i32>} : memref<128xi32, #tpu.memory_space<vmem>>, vector<16xi32>,
        %get3A_678 = vector.shape_cast %get3A_677 : vector<16xi32> to vector<16xi32>
        %sub3A_679 = vector.broadcast %squeeze3A_193 : i32 to vector<16xi32>
        %sub3A_680 = arith.subi %sub3A_679, %get3A_678 : vector<16xi32>
        %mul3A_681 = arith.muli %mul3A_672, %sub3A_680 : vector<16xi32>
        %add3A_682 = arith.addi %get3A_675, %mul3A_681 : vector<16xi32>
        %swap3A_683 = arith.index_cast %while3A_154 : i32 to index
        %swap3A_684 = tpu.vector_load %arg12[%swap3A_683] {strides = array<i32>} : memref<128xi32, #tpu.memory_space<vmem>>, vector<16xi32>,
        %swap3A_685 = vector.shape_cast %swap3A_684 : vector<16xi32> to vector<16xi32>
        %swap3A_686 = vector.shape_cast %add3A_682 : vector<16xi32> to vector<16xi32>
        tpu.vector_store %arg12[%swap3A_683], %swap3A_686 {strides = array<i32>} : memref<128xi32, #tpu.memory_space<vmem>>, vector<16xi32>,
        %add3A_687 = arith.addi %while3A_154, %select_n3A_467 : i32
        scf.yield %add3A_687, %add3A_484, %add3A_488, %add3A_492, %add3A_496, %add3A_513, %add3A_517, %add3A_521, %add3A_525, %add3A_542, %add3A_546, %add3A_550, %add3A_554, %add3A_571, %add3A_575, %add3A_579, %add3A_583, %add3A_600, %add3A_604, %add3A_608, %add3A_612, %add3A_629, %add3A_633, %add3A_637, %add3A_641, %add3A_658, %add3A_662, %add3A_666, %add3A_670 : i32, vector<16xf32>, vector<16xf32>, vector<16xf32>, vector<16xf32>, vector<16xf32>, vector<16xf32>, vector<16xf32>, vector<16xf32>, vector<16xf32>, vector<16xf32>, vector<16xf32>, vector<16xf32>, vector<16xf32>, vector<16xf32>, vector<16xf32>, vector<16xf32>, vector<16xf32>, vector<16xf32>, vector<16xf32>, vector<16xf32>, vector<16xf32>, vector<16xf32>, vector<16xf32>, vector<16xf32>, vector<16xf32>, vector<16xf32>, vector<16xf32>, vector<16xf32>
      }
      %while3A_151 = arith.constant 1 : i32
      %while3A_152:29 = scf.for %while3A_153 = %while3A_148 to %while3A_144 step %while3A_151 iter_args(%while3A_154 = %while3A_150#0, %while3A_155 = %while3A_150#1, %while3A_156 = %while3A_150#2, %while3A_157 = %while3A_150#3, %while3A_158 = %while3A_150#4, %while3A_159 = %while3A_150#5, %while3A_160 = %while3A_150#6, %while3A_161 = %while3A_150#7, %while3A_162 = %while3A_150#8, %while3A_163 = %while3A_150#9, %while3A_164 = %while3A_150#10, %while3A_165 = %while3A_150#11, %while3A_166 = %while3A_150#12, %while3A_167 = %while3A_150#13, %while3A_168 = %while3A_150#14, %while3A_169 = %while3A_150#15, %while3A_170 = %while3A_150#16, %while3A_171 = %while3A_150#17, %while3A_172 = %while3A_150#18, %while3A_173 = %while3A_150#19, %while3A_174 = %while3A_150#20, %while3A_175 = %while3A_150#21, %while3A_176 = %while3A_150#22, %while3A_177 = %while3A_150#23, %while3A_178 = %while3A_150#24, %while3A_179 = %while3A_150#25, %while3A_180 = %while3A_150#26, %while3A_181 = %while3A_150#27, %while3A_182 = %while3A_150#28) -> (i32, vector<16xf32>, vector<16xf32>, vector<16xf32>, vector<16xf32>, vector<16xf32>, vector<16xf32>, vector<16xf32>, vector<16xf32>, vector<16xf32>, vector<16xf32>, vector<16xf32>, vector<16xf32>, vector<16xf32>, vector<16xf32>, vector<16xf32>, vector<16xf32>, vector<16xf32>, vector<16xf32>, vector<16xf32>, vector<16xf32>, vector<16xf32>, vector<16xf32>, vector<16xf32>, vector<16xf32>, vector<16xf32>, vector<16xf32>, vector<16xf32>, vector<16xf32>)  : i32 {
        %add3A_183 = arith.addi %mul3A_133, %while3A_153 : i32
        %get3A_184 = arith.index_cast %add3A_183 : i32 to index
        %get3A_185 = tpu.vector_load %arg10[%get3A_184] {strides = array<i32>} : memref<20112xf32, #tpu.memory_space<vmem>>, vector<16xf32>,
        %get3A_186 = vector.shape_cast %get3A_185 : vector<16xf32> to vector<16xf32>
        %slice3A_187 = vector.extract_strided_slice %get3A_186 {offsets = [0], sizes = [1], strides = [1]} : vector<16xf32> to vector<1xf32>
        %squeeze3A_188 = vector.extract %slice3A_187[0] : f32 from vector<1xf32>
        %get3A_189 = arith.index_cast %add3A_183 : i32 to index
        %get3A_190 = tpu.vector_load %arg9[%get3A_189] {strides = array<i32>} : memref<20112xi32, #tpu.memory_space<vmem>>, vector<16xi32>,
        %get3A_191 = vector.shape_cast %get3A_190 : vector<16xi32> to vector<16xi32>
        %slice3A_192 = vector.extract_strided_slice %get3A_191 {offsets = [0], sizes = [1], strides = [1]} : vector<16xi32> to vector<1xi32>
        %squeeze3A_193 = vector.extract %slice3A_192[0] : i32 from vector<1xi32>
        %mul3A_194 = arith.constant 4 : i32
        %mul3A_195 = arith.muli %squeeze3A_193, %mul3A_194 : i32
        %get3A_196 = arith.index_cast %mul3A_195 : i32 to index
        %get3A_197 = tpu.vector_load %arg8[%get3A_196] {strides = array<i32>} : memref<80016xf32, #tpu.memory_space<vmem>>, vector<16xf32>,
        %get3A_198 = vector.shape_cast %get3A_197 : vector<16xf32> to vector<16xf32>
        %slice3A_199 = vector.extract_strided_slice %get3A_198 {offsets = [0], sizes = [1], strides = [1]} : vector<16xf32> to vector<1xf32>
        %squeeze3A_200 = vector.extract %slice3A_199[0] : f32 from vector<1xf32>
        %slice3A_201 = vector.extract_strided_slice %get3A_198 {offsets = [1], sizes = [1], strides = [1]} : vector<16xf32> to vector<1xf32>
        %squeeze3A_202 = vector.extract %slice3A_201[0] : f32 from vector<1xf32>
        %slice3A_203 = vector.extract_strided_slice %get3A_198 {offsets = [2], sizes = [1], strides = [1]} : vector<16xf32> to vector<1xf32>
        %squeeze3A_204 = vector.extract %slice3A_203[0] : f32 from vector<1xf32>
        %slice3A_205 = vector.extract_strided_slice %get3A_198 {offsets = [3], sizes = [1], strides = [1]} : vector<16xf32> to vector<1xf32>
        %squeeze3A_206 = vector.extract %slice3A_205[0] : f32 from vector<1xf32>
        %sub3A_207 = arith.subf %squeeze3A_204, %squeeze3A_200 : f32
        %sub3A_208 = arith.subf %squeeze3A_206, %squeeze3A_202 : f32
        %mul3A_209 = arith.mulf %sub3A_207, %sub3A_208 : f32
        %broadcast_in_dim3A_210 = arith.constant -1.000000e+00 : f32
        %broadcast_in_dim3A_211 = vector.broadcast %broadcast_in_dim3A_210 : f32 to vector<16xf32>
        %sub3A_212 = arith.subf %while3A_157, %while3A_155 : vector<16xf32>
        %sub3A_213 = arith.subf %while3A_158, %while3A_156 : vector<16xf32>
        %mul3A_214 = arith.mulf %sub3A_212, %sub3A_213 : vector<16xf32>
        %max3A_215 = vector.broadcast %squeeze3A_200 : f32 to vector<16xf32>
        %max3A_216 = arith.maximumf %max3A_215, %while3A_155 : vector<16xf32>
        %max3A_217 = vector.broadcast %squeeze3A_202 : f32 to vector<16xf32>
        %max3A_218 = arith.maximumf %max3A_217, %while3A_156 : vector<16xf32>
        %min3A_219 = vector.broadcast %squeeze3A_204 : f32 to vector<16xf32>
        %min3A_220 = arith.minimumf %min3A_219, %while3A_157 : vector<16xf32>
        %min3A_221 = vector.broadcast %squeeze3A_206 : f32 to vector<16xf32>
        %min3A_222 = arith.minimumf %min3A_221, %while3A_158 : vector<16xf32>
        %sub3A_223 = arith.subf %min3A_220, %max3A_216 : vector<16xf32>
        %max3A_224 = arith.constant 0.000000e+00 : f32
        %max3A_225 = vector.broadcast %max3A_224 : f32 to vector<16xf32>
        %max3A_226 = arith.maximumf %sub3A_223, %max3A_225 : vector<16xf32>
        %sub3A_227 = arith.subf %min3A_222, %max3A_218 : vector<16xf32>
        %max3A_228 = arith.constant 0.000000e+00 : f32
        %max3A_229 = vector.broadcast %max3A_228 : f32 to vector<16xf32>
        %max3A_230 = arith.maximumf %sub3A_227, %max3A_229 : vector<16xf32>
        %mul3A_231 = arith.mulf %max3A_226, %max3A_230 : vector<16xf32>
        %add3A_232 = vector.broadcast %mul3A_209 : f32 to vector<16xf32>
        %add3A_233 = arith.addf %add3A_232, %mul3A_214 : vector<16xf32>
        %sub3A_234 = arith.subf %add3A_233, %mul3A_231 : vector<16xf32>
        %max3A_235 = arith.constant 9.99999997E-7 : f32
        %max3A_236 = vector.broadcast %max3A_235 : f32 to vector<16xf32>
        %max3A_237 = arith.maximumf %sub3A_234, %max3A_236 : vector<16xf32>
        %mul3A_238 = vector.broadcast %squeeze3A : f32 to vector<16xf32>
        %mul3A_239 = arith.mulf %mul3A_238, %max3A_237 : vector<16xf32>
        %sub3A_240 = arith.subf %mul3A_231, %mul3A_239 : vector<16xf32>
        %max3A_241 = arith.maximumf %broadcast_in_dim3A_211, %sub3A_240 : vector<16xf32>
        %sub3A_242 = arith.subf %while3A_161, %while3A_159 : vector<16xf32>
        %sub3A_243 = arith.subf %while3A_162, %while3A_160 : vector<16xf32>
        %mul3A_244 = arith.mulf %sub3A_242, %sub3A_243 : vector<16xf32>
        %max3A_245 = vector.broadcast %squeeze3A_200 : f32 to vector<16xf32>
        %max3A_246 = arith.maximumf %max3A_245, %while3A_159 : vector<16xf32>
        %max3A_247 = vector.broadcast %squeeze3A_202 : f32 to vector<16xf32>
        %max3A_248 = arith.maximumf %max3A_247, %while3A_160 : vector<16xf32>
        %min3A_249 = vector.broadcast %squeeze3A_204 : f32 to vector<16xf32>
        %min3A_250 = arith.minimumf %min3A_249, %while3A_161 : vector<16xf32>
        %min3A_251 = vector.broadcast %squeeze3A_206 : f32 to vector<16xf32>
        %min3A_252 = arith.minimumf %min3A_251, %while3A_162 : vector<16xf32>
        %sub3A_253 = arith.subf %min3A_250, %max3A_246 : vector<16xf32>
        %max3A_254 = arith.constant 0.000000e+00 : f32
        %max3A_255 = vector.broadcast %max3A_254 : f32 to vector<16xf32>
        %max3A_256 = arith.maximumf %sub3A_253, %max3A_255 : vector<16xf32>
        %sub3A_257 = arith.subf %min3A_252, %max3A_248 : vector<16xf32>
        %max3A_258 = arith.constant 0.000000e+00 : f32
        %max3A_259 = vector.broadcast %max3A_258 : f32 to vector<16xf32>
        %max3A_260 = arith.maximumf %sub3A_257, %max3A_259 : vector<16xf32>
        %mul3A_261 = arith.mulf %max3A_256, %max3A_260 : vector<16xf32>
        %add3A_262 = vector.broadcast %mul3A_209 : f32 to vector<16xf32>
        %add3A_263 = arith.addf %add3A_262, %mul3A_244 : vector<16xf32>
        %sub3A_264 = arith.subf %add3A_263, %mul3A_261 : vector<16xf32>
        %max3A_265 = arith.constant 9.99999997E-7 : f32
        %max3A_266 = vector.broadcast %max3A_265 : f32 to vector<16xf32>
        %max3A_267 = arith.maximumf %sub3A_264, %max3A_266 : vector<16xf32>
        %mul3A_268 = vector.broadcast %squeeze3A : f32 to vector<16xf32>
        %mul3A_269 = arith.mulf %mul3A_268, %max3A_267 : vector<16xf32>
        %sub3A_270 = arith.subf %mul3A_261, %mul3A_269 : vector<16xf32>
        %max3A_271 = arith.maximumf %max3A_241, %sub3A_270 : vector<16xf32>
        %sub3A_272 = arith.subf %while3A_165, %while3A_163 : vector<16xf32>
        %sub3A_273 = arith.subf %while3A_166, %while3A_164 : vector<16xf32>
        %mul3A_274 = arith.mulf %sub3A_272, %sub3A_273 : vector<16xf32>
        %max3A_275 = vector.broadcast %squeeze3A_200 : f32 to vector<16xf32>
        %max3A_276 = arith.maximumf %max3A_275, %while3A_163 : vector<16xf32>
        %max3A_277 = vector.broadcast %squeeze3A_202 : f32 to vector<16xf32>
        %max3A_278 = arith.maximumf %max3A_277, %while3A_164 : vector<16xf32>
        %min3A_279 = vector.broadcast %squeeze3A_204 : f32 to vector<16xf32>
        %min3A_280 = arith.minimumf %min3A_279, %while3A_165 : vector<16xf32>
        %min3A_281 = vector.broadcast %squeeze3A_206 : f32 to vector<16xf32>
        %min3A_282 = arith.minimumf %min3A_281, %while3A_166 : vector<16xf32>
        %sub3A_283 = arith.subf %min3A_280, %max3A_276 : vector<16xf32>
        %max3A_284 = arith.constant 0.000000e+00 : f32
        %max3A_285 = vector.broadcast %max3A_284 : f32 to vector<16xf32>
        %max3A_286 = arith.maximumf %sub3A_283, %max3A_285 : vector<16xf32>
        %sub3A_287 = arith.subf %min3A_282, %max3A_278 : vector<16xf32>
        %max3A_288 = arith.constant 0.000000e+00 : f32
        %max3A_289 = vector.broadcast %max3A_288 : f32 to vector<16xf32>
        %max3A_290 = arith.maximumf %sub3A_287, %max3A_289 : vector<16xf32>
        %mul3A_291 = arith.mulf %max3A_286, %max3A_290 : vector<16xf32>
        %add3A_292 = vector.broadcast %mul3A_209 : f32 to vector<16xf32>
        %add3A_293 = arith.addf %add3A_292, %mul3A_274 : vector<16xf32>
        %sub3A_294 = arith.subf %add3A_293, %mul3A_291 : vector<16xf32>
        %max3A_295 = arith.constant 9.99999997E-7 : f32
        %max3A_296 = vector.broadcast %max3A_295 : f32 to vector<16xf32>
        %max3A_297 = arith.maximumf %sub3A_294, %max3A_296 : vector<16xf32>
        %mul3A_298 = vector.broadcast %squeeze3A : f32 to vector<16xf32>
        %mul3A_299 = arith.mulf %mul3A_298, %max3A_297 : vector<16xf32>
        %sub3A_300 = arith.subf %mul3A_291, %mul3A_299 : vector<16xf32>
        %max3A_301 = arith.maximumf %max3A_271, %sub3A_300 : vector<16xf32>
        %sub3A_302 = arith.subf %while3A_169, %while3A_167 : vector<16xf32>
        %sub3A_303 = arith.subf %while3A_170, %while3A_168 : vector<16xf32>
        %mul3A_304 = arith.mulf %sub3A_302, %sub3A_303 : vector<16xf32>
        %max3A_305 = vector.broadcast %squeeze3A_200 : f32 to vector<16xf32>
        %max3A_306 = arith.maximumf %max3A_305, %while3A_167 : vector<16xf32>
        %max3A_307 = vector.broadcast %squeeze3A_202 : f32 to vector<16xf32>
        %max3A_308 = arith.maximumf %max3A_307, %while3A_168 : vector<16xf32>
        %min3A_309 = vector.broadcast %squeeze3A_204 : f32 to vector<16xf32>
        %min3A_310 = arith.minimumf %min3A_309, %while3A_169 : vector<16xf32>
        %min3A_311 = vector.broadcast %squeeze3A_206 : f32 to vector<16xf32>
        %min3A_312 = arith.minimumf %min3A_311, %while3A_170 : vector<16xf32>
        %sub3A_313 = arith.subf %min3A_310, %max3A_306 : vector<16xf32>
        %max3A_314 = arith.constant 0.000000e+00 : f32
        %max3A_315 = vector.broadcast %max3A_314 : f32 to vector<16xf32>
        %max3A_316 = arith.maximumf %sub3A_313, %max3A_315 : vector<16xf32>
        %sub3A_317 = arith.subf %min3A_312, %max3A_308 : vector<16xf32>
        %max3A_318 = arith.constant 0.000000e+00 : f32
        %max3A_319 = vector.broadcast %max3A_318 : f32 to vector<16xf32>
        %max3A_320 = arith.maximumf %sub3A_317, %max3A_319 : vector<16xf32>
        %mul3A_321 = arith.mulf %max3A_316, %max3A_320 : vector<16xf32>
        %add3A_322 = vector.broadcast %mul3A_209 : f32 to vector<16xf32>
        %add3A_323 = arith.addf %add3A_322, %mul3A_304 : vector<16xf32>
        %sub3A_324 = arith.subf %add3A_323, %mul3A_321 : vector<16xf32>
        %max3A_325 = arith.constant 9.99999997E-7 : f32
        %max3A_326 = vector.broadcast %max3A_325 : f32 to vector<16xf32>
        %max3A_327 = arith.maximumf %sub3A_324, %max3A_326 : vector<16xf32>
        %mul3A_328 = vector.broadcast %squeeze3A : f32 to vector<16xf32>
        %mul3A_329 = arith.mulf %mul3A_328, %max3A_327 : vector<16xf32>
        %sub3A_330 = arith.subf %mul3A_321, %mul3A_329 : vector<16xf32>
        %max3A_331 = arith.maximumf %max3A_301, %sub3A_330 : vector<16xf32>
        %sub3A_332 = arith.subf %while3A_173, %while3A_171 : vector<16xf32>
        %sub3A_333 = arith.subf %while3A_174, %while3A_172 : vector<16xf32>
        %mul3A_334 = arith.mulf %sub3A_332, %sub3A_333 : vector<16xf32>
        %max3A_335 = vector.broadcast %squeeze3A_200 : f32 to vector<16xf32>
        %max3A_336 = arith.maximumf %max3A_335, %while3A_171 : vector<16xf32>
        %max3A_337 = vector.broadcast %squeeze3A_202 : f32 to vector<16xf32>
        %max3A_338 = arith.maximumf %max3A_337, %while3A_172 : vector<16xf32>
        %min3A_339 = vector.broadcast %squeeze3A_204 : f32 to vector<16xf32>
        %min3A_340 = arith.minimumf %min3A_339, %while3A_173 : vector<16xf32>
        %min3A_341 = vector.broadcast %squeeze3A_206 : f32 to vector<16xf32>
        %min3A_342 = arith.minimumf %min3A_341, %while3A_174 : vector<16xf32>
        %sub3A_343 = arith.subf %min3A_340, %max3A_336 : vector<16xf32>
        %max3A_344 = arith.constant 0.000000e+00 : f32
        %max3A_345 = vector.broadcast %max3A_344 : f32 to vector<16xf32>
        %max3A_346 = arith.maximumf %sub3A_343, %max3A_345 : vector<16xf32>
        %sub3A_347 = arith.subf %min3A_342, %max3A_338 : vector<16xf32>
        %max3A_348 = arith.constant 0.000000e+00 : f32
        %max3A_349 = vector.broadcast %max3A_348 : f32 to vector<16xf32>
        %max3A_350 = arith.maximumf %sub3A_347, %max3A_349 : vector<16xf32>
        %mul3A_351 = arith.mulf %max3A_346, %max3A_350 : vector<16xf32>
        %add3A_352 = vector.broadcast %mul3A_209 : f32 to vector<16xf32>
        %add3A_353 = arith.addf %add3A_352, %mul3A_334 : vector<16xf32>
        %sub3A_354 = arith.subf %add3A_353, %mul3A_351 : vector<16xf32>
        %max3A_355 = arith.constant 9.99999997E-7 : f32
        %max3A_356 = vector.broadcast %max3A_355 : f32 to vector<16xf32>
        %max3A_357 = arith.maximumf %sub3A_354, %max3A_356 : vector<16xf32>
        %mul3A_358 = vector.broadcast %squeeze3A : f32 to vector<16xf32>
        %mul3A_359 = arith.mulf %mul3A_358, %max3A_357 : vector<16xf32>
        %sub3A_360 = arith.subf %mul3A_351, %mul3A_359 : vector<16xf32>
        %max3A_361 = arith.maximumf %max3A_331, %sub3A_360 : vector<16xf32>
        %sub3A_362 = arith.subf %while3A_177, %while3A_175 : vector<16xf32>
        %sub3A_363 = arith.subf %while3A_178, %while3A_176 : vector<16xf32>
        %mul3A_364 = arith.mulf %sub3A_362, %sub3A_363 : vector<16xf32>
        %max3A_365 = vector.broadcast %squeeze3A_200 : f32 to vector<16xf32>
        %max3A_366 = arith.maximumf %max3A_365, %while3A_175 : vector<16xf32>
        %max3A_367 = vector.broadcast %squeeze3A_202 : f32 to vector<16xf32>
        %max3A_368 = arith.maximumf %max3A_367, %while3A_176 : vector<16xf32>
        %min3A_369 = vector.broadcast %squeeze3A_204 : f32 to vector<16xf32>
        %min3A_370 = arith.minimumf %min3A_369, %while3A_177 : vector<16xf32>
        %min3A_371 = vector.broadcast %squeeze3A_206 : f32 to vector<16xf32>
        %min3A_372 = arith.minimumf %min3A_371, %while3A_178 : vector<16xf32>
        %sub3A_373 = arith.subf %min3A_370, %max3A_366 : vector<16xf32>
        %max3A_374 = arith.constant 0.000000e+00 : f32
        %max3A_375 = vector.broadcast %max3A_374 : f32 to vector<16xf32>
        %max3A_376 = arith.maximumf %sub3A_373, %max3A_375 : vector<16xf32>
        %sub3A_377 = arith.subf %min3A_372, %max3A_368 : vector<16xf32>
        %max3A_378 = arith.constant 0.000000e+00 : f32
        %max3A_379 = vector.broadcast %max3A_378 : f32 to vector<16xf32>
        %max3A_380 = arith.maximumf %sub3A_377, %max3A_379 : vector<16xf32>
        %mul3A_381 = arith.mulf %max3A_376, %max3A_380 : vector<16xf32>
        %add3A_382 = vector.broadcast %mul3A_209 : f32 to vector<16xf32>
        %add3A_383 = arith.addf %add3A_382, %mul3A_364 : vector<16xf32>
        %sub3A_384 = arith.subf %add3A_383, %mul3A_381 : vector<16xf32>
        %max3A_385 = arith.constant 9.99999997E-7 : f32
        %max3A_386 = vector.broadcast %max3A_385 : f32 to vector<16xf32>
        %max3A_387 = arith.maximumf %sub3A_384, %max3A_386 : vector<16xf32>
        %mul3A_388 = vector.broadcast %squeeze3A : f32 to vector<16xf32>
        %mul3A_389 = arith.mulf %mul3A_388, %max3A_387 : vector<16xf32>
        %sub3A_390 = arith.subf %mul3A_381, %mul3A_389 : vector<16xf32>
        %max3A_391 = arith.maximumf %max3A_361, %sub3A_390 : vector<16xf32>
        %sub3A_392 = arith.subf %while3A_181, %while3A_179 : vector<16xf32>
        %sub3A_393 = arith.subf %while3A_182, %while3A_180 : vector<16xf32>
        %mul3A_394 = arith.mulf %sub3A_392, %sub3A_393 : vector<16xf32>
        %max3A_395 = vector.broadcast %squeeze3A_200 : f32 to vector<16xf32>
        %max3A_396 = arith.maximumf %max3A_395, %while3A_179 : vector<16xf32>
        %max3A_397 = vector.broadcast %squeeze3A_202 : f32 to vector<16xf32>
        %max3A_398 = arith.maximumf %max3A_397, %while3A_180 : vector<16xf32>
        %min3A_399 = vector.broadcast %squeeze3A_204 : f32 to vector<16xf32>
        %min3A_400 = arith.minimumf %min3A_399, %while3A_181 : vector<16xf32>
        %min3A_401 = vector.broadcast %squeeze3A_206 : f32 to vector<16xf32>
        %min3A_402 = arith.minimumf %min3A_401, %while3A_182 : vector<16xf32>
        %sub3A_403 = arith.subf %min3A_400, %max3A_396 : vector<16xf32>
        %max3A_404 = arith.constant 0.000000e+00 : f32
        %max3A_405 = vector.broadcast %max3A_404 : f32 to vector<16xf32>
        %max3A_406 = arith.maximumf %sub3A_403, %max3A_405 : vector<16xf32>
        %sub3A_407 = arith.subf %min3A_402, %max3A_398 : vector<16xf32>
        %max3A_408 = arith.constant 0.000000e+00 : f32
        %max3A_409 = vector.broadcast %max3A_408 : f32 to vector<16xf32>
        %max3A_410 = arith.maximumf %sub3A_407, %max3A_409 : vector<16xf32>
        %mul3A_411 = arith.mulf %max3A_406, %max3A_410 : vector<16xf32>
        %add3A_412 = vector.broadcast %mul3A_209 : f32 to vector<16xf32>
        %add3A_413 = arith.addf %add3A_412, %mul3A_394 : vector<16xf32>
        %sub3A_414 = arith.subf %add3A_413, %mul3A_411 : vector<16xf32>
        %max3A_415 = arith.constant 9.99999997E-7 : f32
        %max3A_416 = vector.broadcast %max3A_415 : f32 to vector<16xf32>
        %max3A_417 = arith.maximumf %sub3A_414, %max3A_416 : vector<16xf32>
        %mul3A_418 = vector.broadcast %squeeze3A : f32 to vector<16xf32>
        %mul3A_419 = arith.mulf %mul3A_418, %max3A_417 : vector<16xf32>
        %sub3A_420 = arith.subf %mul3A_411, %mul3A_419 : vector<16xf32>
        %max3A_421 = arith.maximumf %max3A_391, %sub3A_420 : vector<16xf32>
        %swap3A_422 = arith.constant 0 : index
        %swap3A_423 = tpu.vector_load %arg13[%swap3A_422] {strides = array<i32>} : memref<32xf32, #tpu.memory_space<vmem>>, vector<16xf32>,
        %swap3A_424 = vector.shape_cast %swap3A_423 : vector<16xf32> to vector<16xf32>
        %swap3A_425 = vector.shape_cast %max3A_421 : vector<16xf32> to vector<16xf32>
        tpu.vector_store %arg13[%swap3A_422], %swap3A_425 {strides = array<i32>} : memref<32xf32, #tpu.memory_space<vmem>>, vector<16xf32>,
        %get3A_426 = arith.constant 8 : index
        %get3A_427 = tpu.vector_load %arg13[%get3A_426] {strides = array<i32>} : memref<32xf32, #tpu.memory_space<vmem>>, vector<16xf32>,
        %get3A_428 = vector.shape_cast %get3A_427 : vector<16xf32> to vector<16xf32>
        %max3A_429 = arith.maximumf %max3A_421, %get3A_428 : vector<16xf32>
        %swap3A_430 = arith.constant 0 : index
        %swap3A_431 = tpu.vector_load %arg13[%swap3A_430] {strides = array<i32>} : memref<32xf32, #tpu.memory_space<vmem>>, vector<16xf32>,
        %swap3A_432 = vector.shape_cast %swap3A_431 : vector<16xf32> to vector<16xf32>
        %swap3A_433 = vector.shape_cast %max3A_429 : vector<16xf32> to vector<16xf32>
        tpu.vector_store %arg13[%swap3A_430], %swap3A_433 {strides = array<i32>} : memref<32xf32, #tpu.memory_space<vmem>>, vector<16xf32>,
        %get3A_434 = arith.constant 4 : index
        %get3A_435 = tpu.vector_load %arg13[%get3A_434] {strides = array<i32>} : memref<32xf32, #tpu.memory_space<vmem>>, vector<16xf32>,
        %get3A_436 = vector.shape_cast %get3A_435 : vector<16xf32> to vector<16xf32>
        %max3A_437 = arith.maximumf %max3A_429, %get3A_436 : vector<16xf32>
        %swap3A_438 = arith.constant 0 : index
        %swap3A_439 = tpu.vector_load %arg13[%swap3A_438] {strides = array<i32>} : memref<32xf32, #tpu.memory_space<vmem>>, vector<16xf32>,
        %swap3A_440 = vector.shape_cast %swap3A_439 : vector<16xf32> to vector<16xf32>
        %swap3A_441 = vector.shape_cast %max3A_437 : vector<16xf32> to vector<16xf32>
        tpu.vector_store %arg13[%swap3A_438], %swap3A_441 {strides = array<i32>} : memref<32xf32, #tpu.memory_space<vmem>>, vector<16xf32>,
        %get3A_442 = arith.constant 2 : index
        %get3A_443 = tpu.vector_load %arg13[%get3A_442] {strides = array<i32>} : memref<32xf32, #tpu.memory_space<vmem>>, vector<16xf32>,
        %get3A_444 = vector.shape_cast %get3A_443 : vector<16xf32> to vector<16xf32>
        %max3A_445 = arith.maximumf %max3A_437, %get3A_444 : vector<16xf32>
        %swap3A_446 = arith.constant 0 : index
        %swap3A_447 = tpu.vector_load %arg13[%swap3A_446] {strides = array<i32>} : memref<32xf32, #tpu.memory_space<vmem>>, vector<16xf32>,
        %swap3A_448 = vector.shape_cast %swap3A_447 : vector<16xf32> to vector<16xf32>
        %swap3A_449 = vector.shape_cast %max3A_445 : vector<16xf32> to vector<16xf32>
        tpu.vector_store %arg13[%swap3A_446], %swap3A_449 {strides = array<i32>} : memref<32xf32, #tpu.memory_space<vmem>>, vector<16xf32>,
        %get3A_450 = arith.constant 1 : index
        %get3A_451 = tpu.vector_load %arg13[%get3A_450] {strides = array<i32>} : memref<32xf32, #tpu.memory_space<vmem>>, vector<16xf32>,
        %get3A_452 = vector.shape_cast %get3A_451 : vector<16xf32> to vector<16xf32>
        %max3A_453 = arith.maximumf %max3A_445, %get3A_452 : vector<16xf32>
        %slice3A_454 = vector.extract_strided_slice %max3A_453 {offsets = [0], sizes = [1], strides = [1]} : vector<16xf32> to vector<1xf32>
        %squeeze3A_455 = vector.extract %slice3A_454[0] : f32 from vector<1xf32>
        %ge3A = arith.constant 0.000000e+00 : f32
        %ge3A_456 = arith.cmpf oge, %squeeze3A_455, %ge3A : f32
        %gt3A_457 = arith.cmpf ogt, %squeeze3A_188, %squeeze3A_15 : f32
        %lt3A_458 = arith.cmpi slt, %while3A_154, %min3A_18 : i32
        %and3A_459 = arith.andi %gt3A_457, %lt3A_458 : i1
        %not3A = arith.constant true
        %not3A_460 = arith.xori %ge3A_456, %not3A : i1
        %and3A_461 = arith.andi %and3A_459, %not3A_460 : i1
        %jit3A_462 = arith.constant 1.000000e+00 : f32
        %jit3A_463 = arith.constant 0.000000e+00 : f32
        %select_n3A_464 = arith.select %and3A_461, %jit3A_462, %jit3A_463 : f32
        %jit3A_465 = arith.constant 1 : i32
        %jit3A_466 = arith.constant 0 : i32
        %select_n3A_467 = arith.select %and3A_461, %jit3A_465, %jit3A_466 : i32
        %convert_element_type3A_468 = arith.sitofp %while3A_154 : i32 to f32
        %sub3A_469 = arith.constant 0.000000e+00 : f32
        %sub3A_470 = arith.subf %convert_element_type3A_468, %sub3A_469 : f32
        %sub3A_471 = vector.broadcast %sub3A_470 : f32 to vector<16xf32>
        %sub3A_472 = arith.subf %convert_element_type3A_19, %sub3A_471 : vector<16xf32>
        %abs3A = math.absf %sub3A_472 : vector<16xf32>
        %sub3A_473 = arith.constant 1.000000e+00 : f32
        %sub3A_474 = vector.broadcast %sub3A_473 : f32 to vector<16xf32>
        %sub3A_475 = arith.subf %sub3A_474, %abs3A : vector<16xf32>
        %max3A_476 = arith.constant 0.000000e+00 : f32
        %max3A_477 = vector.broadcast %max3A_476 : f32 to vector<16xf32>
        %max3A_478 = arith.maximumf %sub3A_475, %max3A_477 : vector<16xf32>
        %mul3A_479 = vector.broadcast %select_n3A_464 : f32 to vector<16xf32>
        %mul3A_480 = arith.mulf %max3A_478, %mul3A_479 : vector<16xf32>
        %sub3A_481 = vector.broadcast %squeeze3A_200 : f32 to vector<16xf32>
        %sub3A_482 = arith.subf %sub3A_481, %while3A_155 : vector<16xf32>
        %mul3A_483 = arith.mulf %mul3A_480, %sub3A_482 : vector<16xf32>
        %add3A_484 = arith.addf %while3A_155, %mul3A_483 : vector<16xf32>
        %sub3A_485 = vector.broadcast %squeeze3A_202 : f32 to vector<16xf32>
        %sub3A_486 = arith.subf %sub3A_485, %while3A_156 : vector<16xf32>
        %mul3A_487 = arith.mulf %mul3A_480, %sub3A_486 : vector<16xf32>
        %add3A_488 = arith.addf %while3A_156, %mul3A_487 : vector<16xf32>
        %sub3A_489 = vector.broadcast %squeeze3A_204 : f32 to vector<16xf32>
        %sub3A_490 = arith.subf %sub3A_489, %while3A_157 : vector<16xf32>
        %mul3A_491 = arith.mulf %mul3A_480, %sub3A_490 : vector<16xf32>
        %add3A_492 = arith.addf %while3A_157, %mul3A_491 : vector<16xf32>
        %sub3A_493 = vector.broadcast %squeeze3A_206 : f32 to vector<16xf32>
        %sub3A_494 = arith.subf %sub3A_493, %while3A_158 : vector<16xf32>
        %mul3A_495 = arith.mulf %mul3A_480, %sub3A_494 : vector<16xf32>
        %add3A_496 = arith.addf %while3A_158, %mul3A_495 : vector<16xf32>
        %sub3A_497 = arith.constant 1.600000e+01 : f32
        %sub3A_498 = arith.subf %convert_element_type3A_468, %sub3A_497 : f32
        %sub3A_499 = vector.broadcast %sub3A_498 : f32 to vector<16xf32>
        %sub3A_500 = arith.subf %convert_element_type3A_19, %sub3A_499 : vector<16xf32>
        %abs3A_501 = math.absf %sub3A_500 : vector<16xf32>
        %sub3A_502 = arith.constant 1.000000e+00 : f32
        %sub3A_503 = vector.broadcast %sub3A_502 : f32 to vector<16xf32>
        %sub3A_504 = arith.subf %sub3A_503, %abs3A_501 : vector<16xf32>
        %max3A_505 = arith.constant 0.000000e+00 : f32
        %max3A_506 = vector.broadcast %max3A_505 : f32 to vector<16xf32>
        %max3A_507 = arith.maximumf %sub3A_504, %max3A_506 : vector<16xf32>
        %mul3A_508 = vector.broadcast %select_n3A_464 : f32 to vector<16xf32>
        %mul3A_509 = arith.mulf %max3A_507, %mul3A_508 : vector<16xf32>
        %sub3A_510 = vector.broadcast %squeeze3A_200 : f32 to vector<16xf32>
        %sub3A_511 = arith.subf %sub3A_510, %while3A_159 : vector<16xf32>
        %mul3A_512 = arith.mulf %mul3A_509, %sub3A_511 : vector<16xf32>
        %add3A_513 = arith.addf %while3A_159, %mul3A_512 : vector<16xf32>
        %sub3A_514 = vector.broadcast %squeeze3A_202 : f32 to vector<16xf32>
        %sub3A_515 = arith.subf %sub3A_514, %while3A_160 : vector<16xf32>
        %mul3A_516 = arith.mulf %mul3A_509, %sub3A_515 : vector<16xf32>
        %add3A_517 = arith.addf %while3A_160, %mul3A_516 : vector<16xf32>
        %sub3A_518 = vector.broadcast %squeeze3A_204 : f32 to vector<16xf32>
        %sub3A_519 = arith.subf %sub3A_518, %while3A_161 : vector<16xf32>
        %mul3A_520 = arith.mulf %mul3A_509, %sub3A_519 : vector<16xf32>
        %add3A_521 = arith.addf %while3A_161, %mul3A_520 : vector<16xf32>
        %sub3A_522 = vector.broadcast %squeeze3A_206 : f32 to vector<16xf32>
        %sub3A_523 = arith.subf %sub3A_522, %while3A_162 : vector<16xf32>
        %mul3A_524 = arith.mulf %mul3A_509, %sub3A_523 : vector<16xf32>
        %add3A_525 = arith.addf %while3A_162, %mul3A_524 : vector<16xf32>
        %sub3A_526 = arith.constant 3.200000e+01 : f32
        %sub3A_527 = arith.subf %convert_element_type3A_468, %sub3A_526 : f32
        %sub3A_528 = vector.broadcast %sub3A_527 : f32 to vector<16xf32>
        %sub3A_529 = arith.subf %convert_element_type3A_19, %sub3A_528 : vector<16xf32>
        %abs3A_530 = math.absf %sub3A_529 : vector<16xf32>
        %sub3A_531 = arith.constant 1.000000e+00 : f32
        %sub3A_532 = vector.broadcast %sub3A_531 : f32 to vector<16xf32>
        %sub3A_533 = arith.subf %sub3A_532, %abs3A_530 : vector<16xf32>
        %max3A_534 = arith.constant 0.000000e+00 : f32
        %max3A_535 = vector.broadcast %max3A_534 : f32 to vector<16xf32>
        %max3A_536 = arith.maximumf %sub3A_533, %max3A_535 : vector<16xf32>
        %mul3A_537 = vector.broadcast %select_n3A_464 : f32 to vector<16xf32>
        %mul3A_538 = arith.mulf %max3A_536, %mul3A_537 : vector<16xf32>
        %sub3A_539 = vector.broadcast %squeeze3A_200 : f32 to vector<16xf32>
        %sub3A_540 = arith.subf %sub3A_539, %while3A_163 : vector<16xf32>
        %mul3A_541 = arith.mulf %mul3A_538, %sub3A_540 : vector<16xf32>
        %add3A_542 = arith.addf %while3A_163, %mul3A_541 : vector<16xf32>
        %sub3A_543 = vector.broadcast %squeeze3A_202 : f32 to vector<16xf32>
        %sub3A_544 = arith.subf %sub3A_543, %while3A_164 : vector<16xf32>
        %mul3A_545 = arith.mulf %mul3A_538, %sub3A_544 : vector<16xf32>
        %add3A_546 = arith.addf %while3A_164, %mul3A_545 : vector<16xf32>
        %sub3A_547 = vector.broadcast %squeeze3A_204 : f32 to vector<16xf32>
        %sub3A_548 = arith.subf %sub3A_547, %while3A_165 : vector<16xf32>
        %mul3A_549 = arith.mulf %mul3A_538, %sub3A_548 : vector<16xf32>
        %add3A_550 = arith.addf %while3A_165, %mul3A_549 : vector<16xf32>
        %sub3A_551 = vector.broadcast %squeeze3A_206 : f32 to vector<16xf32>
        %sub3A_552 = arith.subf %sub3A_551, %while3A_166 : vector<16xf32>
        %mul3A_553 = arith.mulf %mul3A_538, %sub3A_552 : vector<16xf32>
        %add3A_554 = arith.addf %while3A_166, %mul3A_553 : vector<16xf32>
        %sub3A_555 = arith.constant 4.800000e+01 : f32
        %sub3A_556 = arith.subf %convert_element_type3A_468, %sub3A_555 : f32
        %sub3A_557 = vector.broadcast %sub3A_556 : f32 to vector<16xf32>
        %sub3A_558 = arith.subf %convert_element_type3A_19, %sub3A_557 : vector<16xf32>
        %abs3A_559 = math.absf %sub3A_558 : vector<16xf32>
        %sub3A_560 = arith.constant 1.000000e+00 : f32
        %sub3A_561 = vector.broadcast %sub3A_560 : f32 to vector<16xf32>
        %sub3A_562 = arith.subf %sub3A_561, %abs3A_559 : vector<16xf32>
        %max3A_563 = arith.constant 0.000000e+00 : f32
        %max3A_564 = vector.broadcast %max3A_563 : f32 to vector<16xf32>
        %max3A_565 = arith.maximumf %sub3A_562, %max3A_564 : vector<16xf32>
        %mul3A_566 = vector.broadcast %select_n3A_464 : f32 to vector<16xf32>
        %mul3A_567 = arith.mulf %max3A_565, %mul3A_566 : vector<16xf32>
        %sub3A_568 = vector.broadcast %squeeze3A_200 : f32 to vector<16xf32>
        %sub3A_569 = arith.subf %sub3A_568, %while3A_167 : vector<16xf32>
        %mul3A_570 = arith.mulf %mul3A_567, %sub3A_569 : vector<16xf32>
        %add3A_571 = arith.addf %while3A_167, %mul3A_570 : vector<16xf32>
        %sub3A_572 = vector.broadcast %squeeze3A_202 : f32 to vector<16xf32>
        %sub3A_573 = arith.subf %sub3A_572, %while3A_168 : vector<16xf32>
        %mul3A_574 = arith.mulf %mul3A_567, %sub3A_573 : vector<16xf32>
        %add3A_575 = arith.addf %while3A_168, %mul3A_574 : vector<16xf32>
        %sub3A_576 = vector.broadcast %squeeze3A_204 : f32 to vector<16xf32>
        %sub3A_577 = arith.subf %sub3A_576, %while3A_169 : vector<16xf32>
        %mul3A_578 = arith.mulf %mul3A_567, %sub3A_577 : vector<16xf32>
        %add3A_579 = arith.addf %while3A_169, %mul3A_578 : vector<16xf32>
        %sub3A_580 = vector.broadcast %squeeze3A_206 : f32 to vector<16xf32>
        %sub3A_581 = arith.subf %sub3A_580, %while3A_170 : vector<16xf32>
        %mul3A_582 = arith.mulf %mul3A_567, %sub3A_581 : vector<16xf32>
        %add3A_583 = arith.addf %while3A_170, %mul3A_582 : vector<16xf32>
        %sub3A_584 = arith.constant 6.400000e+01 : f32
        %sub3A_585 = arith.subf %convert_element_type3A_468, %sub3A_584 : f32
        %sub3A_586 = vector.broadcast %sub3A_585 : f32 to vector<16xf32>
        %sub3A_587 = arith.subf %convert_element_type3A_19, %sub3A_586 : vector<16xf32>
        %abs3A_588 = math.absf %sub3A_587 : vector<16xf32>
        %sub3A_589 = arith.constant 1.000000e+00 : f32
        %sub3A_590 = vector.broadcast %sub3A_589 : f32 to vector<16xf32>
        %sub3A_591 = arith.subf %sub3A_590, %abs3A_588 : vector<16xf32>
        %max3A_592 = arith.constant 0.000000e+00 : f32
        %max3A_593 = vector.broadcast %max3A_592 : f32 to vector<16xf32>
        %max3A_594 = arith.maximumf %sub3A_591, %max3A_593 : vector<16xf32>
        %mul3A_595 = vector.broadcast %select_n3A_464 : f32 to vector<16xf32>
        %mul3A_596 = arith.mulf %max3A_594, %mul3A_595 : vector<16xf32>
        %sub3A_597 = vector.broadcast %squeeze3A_200 : f32 to vector<16xf32>
        %sub3A_598 = arith.subf %sub3A_597, %while3A_171 : vector<16xf32>
        %mul3A_599 = arith.mulf %mul3A_596, %sub3A_598 : vector<16xf32>
        %add3A_600 = arith.addf %while3A_171, %mul3A_599 : vector<16xf32>
        %sub3A_601 = vector.broadcast %squeeze3A_202 : f32 to vector<16xf32>
        %sub3A_602 = arith.subf %sub3A_601, %while3A_172 : vector<16xf32>
        %mul3A_603 = arith.mulf %mul3A_596, %sub3A_602 : vector<16xf32>
        %add3A_604 = arith.addf %while3A_172, %mul3A_603 : vector<16xf32>
        %sub3A_605 = vector.broadcast %squeeze3A_204 : f32 to vector<16xf32>
        %sub3A_606 = arith.subf %sub3A_605, %while3A_173 : vector<16xf32>
        %mul3A_607 = arith.mulf %mul3A_596, %sub3A_606 : vector<16xf32>
        %add3A_608 = arith.addf %while3A_173, %mul3A_607 : vector<16xf32>
        %sub3A_609 = vector.broadcast %squeeze3A_206 : f32 to vector<16xf32>
        %sub3A_610 = arith.subf %sub3A_609, %while3A_174 : vector<16xf32>
        %mul3A_611 = arith.mulf %mul3A_596, %sub3A_610 : vector<16xf32>
        %add3A_612 = arith.addf %while3A_174, %mul3A_611 : vector<16xf32>
        %sub3A_613 = arith.constant 8.000000e+01 : f32
        %sub3A_614 = arith.subf %convert_element_type3A_468, %sub3A_613 : f32
        %sub3A_615 = vector.broadcast %sub3A_614 : f32 to vector<16xf32>
        %sub3A_616 = arith.subf %convert_element_type3A_19, %sub3A_615 : vector<16xf32>
        %abs3A_617 = math.absf %sub3A_616 : vector<16xf32>
        %sub3A_618 = arith.constant 1.000000e+00 : f32
        %sub3A_619 = vector.broadcast %sub3A_618 : f32 to vector<16xf32>
        %sub3A_620 = arith.subf %sub3A_619, %abs3A_617 : vector<16xf32>
        %max3A_621 = arith.constant 0.000000e+00 : f32
        %max3A_622 = vector.broadcast %max3A_621 : f32 to vector<16xf32>
        %max3A_623 = arith.maximumf %sub3A_620, %max3A_622 : vector<16xf32>
        %mul3A_624 = vector.broadcast %select_n3A_464 : f32 to vector<16xf32>
        %mul3A_625 = arith.mulf %max3A_623, %mul3A_624 : vector<16xf32>
        %sub3A_626 = vector.broadcast %squeeze3A_200 : f32 to vector<16xf32>
        %sub3A_627 = arith.subf %sub3A_626, %while3A_175 : vector<16xf32>
        %mul3A_628 = arith.mulf %mul3A_625, %sub3A_627 : vector<16xf32>
        %add3A_629 = arith.addf %while3A_175, %mul3A_628 : vector<16xf32>
        %sub3A_630 = vector.broadcast %squeeze3A_202 : f32 to vector<16xf32>
        %sub3A_631 = arith.subf %sub3A_630, %while3A_176 : vector<16xf32>
        %mul3A_632 = arith.mulf %mul3A_625, %sub3A_631 : vector<16xf32>
        %add3A_633 = arith.addf %while3A_176, %mul3A_632 : vector<16xf32>
        %sub3A_634 = vector.broadcast %squeeze3A_204 : f32 to vector<16xf32>
        %sub3A_635 = arith.subf %sub3A_634, %while3A_177 : vector<16xf32>
        %mul3A_636 = arith.mulf %mul3A_625, %sub3A_635 : vector<16xf32>
        %add3A_637 = arith.addf %while3A_177, %mul3A_636 : vector<16xf32>
        %sub3A_638 = vector.broadcast %squeeze3A_206 : f32 to vector<16xf32>
        %sub3A_639 = arith.subf %sub3A_638, %while3A_178 : vector<16xf32>
        %mul3A_640 = arith.mulf %mul3A_625, %sub3A_639 : vector<16xf32>
        %add3A_641 = arith.addf %while3A_178, %mul3A_640 : vector<16xf32>
        %sub3A_642 = arith.constant 9.600000e+01 : f32
        %sub3A_643 = arith.subf %convert_element_type3A_468, %sub3A_642 : f32
        %sub3A_644 = vector.broadcast %sub3A_643 : f32 to vector<16xf32>
        %sub3A_645 = arith.subf %convert_element_type3A_19, %sub3A_644 : vector<16xf32>
        %abs3A_646 = math.absf %sub3A_645 : vector<16xf32>
        %sub3A_647 = arith.constant 1.000000e+00 : f32
        %sub3A_648 = vector.broadcast %sub3A_647 : f32 to vector<16xf32>
        %sub3A_649 = arith.subf %sub3A_648, %abs3A_646 : vector<16xf32>
        %max3A_650 = arith.constant 0.000000e+00 : f32
        %max3A_651 = vector.broadcast %max3A_650 : f32 to vector<16xf32>
        %max3A_652 = arith.maximumf %sub3A_649, %max3A_651 : vector<16xf32>
        %mul3A_653 = vector.broadcast %select_n3A_464 : f32 to vector<16xf32>
        %mul3A_654 = arith.mulf %max3A_652, %mul3A_653 : vector<16xf32>
        %sub3A_655 = vector.broadcast %squeeze3A_200 : f32 to vector<16xf32>
        %sub3A_656 = arith.subf %sub3A_655, %while3A_179 : vector<16xf32>
        %mul3A_657 = arith.mulf %mul3A_654, %sub3A_656 : vector<16xf32>
        %add3A_658 = arith.addf %while3A_179, %mul3A_657 : vector<16xf32>
        %sub3A_659 = vector.broadcast %squeeze3A_202 : f32 to vector<16xf32>
        %sub3A_660 = arith.subf %sub3A_659, %while3A_180 : vector<16xf32>
        %mul3A_661 = arith.mulf %mul3A_654, %sub3A_660 : vector<16xf32>
        %add3A_662 = arith.addf %while3A_180, %mul3A_661 : vector<16xf32>
        %sub3A_663 = vector.broadcast %squeeze3A_204 : f32 to vector<16xf32>
        %sub3A_664 = arith.subf %sub3A_663, %while3A_181 : vector<16xf32>
        %mul3A_665 = arith.mulf %mul3A_654, %sub3A_664 : vector<16xf32>
        %add3A_666 = arith.addf %while3A_181, %mul3A_665 : vector<16xf32>
        %sub3A_667 = vector.broadcast %squeeze3A_206 : f32 to vector<16xf32>
        %sub3A_668 = arith.subf %sub3A_667, %while3A_182 : vector<16xf32>
        %mul3A_669 = arith.mulf %mul3A_654, %sub3A_668 : vector<16xf32>
        %add3A_670 = arith.addf %while3A_182, %mul3A_669 : vector<16xf32>
        %mul3A_671 = vector.broadcast %select_n3A_467 : i32 to vector<16xi32>
        %mul3A_672 = arith.muli %max3A_23, %mul3A_671 : vector<16xi32>
        %get3A_673 = arith.index_cast %while3A_154 : i32 to index
        %get3A_674 = tpu.vector_load %arg12[%get3A_673] {strides = array<i32>} : memref<128xi32, #tpu.memory_space<vmem>>, vector<16xi32>,
        %get3A_675 = vector.shape_cast %get3A_674 : vector<16xi32> to vector<16xi32>
        %get3A_676 = arith.index_cast %while3A_154 : i32 to index
        %get3A_677 = tpu.vector_load %arg12[%get3A_676] {strides = array<i32>} : memref<128xi32, #tpu.memory_space<vmem>>, vector<16xi32>,
        %get3A_678 = vector.shape_cast %get3A_677 : vector<16xi32> to vector<16xi32>
        %sub3A_679 = vector.broadcast %squeeze3A_193 : i32 to vector<16xi32>
        %sub3A_680 = arith.subi %sub3A_679, %get3A_678 : vector<16xi32>
        %mul3A_681 = arith.muli %mul3A_672, %sub3A_680 : vector<16xi32>
        %add3A_682 = arith.addi %get3A_675, %mul3A_681 : vector<16xi32>
        %swap3A_683 = arith.index_cast %while3A_154 : i32 to index
        %swap3A_684 = tpu.vector_load %arg12[%swap3A_683] {strides = array<i32>} : memref<128xi32, #tpu.memory_space<vmem>>, vector<16xi32>,
        %swap3A_685 = vector.shape_cast %swap3A_684 : vector<16xi32> to vector<16xi32>
        %swap3A_686 = vector.shape_cast %add3A_682 : vector<16xi32> to vector<16xi32>
        tpu.vector_store %arg12[%swap3A_683], %swap3A_686 {strides = array<i32>} : memref<128xi32, #tpu.memory_space<vmem>>, vector<16xi32>,
        %add3A_687 = arith.addi %while3A_154, %select_n3A_467 : i32
        scf.yield %add3A_687, %add3A_484, %add3A_488, %add3A_492, %add3A_496, %add3A_513, %add3A_517, %add3A_521, %add3A_525, %add3A_542, %add3A_546, %add3A_550, %add3A_554, %add3A_571, %add3A_575, %add3A_579, %add3A_583, %add3A_600, %add3A_604, %add3A_608, %add3A_612, %add3A_629, %add3A_633, %add3A_637, %add3A_641, %add3A_658, %add3A_662, %add3A_666, %add3A_670 : i32, vector<16xf32>, vector<16xf32>, vector<16xf32>, vector<16xf32>, vector<16xf32>, vector<16xf32>, vector<16xf32>, vector<16xf32>, vector<16xf32>, vector<16xf32>, vector<16xf32>, vector<16xf32>, vector<16xf32>, vector<16xf32>, vector<16xf32>, vector<16xf32>, vector<16xf32>, vector<16xf32>, vector<16xf32>, vector<16xf32>, vector<16xf32>, vector<16xf32>, vector<16xf32>, vector<16xf32>, vector<16xf32>, vector<16xf32>, vector<16xf32>, vector<16xf32>
      }
      scf.yield %while3A_152#0, %while3A_152#1, %while3A_152#2, %while3A_152#3, %while3A_152#4, %while3A_152#5, %while3A_152#6, %while3A_152#7, %while3A_152#8, %while3A_152#9, %while3A_152#10, %while3A_152#11, %while3A_152#12, %while3A_152#13, %while3A_152#14, %while3A_152#15, %while3A_152#16, %while3A_152#17, %while3A_152#18, %while3A_152#19, %while3A_152#20, %while3A_152#21, %while3A_152#22, %while3A_152#23, %while3A_152#24, %while3A_152#25, %while3A_152#26, %while3A_152#27, %while3A_152#28 : i32, vector<16xf32>, vector<16xf32>, vector<16xf32>, vector<16xf32>, vector<16xf32>, vector<16xf32>, vector<16xf32>, vector<16xf32>, vector<16xf32>, vector<16xf32>, vector<16xf32>, vector<16xf32>, vector<16xf32>, vector<16xf32>, vector<16xf32>, vector<16xf32>, vector<16xf32>, vector<16xf32>, vector<16xf32>, vector<16xf32>, vector<16xf32>, vector<16xf32>, vector<16xf32>, vector<16xf32>, vector<16xf32>, vector<16xf32>, vector<16xf32>, vector<16xf32>
    }
    %while3A_90 = arith.constant 1 : i32
    %while3A_91:29 = scf.for %while3A_102 = %while3A_87 to %while3A_83 step %while3A_90 iter_args(%while3A_103 = %while3A_89#0, %while3A_104 = %while3A_89#1, %while3A_105 = %while3A_89#2, %while3A_106 = %while3A_89#3, %while3A_107 = %while3A_89#4, %while3A_108 = %while3A_89#5, %while3A_109 = %while3A_89#6, %while3A_110 = %while3A_89#7, %while3A_111 = %while3A_89#8, %while3A_112 = %while3A_89#9, %while3A_113 = %while3A_89#10, %while3A_114 = %while3A_89#11, %while3A_115 = %while3A_89#12, %while3A_116 = %while3A_89#13, %while3A_117 = %while3A_89#14, %while3A_118 = %while3A_89#15, %while3A_119 = %while3A_89#16, %while3A_120 = %while3A_89#17, %while3A_121 = %while3A_89#18, %while3A_122 = %while3A_89#19, %while3A_123 = %while3A_89#20, %while3A_124 = %while3A_89#21, %while3A_125 = %while3A_89#22, %while3A_126 = %while3A_89#23, %while3A_127 = %while3A_89#24, %while3A_128 = %while3A_89#25, %while3A_129 = %while3A_89#26, %while3A_130 = %while3A_89#27, %while3A_131 = %while3A_89#28) -> (i32, vector<16xf32>, vector<16xf32>, vector<16xf32>, vector<16xf32>, vector<16xf32>, vector<16xf32>, vector<16xf32>, vector<16xf32>, vector<16xf32>, vector<16xf32>, vector<16xf32>, vector<16xf32>, vector<16xf32>, vector<16xf32>, vector<16xf32>, vector<16xf32>, vector<16xf32>, vector<16xf32>, vector<16xf32>, vector<16xf32>, vector<16xf32>, vector<16xf32>, vector<16xf32>, vector<16xf32>, vector<16xf32>, vector<16xf32>, vector<16xf32>, vector<16xf32>)  : i32 {
      %mul3A_132 = arith.constant 128 : i32
      %mul3A_133 = arith.muli %while3A_102, %mul3A_132 : i32
      %get3A_134 = arith.index_cast %mul3A_133 : i32 to index
      %get3A_135 = tpu.vector_load %arg10[%get3A_134] {strides = array<i32>} : memref<20112xf32, #tpu.memory_space<vmem>>, vector<16xf32>,
      %get3A_136 = vector.shape_cast %get3A_135 : vector<16xf32> to vector<16xf32>
      %slice3A_137 = vector.extract_strided_slice %get3A_136 {offsets = [0], sizes = [1], strides = [1]} : vector<16xf32> to vector<1xf32>
      %squeeze3A_138 = vector.extract %slice3A_137[0] : f32 from vector<1xf32>
      %lt3A = arith.cmpi slt, %while3A_103, %min3A_18 : i32
      %gt3A = arith.cmpf ogt, %squeeze3A_138, %squeeze3A_15 : f32
      %and3A = arith.andi %lt3A, %gt3A : i1
      %jit3A_139 = arith.constant 128 : i32
      %jit3A_140 = arith.constant 0 : i32
      %select_n3A_141 = arith.select %and3A, %jit3A_139, %jit3A_140 : i32
      %while3A_142 = arith.constant 0 : i32
      %while3A_143 = arith.subi %select_n3A_141, %while3A_142 : i32
      %while3A_144 = arith.addi %while3A_142, %while3A_143 : i32
      %while3A_145 = arith.constant 1 : i32
      %while3A_146 = arith.divsi %while3A_143, %while3A_145 : i32
      %while3A_147 = arith.muli %while3A_146, %while3A_145 : i32
      %while3A_148 = arith.addi %while3A_142, %while3A_147 : i32
      %while3A_149 = arith.constant 1 : i32
      %while3A_150:29 = scf.for %while3A_153 = %while3A_142 to %while3A_148 step %while3A_149 iter_args(%while3A_154 = %while3A_103, %while3A_155 = %while3A_104, %while3A_156 = %while3A_105, %while3A_157 = %while3A_106, %while3A_158 = %while3A_107, %while3A_159 = %while3A_108, %while3A_160 = %while3A_109, %while3A_161 = %while3A_110, %while3A_162 = %while3A_111, %while3A_163 = %while3A_112, %while3A_164 = %while3A_113, %while3A_165 = %while3A_114, %while3A_166 = %while3A_115, %while3A_167 = %while3A_116, %while3A_168 = %while3A_117, %while3A_169 = %while3A_118, %while3A_170 = %while3A_119, %while3A_171 = %while3A_120, %while3A_172 = %while3A_121, %while3A_173 = %while3A_122, %while3A_174 = %while3A_123, %while3A_175 = %while3A_124, %while3A_176 = %while3A_125, %while3A_177 = %while3A_126, %while3A_178 = %while3A_127, %while3A_179 = %while3A_128, %while3A_180 = %while3A_129, %while3A_181 = %while3A_130, %while3A_182 = %while3A_131) -> (i32, vector<16xf32>, vector<16xf32>, vector<16xf32>, vector<16xf32>, vector<16xf32>, vector<16xf32>, vector<16xf32>, vector<16xf32>, vector<16xf32>, vector<16xf32>, vector<16xf32>, vector<16xf32>, vector<16xf32>, vector<16xf32>, vector<16xf32>, vector<16xf32>, vector<16xf32>, vector<16xf32>, vector<16xf32>, vector<16xf32>, vector<16xf32>, vector<16xf32>, vector<16xf32>, vector<16xf32>, vector<16xf32>, vector<16xf32>, vector<16xf32>, vector<16xf32>)  : i32 {
        %add3A_183 = arith.addi %mul3A_133, %while3A_153 : i32
        %get3A_184 = arith.index_cast %add3A_183 : i32 to index
        %get3A_185 = tpu.vector_load %arg10[%get3A_184] {strides = array<i32>} : memref<20112xf32, #tpu.memory_space<vmem>>, vector<16xf32>,
        %get3A_186 = vector.shape_cast %get3A_185 : vector<16xf32> to vector<16xf32>
        %slice3A_187 = vector.extract_strided_slice %get3A_186 {offsets = [0], sizes = [1], strides = [1]} : vector<16xf32> to vector<1xf32>
        %squeeze3A_188 = vector.extract %slice3A_187[0] : f32 from vector<1xf32>
        %get3A_189 = arith.index_cast %add3A_183 : i32 to index
        %get3A_190 = tpu.vector_load %arg9[%get3A_189] {strides = array<i32>} : memref<20112xi32, #tpu.memory_space<vmem>>, vector<16xi32>,
        %get3A_191 = vector.shape_cast %get3A_190 : vector<16xi32> to vector<16xi32>
        %slice3A_192 = vector.extract_strided_slice %get3A_191 {offsets = [0], sizes = [1], strides = [1]} : vector<16xi32> to vector<1xi32>
        %squeeze3A_193 = vector.extract %slice3A_192[0] : i32 from vector<1xi32>
        %mul3A_194 = arith.constant 4 : i32
        %mul3A_195 = arith.muli %squeeze3A_193, %mul3A_194 : i32
        %get3A_196 = arith.index_cast %mul3A_195 : i32 to index
        %get3A_197 = tpu.vector_load %arg8[%get3A_196] {strides = array<i32>} : memref<80016xf32, #tpu.memory_space<vmem>>, vector<16xf32>,
        %get3A_198 = vector.shape_cast %get3A_197 : vector<16xf32> to vector<16xf32>
        %slice3A_199 = vector.extract_strided_slice %get3A_198 {offsets = [0], sizes = [1], strides = [1]} : vector<16xf32> to vector<1xf32>
        %squeeze3A_200 = vector.extract %slice3A_199[0] : f32 from vector<1xf32>
        %slice3A_201 = vector.extract_strided_slice %get3A_198 {offsets = [1], sizes = [1], strides = [1]} : vector<16xf32> to vector<1xf32>
        %squeeze3A_202 = vector.extract %slice3A_201[0] : f32 from vector<1xf32>
        %slice3A_203 = vector.extract_strided_slice %get3A_198 {offsets = [2], sizes = [1], strides = [1]} : vector<16xf32> to vector<1xf32>
        %squeeze3A_204 = vector.extract %slice3A_203[0] : f32 from vector<1xf32>
        %slice3A_205 = vector.extract_strided_slice %get3A_198 {offsets = [3], sizes = [1], strides = [1]} : vector<16xf32> to vector<1xf32>
        %squeeze3A_206 = vector.extract %slice3A_205[0] : f32 from vector<1xf32>
        %sub3A_207 = arith.subf %squeeze3A_204, %squeeze3A_200 : f32
        %sub3A_208 = arith.subf %squeeze3A_206, %squeeze3A_202 : f32
        %mul3A_209 = arith.mulf %sub3A_207, %sub3A_208 : f32
        %broadcast_in_dim3A_210 = arith.constant -1.000000e+00 : f32
        %broadcast_in_dim3A_211 = vector.broadcast %broadcast_in_dim3A_210 : f32 to vector<16xf32>
        %sub3A_212 = arith.subf %while3A_157, %while3A_155 : vector<16xf32>
        %sub3A_213 = arith.subf %while3A_158, %while3A_156 : vector<16xf32>
        %mul3A_214 = arith.mulf %sub3A_212, %sub3A_213 : vector<16xf32>
        %max3A_215 = vector.broadcast %squeeze3A_200 : f32 to vector<16xf32>
        %max3A_216 = arith.maximumf %max3A_215, %while3A_155 : vector<16xf32>
        %max3A_217 = vector.broadcast %squeeze3A_202 : f32 to vector<16xf32>
        %max3A_218 = arith.maximumf %max3A_217, %while3A_156 : vector<16xf32>
        %min3A_219 = vector.broadcast %squeeze3A_204 : f32 to vector<16xf32>
        %min3A_220 = arith.minimumf %min3A_219, %while3A_157 : vector<16xf32>
        %min3A_221 = vector.broadcast %squeeze3A_206 : f32 to vector<16xf32>
        %min3A_222 = arith.minimumf %min3A_221, %while3A_158 : vector<16xf32>
        %sub3A_223 = arith.subf %min3A_220, %max3A_216 : vector<16xf32>
        %max3A_224 = arith.constant 0.000000e+00 : f32
        %max3A_225 = vector.broadcast %max3A_224 : f32 to vector<16xf32>
        %max3A_226 = arith.maximumf %sub3A_223, %max3A_225 : vector<16xf32>
        %sub3A_227 = arith.subf %min3A_222, %max3A_218 : vector<16xf32>
        %max3A_228 = arith.constant 0.000000e+00 : f32
        %max3A_229 = vector.broadcast %max3A_228 : f32 to vector<16xf32>
        %max3A_230 = arith.maximumf %sub3A_227, %max3A_229 : vector<16xf32>
        %mul3A_231 = arith.mulf %max3A_226, %max3A_230 : vector<16xf32>
        %add3A_232 = vector.broadcast %mul3A_209 : f32 to vector<16xf32>
        %add3A_233 = arith.addf %add3A_232, %mul3A_214 : vector<16xf32>
        %sub3A_234 = arith.subf %add3A_233, %mul3A_231 : vector<16xf32>
        %max3A_235 = arith.constant 9.99999997E-7 : f32
        %max3A_236 = vector.broadcast %max3A_235 : f32 to vector<16xf32>
        %max3A_237 = arith.maximumf %sub3A_234, %max3A_236 : vector<16xf32>
        %mul3A_238 = vector.broadcast %squeeze3A : f32 to vector<16xf32>
        %mul3A_239 = arith.mulf %mul3A_238, %max3A_237 : vector<16xf32>
        %sub3A_240 = arith.subf %mul3A_231, %mul3A_239 : vector<16xf32>
        %max3A_241 = arith.maximumf %broadcast_in_dim3A_211, %sub3A_240 : vector<16xf32>
        %sub3A_242 = arith.subf %while3A_161, %while3A_159 : vector<16xf32>
        %sub3A_243 = arith.subf %while3A_162, %while3A_160 : vector<16xf32>
        %mul3A_244 = arith.mulf %sub3A_242, %sub3A_243 : vector<16xf32>
        %max3A_245 = vector.broadcast %squeeze3A_200 : f32 to vector<16xf32>
        %max3A_246 = arith.maximumf %max3A_245, %while3A_159 : vector<16xf32>
        %max3A_247 = vector.broadcast %squeeze3A_202 : f32 to vector<16xf32>
        %max3A_248 = arith.maximumf %max3A_247, %while3A_160 : vector<16xf32>
        %min3A_249 = vector.broadcast %squeeze3A_204 : f32 to vector<16xf32>
        %min3A_250 = arith.minimumf %min3A_249, %while3A_161 : vector<16xf32>
        %min3A_251 = vector.broadcast %squeeze3A_206 : f32 to vector<16xf32>
        %min3A_252 = arith.minimumf %min3A_251, %while3A_162 : vector<16xf32>
        %sub3A_253 = arith.subf %min3A_250, %max3A_246 : vector<16xf32>
        %max3A_254 = arith.constant 0.000000e+00 : f32
        %max3A_255 = vector.broadcast %max3A_254 : f32 to vector<16xf32>
        %max3A_256 = arith.maximumf %sub3A_253, %max3A_255 : vector<16xf32>
        %sub3A_257 = arith.subf %min3A_252, %max3A_248 : vector<16xf32>
        %max3A_258 = arith.constant 0.000000e+00 : f32
        %max3A_259 = vector.broadcast %max3A_258 : f32 to vector<16xf32>
        %max3A_260 = arith.maximumf %sub3A_257, %max3A_259 : vector<16xf32>
        %mul3A_261 = arith.mulf %max3A_256, %max3A_260 : vector<16xf32>
        %add3A_262 = vector.broadcast %mul3A_209 : f32 to vector<16xf32>
        %add3A_263 = arith.addf %add3A_262, %mul3A_244 : vector<16xf32>
        %sub3A_264 = arith.subf %add3A_263, %mul3A_261 : vector<16xf32>
        %max3A_265 = arith.constant 9.99999997E-7 : f32
        %max3A_266 = vector.broadcast %max3A_265 : f32 to vector<16xf32>
        %max3A_267 = arith.maximumf %sub3A_264, %max3A_266 : vector<16xf32>
        %mul3A_268 = vector.broadcast %squeeze3A : f32 to vector<16xf32>
        %mul3A_269 = arith.mulf %mul3A_268, %max3A_267 : vector<16xf32>
        %sub3A_270 = arith.subf %mul3A_261, %mul3A_269 : vector<16xf32>
        %max3A_271 = arith.maximumf %max3A_241, %sub3A_270 : vector<16xf32>
        %sub3A_272 = arith.subf %while3A_165, %while3A_163 : vector<16xf32>
        %sub3A_273 = arith.subf %while3A_166, %while3A_164 : vector<16xf32>
        %mul3A_274 = arith.mulf %sub3A_272, %sub3A_273 : vector<16xf32>
        %max3A_275 = vector.broadcast %squeeze3A_200 : f32 to vector<16xf32>
        %max3A_276 = arith.maximumf %max3A_275, %while3A_163 : vector<16xf32>
        %max3A_277 = vector.broadcast %squeeze3A_202 : f32 to vector<16xf32>
        %max3A_278 = arith.maximumf %max3A_277, %while3A_164 : vector<16xf32>
        %min3A_279 = vector.broadcast %squeeze3A_204 : f32 to vector<16xf32>
        %min3A_280 = arith.minimumf %min3A_279, %while3A_165 : vector<16xf32>
        %min3A_281 = vector.broadcast %squeeze3A_206 : f32 to vector<16xf32>
        %min3A_282 = arith.minimumf %min3A_281, %while3A_166 : vector<16xf32>
        %sub3A_283 = arith.subf %min3A_280, %max3A_276 : vector<16xf32>
        %max3A_284 = arith.constant 0.000000e+00 : f32
        %max3A_285 = vector.broadcast %max3A_284 : f32 to vector<16xf32>
        %max3A_286 = arith.maximumf %sub3A_283, %max3A_285 : vector<16xf32>
        %sub3A_287 = arith.subf %min3A_282, %max3A_278 : vector<16xf32>
        %max3A_288 = arith.constant 0.000000e+00 : f32
        %max3A_289 = vector.broadcast %max3A_288 : f32 to vector<16xf32>
        %max3A_290 = arith.maximumf %sub3A_287, %max3A_289 : vector<16xf32>
        %mul3A_291 = arith.mulf %max3A_286, %max3A_290 : vector<16xf32>
        %add3A_292 = vector.broadcast %mul3A_209 : f32 to vector<16xf32>
        %add3A_293 = arith.addf %add3A_292, %mul3A_274 : vector<16xf32>
        %sub3A_294 = arith.subf %add3A_293, %mul3A_291 : vector<16xf32>
        %max3A_295 = arith.constant 9.99999997E-7 : f32
        %max3A_296 = vector.broadcast %max3A_295 : f32 to vector<16xf32>
        %max3A_297 = arith.maximumf %sub3A_294, %max3A_296 : vector<16xf32>
        %mul3A_298 = vector.broadcast %squeeze3A : f32 to vector<16xf32>
        %mul3A_299 = arith.mulf %mul3A_298, %max3A_297 : vector<16xf32>
        %sub3A_300 = arith.subf %mul3A_291, %mul3A_299 : vector<16xf32>
        %max3A_301 = arith.maximumf %max3A_271, %sub3A_300 : vector<16xf32>
        %sub3A_302 = arith.subf %while3A_169, %while3A_167 : vector<16xf32>
        %sub3A_303 = arith.subf %while3A_170, %while3A_168 : vector<16xf32>
        %mul3A_304 = arith.mulf %sub3A_302, %sub3A_303 : vector<16xf32>
        %max3A_305 = vector.broadcast %squeeze3A_200 : f32 to vector<16xf32>
        %max3A_306 = arith.maximumf %max3A_305, %while3A_167 : vector<16xf32>
        %max3A_307 = vector.broadcast %squeeze3A_202 : f32 to vector<16xf32>
        %max3A_308 = arith.maximumf %max3A_307, %while3A_168 : vector<16xf32>
        %min3A_309 = vector.broadcast %squeeze3A_204 : f32 to vector<16xf32>
        %min3A_310 = arith.minimumf %min3A_309, %while3A_169 : vector<16xf32>
        %min3A_311 = vector.broadcast %squeeze3A_206 : f32 to vector<16xf32>
        %min3A_312 = arith.minimumf %min3A_311, %while3A_170 : vector<16xf32>
        %sub3A_313 = arith.subf %min3A_310, %max3A_306 : vector<16xf32>
        %max3A_314 = arith.constant 0.000000e+00 : f32
        %max3A_315 = vector.broadcast %max3A_314 : f32 to vector<16xf32>
        %max3A_316 = arith.maximumf %sub3A_313, %max3A_315 : vector<16xf32>
        %sub3A_317 = arith.subf %min3A_312, %max3A_308 : vector<16xf32>
        %max3A_318 = arith.constant 0.000000e+00 : f32
        %max3A_319 = vector.broadcast %max3A_318 : f32 to vector<16xf32>
        %max3A_320 = arith.maximumf %sub3A_317, %max3A_319 : vector<16xf32>
        %mul3A_321 = arith.mulf %max3A_316, %max3A_320 : vector<16xf32>
        %add3A_322 = vector.broadcast %mul3A_209 : f32 to vector<16xf32>
        %add3A_323 = arith.addf %add3A_322, %mul3A_304 : vector<16xf32>
        %sub3A_324 = arith.subf %add3A_323, %mul3A_321 : vector<16xf32>
        %max3A_325 = arith.constant 9.99999997E-7 : f32
        %max3A_326 = vector.broadcast %max3A_325 : f32 to vector<16xf32>
        %max3A_327 = arith.maximumf %sub3A_324, %max3A_326 : vector<16xf32>
        %mul3A_328 = vector.broadcast %squeeze3A : f32 to vector<16xf32>
        %mul3A_329 = arith.mulf %mul3A_328, %max3A_327 : vector<16xf32>
        %sub3A_330 = arith.subf %mul3A_321, %mul3A_329 : vector<16xf32>
        %max3A_331 = arith.maximumf %max3A_301, %sub3A_330 : vector<16xf32>
        %sub3A_332 = arith.subf %while3A_173, %while3A_171 : vector<16xf32>
        %sub3A_333 = arith.subf %while3A_174, %while3A_172 : vector<16xf32>
        %mul3A_334 = arith.mulf %sub3A_332, %sub3A_333 : vector<16xf32>
        %max3A_335 = vector.broadcast %squeeze3A_200 : f32 to vector<16xf32>
        %max3A_336 = arith.maximumf %max3A_335, %while3A_171 : vector<16xf32>
        %max3A_337 = vector.broadcast %squeeze3A_202 : f32 to vector<16xf32>
        %max3A_338 = arith.maximumf %max3A_337, %while3A_172 : vector<16xf32>
        %min3A_339 = vector.broadcast %squeeze3A_204 : f32 to vector<16xf32>
        %min3A_340 = arith.minimumf %min3A_339, %while3A_173 : vector<16xf32>
        %min3A_341 = vector.broadcast %squeeze3A_206 : f32 to vector<16xf32>
        %min3A_342 = arith.minimumf %min3A_341, %while3A_174 : vector<16xf32>
        %sub3A_343 = arith.subf %min3A_340, %max3A_336 : vector<16xf32>
        %max3A_344 = arith.constant 0.000000e+00 : f32
        %max3A_345 = vector.broadcast %max3A_344 : f32 to vector<16xf32>
        %max3A_346 = arith.maximumf %sub3A_343, %max3A_345 : vector<16xf32>
        %sub3A_347 = arith.subf %min3A_342, %max3A_338 : vector<16xf32>
        %max3A_348 = arith.constant 0.000000e+00 : f32
        %max3A_349 = vector.broadcast %max3A_348 : f32 to vector<16xf32>
        %max3A_350 = arith.maximumf %sub3A_347, %max3A_349 : vector<16xf32>
        %mul3A_351 = arith.mulf %max3A_346, %max3A_350 : vector<16xf32>
        %add3A_352 = vector.broadcast %mul3A_209 : f32 to vector<16xf32>
        %add3A_353 = arith.addf %add3A_352, %mul3A_334 : vector<16xf32>
        %sub3A_354 = arith.subf %add3A_353, %mul3A_351 : vector<16xf32>
        %max3A_355 = arith.constant 9.99999997E-7 : f32
        %max3A_356 = vector.broadcast %max3A_355 : f32 to vector<16xf32>
        %max3A_357 = arith.maximumf %sub3A_354, %max3A_356 : vector<16xf32>
        %mul3A_358 = vector.broadcast %squeeze3A : f32 to vector<16xf32>
        %mul3A_359 = arith.mulf %mul3A_358, %max3A_357 : vector<16xf32>
        %sub3A_360 = arith.subf %mul3A_351, %mul3A_359 : vector<16xf32>
        %max3A_361 = arith.maximumf %max3A_331, %sub3A_360 : vector<16xf32>
        %sub3A_362 = arith.subf %while3A_177, %while3A_175 : vector<16xf32>
        %sub3A_363 = arith.subf %while3A_178, %while3A_176 : vector<16xf32>
        %mul3A_364 = arith.mulf %sub3A_362, %sub3A_363 : vector<16xf32>
        %max3A_365 = vector.broadcast %squeeze3A_200 : f32 to vector<16xf32>
        %max3A_366 = arith.maximumf %max3A_365, %while3A_175 : vector<16xf32>
        %max3A_367 = vector.broadcast %squeeze3A_202 : f32 to vector<16xf32>
        %max3A_368 = arith.maximumf %max3A_367, %while3A_176 : vector<16xf32>
        %min3A_369 = vector.broadcast %squeeze3A_204 : f32 to vector<16xf32>
        %min3A_370 = arith.minimumf %min3A_369, %while3A_177 : vector<16xf32>
        %min3A_371 = vector.broadcast %squeeze3A_206 : f32 to vector<16xf32>
        %min3A_372 = arith.minimumf %min3A_371, %while3A_178 : vector<16xf32>
        %sub3A_373 = arith.subf %min3A_370, %max3A_366 : vector<16xf32>
        %max3A_374 = arith.constant 0.000000e+00 : f32
        %max3A_375 = vector.broadcast %max3A_374 : f32 to vector<16xf32>
        %max3A_376 = arith.maximumf %sub3A_373, %max3A_375 : vector<16xf32>
        %sub3A_377 = arith.subf %min3A_372, %max3A_368 : vector<16xf32>
        %max3A_378 = arith.constant 0.000000e+00 : f32
        %max3A_379 = vector.broadcast %max3A_378 : f32 to vector<16xf32>
        %max3A_380 = arith.maximumf %sub3A_377, %max3A_379 : vector<16xf32>
        %mul3A_381 = arith.mulf %max3A_376, %max3A_380 : vector<16xf32>
        %add3A_382 = vector.broadcast %mul3A_209 : f32 to vector<16xf32>
        %add3A_383 = arith.addf %add3A_382, %mul3A_364 : vector<16xf32>
        %sub3A_384 = arith.subf %add3A_383, %mul3A_381 : vector<16xf32>
        %max3A_385 = arith.constant 9.99999997E-7 : f32
        %max3A_386 = vector.broadcast %max3A_385 : f32 to vector<16xf32>
        %max3A_387 = arith.maximumf %sub3A_384, %max3A_386 : vector<16xf32>
        %mul3A_388 = vector.broadcast %squeeze3A : f32 to vector<16xf32>
        %mul3A_389 = arith.mulf %mul3A_388, %max3A_387 : vector<16xf32>
        %sub3A_390 = arith.subf %mul3A_381, %mul3A_389 : vector<16xf32>
        %max3A_391 = arith.maximumf %max3A_361, %sub3A_390 : vector<16xf32>
        %sub3A_392 = arith.subf %while3A_181, %while3A_179 : vector<16xf32>
        %sub3A_393 = arith.subf %while3A_182, %while3A_180 : vector<16xf32>
        %mul3A_394 = arith.mulf %sub3A_392, %sub3A_393 : vector<16xf32>
        %max3A_395 = vector.broadcast %squeeze3A_200 : f32 to vector<16xf32>
        %max3A_396 = arith.maximumf %max3A_395, %while3A_179 : vector<16xf32>
        %max3A_397 = vector.broadcast %squeeze3A_202 : f32 to vector<16xf32>
        %max3A_398 = arith.maximumf %max3A_397, %while3A_180 : vector<16xf32>
        %min3A_399 = vector.broadcast %squeeze3A_204 : f32 to vector<16xf32>
        %min3A_400 = arith.minimumf %min3A_399, %while3A_181 : vector<16xf32>
        %min3A_401 = vector.broadcast %squeeze3A_206 : f32 to vector<16xf32>
        %min3A_402 = arith.minimumf %min3A_401, %while3A_182 : vector<16xf32>
        %sub3A_403 = arith.subf %min3A_400, %max3A_396 : vector<16xf32>
        %max3A_404 = arith.constant 0.000000e+00 : f32
        %max3A_405 = vector.broadcast %max3A_404 : f32 to vector<16xf32>
        %max3A_406 = arith.maximumf %sub3A_403, %max3A_405 : vector<16xf32>
        %sub3A_407 = arith.subf %min3A_402, %max3A_398 : vector<16xf32>
        %max3A_408 = arith.constant 0.000000e+00 : f32
        %max3A_409 = vector.broadcast %max3A_408 : f32 to vector<16xf32>
        %max3A_410 = arith.maximumf %sub3A_407, %max3A_409 : vector<16xf32>
        %mul3A_411 = arith.mulf %max3A_406, %max3A_410 : vector<16xf32>
        %add3A_412 = vector.broadcast %mul3A_209 : f32 to vector<16xf32>
        %add3A_413 = arith.addf %add3A_412, %mul3A_394 : vector<16xf32>
        %sub3A_414 = arith.subf %add3A_413, %mul3A_411 : vector<16xf32>
        %max3A_415 = arith.constant 9.99999997E-7 : f32
        %max3A_416 = vector.broadcast %max3A_415 : f32 to vector<16xf32>
        %max3A_417 = arith.maximumf %sub3A_414, %max3A_416 : vector<16xf32>
        %mul3A_418 = vector.broadcast %squeeze3A : f32 to vector<16xf32>
        %mul3A_419 = arith.mulf %mul3A_418, %max3A_417 : vector<16xf32>
        %sub3A_420 = arith.subf %mul3A_411, %mul3A_419 : vector<16xf32>
        %max3A_421 = arith.maximumf %max3A_391, %sub3A_420 : vector<16xf32>
        %swap3A_422 = arith.constant 0 : index
        %swap3A_423 = tpu.vector_load %arg13[%swap3A_422] {strides = array<i32>} : memref<32xf32, #tpu.memory_space<vmem>>, vector<16xf32>,
        %swap3A_424 = vector.shape_cast %swap3A_423 : vector<16xf32> to vector<16xf32>
        %swap3A_425 = vector.shape_cast %max3A_421 : vector<16xf32> to vector<16xf32>
        tpu.vector_store %arg13[%swap3A_422], %swap3A_425 {strides = array<i32>} : memref<32xf32, #tpu.memory_space<vmem>>, vector<16xf32>,
        %get3A_426 = arith.constant 8 : index
        %get3A_427 = tpu.vector_load %arg13[%get3A_426] {strides = array<i32>} : memref<32xf32, #tpu.memory_space<vmem>>, vector<16xf32>,
        %get3A_428 = vector.shape_cast %get3A_427 : vector<16xf32> to vector<16xf32>
        %max3A_429 = arith.maximumf %max3A_421, %get3A_428 : vector<16xf32>
        %swap3A_430 = arith.constant 0 : index
        %swap3A_431 = tpu.vector_load %arg13[%swap3A_430] {strides = array<i32>} : memref<32xf32, #tpu.memory_space<vmem>>, vector<16xf32>,
        %swap3A_432 = vector.shape_cast %swap3A_431 : vector<16xf32> to vector<16xf32>
        %swap3A_433 = vector.shape_cast %max3A_429 : vector<16xf32> to vector<16xf32>
        tpu.vector_store %arg13[%swap3A_430], %swap3A_433 {strides = array<i32>} : memref<32xf32, #tpu.memory_space<vmem>>, vector<16xf32>,
        %get3A_434 = arith.constant 4 : index
        %get3A_435 = tpu.vector_load %arg13[%get3A_434] {strides = array<i32>} : memref<32xf32, #tpu.memory_space<vmem>>, vector<16xf32>,
        %get3A_436 = vector.shape_cast %get3A_435 : vector<16xf32> to vector<16xf32>
        %max3A_437 = arith.maximumf %max3A_429, %get3A_436 : vector<16xf32>
        %swap3A_438 = arith.constant 0 : index
        %swap3A_439 = tpu.vector_load %arg13[%swap3A_438] {strides = array<i32>} : memref<32xf32, #tpu.memory_space<vmem>>, vector<16xf32>,
        %swap3A_440 = vector.shape_cast %swap3A_439 : vector<16xf32> to vector<16xf32>
        %swap3A_441 = vector.shape_cast %max3A_437 : vector<16xf32> to vector<16xf32>
        tpu.vector_store %arg13[%swap3A_438], %swap3A_441 {strides = array<i32>} : memref<32xf32, #tpu.memory_space<vmem>>, vector<16xf32>,
        %get3A_442 = arith.constant 2 : index
        %get3A_443 = tpu.vector_load %arg13[%get3A_442] {strides = array<i32>} : memref<32xf32, #tpu.memory_space<vmem>>, vector<16xf32>,
        %get3A_444 = vector.shape_cast %get3A_443 : vector<16xf32> to vector<16xf32>
        %max3A_445 = arith.maximumf %max3A_437, %get3A_444 : vector<16xf32>
        %swap3A_446 = arith.constant 0 : index
        %swap3A_447 = tpu.vector_load %arg13[%swap3A_446] {strides = array<i32>} : memref<32xf32, #tpu.memory_space<vmem>>, vector<16xf32>,
        %swap3A_448 = vector.shape_cast %swap3A_447 : vector<16xf32> to vector<16xf32>
        %swap3A_449 = vector.shape_cast %max3A_445 : vector<16xf32> to vector<16xf32>
        tpu.vector_store %arg13[%swap3A_446], %swap3A_449 {strides = array<i32>} : memref<32xf32, #tpu.memory_space<vmem>>, vector<16xf32>,
        %get3A_450 = arith.constant 1 : index
        %get3A_451 = tpu.vector_load %arg13[%get3A_450] {strides = array<i32>} : memref<32xf32, #tpu.memory_space<vmem>>, vector<16xf32>,
        %get3A_452 = vector.shape_cast %get3A_451 : vector<16xf32> to vector<16xf32>
        %max3A_453 = arith.maximumf %max3A_445, %get3A_452 : vector<16xf32>
        %slice3A_454 = vector.extract_strided_slice %max3A_453 {offsets = [0], sizes = [1], strides = [1]} : vector<16xf32> to vector<1xf32>
        %squeeze3A_455 = vector.extract %slice3A_454[0] : f32 from vector<1xf32>
        %ge3A = arith.constant 0.000000e+00 : f32
        %ge3A_456 = arith.cmpf oge, %squeeze3A_455, %ge3A : f32
        %gt3A_457 = arith.cmpf ogt, %squeeze3A_188, %squeeze3A_15 : f32
        %lt3A_458 = arith.cmpi slt, %while3A_154, %min3A_18 : i32
        %and3A_459 = arith.andi %gt3A_457, %lt3A_458 : i1
        %not3A = arith.constant true
        %not3A_460 = arith.xori %ge3A_456, %not3A : i1
        %and3A_461 = arith.andi %and3A_459, %not3A_460 : i1
        %jit3A_462 = arith.constant 1.000000e+00 : f32
        %jit3A_463 = arith.constant 0.000000e+00 : f32
        %select_n3A_464 = arith.select %and3A_461, %jit3A_462, %jit3A_463 : f32
        %jit3A_465 = arith.constant 1 : i32
        %jit3A_466 = arith.constant 0 : i32
        %select_n3A_467 = arith.select %and3A_461, %jit3A_465, %jit3A_466 : i32
        %convert_element_type3A_468 = arith.sitofp %while3A_154 : i32 to f32
        %sub3A_469 = arith.constant 0.000000e+00 : f32
        %sub3A_470 = arith.subf %convert_element_type3A_468, %sub3A_469 : f32
        %sub3A_471 = vector.broadcast %sub3A_470 : f32 to vector<16xf32>
        %sub3A_472 = arith.subf %convert_element_type3A_19, %sub3A_471 : vector<16xf32>
        %abs3A = math.absf %sub3A_472 : vector<16xf32>
        %sub3A_473 = arith.constant 1.000000e+00 : f32
        %sub3A_474 = vector.broadcast %sub3A_473 : f32 to vector<16xf32>
        %sub3A_475 = arith.subf %sub3A_474, %abs3A : vector<16xf32>
        %max3A_476 = arith.constant 0.000000e+00 : f32
        %max3A_477 = vector.broadcast %max3A_476 : f32 to vector<16xf32>
        %max3A_478 = arith.maximumf %sub3A_475, %max3A_477 : vector<16xf32>
        %mul3A_479 = vector.broadcast %select_n3A_464 : f32 to vector<16xf32>
        %mul3A_480 = arith.mulf %max3A_478, %mul3A_479 : vector<16xf32>
        %sub3A_481 = vector.broadcast %squeeze3A_200 : f32 to vector<16xf32>
        %sub3A_482 = arith.subf %sub3A_481, %while3A_155 : vector<16xf32>
        %mul3A_483 = arith.mulf %mul3A_480, %sub3A_482 : vector<16xf32>
        %add3A_484 = arith.addf %while3A_155, %mul3A_483 : vector<16xf32>
        %sub3A_485 = vector.broadcast %squeeze3A_202 : f32 to vector<16xf32>
        %sub3A_486 = arith.subf %sub3A_485, %while3A_156 : vector<16xf32>
        %mul3A_487 = arith.mulf %mul3A_480, %sub3A_486 : vector<16xf32>
        %add3A_488 = arith.addf %while3A_156, %mul3A_487 : vector<16xf32>
        %sub3A_489 = vector.broadcast %squeeze3A_204 : f32 to vector<16xf32>
        %sub3A_490 = arith.subf %sub3A_489, %while3A_157 : vector<16xf32>
        %mul3A_491 = arith.mulf %mul3A_480, %sub3A_490 : vector<16xf32>
        %add3A_492 = arith.addf %while3A_157, %mul3A_491 : vector<16xf32>
        %sub3A_493 = vector.broadcast %squeeze3A_206 : f32 to vector<16xf32>
        %sub3A_494 = arith.subf %sub3A_493, %while3A_158 : vector<16xf32>
        %mul3A_495 = arith.mulf %mul3A_480, %sub3A_494 : vector<16xf32>
        %add3A_496 = arith.addf %while3A_158, %mul3A_495 : vector<16xf32>
        %sub3A_497 = arith.constant 1.600000e+01 : f32
        %sub3A_498 = arith.subf %convert_element_type3A_468, %sub3A_497 : f32
        %sub3A_499 = vector.broadcast %sub3A_498 : f32 to vector<16xf32>
        %sub3A_500 = arith.subf %convert_element_type3A_19, %sub3A_499 : vector<16xf32>
        %abs3A_501 = math.absf %sub3A_500 : vector<16xf32>
        %sub3A_502 = arith.constant 1.000000e+00 : f32
        %sub3A_503 = vector.broadcast %sub3A_502 : f32 to vector<16xf32>
        %sub3A_504 = arith.subf %sub3A_503, %abs3A_501 : vector<16xf32>
        %max3A_505 = arith.constant 0.000000e+00 : f32
        %max3A_506 = vector.broadcast %max3A_505 : f32 to vector<16xf32>
        %max3A_507 = arith.maximumf %sub3A_504, %max3A_506 : vector<16xf32>
        %mul3A_508 = vector.broadcast %select_n3A_464 : f32 to vector<16xf32>
        %mul3A_509 = arith.mulf %max3A_507, %mul3A_508 : vector<16xf32>
        %sub3A_510 = vector.broadcast %squeeze3A_200 : f32 to vector<16xf32>
        %sub3A_511 = arith.subf %sub3A_510, %while3A_159 : vector<16xf32>
        %mul3A_512 = arith.mulf %mul3A_509, %sub3A_511 : vector<16xf32>
        %add3A_513 = arith.addf %while3A_159, %mul3A_512 : vector<16xf32>
        %sub3A_514 = vector.broadcast %squeeze3A_202 : f32 to vector<16xf32>
        %sub3A_515 = arith.subf %sub3A_514, %while3A_160 : vector<16xf32>
        %mul3A_516 = arith.mulf %mul3A_509, %sub3A_515 : vector<16xf32>
        %add3A_517 = arith.addf %while3A_160, %mul3A_516 : vector<16xf32>
        %sub3A_518 = vector.broadcast %squeeze3A_204 : f32 to vector<16xf32>
        %sub3A_519 = arith.subf %sub3A_518, %while3A_161 : vector<16xf32>
        %mul3A_520 = arith.mulf %mul3A_509, %sub3A_519 : vector<16xf32>
        %add3A_521 = arith.addf %while3A_161, %mul3A_520 : vector<16xf32>
        %sub3A_522 = vector.broadcast %squeeze3A_206 : f32 to vector<16xf32>
        %sub3A_523 = arith.subf %sub3A_522, %while3A_162 : vector<16xf32>
        %mul3A_524 = arith.mulf %mul3A_509, %sub3A_523 : vector<16xf32>
        %add3A_525 = arith.addf %while3A_162, %mul3A_524 : vector<16xf32>
        %sub3A_526 = arith.constant 3.200000e+01 : f32
        %sub3A_527 = arith.subf %convert_element_type3A_468, %sub3A_526 : f32
        %sub3A_528 = vector.broadcast %sub3A_527 : f32 to vector<16xf32>
        %sub3A_529 = arith.subf %convert_element_type3A_19, %sub3A_528 : vector<16xf32>
        %abs3A_530 = math.absf %sub3A_529 : vector<16xf32>
        %sub3A_531 = arith.constant 1.000000e+00 : f32
        %sub3A_532 = vector.broadcast %sub3A_531 : f32 to vector<16xf32>
        %sub3A_533 = arith.subf %sub3A_532, %abs3A_530 : vector<16xf32>
        %max3A_534 = arith.constant 0.000000e+00 : f32
        %max3A_535 = vector.broadcast %max3A_534 : f32 to vector<16xf32>
        %max3A_536 = arith.maximumf %sub3A_533, %max3A_535 : vector<16xf32>
        %mul3A_537 = vector.broadcast %select_n3A_464 : f32 to vector<16xf32>
        %mul3A_538 = arith.mulf %max3A_536, %mul3A_537 : vector<16xf32>
        %sub3A_539 = vector.broadcast %squeeze3A_200 : f32 to vector<16xf32>
        %sub3A_540 = arith.subf %sub3A_539, %while3A_163 : vector<16xf32>
        %mul3A_541 = arith.mulf %mul3A_538, %sub3A_540 : vector<16xf32>
        %add3A_542 = arith.addf %while3A_163, %mul3A_541 : vector<16xf32>
        %sub3A_543 = vector.broadcast %squeeze3A_202 : f32 to vector<16xf32>
        %sub3A_544 = arith.subf %sub3A_543, %while3A_164 : vector<16xf32>
        %mul3A_545 = arith.mulf %mul3A_538, %sub3A_544 : vector<16xf32>
        %add3A_546 = arith.addf %while3A_164, %mul3A_545 : vector<16xf32>
        %sub3A_547 = vector.broadcast %squeeze3A_204 : f32 to vector<16xf32>
        %sub3A_548 = arith.subf %sub3A_547, %while3A_165 : vector<16xf32>
        %mul3A_549 = arith.mulf %mul3A_538, %sub3A_548 : vector<16xf32>
        %add3A_550 = arith.addf %while3A_165, %mul3A_549 : vector<16xf32>
        %sub3A_551 = vector.broadcast %squeeze3A_206 : f32 to vector<16xf32>
        %sub3A_552 = arith.subf %sub3A_551, %while3A_166 : vector<16xf32>
        %mul3A_553 = arith.mulf %mul3A_538, %sub3A_552 : vector<16xf32>
        %add3A_554 = arith.addf %while3A_166, %mul3A_553 : vector<16xf32>
        %sub3A_555 = arith.constant 4.800000e+01 : f32
        %sub3A_556 = arith.subf %convert_element_type3A_468, %sub3A_555 : f32
        %sub3A_557 = vector.broadcast %sub3A_556 : f32 to vector<16xf32>
        %sub3A_558 = arith.subf %convert_element_type3A_19, %sub3A_557 : vector<16xf32>
        %abs3A_559 = math.absf %sub3A_558 : vector<16xf32>
        %sub3A_560 = arith.constant 1.000000e+00 : f32
        %sub3A_561 = vector.broadcast %sub3A_560 : f32 to vector<16xf32>
        %sub3A_562 = arith.subf %sub3A_561, %abs3A_559 : vector<16xf32>
        %max3A_563 = arith.constant 0.000000e+00 : f32
        %max3A_564 = vector.broadcast %max3A_563 : f32 to vector<16xf32>
        %max3A_565 = arith.maximumf %sub3A_562, %max3A_564 : vector<16xf32>
        %mul3A_566 = vector.broadcast %select_n3A_464 : f32 to vector<16xf32>
        %mul3A_567 = arith.mulf %max3A_565, %mul3A_566 : vector<16xf32>
        %sub3A_568 = vector.broadcast %squeeze3A_200 : f32 to vector<16xf32>
        %sub3A_569 = arith.subf %sub3A_568, %while3A_167 : vector<16xf32>
        %mul3A_570 = arith.mulf %mul3A_567, %sub3A_569 : vector<16xf32>
        %add3A_571 = arith.addf %while3A_167, %mul3A_570 : vector<16xf32>
        %sub3A_572 = vector.broadcast %squeeze3A_202 : f32 to vector<16xf32>
        %sub3A_573 = arith.subf %sub3A_572, %while3A_168 : vector<16xf32>
        %mul3A_574 = arith.mulf %mul3A_567, %sub3A_573 : vector<16xf32>
        %add3A_575 = arith.addf %while3A_168, %mul3A_574 : vector<16xf32>
        %sub3A_576 = vector.broadcast %squeeze3A_204 : f32 to vector<16xf32>
        %sub3A_577 = arith.subf %sub3A_576, %while3A_169 : vector<16xf32>
        %mul3A_578 = arith.mulf %mul3A_567, %sub3A_577 : vector<16xf32>
        %add3A_579 = arith.addf %while3A_169, %mul3A_578 : vector<16xf32>
        %sub3A_580 = vector.broadcast %squeeze3A_206 : f32 to vector<16xf32>
        %sub3A_581 = arith.subf %sub3A_580, %while3A_170 : vector<16xf32>
        %mul3A_582 = arith.mulf %mul3A_567, %sub3A_581 : vector<16xf32>
        %add3A_583 = arith.addf %while3A_170, %mul3A_582 : vector<16xf32>
        %sub3A_584 = arith.constant 6.400000e+01 : f32
        %sub3A_585 = arith.subf %convert_element_type3A_468, %sub3A_584 : f32
        %sub3A_586 = vector.broadcast %sub3A_585 : f32 to vector<16xf32>
        %sub3A_587 = arith.subf %convert_element_type3A_19, %sub3A_586 : vector<16xf32>
        %abs3A_588 = math.absf %sub3A_587 : vector<16xf32>
        %sub3A_589 = arith.constant 1.000000e+00 : f32
        %sub3A_590 = vector.broadcast %sub3A_589 : f32 to vector<16xf32>
        %sub3A_591 = arith.subf %sub3A_590, %abs3A_588 : vector<16xf32>
        %max3A_592 = arith.constant 0.000000e+00 : f32
        %max3A_593 = vector.broadcast %max3A_592 : f32 to vector<16xf32>
        %max3A_594 = arith.maximumf %sub3A_591, %max3A_593 : vector<16xf32>
        %mul3A_595 = vector.broadcast %select_n3A_464 : f32 to vector<16xf32>
        %mul3A_596 = arith.mulf %max3A_594, %mul3A_595 : vector<16xf32>
        %sub3A_597 = vector.broadcast %squeeze3A_200 : f32 to vector<16xf32>
        %sub3A_598 = arith.subf %sub3A_597, %while3A_171 : vector<16xf32>
        %mul3A_599 = arith.mulf %mul3A_596, %sub3A_598 : vector<16xf32>
        %add3A_600 = arith.addf %while3A_171, %mul3A_599 : vector<16xf32>
        %sub3A_601 = vector.broadcast %squeeze3A_202 : f32 to vector<16xf32>
        %sub3A_602 = arith.subf %sub3A_601, %while3A_172 : vector<16xf32>
        %mul3A_603 = arith.mulf %mul3A_596, %sub3A_602 : vector<16xf32>
        %add3A_604 = arith.addf %while3A_172, %mul3A_603 : vector<16xf32>
        %sub3A_605 = vector.broadcast %squeeze3A_204 : f32 to vector<16xf32>
        %sub3A_606 = arith.subf %sub3A_605, %while3A_173 : vector<16xf32>
        %mul3A_607 = arith.mulf %mul3A_596, %sub3A_606 : vector<16xf32>
        %add3A_608 = arith.addf %while3A_173, %mul3A_607 : vector<16xf32>
        %sub3A_609 = vector.broadcast %squeeze3A_206 : f32 to vector<16xf32>
        %sub3A_610 = arith.subf %sub3A_609, %while3A_174 : vector<16xf32>
        %mul3A_611 = arith.mulf %mul3A_596, %sub3A_610 : vector<16xf32>
        %add3A_612 = arith.addf %while3A_174, %mul3A_611 : vector<16xf32>
        %sub3A_613 = arith.constant 8.000000e+01 : f32
        %sub3A_614 = arith.subf %convert_element_type3A_468, %sub3A_613 : f32
        %sub3A_615 = vector.broadcast %sub3A_614 : f32 to vector<16xf32>
        %sub3A_616 = arith.subf %convert_element_type3A_19, %sub3A_615 : vector<16xf32>
        %abs3A_617 = math.absf %sub3A_616 : vector<16xf32>
        %sub3A_618 = arith.constant 1.000000e+00 : f32
        %sub3A_619 = vector.broadcast %sub3A_618 : f32 to vector<16xf32>
        %sub3A_620 = arith.subf %sub3A_619, %abs3A_617 : vector<16xf32>
        %max3A_621 = arith.constant 0.000000e+00 : f32
        %max3A_622 = vector.broadcast %max3A_621 : f32 to vector<16xf32>
        %max3A_623 = arith.maximumf %sub3A_620, %max3A_622 : vector<16xf32>
        %mul3A_624 = vector.broadcast %select_n3A_464 : f32 to vector<16xf32>
        %mul3A_625 = arith.mulf %max3A_623, %mul3A_624 : vector<16xf32>
        %sub3A_626 = vector.broadcast %squeeze3A_200 : f32 to vector<16xf32>
        %sub3A_627 = arith.subf %sub3A_626, %while3A_175 : vector<16xf32>
        %mul3A_628 = arith.mulf %mul3A_625, %sub3A_627 : vector<16xf32>
        %add3A_629 = arith.addf %while3A_175, %mul3A_628 : vector<16xf32>
        %sub3A_630 = vector.broadcast %squeeze3A_202 : f32 to vector<16xf32>
        %sub3A_631 = arith.subf %sub3A_630, %while3A_176 : vector<16xf32>
        %mul3A_632 = arith.mulf %mul3A_625, %sub3A_631 : vector<16xf32>
        %add3A_633 = arith.addf %while3A_176, %mul3A_632 : vector<16xf32>
        %sub3A_634 = vector.broadcast %squeeze3A_204 : f32 to vector<16xf32>
        %sub3A_635 = arith.subf %sub3A_634, %while3A_177 : vector<16xf32>
        %mul3A_636 = arith.mulf %mul3A_625, %sub3A_635 : vector<16xf32>
        %add3A_637 = arith.addf %while3A_177, %mul3A_636 : vector<16xf32>
        %sub3A_638 = vector.broadcast %squeeze3A_206 : f32 to vector<16xf32>
        %sub3A_639 = arith.subf %sub3A_638, %while3A_178 : vector<16xf32>
        %mul3A_640 = arith.mulf %mul3A_625, %sub3A_639 : vector<16xf32>
        %add3A_641 = arith.addf %while3A_178, %mul3A_640 : vector<16xf32>
        %sub3A_642 = arith.constant 9.600000e+01 : f32
        %sub3A_643 = arith.subf %convert_element_type3A_468, %sub3A_642 : f32
        %sub3A_644 = vector.broadcast %sub3A_643 : f32 to vector<16xf32>
        %sub3A_645 = arith.subf %convert_element_type3A_19, %sub3A_644 : vector<16xf32>
        %abs3A_646 = math.absf %sub3A_645 : vector<16xf32>
        %sub3A_647 = arith.constant 1.000000e+00 : f32
        %sub3A_648 = vector.broadcast %sub3A_647 : f32 to vector<16xf32>
        %sub3A_649 = arith.subf %sub3A_648, %abs3A_646 : vector<16xf32>
        %max3A_650 = arith.constant 0.000000e+00 : f32
        %max3A_651 = vector.broadcast %max3A_650 : f32 to vector<16xf32>
        %max3A_652 = arith.maximumf %sub3A_649, %max3A_651 : vector<16xf32>
        %mul3A_653 = vector.broadcast %select_n3A_464 : f32 to vector<16xf32>
        %mul3A_654 = arith.mulf %max3A_652, %mul3A_653 : vector<16xf32>
        %sub3A_655 = vector.broadcast %squeeze3A_200 : f32 to vector<16xf32>
        %sub3A_656 = arith.subf %sub3A_655, %while3A_179 : vector<16xf32>
        %mul3A_657 = arith.mulf %mul3A_654, %sub3A_656 : vector<16xf32>
        %add3A_658 = arith.addf %while3A_179, %mul3A_657 : vector<16xf32>
        %sub3A_659 = vector.broadcast %squeeze3A_202 : f32 to vector<16xf32>
        %sub3A_660 = arith.subf %sub3A_659, %while3A_180 : vector<16xf32>
        %mul3A_661 = arith.mulf %mul3A_654, %sub3A_660 : vector<16xf32>
        %add3A_662 = arith.addf %while3A_180, %mul3A_661 : vector<16xf32>
        %sub3A_663 = vector.broadcast %squeeze3A_204 : f32 to vector<16xf32>
        %sub3A_664 = arith.subf %sub3A_663, %while3A_181 : vector<16xf32>
        %mul3A_665 = arith.mulf %mul3A_654, %sub3A_664 : vector<16xf32>
        %add3A_666 = arith.addf %while3A_181, %mul3A_665 : vector<16xf32>
        %sub3A_667 = vector.broadcast %squeeze3A_206 : f32 to vector<16xf32>
        %sub3A_668 = arith.subf %sub3A_667, %while3A_182 : vector<16xf32>
        %mul3A_669 = arith.mulf %mul3A_654, %sub3A_668 : vector<16xf32>
        %add3A_670 = arith.addf %while3A_182, %mul3A_669 : vector<16xf32>
        %mul3A_671 = vector.broadcast %select_n3A_467 : i32 to vector<16xi32>
        %mul3A_672 = arith.muli %max3A_23, %mul3A_671 : vector<16xi32>
        %get3A_673 = arith.index_cast %while3A_154 : i32 to index
        %get3A_674 = tpu.vector_load %arg12[%get3A_673] {strides = array<i32>} : memref<128xi32, #tpu.memory_space<vmem>>, vector<16xi32>,
        %get3A_675 = vector.shape_cast %get3A_674 : vector<16xi32> to vector<16xi32>
        %get3A_676 = arith.index_cast %while3A_154 : i32 to index
        %get3A_677 = tpu.vector_load %arg12[%get3A_676] {strides = array<i32>} : memref<128xi32, #tpu.memory_space<vmem>>, vector<16xi32>,
        %get3A_678 = vector.shape_cast %get3A_677 : vector<16xi32> to vector<16xi32>
        %sub3A_679 = vector.broadcast %squeeze3A_193 : i32 to vector<16xi32>
        %sub3A_680 = arith.subi %sub3A_679, %get3A_678 : vector<16xi32>
        %mul3A_681 = arith.muli %mul3A_672, %sub3A_680 : vector<16xi32>
        %add3A_682 = arith.addi %get3A_675, %mul3A_681 : vector<16xi32>
        %swap3A_683 = arith.index_cast %while3A_154 : i32 to index
        %swap3A_684 = tpu.vector_load %arg12[%swap3A_683] {strides = array<i32>} : memref<128xi32, #tpu.memory_space<vmem>>, vector<16xi32>,
        %swap3A_685 = vector.shape_cast %swap3A_684 : vector<16xi32> to vector<16xi32>
        %swap3A_686 = vector.shape_cast %add3A_682 : vector<16xi32> to vector<16xi32>
        tpu.vector_store %arg12[%swap3A_683], %swap3A_686 {strides = array<i32>} : memref<128xi32, #tpu.memory_space<vmem>>, vector<16xi32>,
        %add3A_687 = arith.addi %while3A_154, %select_n3A_467 : i32
        scf.yield %add3A_687, %add3A_484, %add3A_488, %add3A_492, %add3A_496, %add3A_513, %add3A_517, %add3A_521, %add3A_525, %add3A_542, %add3A_546, %add3A_550, %add3A_554, %add3A_571, %add3A_575, %add3A_579, %add3A_583, %add3A_600, %add3A_604, %add3A_608, %add3A_612, %add3A_629, %add3A_633, %add3A_637, %add3A_641, %add3A_658, %add3A_662, %add3A_666, %add3A_670 : i32, vector<16xf32>, vector<16xf32>, vector<16xf32>, vector<16xf32>, vector<16xf32>, vector<16xf32>, vector<16xf32>, vector<16xf32>, vector<16xf32>, vector<16xf32>, vector<16xf32>, vector<16xf32>, vector<16xf32>, vector<16xf32>, vector<16xf32>, vector<16xf32>, vector<16xf32>, vector<16xf32>, vector<16xf32>, vector<16xf32>, vector<16xf32>, vector<16xf32>, vector<16xf32>, vector<16xf32>, vector<16xf32>, vector<16xf32>, vector<16xf32>, vector<16xf32>
      }
      %while3A_151 = arith.constant 1 : i32
      %while3A_152:29 = scf.for %while3A_153 = %while3A_148 to %while3A_144 step %while3A_151 iter_args(%while3A_154 = %while3A_150#0, %while3A_155 = %while3A_150#1, %while3A_156 = %while3A_150#2, %while3A_157 = %while3A_150#3, %while3A_158 = %while3A_150#4, %while3A_159 = %while3A_150#5, %while3A_160 = %while3A_150#6, %while3A_161 = %while3A_150#7, %while3A_162 = %while3A_150#8, %while3A_163 = %while3A_150#9, %while3A_164 = %while3A_150#10, %while3A_165 = %while3A_150#11, %while3A_166 = %while3A_150#12, %while3A_167 = %while3A_150#13, %while3A_168 = %while3A_150#14, %while3A_169 = %while3A_150#15, %while3A_170 = %while3A_150#16, %while3A_171 = %while3A_150#17, %while3A_172 = %while3A_150#18, %while3A_173 = %while3A_150#19, %while3A_174 = %while3A_150#20, %while3A_175 = %while3A_150#21, %while3A_176 = %while3A_150#22, %while3A_177 = %while3A_150#23, %while3A_178 = %while3A_150#24, %while3A_179 = %while3A_150#25, %while3A_180 = %while3A_150#26, %while3A_181 = %while3A_150#27, %while3A_182 = %while3A_150#28) -> (i32, vector<16xf32>, vector<16xf32>, vector<16xf32>, vector<16xf32>, vector<16xf32>, vector<16xf32>, vector<16xf32>, vector<16xf32>, vector<16xf32>, vector<16xf32>, vector<16xf32>, vector<16xf32>, vector<16xf32>, vector<16xf32>, vector<16xf32>, vector<16xf32>, vector<16xf32>, vector<16xf32>, vector<16xf32>, vector<16xf32>, vector<16xf32>, vector<16xf32>, vector<16xf32>, vector<16xf32>, vector<16xf32>, vector<16xf32>, vector<16xf32>, vector<16xf32>)  : i32 {
        %add3A_183 = arith.addi %mul3A_133, %while3A_153 : i32
        %get3A_184 = arith.index_cast %add3A_183 : i32 to index
        %get3A_185 = tpu.vector_load %arg10[%get3A_184] {strides = array<i32>} : memref<20112xf32, #tpu.memory_space<vmem>>, vector<16xf32>,
        %get3A_186 = vector.shape_cast %get3A_185 : vector<16xf32> to vector<16xf32>
        %slice3A_187 = vector.extract_strided_slice %get3A_186 {offsets = [0], sizes = [1], strides = [1]} : vector<16xf32> to vector<1xf32>
        %squeeze3A_188 = vector.extract %slice3A_187[0] : f32 from vector<1xf32>
        %get3A_189 = arith.index_cast %add3A_183 : i32 to index
        %get3A_190 = tpu.vector_load %arg9[%get3A_189] {strides = array<i32>} : memref<20112xi32, #tpu.memory_space<vmem>>, vector<16xi32>,
        %get3A_191 = vector.shape_cast %get3A_190 : vector<16xi32> to vector<16xi32>
        %slice3A_192 = vector.extract_strided_slice %get3A_191 {offsets = [0], sizes = [1], strides = [1]} : vector<16xi32> to vector<1xi32>
        %squeeze3A_193 = vector.extract %slice3A_192[0] : i32 from vector<1xi32>
        %mul3A_194 = arith.constant 4 : i32
        %mul3A_195 = arith.muli %squeeze3A_193, %mul3A_194 : i32
        %get3A_196 = arith.index_cast %mul3A_195 : i32 to index
        %get3A_197 = tpu.vector_load %arg8[%get3A_196] {strides = array<i32>} : memref<80016xf32, #tpu.memory_space<vmem>>, vector<16xf32>,
        %get3A_198 = vector.shape_cast %get3A_197 : vector<16xf32> to vector<16xf32>
        %slice3A_199 = vector.extract_strided_slice %get3A_198 {offsets = [0], sizes = [1], strides = [1]} : vector<16xf32> to vector<1xf32>
        %squeeze3A_200 = vector.extract %slice3A_199[0] : f32 from vector<1xf32>
        %slice3A_201 = vector.extract_strided_slice %get3A_198 {offsets = [1], sizes = [1], strides = [1]} : vector<16xf32> to vector<1xf32>
        %squeeze3A_202 = vector.extract %slice3A_201[0] : f32 from vector<1xf32>
        %slice3A_203 = vector.extract_strided_slice %get3A_198 {offsets = [2], sizes = [1], strides = [1]} : vector<16xf32> to vector<1xf32>
        %squeeze3A_204 = vector.extract %slice3A_203[0] : f32 from vector<1xf32>
        %slice3A_205 = vector.extract_strided_slice %get3A_198 {offsets = [3], sizes = [1], strides = [1]} : vector<16xf32> to vector<1xf32>
        %squeeze3A_206 = vector.extract %slice3A_205[0] : f32 from vector<1xf32>
        %sub3A_207 = arith.subf %squeeze3A_204, %squeeze3A_200 : f32
        %sub3A_208 = arith.subf %squeeze3A_206, %squeeze3A_202 : f32
        %mul3A_209 = arith.mulf %sub3A_207, %sub3A_208 : f32
        %broadcast_in_dim3A_210 = arith.constant -1.000000e+00 : f32
        %broadcast_in_dim3A_211 = vector.broadcast %broadcast_in_dim3A_210 : f32 to vector<16xf32>
        %sub3A_212 = arith.subf %while3A_157, %while3A_155 : vector<16xf32>
        %sub3A_213 = arith.subf %while3A_158, %while3A_156 : vector<16xf32>
        %mul3A_214 = arith.mulf %sub3A_212, %sub3A_213 : vector<16xf32>
        %max3A_215 = vector.broadcast %squeeze3A_200 : f32 to vector<16xf32>
        %max3A_216 = arith.maximumf %max3A_215, %while3A_155 : vector<16xf32>
        %max3A_217 = vector.broadcast %squeeze3A_202 : f32 to vector<16xf32>
        %max3A_218 = arith.maximumf %max3A_217, %while3A_156 : vector<16xf32>
        %min3A_219 = vector.broadcast %squeeze3A_204 : f32 to vector<16xf32>
        %min3A_220 = arith.minimumf %min3A_219, %while3A_157 : vector<16xf32>
        %min3A_221 = vector.broadcast %squeeze3A_206 : f32 to vector<16xf32>
        %min3A_222 = arith.minimumf %min3A_221, %while3A_158 : vector<16xf32>
        %sub3A_223 = arith.subf %min3A_220, %max3A_216 : vector<16xf32>
        %max3A_224 = arith.constant 0.000000e+00 : f32
        %max3A_225 = vector.broadcast %max3A_224 : f32 to vector<16xf32>
        %max3A_226 = arith.maximumf %sub3A_223, %max3A_225 : vector<16xf32>
        %sub3A_227 = arith.subf %min3A_222, %max3A_218 : vector<16xf32>
        %max3A_228 = arith.constant 0.000000e+00 : f32
        %max3A_229 = vector.broadcast %max3A_228 : f32 to vector<16xf32>
        %max3A_230 = arith.maximumf %sub3A_227, %max3A_229 : vector<16xf32>
        %mul3A_231 = arith.mulf %max3A_226, %max3A_230 : vector<16xf32>
        %add3A_232 = vector.broadcast %mul3A_209 : f32 to vector<16xf32>
        %add3A_233 = arith.addf %add3A_232, %mul3A_214 : vector<16xf32>
        %sub3A_234 = arith.subf %add3A_233, %mul3A_231 : vector<16xf32>
        %max3A_235 = arith.constant 9.99999997E-7 : f32
        %max3A_236 = vector.broadcast %max3A_235 : f32 to vector<16xf32>
        %max3A_237 = arith.maximumf %sub3A_234, %max3A_236 : vector<16xf32>
        %mul3A_238 = vector.broadcast %squeeze3A : f32 to vector<16xf32>
        %mul3A_239 = arith.mulf %mul3A_238, %max3A_237 : vector<16xf32>
        %sub3A_240 = arith.subf %mul3A_231, %mul3A_239 : vector<16xf32>
        %max3A_241 = arith.maximumf %broadcast_in_dim3A_211, %sub3A_240 : vector<16xf32>
        %sub3A_242 = arith.subf %while3A_161, %while3A_159 : vector<16xf32>
        %sub3A_243 = arith.subf %while3A_162, %while3A_160 : vector<16xf32>
        %mul3A_244 = arith.mulf %sub3A_242, %sub3A_243 : vector<16xf32>
        %max3A_245 = vector.broadcast %squeeze3A_200 : f32 to vector<16xf32>
        %max3A_246 = arith.maximumf %max3A_245, %while3A_159 : vector<16xf32>
        %max3A_247 = vector.broadcast %squeeze3A_202 : f32 to vector<16xf32>
        %max3A_248 = arith.maximumf %max3A_247, %while3A_160 : vector<16xf32>
        %min3A_249 = vector.broadcast %squeeze3A_204 : f32 to vector<16xf32>
        %min3A_250 = arith.minimumf %min3A_249, %while3A_161 : vector<16xf32>
        %min3A_251 = vector.broadcast %squeeze3A_206 : f32 to vector<16xf32>
        %min3A_252 = arith.minimumf %min3A_251, %while3A_162 : vector<16xf32>
        %sub3A_253 = arith.subf %min3A_250, %max3A_246 : vector<16xf32>
        %max3A_254 = arith.constant 0.000000e+00 : f32
        %max3A_255 = vector.broadcast %max3A_254 : f32 to vector<16xf32>
        %max3A_256 = arith.maximumf %sub3A_253, %max3A_255 : vector<16xf32>
        %sub3A_257 = arith.subf %min3A_252, %max3A_248 : vector<16xf32>
        %max3A_258 = arith.constant 0.000000e+00 : f32
        %max3A_259 = vector.broadcast %max3A_258 : f32 to vector<16xf32>
        %max3A_260 = arith.maximumf %sub3A_257, %max3A_259 : vector<16xf32>
        %mul3A_261 = arith.mulf %max3A_256, %max3A_260 : vector<16xf32>
        %add3A_262 = vector.broadcast %mul3A_209 : f32 to vector<16xf32>
        %add3A_263 = arith.addf %add3A_262, %mul3A_244 : vector<16xf32>
        %sub3A_264 = arith.subf %add3A_263, %mul3A_261 : vector<16xf32>
        %max3A_265 = arith.constant 9.99999997E-7 : f32
        %max3A_266 = vector.broadcast %max3A_265 : f32 to vector<16xf32>
        %max3A_267 = arith.maximumf %sub3A_264, %max3A_266 : vector<16xf32>
        %mul3A_268 = vector.broadcast %squeeze3A : f32 to vector<16xf32>
        %mul3A_269 = arith.mulf %mul3A_268, %max3A_267 : vector<16xf32>
        %sub3A_270 = arith.subf %mul3A_261, %mul3A_269 : vector<16xf32>
        %max3A_271 = arith.maximumf %max3A_241, %sub3A_270 : vector<16xf32>
        %sub3A_272 = arith.subf %while3A_165, %while3A_163 : vector<16xf32>
        %sub3A_273 = arith.subf %while3A_166, %while3A_164 : vector<16xf32>
        %mul3A_274 = arith.mulf %sub3A_272, %sub3A_273 : vector<16xf32>
        %max3A_275 = vector.broadcast %squeeze3A_200 : f32 to vector<16xf32>
        %max3A_276 = arith.maximumf %max3A_275, %while3A_163 : vector<16xf32>
        %max3A_277 = vector.broadcast %squeeze3A_202 : f32 to vector<16xf32>
        %max3A_278 = arith.maximumf %max3A_277, %while3A_164 : vector<16xf32>
        %min3A_279 = vector.broadcast %squeeze3A_204 : f32 to vector<16xf32>
        %min3A_280 = arith.minimumf %min3A_279, %while3A_165 : vector<16xf32>
        %min3A_281 = vector.broadcast %squeeze3A_206 : f32 to vector<16xf32>
        %min3A_282 = arith.minimumf %min3A_281, %while3A_166 : vector<16xf32>
        %sub3A_283 = arith.subf %min3A_280, %max3A_276 : vector<16xf32>
        %max3A_284 = arith.constant 0.000000e+00 : f32
        %max3A_285 = vector.broadcast %max3A_284 : f32 to vector<16xf32>
        %max3A_286 = arith.maximumf %sub3A_283, %max3A_285 : vector<16xf32>
        %sub3A_287 = arith.subf %min3A_282, %max3A_278 : vector<16xf32>
        %max3A_288 = arith.constant 0.000000e+00 : f32
        %max3A_289 = vector.broadcast %max3A_288 : f32 to vector<16xf32>
        %max3A_290 = arith.maximumf %sub3A_287, %max3A_289 : vector<16xf32>
        %mul3A_291 = arith.mulf %max3A_286, %max3A_290 : vector<16xf32>
        %add3A_292 = vector.broadcast %mul3A_209 : f32 to vector<16xf32>
        %add3A_293 = arith.addf %add3A_292, %mul3A_274 : vector<16xf32>
        %sub3A_294 = arith.subf %add3A_293, %mul3A_291 : vector<16xf32>
        %max3A_295 = arith.constant 9.99999997E-7 : f32
        %max3A_296 = vector.broadcast %max3A_295 : f32 to vector<16xf32>
        %max3A_297 = arith.maximumf %sub3A_294, %max3A_296 : vector<16xf32>
        %mul3A_298 = vector.broadcast %squeeze3A : f32 to vector<16xf32>
        %mul3A_299 = arith.mulf %mul3A_298, %max3A_297 : vector<16xf32>
        %sub3A_300 = arith.subf %mul3A_291, %mul3A_299 : vector<16xf32>
        %max3A_301 = arith.maximumf %max3A_271, %sub3A_300 : vector<16xf32>
        %sub3A_302 = arith.subf %while3A_169, %while3A_167 : vector<16xf32>
        %sub3A_303 = arith.subf %while3A_170, %while3A_168 : vector<16xf32>
        %mul3A_304 = arith.mulf %sub3A_302, %sub3A_303 : vector<16xf32>
        %max3A_305 = vector.broadcast %squeeze3A_200 : f32 to vector<16xf32>
        %max3A_306 = arith.maximumf %max3A_305, %while3A_167 : vector<16xf32>
        %max3A_307 = vector.broadcast %squeeze3A_202 : f32 to vector<16xf32>
        %max3A_308 = arith.maximumf %max3A_307, %while3A_168 : vector<16xf32>
        %min3A_309 = vector.broadcast %squeeze3A_204 : f32 to vector<16xf32>
        %min3A_310 = arith.minimumf %min3A_309, %while3A_169 : vector<16xf32>
        %min3A_311 = vector.broadcast %squeeze3A_206 : f32 to vector<16xf32>
        %min3A_312 = arith.minimumf %min3A_311, %while3A_170 : vector<16xf32>
        %sub3A_313 = arith.subf %min3A_310, %max3A_306 : vector<16xf32>
        %max3A_314 = arith.constant 0.000000e+00 : f32
        %max3A_315 = vector.broadcast %max3A_314 : f32 to vector<16xf32>
        %max3A_316 = arith.maximumf %sub3A_313, %max3A_315 : vector<16xf32>
        %sub3A_317 = arith.subf %min3A_312, %max3A_308 : vector<16xf32>
        %max3A_318 = arith.constant 0.000000e+00 : f32
        %max3A_319 = vector.broadcast %max3A_318 : f32 to vector<16xf32>
        %max3A_320 = arith.maximumf %sub3A_317, %max3A_319 : vector<16xf32>
        %mul3A_321 = arith.mulf %max3A_316, %max3A_320 : vector<16xf32>
        %add3A_322 = vector.broadcast %mul3A_209 : f32 to vector<16xf32>
        %add3A_323 = arith.addf %add3A_322, %mul3A_304 : vector<16xf32>
        %sub3A_324 = arith.subf %add3A_323, %mul3A_321 : vector<16xf32>
        %max3A_325 = arith.constant 9.99999997E-7 : f32
        %max3A_326 = vector.broadcast %max3A_325 : f32 to vector<16xf32>
        %max3A_327 = arith.maximumf %sub3A_324, %max3A_326 : vector<16xf32>
        %mul3A_328 = vector.broadcast %squeeze3A : f32 to vector<16xf32>
        %mul3A_329 = arith.mulf %mul3A_328, %max3A_327 : vector<16xf32>
        %sub3A_330 = arith.subf %mul3A_321, %mul3A_329 : vector<16xf32>
        %max3A_331 = arith.maximumf %max3A_301, %sub3A_330 : vector<16xf32>
        %sub3A_332 = arith.subf %while3A_173, %while3A_171 : vector<16xf32>
        %sub3A_333 = arith.subf %while3A_174, %while3A_172 : vector<16xf32>
        %mul3A_334 = arith.mulf %sub3A_332, %sub3A_333 : vector<16xf32>
        %max3A_335 = vector.broadcast %squeeze3A_200 : f32 to vector<16xf32>
        %max3A_336 = arith.maximumf %max3A_335, %while3A_171 : vector<16xf32>
        %max3A_337 = vector.broadcast %squeeze3A_202 : f32 to vector<16xf32>
        %max3A_338 = arith.maximumf %max3A_337, %while3A_172 : vector<16xf32>
        %min3A_339 = vector.broadcast %squeeze3A_204 : f32 to vector<16xf32>
        %min3A_340 = arith.minimumf %min3A_339, %while3A_173 : vector<16xf32>
        %min3A_341 = vector.broadcast %squeeze3A_206 : f32 to vector<16xf32>
        %min3A_342 = arith.minimumf %min3A_341, %while3A_174 : vector<16xf32>
        %sub3A_343 = arith.subf %min3A_340, %max3A_336 : vector<16xf32>
        %max3A_344 = arith.constant 0.000000e+00 : f32
        %max3A_345 = vector.broadcast %max3A_344 : f32 to vector<16xf32>
        %max3A_346 = arith.maximumf %sub3A_343, %max3A_345 : vector<16xf32>
        %sub3A_347 = arith.subf %min3A_342, %max3A_338 : vector<16xf32>
        %max3A_348 = arith.constant 0.000000e+00 : f32
        %max3A_349 = vector.broadcast %max3A_348 : f32 to vector<16xf32>
        %max3A_350 = arith.maximumf %sub3A_347, %max3A_349 : vector<16xf32>
        %mul3A_351 = arith.mulf %max3A_346, %max3A_350 : vector<16xf32>
        %add3A_352 = vector.broadcast %mul3A_209 : f32 to vector<16xf32>
        %add3A_353 = arith.addf %add3A_352, %mul3A_334 : vector<16xf32>
        %sub3A_354 = arith.subf %add3A_353, %mul3A_351 : vector<16xf32>
        %max3A_355 = arith.constant 9.99999997E-7 : f32
        %max3A_356 = vector.broadcast %max3A_355 : f32 to vector<16xf32>
        %max3A_357 = arith.maximumf %sub3A_354, %max3A_356 : vector<16xf32>
        %mul3A_358 = vector.broadcast %squeeze3A : f32 to vector<16xf32>
        %mul3A_359 = arith.mulf %mul3A_358, %max3A_357 : vector<16xf32>
        %sub3A_360 = arith.subf %mul3A_351, %mul3A_359 : vector<16xf32>
        %max3A_361 = arith.maximumf %max3A_331, %sub3A_360 : vector<16xf32>
        %sub3A_362 = arith.subf %while3A_177, %while3A_175 : vector<16xf32>
        %sub3A_363 = arith.subf %while3A_178, %while3A_176 : vector<16xf32>
        %mul3A_364 = arith.mulf %sub3A_362, %sub3A_363 : vector<16xf32>
        %max3A_365 = vector.broadcast %squeeze3A_200 : f32 to vector<16xf32>
        %max3A_366 = arith.maximumf %max3A_365, %while3A_175 : vector<16xf32>
        %max3A_367 = vector.broadcast %squeeze3A_202 : f32 to vector<16xf32>
        %max3A_368 = arith.maximumf %max3A_367, %while3A_176 : vector<16xf32>
        %min3A_369 = vector.broadcast %squeeze3A_204 : f32 to vector<16xf32>
        %min3A_370 = arith.minimumf %min3A_369, %while3A_177 : vector<16xf32>
        %min3A_371 = vector.broadcast %squeeze3A_206 : f32 to vector<16xf32>
        %min3A_372 = arith.minimumf %min3A_371, %while3A_178 : vector<16xf32>
        %sub3A_373 = arith.subf %min3A_370, %max3A_366 : vector<16xf32>
        %max3A_374 = arith.constant 0.000000e+00 : f32
        %max3A_375 = vector.broadcast %max3A_374 : f32 to vector<16xf32>
        %max3A_376 = arith.maximumf %sub3A_373, %max3A_375 : vector<16xf32>
        %sub3A_377 = arith.subf %min3A_372, %max3A_368 : vector<16xf32>
        %max3A_378 = arith.constant 0.000000e+00 : f32
        %max3A_379 = vector.broadcast %max3A_378 : f32 to vector<16xf32>
        %max3A_380 = arith.maximumf %sub3A_377, %max3A_379 : vector<16xf32>
        %mul3A_381 = arith.mulf %max3A_376, %max3A_380 : vector<16xf32>
        %add3A_382 = vector.broadcast %mul3A_209 : f32 to vector<16xf32>
        %add3A_383 = arith.addf %add3A_382, %mul3A_364 : vector<16xf32>
        %sub3A_384 = arith.subf %add3A_383, %mul3A_381 : vector<16xf32>
        %max3A_385 = arith.constant 9.99999997E-7 : f32
        %max3A_386 = vector.broadcast %max3A_385 : f32 to vector<16xf32>
        %max3A_387 = arith.maximumf %sub3A_384, %max3A_386 : vector<16xf32>
        %mul3A_388 = vector.broadcast %squeeze3A : f32 to vector<16xf32>
        %mul3A_389 = arith.mulf %mul3A_388, %max3A_387 : vector<16xf32>
        %sub3A_390 = arith.subf %mul3A_381, %mul3A_389 : vector<16xf32>
        %max3A_391 = arith.maximumf %max3A_361, %sub3A_390 : vector<16xf32>
        %sub3A_392 = arith.subf %while3A_181, %while3A_179 : vector<16xf32>
        %sub3A_393 = arith.subf %while3A_182, %while3A_180 : vector<16xf32>
        %mul3A_394 = arith.mulf %sub3A_392, %sub3A_393 : vector<16xf32>
        %max3A_395 = vector.broadcast %squeeze3A_200 : f32 to vector<16xf32>
        %max3A_396 = arith.maximumf %max3A_395, %while3A_179 : vector<16xf32>
        %max3A_397 = vector.broadcast %squeeze3A_202 : f32 to vector<16xf32>
        %max3A_398 = arith.maximumf %max3A_397, %while3A_180 : vector<16xf32>
        %min3A_399 = vector.broadcast %squeeze3A_204 : f32 to vector<16xf32>
        %min3A_400 = arith.minimumf %min3A_399, %while3A_181 : vector<16xf32>
        %min3A_401 = vector.broadcast %squeeze3A_206 : f32 to vector<16xf32>
        %min3A_402 = arith.minimumf %min3A_401, %while3A_182 : vector<16xf32>
        %sub3A_403 = arith.subf %min3A_400, %max3A_396 : vector<16xf32>
        %max3A_404 = arith.constant 0.000000e+00 : f32
        %max3A_405 = vector.broadcast %max3A_404 : f32 to vector<16xf32>
        %max3A_406 = arith.maximumf %sub3A_403, %max3A_405 : vector<16xf32>
        %sub3A_407 = arith.subf %min3A_402, %max3A_398 : vector<16xf32>
        %max3A_408 = arith.constant 0.000000e+00 : f32
        %max3A_409 = vector.broadcast %max3A_408 : f32 to vector<16xf32>
        %max3A_410 = arith.maximumf %sub3A_407, %max3A_409 : vector<16xf32>
        %mul3A_411 = arith.mulf %max3A_406, %max3A_410 : vector<16xf32>
        %add3A_412 = vector.broadcast %mul3A_209 : f32 to vector<16xf32>
        %add3A_413 = arith.addf %add3A_412, %mul3A_394 : vector<16xf32>
        %sub3A_414 = arith.subf %add3A_413, %mul3A_411 : vector<16xf32>
        %max3A_415 = arith.constant 9.99999997E-7 : f32
        %max3A_416 = vector.broadcast %max3A_415 : f32 to vector<16xf32>
        %max3A_417 = arith.maximumf %sub3A_414, %max3A_416 : vector<16xf32>
        %mul3A_418 = vector.broadcast %squeeze3A : f32 to vector<16xf32>
        %mul3A_419 = arith.mulf %mul3A_418, %max3A_417 : vector<16xf32>
        %sub3A_420 = arith.subf %mul3A_411, %mul3A_419 : vector<16xf32>
        %max3A_421 = arith.maximumf %max3A_391, %sub3A_420 : vector<16xf32>
        %swap3A_422 = arith.constant 0 : index
        %swap3A_423 = tpu.vector_load %arg13[%swap3A_422] {strides = array<i32>} : memref<32xf32, #tpu.memory_space<vmem>>, vector<16xf32>,
        %swap3A_424 = vector.shape_cast %swap3A_423 : vector<16xf32> to vector<16xf32>
        %swap3A_425 = vector.shape_cast %max3A_421 : vector<16xf32> to vector<16xf32>
        tpu.vector_store %arg13[%swap3A_422], %swap3A_425 {strides = array<i32>} : memref<32xf32, #tpu.memory_space<vmem>>, vector<16xf32>,
        %get3A_426 = arith.constant 8 : index
        %get3A_427 = tpu.vector_load %arg13[%get3A_426] {strides = array<i32>} : memref<32xf32, #tpu.memory_space<vmem>>, vector<16xf32>,
        %get3A_428 = vector.shape_cast %get3A_427 : vector<16xf32> to vector<16xf32>
        %max3A_429 = arith.maximumf %max3A_421, %get3A_428 : vector<16xf32>
        %swap3A_430 = arith.constant 0 : index
        %swap3A_431 = tpu.vector_load %arg13[%swap3A_430] {strides = array<i32>} : memref<32xf32, #tpu.memory_space<vmem>>, vector<16xf32>,
        %swap3A_432 = vector.shape_cast %swap3A_431 : vector<16xf32> to vector<16xf32>
        %swap3A_433 = vector.shape_cast %max3A_429 : vector<16xf32> to vector<16xf32>
        tpu.vector_store %arg13[%swap3A_430], %swap3A_433 {strides = array<i32>} : memref<32xf32, #tpu.memory_space<vmem>>, vector<16xf32>,
        %get3A_434 = arith.constant 4 : index
        %get3A_435 = tpu.vector_load %arg13[%get3A_434] {strides = array<i32>} : memref<32xf32, #tpu.memory_space<vmem>>, vector<16xf32>,
        %get3A_436 = vector.shape_cast %get3A_435 : vector<16xf32> to vector<16xf32>
        %max3A_437 = arith.maximumf %max3A_429, %get3A_436 : vector<16xf32>
        %swap3A_438 = arith.constant 0 : index
        %swap3A_439 = tpu.vector_load %arg13[%swap3A_438] {strides = array<i32>} : memref<32xf32, #tpu.memory_space<vmem>>, vector<16xf32>,
        %swap3A_440 = vector.shape_cast %swap3A_439 : vector<16xf32> to vector<16xf32>
        %swap3A_441 = vector.shape_cast %max3A_437 : vector<16xf32> to vector<16xf32>
        tpu.vector_store %arg13[%swap3A_438], %swap3A_441 {strides = array<i32>} : memref<32xf32, #tpu.memory_space<vmem>>, vector<16xf32>,
        %get3A_442 = arith.constant 2 : index
        %get3A_443 = tpu.vector_load %arg13[%get3A_442] {strides = array<i32>} : memref<32xf32, #tpu.memory_space<vmem>>, vector<16xf32>,
        %get3A_444 = vector.shape_cast %get3A_443 : vector<16xf32> to vector<16xf32>
        %max3A_445 = arith.maximumf %max3A_437, %get3A_444 : vector<16xf32>
        %swap3A_446 = arith.constant 0 : index
        %swap3A_447 = tpu.vector_load %arg13[%swap3A_446] {strides = array<i32>} : memref<32xf32, #tpu.memory_space<vmem>>, vector<16xf32>,
        %swap3A_448 = vector.shape_cast %swap3A_447 : vector<16xf32> to vector<16xf32>
        %swap3A_449 = vector.shape_cast %max3A_445 : vector<16xf32> to vector<16xf32>
        tpu.vector_store %arg13[%swap3A_446], %swap3A_449 {strides = array<i32>} : memref<32xf32, #tpu.memory_space<vmem>>, vector<16xf32>,
        %get3A_450 = arith.constant 1 : index
        %get3A_451 = tpu.vector_load %arg13[%get3A_450] {strides = array<i32>} : memref<32xf32, #tpu.memory_space<vmem>>, vector<16xf32>,
        %get3A_452 = vector.shape_cast %get3A_451 : vector<16xf32> to vector<16xf32>
        %max3A_453 = arith.maximumf %max3A_445, %get3A_452 : vector<16xf32>
        %slice3A_454 = vector.extract_strided_slice %max3A_453 {offsets = [0], sizes = [1], strides = [1]} : vector<16xf32> to vector<1xf32>
        %squeeze3A_455 = vector.extract %slice3A_454[0] : f32 from vector<1xf32>
        %ge3A = arith.constant 0.000000e+00 : f32
        %ge3A_456 = arith.cmpf oge, %squeeze3A_455, %ge3A : f32
        %gt3A_457 = arith.cmpf ogt, %squeeze3A_188, %squeeze3A_15 : f32
        %lt3A_458 = arith.cmpi slt, %while3A_154, %min3A_18 : i32
        %and3A_459 = arith.andi %gt3A_457, %lt3A_458 : i1
        %not3A = arith.constant true
        %not3A_460 = arith.xori %ge3A_456, %not3A : i1
        %and3A_461 = arith.andi %and3A_459, %not3A_460 : i1
        %jit3A_462 = arith.constant 1.000000e+00 : f32
        %jit3A_463 = arith.constant 0.000000e+00 : f32
        %select_n3A_464 = arith.select %and3A_461, %jit3A_462, %jit3A_463 : f32
        %jit3A_465 = arith.constant 1 : i32
        %jit3A_466 = arith.constant 0 : i32
        %select_n3A_467 = arith.select %and3A_461, %jit3A_465, %jit3A_466 : i32
        %convert_element_type3A_468 = arith.sitofp %while3A_154 : i32 to f32
        %sub3A_469 = arith.constant 0.000000e+00 : f32
        %sub3A_470 = arith.subf %convert_element_type3A_468, %sub3A_469 : f32
        %sub3A_471 = vector.broadcast %sub3A_470 : f32 to vector<16xf32>
        %sub3A_472 = arith.subf %convert_element_type3A_19, %sub3A_471 : vector<16xf32>
        %abs3A = math.absf %sub3A_472 : vector<16xf32>
        %sub3A_473 = arith.constant 1.000000e+00 : f32
        %sub3A_474 = vector.broadcast %sub3A_473 : f32 to vector<16xf32>
        %sub3A_475 = arith.subf %sub3A_474, %abs3A : vector<16xf32>
        %max3A_476 = arith.constant 0.000000e+00 : f32
        %max3A_477 = vector.broadcast %max3A_476 : f32 to vector<16xf32>
        %max3A_478 = arith.maximumf %sub3A_475, %max3A_477 : vector<16xf32>
        %mul3A_479 = vector.broadcast %select_n3A_464 : f32 to vector<16xf32>
        %mul3A_480 = arith.mulf %max3A_478, %mul3A_479 : vector<16xf32>
        %sub3A_481 = vector.broadcast %squeeze3A_200 : f32 to vector<16xf32>
        %sub3A_482 = arith.subf %sub3A_481, %while3A_155 : vector<16xf32>
        %mul3A_483 = arith.mulf %mul3A_480, %sub3A_482 : vector<16xf32>
        %add3A_484 = arith.addf %while3A_155, %mul3A_483 : vector<16xf32>
        %sub3A_485 = vector.broadcast %squeeze3A_202 : f32 to vector<16xf32>
        %sub3A_486 = arith.subf %sub3A_485, %while3A_156 : vector<16xf32>
        %mul3A_487 = arith.mulf %mul3A_480, %sub3A_486 : vector<16xf32>
        %add3A_488 = arith.addf %while3A_156, %mul3A_487 : vector<16xf32>
        %sub3A_489 = vector.broadcast %squeeze3A_204 : f32 to vector<16xf32>
        %sub3A_490 = arith.subf %sub3A_489, %while3A_157 : vector<16xf32>
        %mul3A_491 = arith.mulf %mul3A_480, %sub3A_490 : vector<16xf32>
        %add3A_492 = arith.addf %while3A_157, %mul3A_491 : vector<16xf32>
        %sub3A_493 = vector.broadcast %squeeze3A_206 : f32 to vector<16xf32>
        %sub3A_494 = arith.subf %sub3A_493, %while3A_158 : vector<16xf32>
        %mul3A_495 = arith.mulf %mul3A_480, %sub3A_494 : vector<16xf32>
        %add3A_496 = arith.addf %while3A_158, %mul3A_495 : vector<16xf32>
        %sub3A_497 = arith.constant 1.600000e+01 : f32
        %sub3A_498 = arith.subf %convert_element_type3A_468, %sub3A_497 : f32
        %sub3A_499 = vector.broadcast %sub3A_498 : f32 to vector<16xf32>
        %sub3A_500 = arith.subf %convert_element_type3A_19, %sub3A_499 : vector<16xf32>
        %abs3A_501 = math.absf %sub3A_500 : vector<16xf32>
        %sub3A_502 = arith.constant 1.000000e+00 : f32
        %sub3A_503 = vector.broadcast %sub3A_502 : f32 to vector<16xf32>
        %sub3A_504 = arith.subf %sub3A_503, %abs3A_501 : vector<16xf32>
        %max3A_505 = arith.constant 0.000000e+00 : f32
        %max3A_506 = vector.broadcast %max3A_505 : f32 to vector<16xf32>
        %max3A_507 = arith.maximumf %sub3A_504, %max3A_506 : vector<16xf32>
        %mul3A_508 = vector.broadcast %select_n3A_464 : f32 to vector<16xf32>
        %mul3A_509 = arith.mulf %max3A_507, %mul3A_508 : vector<16xf32>
        %sub3A_510 = vector.broadcast %squeeze3A_200 : f32 to vector<16xf32>
        %sub3A_511 = arith.subf %sub3A_510, %while3A_159 : vector<16xf32>
        %mul3A_512 = arith.mulf %mul3A_509, %sub3A_511 : vector<16xf32>
        %add3A_513 = arith.addf %while3A_159, %mul3A_512 : vector<16xf32>
        %sub3A_514 = vector.broadcast %squeeze3A_202 : f32 to vector<16xf32>
        %sub3A_515 = arith.subf %sub3A_514, %while3A_160 : vector<16xf32>
        %mul3A_516 = arith.mulf %mul3A_509, %sub3A_515 : vector<16xf32>
        %add3A_517 = arith.addf %while3A_160, %mul3A_516 : vector<16xf32>
        %sub3A_518 = vector.broadcast %squeeze3A_204 : f32 to vector<16xf32>
        %sub3A_519 = arith.subf %sub3A_518, %while3A_161 : vector<16xf32>
        %mul3A_520 = arith.mulf %mul3A_509, %sub3A_519 : vector<16xf32>
        %add3A_521 = arith.addf %while3A_161, %mul3A_520 : vector<16xf32>
        %sub3A_522 = vector.broadcast %squeeze3A_206 : f32 to vector<16xf32>
        %sub3A_523 = arith.subf %sub3A_522, %while3A_162 : vector<16xf32>
        %mul3A_524 = arith.mulf %mul3A_509, %sub3A_523 : vector<16xf32>
        %add3A_525 = arith.addf %while3A_162, %mul3A_524 : vector<16xf32>
        %sub3A_526 = arith.constant 3.200000e+01 : f32
        %sub3A_527 = arith.subf %convert_element_type3A_468, %sub3A_526 : f32
        %sub3A_528 = vector.broadcast %sub3A_527 : f32 to vector<16xf32>
        %sub3A_529 = arith.subf %convert_element_type3A_19, %sub3A_528 : vector<16xf32>
        %abs3A_530 = math.absf %sub3A_529 : vector<16xf32>
        %sub3A_531 = arith.constant 1.000000e+00 : f32
        %sub3A_532 = vector.broadcast %sub3A_531 : f32 to vector<16xf32>
        %sub3A_533 = arith.subf %sub3A_532, %abs3A_530 : vector<16xf32>
        %max3A_534 = arith.constant 0.000000e+00 : f32
        %max3A_535 = vector.broadcast %max3A_534 : f32 to vector<16xf32>
        %max3A_536 = arith.maximumf %sub3A_533, %max3A_535 : vector<16xf32>
        %mul3A_537 = vector.broadcast %select_n3A_464 : f32 to vector<16xf32>
        %mul3A_538 = arith.mulf %max3A_536, %mul3A_537 : vector<16xf32>
        %sub3A_539 = vector.broadcast %squeeze3A_200 : f32 to vector<16xf32>
        %sub3A_540 = arith.subf %sub3A_539, %while3A_163 : vector<16xf32>
        %mul3A_541 = arith.mulf %mul3A_538, %sub3A_540 : vector<16xf32>
        %add3A_542 = arith.addf %while3A_163, %mul3A_541 : vector<16xf32>
        %sub3A_543 = vector.broadcast %squeeze3A_202 : f32 to vector<16xf32>
        %sub3A_544 = arith.subf %sub3A_543, %while3A_164 : vector<16xf32>
        %mul3A_545 = arith.mulf %mul3A_538, %sub3A_544 : vector<16xf32>
        %add3A_546 = arith.addf %while3A_164, %mul3A_545 : vector<16xf32>
        %sub3A_547 = vector.broadcast %squeeze3A_204 : f32 to vector<16xf32>
        %sub3A_548 = arith.subf %sub3A_547, %while3A_165 : vector<16xf32>
        %mul3A_549 = arith.mulf %mul3A_538, %sub3A_548 : vector<16xf32>
        %add3A_550 = arith.addf %while3A_165, %mul3A_549 : vector<16xf32>
        %sub3A_551 = vector.broadcast %squeeze3A_206 : f32 to vector<16xf32>
        %sub3A_552 = arith.subf %sub3A_551, %while3A_166 : vector<16xf32>
        %mul3A_553 = arith.mulf %mul3A_538, %sub3A_552 : vector<16xf32>
        %add3A_554 = arith.addf %while3A_166, %mul3A_553 : vector<16xf32>
        %sub3A_555 = arith.constant 4.800000e+01 : f32
        %sub3A_556 = arith.subf %convert_element_type3A_468, %sub3A_555 : f32
        %sub3A_557 = vector.broadcast %sub3A_556 : f32 to vector<16xf32>
        %sub3A_558 = arith.subf %convert_element_type3A_19, %sub3A_557 : vector<16xf32>
        %abs3A_559 = math.absf %sub3A_558 : vector<16xf32>
        %sub3A_560 = arith.constant 1.000000e+00 : f32
        %sub3A_561 = vector.broadcast %sub3A_560 : f32 to vector<16xf32>
        %sub3A_562 = arith.subf %sub3A_561, %abs3A_559 : vector<16xf32>
        %max3A_563 = arith.constant 0.000000e+00 : f32
        %max3A_564 = vector.broadcast %max3A_563 : f32 to vector<16xf32>
        %max3A_565 = arith.maximumf %sub3A_562, %max3A_564 : vector<16xf32>
        %mul3A_566 = vector.broadcast %select_n3A_464 : f32 to vector<16xf32>
        %mul3A_567 = arith.mulf %max3A_565, %mul3A_566 : vector<16xf32>
        %sub3A_568 = vector.broadcast %squeeze3A_200 : f32 to vector<16xf32>
        %sub3A_569 = arith.subf %sub3A_568, %while3A_167 : vector<16xf32>
        %mul3A_570 = arith.mulf %mul3A_567, %sub3A_569 : vector<16xf32>
        %add3A_571 = arith.addf %while3A_167, %mul3A_570 : vector<16xf32>
        %sub3A_572 = vector.broadcast %squeeze3A_202 : f32 to vector<16xf32>
        %sub3A_573 = arith.subf %sub3A_572, %while3A_168 : vector<16xf32>
        %mul3A_574 = arith.mulf %mul3A_567, %sub3A_573 : vector<16xf32>
        %add3A_575 = arith.addf %while3A_168, %mul3A_574 : vector<16xf32>
        %sub3A_576 = vector.broadcast %squeeze3A_204 : f32 to vector<16xf32>
        %sub3A_577 = arith.subf %sub3A_576, %while3A_169 : vector<16xf32>
        %mul3A_578 = arith.mulf %mul3A_567, %sub3A_577 : vector<16xf32>
        %add3A_579 = arith.addf %while3A_169, %mul3A_578 : vector<16xf32>
        %sub3A_580 = vector.broadcast %squeeze3A_206 : f32 to vector<16xf32>
        %sub3A_581 = arith.subf %sub3A_580, %while3A_170 : vector<16xf32>
        %mul3A_582 = arith.mulf %mul3A_567, %sub3A_581 : vector<16xf32>
        %add3A_583 = arith.addf %while3A_170, %mul3A_582 : vector<16xf32>
        %sub3A_584 = arith.constant 6.400000e+01 : f32
        %sub3A_585 = arith.subf %convert_element_type3A_468, %sub3A_584 : f32
        %sub3A_586 = vector.broadcast %sub3A_585 : f32 to vector<16xf32>
        %sub3A_587 = arith.subf %convert_element_type3A_19, %sub3A_586 : vector<16xf32>
        %abs3A_588 = math.absf %sub3A_587 : vector<16xf32>
        %sub3A_589 = arith.constant 1.000000e+00 : f32
        %sub3A_590 = vector.broadcast %sub3A_589 : f32 to vector<16xf32>
        %sub3A_591 = arith.subf %sub3A_590, %abs3A_588 : vector<16xf32>
        %max3A_592 = arith.constant 0.000000e+00 : f32
        %max3A_593 = vector.broadcast %max3A_592 : f32 to vector<16xf32>
        %max3A_594 = arith.maximumf %sub3A_591, %max3A_593 : vector<16xf32>
        %mul3A_595 = vector.broadcast %select_n3A_464 : f32 to vector<16xf32>
        %mul3A_596 = arith.mulf %max3A_594, %mul3A_595 : vector<16xf32>
        %sub3A_597 = vector.broadcast %squeeze3A_200 : f32 to vector<16xf32>
        %sub3A_598 = arith.subf %sub3A_597, %while3A_171 : vector<16xf32>
        %mul3A_599 = arith.mulf %mul3A_596, %sub3A_598 : vector<16xf32>
        %add3A_600 = arith.addf %while3A_171, %mul3A_599 : vector<16xf32>
        %sub3A_601 = vector.broadcast %squeeze3A_202 : f32 to vector<16xf32>
        %sub3A_602 = arith.subf %sub3A_601, %while3A_172 : vector<16xf32>
        %mul3A_603 = arith.mulf %mul3A_596, %sub3A_602 : vector<16xf32>
        %add3A_604 = arith.addf %while3A_172, %mul3A_603 : vector<16xf32>
        %sub3A_605 = vector.broadcast %squeeze3A_204 : f32 to vector<16xf32>
        %sub3A_606 = arith.subf %sub3A_605, %while3A_173 : vector<16xf32>
        %mul3A_607 = arith.mulf %mul3A_596, %sub3A_606 : vector<16xf32>
        %add3A_608 = arith.addf %while3A_173, %mul3A_607 : vector<16xf32>
        %sub3A_609 = vector.broadcast %squeeze3A_206 : f32 to vector<16xf32>
        %sub3A_610 = arith.subf %sub3A_609, %while3A_174 : vector<16xf32>
        %mul3A_611 = arith.mulf %mul3A_596, %sub3A_610 : vector<16xf32>
        %add3A_612 = arith.addf %while3A_174, %mul3A_611 : vector<16xf32>
        %sub3A_613 = arith.constant 8.000000e+01 : f32
        %sub3A_614 = arith.subf %convert_element_type3A_468, %sub3A_613 : f32
        %sub3A_615 = vector.broadcast %sub3A_614 : f32 to vector<16xf32>
        %sub3A_616 = arith.subf %convert_element_type3A_19, %sub3A_615 : vector<16xf32>
        %abs3A_617 = math.absf %sub3A_616 : vector<16xf32>
        %sub3A_618 = arith.constant 1.000000e+00 : f32
        %sub3A_619 = vector.broadcast %sub3A_618 : f32 to vector<16xf32>
        %sub3A_620 = arith.subf %sub3A_619, %abs3A_617 : vector<16xf32>
        %max3A_621 = arith.constant 0.000000e+00 : f32
        %max3A_622 = vector.broadcast %max3A_621 : f32 to vector<16xf32>
        %max3A_623 = arith.maximumf %sub3A_620, %max3A_622 : vector<16xf32>
        %mul3A_624 = vector.broadcast %select_n3A_464 : f32 to vector<16xf32>
        %mul3A_625 = arith.mulf %max3A_623, %mul3A_624 : vector<16xf32>
        %sub3A_626 = vector.broadcast %squeeze3A_200 : f32 to vector<16xf32>
        %sub3A_627 = arith.subf %sub3A_626, %while3A_175 : vector<16xf32>
        %mul3A_628 = arith.mulf %mul3A_625, %sub3A_627 : vector<16xf32>
        %add3A_629 = arith.addf %while3A_175, %mul3A_628 : vector<16xf32>
        %sub3A_630 = vector.broadcast %squeeze3A_202 : f32 to vector<16xf32>
        %sub3A_631 = arith.subf %sub3A_630, %while3A_176 : vector<16xf32>
        %mul3A_632 = arith.mulf %mul3A_625, %sub3A_631 : vector<16xf32>
        %add3A_633 = arith.addf %while3A_176, %mul3A_632 : vector<16xf32>
        %sub3A_634 = vector.broadcast %squeeze3A_204 : f32 to vector<16xf32>
        %sub3A_635 = arith.subf %sub3A_634, %while3A_177 : vector<16xf32>
        %mul3A_636 = arith.mulf %mul3A_625, %sub3A_635 : vector<16xf32>
        %add3A_637 = arith.addf %while3A_177, %mul3A_636 : vector<16xf32>
        %sub3A_638 = vector.broadcast %squeeze3A_206 : f32 to vector<16xf32>
        %sub3A_639 = arith.subf %sub3A_638, %while3A_178 : vector<16xf32>
        %mul3A_640 = arith.mulf %mul3A_625, %sub3A_639 : vector<16xf32>
        %add3A_641 = arith.addf %while3A_178, %mul3A_640 : vector<16xf32>
        %sub3A_642 = arith.constant 9.600000e+01 : f32
        %sub3A_643 = arith.subf %convert_element_type3A_468, %sub3A_642 : f32
        %sub3A_644 = vector.broadcast %sub3A_643 : f32 to vector<16xf32>
        %sub3A_645 = arith.subf %convert_element_type3A_19, %sub3A_644 : vector<16xf32>
        %abs3A_646 = math.absf %sub3A_645 : vector<16xf32>
        %sub3A_647 = arith.constant 1.000000e+00 : f32
        %sub3A_648 = vector.broadcast %sub3A_647 : f32 to vector<16xf32>
        %sub3A_649 = arith.subf %sub3A_648, %abs3A_646 : vector<16xf32>
        %max3A_650 = arith.constant 0.000000e+00 : f32
        %max3A_651 = vector.broadcast %max3A_650 : f32 to vector<16xf32>
        %max3A_652 = arith.maximumf %sub3A_649, %max3A_651 : vector<16xf32>
        %mul3A_653 = vector.broadcast %select_n3A_464 : f32 to vector<16xf32>
        %mul3A_654 = arith.mulf %max3A_652, %mul3A_653 : vector<16xf32>
        %sub3A_655 = vector.broadcast %squeeze3A_200 : f32 to vector<16xf32>
        %sub3A_656 = arith.subf %sub3A_655, %while3A_179 : vector<16xf32>
        %mul3A_657 = arith.mulf %mul3A_654, %sub3A_656 : vector<16xf32>
        %add3A_658 = arith.addf %while3A_179, %mul3A_657 : vector<16xf32>
        %sub3A_659 = vector.broadcast %squeeze3A_202 : f32 to vector<16xf32>
        %sub3A_660 = arith.subf %sub3A_659, %while3A_180 : vector<16xf32>
        %mul3A_661 = arith.mulf %mul3A_654, %sub3A_660 : vector<16xf32>
        %add3A_662 = arith.addf %while3A_180, %mul3A_661 : vector<16xf32>
        %sub3A_663 = vector.broadcast %squeeze3A_204 : f32 to vector<16xf32>
        %sub3A_664 = arith.subf %sub3A_663, %while3A_181 : vector<16xf32>
        %mul3A_665 = arith.mulf %mul3A_654, %sub3A_664 : vector<16xf32>
        %add3A_666 = arith.addf %while3A_181, %mul3A_665 : vector<16xf32>
        %sub3A_667 = vector.broadcast %squeeze3A_206 : f32 to vector<16xf32>
        %sub3A_668 = arith.subf %sub3A_667, %while3A_182 : vector<16xf32>
        %mul3A_669 = arith.mulf %mul3A_654, %sub3A_668 : vector<16xf32>
        %add3A_670 = arith.addf %while3A_182, %mul3A_669 : vector<16xf32>
        %mul3A_671 = vector.broadcast %select_n3A_467 : i32 to vector<16xi32>
        %mul3A_672 = arith.muli %max3A_23, %mul3A_671 : vector<16xi32>
        %get3A_673 = arith.index_cast %while3A_154 : i32 to index
        %get3A_674 = tpu.vector_load %arg12[%get3A_673] {strides = array<i32>} : memref<128xi32, #tpu.memory_space<vmem>>, vector<16xi32>,
        %get3A_675 = vector.shape_cast %get3A_674 : vector<16xi32> to vector<16xi32>
        %get3A_676 = arith.index_cast %while3A_154 : i32 to index
        %get3A_677 = tpu.vector_load %arg12[%get3A_676] {strides = array<i32>} : memref<128xi32, #tpu.memory_space<vmem>>, vector<16xi32>,
        %get3A_678 = vector.shape_cast %get3A_677 : vector<16xi32> to vector<16xi32>
        %sub3A_679 = vector.broadcast %squeeze3A_193 : i32 to vector<16xi32>
        %sub3A_680 = arith.subi %sub3A_679, %get3A_678 : vector<16xi32>
        %mul3A_681 = arith.muli %mul3A_672, %sub3A_680 : vector<16xi32>
        %add3A_682 = arith.addi %get3A_675, %mul3A_681 : vector<16xi32>
        %swap3A_683 = arith.index_cast %while3A_154 : i32 to index
        %swap3A_684 = tpu.vector_load %arg12[%swap3A_683] {strides = array<i32>} : memref<128xi32, #tpu.memory_space<vmem>>, vector<16xi32>,
        %swap3A_685 = vector.shape_cast %swap3A_684 : vector<16xi32> to vector<16xi32>
        %swap3A_686 = vector.shape_cast %add3A_682 : vector<16xi32> to vector<16xi32>
        tpu.vector_store %arg12[%swap3A_683], %swap3A_686 {strides = array<i32>} : memref<128xi32, #tpu.memory_space<vmem>>, vector<16xi32>,
        %add3A_687 = arith.addi %while3A_154, %select_n3A_467 : i32
        scf.yield %add3A_687, %add3A_484, %add3A_488, %add3A_492, %add3A_496, %add3A_513, %add3A_517, %add3A_521, %add3A_525, %add3A_542, %add3A_546, %add3A_550, %add3A_554, %add3A_571, %add3A_575, %add3A_579, %add3A_583, %add3A_600, %add3A_604, %add3A_608, %add3A_612, %add3A_629, %add3A_633, %add3A_637, %add3A_641, %add3A_658, %add3A_662, %add3A_666, %add3A_670 : i32, vector<16xf32>, vector<16xf32>, vector<16xf32>, vector<16xf32>, vector<16xf32>, vector<16xf32>, vector<16xf32>, vector<16xf32>, vector<16xf32>, vector<16xf32>, vector<16xf32>, vector<16xf32>, vector<16xf32>, vector<16xf32>, vector<16xf32>, vector<16xf32>, vector<16xf32>, vector<16xf32>, vector<16xf32>, vector<16xf32>, vector<16xf32>, vector<16xf32>, vector<16xf32>, vector<16xf32>, vector<16xf32>, vector<16xf32>, vector<16xf32>, vector<16xf32>
      }
      scf.yield %while3A_152#0, %while3A_152#1, %while3A_152#2, %while3A_152#3, %while3A_152#4, %while3A_152#5, %while3A_152#6, %while3A_152#7, %while3A_152#8, %while3A_152#9, %while3A_152#10, %while3A_152#11, %while3A_152#12, %while3A_152#13, %while3A_152#14, %while3A_152#15, %while3A_152#16, %while3A_152#17, %while3A_152#18, %while3A_152#19, %while3A_152#20, %while3A_152#21, %while3A_152#22, %while3A_152#23, %while3A_152#24, %while3A_152#25, %while3A_152#26, %while3A_152#27, %while3A_152#28 : i32, vector<16xf32>, vector<16xf32>, vector<16xf32>, vector<16xf32>, vector<16xf32>, vector<16xf32>, vector<16xf32>, vector<16xf32>, vector<16xf32>, vector<16xf32>, vector<16xf32>, vector<16xf32>, vector<16xf32>, vector<16xf32>, vector<16xf32>, vector<16xf32>, vector<16xf32>, vector<16xf32>, vector<16xf32>, vector<16xf32>, vector<16xf32>, vector<16xf32>, vector<16xf32>, vector<16xf32>, vector<16xf32>, vector<16xf32>, vector<16xf32>, vector<16xf32>
    }
    %while3A_92 = arith.constant 0 : i32
    %while3A_93 = arith.constant 0 : i32
    %while3A_94 = arith.subi %select_n3A, %while3A_93 : i32
    %while3A_95 = arith.addi %while3A_93, %while3A_94 : i32
    %while3A_96 = arith.constant 1 : i32
    %while3A_97 = arith.divsi %while3A_94, %while3A_96 : i32
    %while3A_98 = arith.muli %while3A_97, %while3A_96 : i32
    %while3A_99 = arith.addi %while3A_93, %while3A_98 : i32
    %while3A_100 = arith.constant 1 : i32
    scf.for %while3A_102 = %while3A_93 to %while3A_99 step %while3A_100  : i32 {
      "tpu.region"() ({
        %run_scoped3A = tpu.sem_alloc : memref<!tpu.dma_semaphore, #tpu.memory_space<semaphore_mem>>
        tpu.enqueue_dma source(%arg12 : memref<128xi32, #tpu.memory_space<vmem>>) target(%arg6 : memref<128xi32, #tpu.memory_space<hbm>>) target_semaphore(%run_scoped3A : memref<!tpu.dma_semaphore, #tpu.memory_space<semaphore_mem>>)
        tpu.wait_dma2 semaphore(%run_scoped3A : memref<!tpu.dma_semaphore, #tpu.memory_space<semaphore_mem>>) src(%arg12 : memref<128xi32, #tpu.memory_space<vmem>>) dst(%arg6 : memref<128xi32, #tpu.memory_space<hbm>>)
        tpu.yield
      }) : () -> ()
      %broadcast_in_dim3A_103 = arith.constant 0 : i32
      %broadcast_in_dim3A_104 = vector.broadcast %broadcast_in_dim3A_103 : i32 to vector<16xi32>
      %add3A_105 = vector.broadcast %while3A_91#0 : i32 to vector<16xi32>
      %add3A_106 = arith.addi %broadcast_in_dim3A_104, %add3A_105 : vector<16xi32>
      %swap3A_107 = arith.constant 0 : index
      %swap3A_108 = tpu.vector_load %arg14[%swap3A_107] {strides = array<i32>} : memref<16xi32, #tpu.memory_space<vmem>>, vector<16xi32>,
      %swap3A_109 = vector.shape_cast %swap3A_108 : vector<16xi32> to vector<16xi32>
      %swap3A_110 = vector.shape_cast %add3A_106 : vector<16xi32> to vector<16xi32>
      tpu.vector_store %arg14[%swap3A_107], %swap3A_110 {strides = array<i32>} : memref<16xi32, #tpu.memory_space<vmem>>, vector<16xi32>,
      "tpu.region"() ({
        %run_scoped3A = tpu.sem_alloc : memref<!tpu.dma_semaphore, #tpu.memory_space<semaphore_mem>>
        tpu.enqueue_dma source(%arg14 : memref<16xi32, #tpu.memory_space<vmem>>) target(%arg7 : memref<16xi32, #tpu.memory_space<hbm>>) target_semaphore(%run_scoped3A : memref<!tpu.dma_semaphore, #tpu.memory_space<semaphore_mem>>)
        tpu.wait_dma2 semaphore(%run_scoped3A : memref<!tpu.dma_semaphore, #tpu.memory_space<semaphore_mem>>) src(%arg14 : memref<16xi32, #tpu.memory_space<vmem>>) dst(%arg7 : memref<16xi32, #tpu.memory_space<hbm>>)
        tpu.yield
      }) : () -> ()
    }
    %while3A_101 = arith.constant 1 : i32
    scf.for %while3A_102 = %while3A_99 to %while3A_95 step %while3A_101  : i32 {
      "tpu.region"() ({
        %run_scoped3A = tpu.sem_alloc : memref<!tpu.dma_semaphore, #tpu.memory_space<semaphore_mem>>
        tpu.enqueue_dma source(%arg12 : memref<128xi32, #tpu.memory_space<vmem>>) target(%arg6 : memref<128xi32, #tpu.memory_space<hbm>>) target_semaphore(%run_scoped3A : memref<!tpu.dma_semaphore, #tpu.memory_space<semaphore_mem>>)
        tpu.wait_dma2 semaphore(%run_scoped3A : memref<!tpu.dma_semaphore, #tpu.memory_space<semaphore_mem>>) src(%arg12 : memref<128xi32, #tpu.memory_space<vmem>>) dst(%arg6 : memref<128xi32, #tpu.memory_space<hbm>>)
        tpu.yield
      }) : () -> ()
      %broadcast_in_dim3A_103 = arith.constant 0 : i32
      %broadcast_in_dim3A_104 = vector.broadcast %broadcast_in_dim3A_103 : i32 to vector<16xi32>
      %add3A_105 = vector.broadcast %while3A_91#0 : i32 to vector<16xi32>
      %add3A_106 = arith.addi %broadcast_in_dim3A_104, %add3A_105 : vector<16xi32>
      %swap3A_107 = arith.constant 0 : index
      %swap3A_108 = tpu.vector_load %arg14[%swap3A_107] {strides = array<i32>} : memref<16xi32, #tpu.memory_space<vmem>>, vector<16xi32>,
      %swap3A_109 = vector.shape_cast %swap3A_108 : vector<16xi32> to vector<16xi32>
      %swap3A_110 = vector.shape_cast %add3A_106 : vector<16xi32> to vector<16xi32>
      tpu.vector_store %arg14[%swap3A_107], %swap3A_110 {strides = array<i32>} : memref<16xi32, #tpu.memory_space<vmem>>, vector<16xi32>,
      "tpu.region"() ({
        %run_scoped3A = tpu.sem_alloc : memref<!tpu.dma_semaphore, #tpu.memory_space<semaphore_mem>>
        tpu.enqueue_dma source(%arg14 : memref<16xi32, #tpu.memory_space<vmem>>) target(%arg7 : memref<16xi32, #tpu.memory_space<hbm>>) target_semaphore(%run_scoped3A : memref<!tpu.dma_semaphore, #tpu.memory_space<semaphore_mem>>)
        tpu.wait_dma2 semaphore(%run_scoped3A : memref<!tpu.dma_semaphore, #tpu.memory_space<semaphore_mem>>) src(%arg14 : memref<16xi32, #tpu.memory_space<vmem>>) dst(%arg7 : memref<16xi32, #tpu.memory_space<hbm>>)
        tpu.yield
      }) : () -> ()
    }
    return
  }
}

#map = affine_map<(d0, d1) -> (0)>
module attributes {stable_mosaic.version = 14 : i64} {
  func.func @scan(%arg0: i32, %arg1: i32, %arg2: memref<80000xf32, #tpu.memory_space<hbm>>, %arg3: memref<128xi32, #tpu.memory_space<hbm>>, %arg4: memref<128xf32, #tpu.memory_space<hbm>>, %arg5: memref<16xf32, #tpu.memory_space<hbm>>, %arg6: memref<128xi32, #tpu.memory_space<hbm>>, %arg7: memref<16xi32, #tpu.memory_space<hbm>>, %arg8: memref<80016xf32, #tpu.memory_space<vmem>>, %arg9: memref<144xi32, #tpu.memory_space<vmem>>, %arg10: memref<144xf32, #tpu.memory_space<vmem>>, %arg11: memref<16xf32, #tpu.memory_space<vmem>>, %arg12: memref<128xi32, #tpu.memory_space<vmem>>, %arg13: memref<32xf32, #tpu.memory_space<vmem>>, %arg14: memref<16xi32, #tpu.memory_space<vmem>>) attributes {dimension_semantics = [#tpu.dimension_semantics<core_parallel>, #tpu.dimension_semantics<subcore_parallel>], iteration_bounds = array<i64: 2, 16>, scalar_prefetch = 0 : i64, scratch_operands = 7 : i64, tpu.core_type = #tpu.core_type<sc_vector_subcore>, window_params = [{transform_indices = #map}, {transform_indices = #map}, {transform_indices = #map}, {transform_indices = #map}, {transform_indices = #map}, {transform_indices = #map}]} {
    %mul3A = arith.constant 2 : i32
    %mul3A_0 = arith.muli %arg1, %mul3A : i32
    %add3A = arith.addi %mul3A_0, %arg0 : i32
    %eq3A = arith.constant 0 : i32
    %eq3A_1 = arith.cmpi eq, %add3A, %eq3A : i32
    %jit3A = arith.constant 1 : i32
    %jit3A_2 = arith.constant 0 : i32
    %select_n3A = arith.select %eq3A_1, %jit3A, %jit3A_2 : i32
    %while3A = arith.constant 0 : i32
    %while3A_3 = arith.constant 0 : i32
    %while3A_4 = arith.subi %select_n3A, %while3A_3 : i32
    %while3A_5 = arith.addi %while3A_3, %while3A_4 : i32
    %while3A_6 = arith.constant 1 : i32
    %while3A_7 = arith.divsi %while3A_4, %while3A_6 : i32
    %while3A_8 = arith.muli %while3A_7, %while3A_6 : i32
    %while3A_9 = arith.addi %while3A_3, %while3A_8 : i32
    %while3A_10 = arith.constant 1 : i32
    scf.for %while3A_102 = %while3A_3 to %while3A_9 step %while3A_10  : i32 {
      "tpu.region"() ({
        %run_scoped3A = tpu.sem_alloc : memref<!tpu.dma_semaphore, #tpu.memory_space<semaphore_mem>>
        %dma_start3A = arith.constant 0 : i32
        %dma_start3A_121 = tpu.memref_slice %arg8[%dma_start3A] : memref<80016xf32, #tpu.memory_space<vmem>> -> memref<80000xf32, #tpu.memory_space<vmem>>
        %dma_start3A_122 = arith.constant 0 : i32
        %dma_start3A_123 = tpu.memref_slice %arg8[%dma_start3A_122] : memref<80016xf32, #tpu.memory_space<vmem>> -> memref<80000xf32, #tpu.memory_space<vmem>>
        tpu.enqueue_dma source(%arg2 : memref<80000xf32, #tpu.memory_space<hbm>>) target(%dma_start3A_123 : memref<80000xf32, #tpu.memory_space<vmem>>) target_semaphore(%run_scoped3A : memref<!tpu.dma_semaphore, #tpu.memory_space<semaphore_mem>>)
        %dma_wait3A = arith.constant 0 : i32
        %dma_wait3A_124 = tpu.memref_slice %arg8[%dma_wait3A] : memref<80016xf32, #tpu.memory_space<vmem>> -> memref<80000xf32, #tpu.memory_space<vmem>>
        %dma_wait3A_125 = arith.constant 0 : i32
        %dma_wait3A_126 = tpu.memref_slice %arg8[%dma_wait3A_125] : memref<80016xf32, #tpu.memory_space<vmem>> -> memref<80000xf32, #tpu.memory_space<vmem>>
        tpu.wait_dma2 semaphore(%run_scoped3A : memref<!tpu.dma_semaphore, #tpu.memory_space<semaphore_mem>>) src(%arg2 : memref<80000xf32, #tpu.memory_space<hbm>>) dst(%dma_wait3A_126 : memref<80000xf32, #tpu.memory_space<vmem>>)
        tpu.yield
      }) : () -> ()
      "tpu.region"() ({
        %run_scoped3A = tpu.sem_alloc : memref<!tpu.dma_semaphore, #tpu.memory_space<semaphore_mem>>
        %dma_start3A = arith.constant 0 : i32
        %dma_start3A_121 = tpu.memref_slice %arg9[%dma_start3A] : memref<144xi32, #tpu.memory_space<vmem>> -> memref<128xi32, #tpu.memory_space<vmem>>
        %dma_start3A_122 = arith.constant 0 : i32
        %dma_start3A_123 = tpu.memref_slice %arg9[%dma_start3A_122] : memref<144xi32, #tpu.memory_space<vmem>> -> memref<128xi32, #tpu.memory_space<vmem>>
        tpu.enqueue_dma source(%arg3 : memref<128xi32, #tpu.memory_space<hbm>>) target(%dma_start3A_123 : memref<128xi32, #tpu.memory_space<vmem>>) target_semaphore(%run_scoped3A : memref<!tpu.dma_semaphore, #tpu.memory_space<semaphore_mem>>)
        %dma_wait3A = arith.constant 0 : i32
        %dma_wait3A_124 = tpu.memref_slice %arg9[%dma_wait3A] : memref<144xi32, #tpu.memory_space<vmem>> -> memref<128xi32, #tpu.memory_space<vmem>>
        %dma_wait3A_125 = arith.constant 0 : i32
        %dma_wait3A_126 = tpu.memref_slice %arg9[%dma_wait3A_125] : memref<144xi32, #tpu.memory_space<vmem>> -> memref<128xi32, #tpu.memory_space<vmem>>
        tpu.wait_dma2 semaphore(%run_scoped3A : memref<!tpu.dma_semaphore, #tpu.memory_space<semaphore_mem>>) src(%arg3 : memref<128xi32, #tpu.memory_space<hbm>>) dst(%dma_wait3A_126 : memref<128xi32, #tpu.memory_space<vmem>>)
        tpu.yield
      }) : () -> ()
      "tpu.region"() ({
        %run_scoped3A = tpu.sem_alloc : memref<!tpu.dma_semaphore, #tpu.memory_space<semaphore_mem>>
        %dma_start3A = arith.constant 0 : i32
        %dma_start3A_121 = tpu.memref_slice %arg10[%dma_start3A] : memref<144xf32, #tpu.memory_space<vmem>> -> memref<128xf32, #tpu.memory_space<vmem>>
        %dma_start3A_122 = arith.constant 0 : i32
        %dma_start3A_123 = tpu.memref_slice %arg10[%dma_start3A_122] : memref<144xf32, #tpu.memory_space<vmem>> -> memref<128xf32, #tpu.memory_space<vmem>>
        tpu.enqueue_dma source(%arg4 : memref<128xf32, #tpu.memory_space<hbm>>) target(%dma_start3A_123 : memref<128xf32, #tpu.memory_space<vmem>>) target_semaphore(%run_scoped3A : memref<!tpu.dma_semaphore, #tpu.memory_space<semaphore_mem>>)
        %dma_wait3A = arith.constant 0 : i32
        %dma_wait3A_124 = tpu.memref_slice %arg10[%dma_wait3A] : memref<144xf32, #tpu.memory_space<vmem>> -> memref<128xf32, #tpu.memory_space<vmem>>
        %dma_wait3A_125 = arith.constant 0 : i32
        %dma_wait3A_126 = tpu.memref_slice %arg10[%dma_wait3A_125] : memref<144xf32, #tpu.memory_space<vmem>> -> memref<128xf32, #tpu.memory_space<vmem>>
        tpu.wait_dma2 semaphore(%run_scoped3A : memref<!tpu.dma_semaphore, #tpu.memory_space<semaphore_mem>>) src(%arg4 : memref<128xf32, #tpu.memory_space<hbm>>) dst(%dma_wait3A_126 : memref<128xf32, #tpu.memory_space<vmem>>)
        tpu.yield
      }) : () -> ()
      "tpu.region"() ({
        %run_scoped3A = tpu.sem_alloc : memref<!tpu.dma_semaphore, #tpu.memory_space<semaphore_mem>>
        tpu.enqueue_dma source(%arg5 : memref<16xf32, #tpu.memory_space<hbm>>) target(%arg11 : memref<16xf32, #tpu.memory_space<vmem>>) target_semaphore(%run_scoped3A : memref<!tpu.dma_semaphore, #tpu.memory_space<semaphore_mem>>)
        tpu.wait_dma2 semaphore(%run_scoped3A : memref<!tpu.dma_semaphore, #tpu.memory_space<semaphore_mem>>) src(%arg5 : memref<16xf32, #tpu.memory_space<hbm>>) dst(%arg11 : memref<16xf32, #tpu.memory_space<vmem>>)
        tpu.yield
      }) : () -> ()
      %broadcast_in_dim3A_103 = arith.constant 0.000000e+00 : f32
      %broadcast_in_dim3A_104 = vector.broadcast %broadcast_in_dim3A_103 : f32 to vector<16xf32>
      %swap3A_105 = arith.constant 80000 : index
      %swap3A_106 = tpu.vector_load %arg8[%swap3A_105] {strides = array<i32>} : memref<80016xf32, #tpu.memory_space<vmem>>, vector<16xf32>,
      %swap3A_107 = vector.shape_cast %swap3A_106 : vector<16xf32> to vector<16xf32>
      %swap3A_108 = vector.shape_cast %broadcast_in_dim3A_104 : vector<16xf32> to vector<16xf32>
      tpu.vector_store %arg8[%swap3A_105], %swap3A_108 {strides = array<i32>} : memref<80016xf32, #tpu.memory_space<vmem>>, vector<16xf32>,
      %broadcast_in_dim3A_109 = arith.constant 0 : i32
      %broadcast_in_dim3A_110 = vector.broadcast %broadcast_in_dim3A_109 : i32 to vector<16xi32>
      %swap3A_111 = arith.constant 128 : index
      %swap3A_112 = tpu.vector_load %arg9[%swap3A_111] {strides = array<i32>} : memref<144xi32, #tpu.memory_space<vmem>>, vector<16xi32>,
      %swap3A_113 = vector.shape_cast %swap3A_112 : vector<16xi32> to vector<16xi32>
      %swap3A_114 = vector.shape_cast %broadcast_in_dim3A_110 : vector<16xi32> to vector<16xi32>
      tpu.vector_store %arg9[%swap3A_111], %swap3A_114 {strides = array<i32>} : memref<144xi32, #tpu.memory_space<vmem>>, vector<16xi32>,
      %broadcast_in_dim3A_115 = arith.constant -3.000000e+38 : f32
      %broadcast_in_dim3A_116 = vector.broadcast %broadcast_in_dim3A_115 : f32 to vector<16xf32>
      %swap3A_117 = arith.constant 128 : index
      %swap3A_118 = tpu.vector_load %arg10[%swap3A_117] {strides = array<i32>} : memref<144xf32, #tpu.memory_space<vmem>>, vector<16xf32>,
      %swap3A_119 = vector.shape_cast %swap3A_118 : vector<16xf32> to vector<16xf32>
      %swap3A_120 = vector.shape_cast %broadcast_in_dim3A_116 : vector<16xf32> to vector<16xf32>
      tpu.vector_store %arg10[%swap3A_117], %swap3A_120 {strides = array<i32>} : memref<144xf32, #tpu.memory_space<vmem>>, vector<16xf32>,
    }
    %while3A_11 = arith.constant 1 : i32
    scf.for %while3A_102 = %while3A_9 to %while3A_5 step %while3A_11  : i32 {
      "tpu.region"() ({
        %run_scoped3A = tpu.sem_alloc : memref<!tpu.dma_semaphore, #tpu.memory_space<semaphore_mem>>
        %dma_start3A = arith.constant 0 : i32
        %dma_start3A_121 = tpu.memref_slice %arg8[%dma_start3A] : memref<80016xf32, #tpu.memory_space<vmem>> -> memref<80000xf32, #tpu.memory_space<vmem>>
        %dma_start3A_122 = arith.constant 0 : i32
        %dma_start3A_123 = tpu.memref_slice %arg8[%dma_start3A_122] : memref<80016xf32, #tpu.memory_space<vmem>> -> memref<80000xf32, #tpu.memory_space<vmem>>
        tpu.enqueue_dma source(%arg2 : memref<80000xf32, #tpu.memory_space<hbm>>) target(%dma_start3A_123 : memref<80000xf32, #tpu.memory_space<vmem>>) target_semaphore(%run_scoped3A : memref<!tpu.dma_semaphore, #tpu.memory_space<semaphore_mem>>)
        %dma_wait3A = arith.constant 0 : i32
        %dma_wait3A_124 = tpu.memref_slice %arg8[%dma_wait3A] : memref<80016xf32, #tpu.memory_space<vmem>> -> memref<80000xf32, #tpu.memory_space<vmem>>
        %dma_wait3A_125 = arith.constant 0 : i32
        %dma_wait3A_126 = tpu.memref_slice %arg8[%dma_wait3A_125] : memref<80016xf32, #tpu.memory_space<vmem>> -> memref<80000xf32, #tpu.memory_space<vmem>>
        tpu.wait_dma2 semaphore(%run_scoped3A : memref<!tpu.dma_semaphore, #tpu.memory_space<semaphore_mem>>) src(%arg2 : memref<80000xf32, #tpu.memory_space<hbm>>) dst(%dma_wait3A_126 : memref<80000xf32, #tpu.memory_space<vmem>>)
        tpu.yield
      }) : () -> ()
      "tpu.region"() ({
        %run_scoped3A = tpu.sem_alloc : memref<!tpu.dma_semaphore, #tpu.memory_space<semaphore_mem>>
        %dma_start3A = arith.constant 0 : i32
        %dma_start3A_121 = tpu.memref_slice %arg9[%dma_start3A] : memref<144xi32, #tpu.memory_space<vmem>> -> memref<128xi32, #tpu.memory_space<vmem>>
        %dma_start3A_122 = arith.constant 0 : i32
        %dma_start3A_123 = tpu.memref_slice %arg9[%dma_start3A_122] : memref<144xi32, #tpu.memory_space<vmem>> -> memref<128xi32, #tpu.memory_space<vmem>>
        tpu.enqueue_dma source(%arg3 : memref<128xi32, #tpu.memory_space<hbm>>) target(%dma_start3A_123 : memref<128xi32, #tpu.memory_space<vmem>>) target_semaphore(%run_scoped3A : memref<!tpu.dma_semaphore, #tpu.memory_space<semaphore_mem>>)
        %dma_wait3A = arith.constant 0 : i32
        %dma_wait3A_124 = tpu.memref_slice %arg9[%dma_wait3A] : memref<144xi32, #tpu.memory_space<vmem>> -> memref<128xi32, #tpu.memory_space<vmem>>
        %dma_wait3A_125 = arith.constant 0 : i32
        %dma_wait3A_126 = tpu.memref_slice %arg9[%dma_wait3A_125] : memref<144xi32, #tpu.memory_space<vmem>> -> memref<128xi32, #tpu.memory_space<vmem>>
        tpu.wait_dma2 semaphore(%run_scoped3A : memref<!tpu.dma_semaphore, #tpu.memory_space<semaphore_mem>>) src(%arg3 : memref<128xi32, #tpu.memory_space<hbm>>) dst(%dma_wait3A_126 : memref<128xi32, #tpu.memory_space<vmem>>)
        tpu.yield
      }) : () -> ()
      "tpu.region"() ({
        %run_scoped3A = tpu.sem_alloc : memref<!tpu.dma_semaphore, #tpu.memory_space<semaphore_mem>>
        %dma_start3A = arith.constant 0 : i32
        %dma_start3A_121 = tpu.memref_slice %arg10[%dma_start3A] : memref<144xf32, #tpu.memory_space<vmem>> -> memref<128xf32, #tpu.memory_space<vmem>>
        %dma_start3A_122 = arith.constant 0 : i32
        %dma_start3A_123 = tpu.memref_slice %arg10[%dma_start3A_122] : memref<144xf32, #tpu.memory_space<vmem>> -> memref<128xf32, #tpu.memory_space<vmem>>
        tpu.enqueue_dma source(%arg4 : memref<128xf32, #tpu.memory_space<hbm>>) target(%dma_start3A_123 : memref<128xf32, #tpu.memory_space<vmem>>) target_semaphore(%run_scoped3A : memref<!tpu.dma_semaphore, #tpu.memory_space<semaphore_mem>>)
        %dma_wait3A = arith.constant 0 : i32
        %dma_wait3A_124 = tpu.memref_slice %arg10[%dma_wait3A] : memref<144xf32, #tpu.memory_space<vmem>> -> memref<128xf32, #tpu.memory_space<vmem>>
        %dma_wait3A_125 = arith.constant 0 : i32
        %dma_wait3A_126 = tpu.memref_slice %arg10[%dma_wait3A_125] : memref<144xf32, #tpu.memory_space<vmem>> -> memref<128xf32, #tpu.memory_space<vmem>>
        tpu.wait_dma2 semaphore(%run_scoped3A : memref<!tpu.dma_semaphore, #tpu.memory_space<semaphore_mem>>) src(%arg4 : memref<128xf32, #tpu.memory_space<hbm>>) dst(%dma_wait3A_126 : memref<128xf32, #tpu.memory_space<vmem>>)
        tpu.yield
      }) : () -> ()
      "tpu.region"() ({
        %run_scoped3A = tpu.sem_alloc : memref<!tpu.dma_semaphore, #tpu.memory_space<semaphore_mem>>
        tpu.enqueue_dma source(%arg5 : memref<16xf32, #tpu.memory_space<hbm>>) target(%arg11 : memref<16xf32, #tpu.memory_space<vmem>>) target_semaphore(%run_scoped3A : memref<!tpu.dma_semaphore, #tpu.memory_space<semaphore_mem>>)
        tpu.wait_dma2 semaphore(%run_scoped3A : memref<!tpu.dma_semaphore, #tpu.memory_space<semaphore_mem>>) src(%arg5 : memref<16xf32, #tpu.memory_space<hbm>>) dst(%arg11 : memref<16xf32, #tpu.memory_space<vmem>>)
        tpu.yield
      }) : () -> ()
      %broadcast_in_dim3A_103 = arith.constant 0.000000e+00 : f32
      %broadcast_in_dim3A_104 = vector.broadcast %broadcast_in_dim3A_103 : f32 to vector<16xf32>
      %swap3A_105 = arith.constant 80000 : index
      %swap3A_106 = tpu.vector_load %arg8[%swap3A_105] {strides = array<i32>} : memref<80016xf32, #tpu.memory_space<vmem>>, vector<16xf32>,
      %swap3A_107 = vector.shape_cast %swap3A_106 : vector<16xf32> to vector<16xf32>
      %swap3A_108 = vector.shape_cast %broadcast_in_dim3A_104 : vector<16xf32> to vector<16xf32>
      tpu.vector_store %arg8[%swap3A_105], %swap3A_108 {strides = array<i32>} : memref<80016xf32, #tpu.memory_space<vmem>>, vector<16xf32>,
      %broadcast_in_dim3A_109 = arith.constant 0 : i32
      %broadcast_in_dim3A_110 = vector.broadcast %broadcast_in_dim3A_109 : i32 to vector<16xi32>
      %swap3A_111 = arith.constant 128 : index
      %swap3A_112 = tpu.vector_load %arg9[%swap3A_111] {strides = array<i32>} : memref<144xi32, #tpu.memory_space<vmem>>, vector<16xi32>,
      %swap3A_113 = vector.shape_cast %swap3A_112 : vector<16xi32> to vector<16xi32>
      %swap3A_114 = vector.shape_cast %broadcast_in_dim3A_110 : vector<16xi32> to vector<16xi32>
      tpu.vector_store %arg9[%swap3A_111], %swap3A_114 {strides = array<i32>} : memref<144xi32, #tpu.memory_space<vmem>>, vector<16xi32>,
      %broadcast_in_dim3A_115 = arith.constant -3.000000e+38 : f32
      %broadcast_in_dim3A_116 = vector.broadcast %broadcast_in_dim3A_115 : f32 to vector<16xf32>
      %swap3A_117 = arith.constant 128 : index
      %swap3A_118 = tpu.vector_load %arg10[%swap3A_117] {strides = array<i32>} : memref<144xf32, #tpu.memory_space<vmem>>, vector<16xf32>,
      %swap3A_119 = vector.shape_cast %swap3A_118 : vector<16xf32> to vector<16xf32>
      %swap3A_120 = vector.shape_cast %broadcast_in_dim3A_116 : vector<16xf32> to vector<16xf32>
      tpu.vector_store %arg10[%swap3A_117], %swap3A_120 {strides = array<i32>} : memref<144xf32, #tpu.memory_space<vmem>>, vector<16xf32>,
    }
    %get3A = arith.constant 0 : index
    %get3A_12 = tpu.vector_load %arg11[%get3A] {strides = array<i32>} : memref<16xf32, #tpu.memory_space<vmem>>, vector<16xf32>,
    %get3A_13 = vector.shape_cast %get3A_12 : vector<16xf32> to vector<16xf32>
    %slice3A = vector.extract_strided_slice %get3A_13 {offsets = [0], sizes = [1], strides = [1]} : vector<16xf32> to vector<1xf32>
    %squeeze3A = vector.extract %slice3A[0] : f32 from vector<1xf32>
    %slice3A_14 = vector.extract_strided_slice %get3A_13 {offsets = [1], sizes = [1], strides = [1]} : vector<16xf32> to vector<1xf32>
    %squeeze3A_15 = vector.extract %slice3A_14[0] : f32 from vector<1xf32>
    %slice3A_16 = vector.extract_strided_slice %get3A_13 {offsets = [2], sizes = [1], strides = [1]} : vector<16xf32> to vector<1xf32>
    %squeeze3A_17 = vector.extract %slice3A_16[0] : f32 from vector<1xf32>
    %convert_element_type3A = arith.fptosi %squeeze3A_17 : f32 to i32
    %min3A = arith.constant 112 : i32
    %min3A_18 = arith.minsi %convert_element_type3A, %min3A : i32
    %iota3A = tpu.iota {dimensions = array<i32: 0>} : vector<16xi32>
    %convert_element_type3A_19 = arith.sitofp %iota3A : vector<16xi32> to vector<16xf32>
    %sub3A = arith.constant 1 : i32
    %sub3A_20 = vector.broadcast %sub3A : i32 to vector<16xi32>
    %sub3A_21 = arith.subi %sub3A_20, %iota3A : vector<16xi32>
    %max3A = arith.constant 0 : i32
    %max3A_22 = vector.broadcast %max3A : i32 to vector<16xi32>
    %max3A_23 = arith.maxsi %sub3A_21, %max3A_22 : vector<16xi32>
    %broadcast_in_dim3A = arith.constant 2.000000e+09 : f32
    %broadcast_in_dim3A_24 = vector.broadcast %broadcast_in_dim3A : f32 to vector<16xf32>
    %broadcast_in_dim3A_25 = arith.constant 0 : i32
    %broadcast_in_dim3A_26 = vector.broadcast %broadcast_in_dim3A_25 : i32 to vector<16xi32>
    %swap3A = arith.constant 0 : index
    %swap3A_27 = tpu.vector_load %arg12[%swap3A] {strides = array<i32>} : memref<128xi32, #tpu.memory_space<vmem>>, vector<16xi32>,
    %swap3A_28 = vector.shape_cast %swap3A_27 : vector<16xi32> to vector<16xi32>
    %swap3A_29 = vector.shape_cast %broadcast_in_dim3A_26 : vector<16xi32> to vector<16xi32>
    tpu.vector_store %arg12[%swap3A], %swap3A_29 {strides = array<i32>} : memref<128xi32, #tpu.memory_space<vmem>>, vector<16xi32>,
    %broadcast_in_dim3A_30 = arith.constant 0 : i32
    %broadcast_in_dim3A_31 = vector.broadcast %broadcast_in_dim3A_30 : i32 to vector<16xi32>
    %swap3A_32 = arith.constant 16 : index
    %swap3A_33 = tpu.vector_load %arg12[%swap3A_32] {strides = array<i32>} : memref<128xi32, #tpu.memory_space<vmem>>, vector<16xi32>,
    %swap3A_34 = vector.shape_cast %swap3A_33 : vector<16xi32> to vector<16xi32>
    %swap3A_35 = vector.shape_cast %broadcast_in_dim3A_31 : vector<16xi32> to vector<16xi32>
    tpu.vector_store %arg12[%swap3A_32], %swap3A_35 {strides = array<i32>} : memref<128xi32, #tpu.memory_space<vmem>>, vector<16xi32>,
    %broadcast_in_dim3A_36 = arith.constant 0 : i32
    %broadcast_in_dim3A_37 = vector.broadcast %broadcast_in_dim3A_36 : i32 to vector<16xi32>
    %swap3A_38 = arith.constant 32 : index
    %swap3A_39 = tpu.vector_load %arg12[%swap3A_38] {strides = array<i32>} : memref<128xi32, #tpu.memory_space<vmem>>, vector<16xi32>,
    %swap3A_40 = vector.shape_cast %swap3A_39 : vector<16xi32> to vector<16xi32>
    %swap3A_41 = vector.shape_cast %broadcast_in_dim3A_37 : vector<16xi32> to vector<16xi32>
    tpu.vector_store %arg12[%swap3A_38], %swap3A_41 {strides = array<i32>} : memref<128xi32, #tpu.memory_space<vmem>>, vector<16xi32>,
    %broadcast_in_dim3A_42 = arith.constant 0 : i32
    %broadcast_in_dim3A_43 = vector.broadcast %broadcast_in_dim3A_42 : i32 to vector<16xi32>
    %swap3A_44 = arith.constant 48 : index
    %swap3A_45 = tpu.vector_load %arg12[%swap3A_44] {strides = array<i32>} : memref<128xi32, #tpu.memory_space<vmem>>, vector<16xi32>,
    %swap3A_46 = vector.shape_cast %swap3A_45 : vector<16xi32> to vector<16xi32>
    %swap3A_47 = vector.shape_cast %broadcast_in_dim3A_43 : vector<16xi32> to vector<16xi32>
    tpu.vector_store %arg12[%swap3A_44], %swap3A_47 {strides = array<i32>} : memref<128xi32, #tpu.memory_space<vmem>>, vector<16xi32>,
    %broadcast_in_dim3A_48 = arith.constant 0 : i32
    %broadcast_in_dim3A_49 = vector.broadcast %broadcast_in_dim3A_48 : i32 to vector<16xi32>
    %swap3A_50 = arith.constant 64 : index
    %swap3A_51 = tpu.vector_load %arg12[%swap3A_50] {strides = array<i32>} : memref<128xi32, #tpu.memory_space<vmem>>, vector<16xi32>,
    %swap3A_52 = vector.shape_cast %swap3A_51 : vector<16xi32> to vector<16xi32>
    %swap3A_53 = vector.shape_cast %broadcast_in_dim3A_49 : vector<16xi32> to vector<16xi32>
    tpu.vector_store %arg12[%swap3A_50], %swap3A_53 {strides = array<i32>} : memref<128xi32, #tpu.memory_space<vmem>>, vector<16xi32>,
    %broadcast_in_dim3A_54 = arith.constant 0 : i32
    %broadcast_in_dim3A_55 = vector.broadcast %broadcast_in_dim3A_54 : i32 to vector<16xi32>
    %swap3A_56 = arith.constant 80 : index
    %swap3A_57 = tpu.vector_load %arg12[%swap3A_56] {strides = array<i32>} : memref<128xi32, #tpu.memory_space<vmem>>, vector<16xi32>,
    %swap3A_58 = vector.shape_cast %swap3A_57 : vector<16xi32> to vector<16xi32>
    %swap3A_59 = vector.shape_cast %broadcast_in_dim3A_55 : vector<16xi32> to vector<16xi32>
    tpu.vector_store %arg12[%swap3A_56], %swap3A_59 {strides = array<i32>} : memref<128xi32, #tpu.memory_space<vmem>>, vector<16xi32>,
    %broadcast_in_dim3A_60 = arith.constant 0 : i32
    %broadcast_in_dim3A_61 = vector.broadcast %broadcast_in_dim3A_60 : i32 to vector<16xi32>
    %swap3A_62 = arith.constant 96 : index
    %swap3A_63 = tpu.vector_load %arg12[%swap3A_62] {strides = array<i32>} : memref<128xi32, #tpu.memory_space<vmem>>, vector<16xi32>,
    %swap3A_64 = vector.shape_cast %swap3A_63 : vector<16xi32> to vector<16xi32>
    %swap3A_65 = vector.shape_cast %broadcast_in_dim3A_61 : vector<16xi32> to vector<16xi32>
    tpu.vector_store %arg12[%swap3A_62], %swap3A_65 {strides = array<i32>} : memref<128xi32, #tpu.memory_space<vmem>>, vector<16xi32>,
    %broadcast_in_dim3A_66 = arith.constant 0 : i32
    %broadcast_in_dim3A_67 = vector.broadcast %broadcast_in_dim3A_66 : i32 to vector<16xi32>
    %swap3A_68 = arith.constant 112 : index
    %swap3A_69 = tpu.vector_load %arg12[%swap3A_68] {strides = array<i32>} : memref<128xi32, #tpu.memory_space<vmem>>, vector<16xi32>,
    %swap3A_70 = vector.shape_cast %swap3A_69 : vector<16xi32> to vector<16xi32>
    %swap3A_71 = vector.shape_cast %broadcast_in_dim3A_67 : vector<16xi32> to vector<16xi32>
    tpu.vector_store %arg12[%swap3A_68], %swap3A_71 {strides = array<i32>} : memref<128xi32, #tpu.memory_space<vmem>>, vector<16xi32>,
    %broadcast_in_dim3A_72 = arith.constant -3.000000e+38 : f32
    %broadcast_in_dim3A_73 = vector.broadcast %broadcast_in_dim3A_72 : f32 to vector<16xf32>
    %swap3A_74 = arith.constant 16 : index
    %swap3A_75 = tpu.vector_load %arg13[%swap3A_74] {strides = array<i32>} : memref<32xf32, #tpu.memory_space<vmem>>, vector<16xf32>,
    %swap3A_76 = vector.shape_cast %swap3A_75 : vector<16xf32> to vector<16xf32>
    %swap3A_77 = vector.shape_cast %broadcast_in_dim3A_73 : vector<16xf32> to vector<16xf32>
    tpu.vector_store %arg13[%swap3A_74], %swap3A_77 {strides = array<i32>} : memref<32xf32, #tpu.memory_space<vmem>>, vector<16xf32>,
    %mul3A_78 = arith.constant 1 : i32
    %mul3A_79 = arith.muli %mul3A_78, %select_n3A : i32
    %while3A_80 = arith.constant 0 : i32
    %while3A_81 = arith.constant 0 : i32
    %while3A_82 = arith.subi %mul3A_79, %while3A_80 : i32
    %while3A_83 = arith.addi %while3A_80, %while3A_82 : i32
    %while3A_84 = arith.constant 1 : i32
    %while3A_85 = arith.divsi %while3A_82, %while3A_84 : i32
    %while3A_86 = arith.muli %while3A_85, %while3A_84 : i32
    %while3A_87 = arith.addi %while3A_80, %while3A_86 : i32
    %while3A_88 = arith.constant 1 : i32
    %while3A_89:29 = scf.for %while3A_102 = %while3A_80 to %while3A_87 step %while3A_88 iter_args(%while3A_103 = %while3A_81, %while3A_104 = %broadcast_in_dim3A_24, %while3A_105 = %broadcast_in_dim3A_24, %while3A_106 = %broadcast_in_dim3A_24, %while3A_107 = %broadcast_in_dim3A_24, %while3A_108 = %broadcast_in_dim3A_24, %while3A_109 = %broadcast_in_dim3A_24, %while3A_110 = %broadcast_in_dim3A_24, %while3A_111 = %broadcast_in_dim3A_24, %while3A_112 = %broadcast_in_dim3A_24, %while3A_113 = %broadcast_in_dim3A_24, %while3A_114 = %broadcast_in_dim3A_24, %while3A_115 = %broadcast_in_dim3A_24, %while3A_116 = %broadcast_in_dim3A_24, %while3A_117 = %broadcast_in_dim3A_24, %while3A_118 = %broadcast_in_dim3A_24, %while3A_119 = %broadcast_in_dim3A_24, %while3A_120 = %broadcast_in_dim3A_24, %while3A_121 = %broadcast_in_dim3A_24, %while3A_122 = %broadcast_in_dim3A_24, %while3A_123 = %broadcast_in_dim3A_24, %while3A_124 = %broadcast_in_dim3A_24, %while3A_125 = %broadcast_in_dim3A_24, %while3A_126 = %broadcast_in_dim3A_24, %while3A_127 = %broadcast_in_dim3A_24, %while3A_128 = %broadcast_in_dim3A_24, %while3A_129 = %broadcast_in_dim3A_24, %while3A_130 = %broadcast_in_dim3A_24, %while3A_131 = %broadcast_in_dim3A_24) -> (i32, vector<16xf32>, vector<16xf32>, vector<16xf32>, vector<16xf32>, vector<16xf32>, vector<16xf32>, vector<16xf32>, vector<16xf32>, vector<16xf32>, vector<16xf32>, vector<16xf32>, vector<16xf32>, vector<16xf32>, vector<16xf32>, vector<16xf32>, vector<16xf32>, vector<16xf32>, vector<16xf32>, vector<16xf32>, vector<16xf32>, vector<16xf32>, vector<16xf32>, vector<16xf32>, vector<16xf32>, vector<16xf32>, vector<16xf32>, vector<16xf32>, vector<16xf32>)  : i32 {
      %mul3A_132 = arith.constant 128 : i32
      %mul3A_133 = arith.muli %while3A_102, %mul3A_132 : i32
      %get3A_134 = arith.index_cast %mul3A_133 : i32 to index
      %get3A_135 = tpu.vector_load %arg10[%get3A_134] {strides = array<i32>} : memref<144xf32, #tpu.memory_space<vmem>>, vector<16xf32>,
      %get3A_136 = vector.shape_cast %get3A_135 : vector<16xf32> to vector<16xf32>
      %slice3A_137 = vector.extract_strided_slice %get3A_136 {offsets = [0], sizes = [1], strides = [1]} : vector<16xf32> to vector<1xf32>
      %squeeze3A_138 = vector.extract %slice3A_137[0] : f32 from vector<1xf32>
      %lt3A = arith.cmpi slt, %while3A_103, %min3A_18 : i32
      %gt3A = arith.cmpf ogt, %squeeze3A_138, %squeeze3A_15 : f32
      %and3A = arith.andi %lt3A, %gt3A : i1
      %jit3A_139 = arith.constant 128 : i32
      %jit3A_140 = arith.constant 0 : i32
      %select_n3A_141 = arith.select %and3A, %jit3A_139, %jit3A_140 : i32
      %while3A_142 = arith.constant 0 : i32
      %while3A_143 = arith.subi %select_n3A_141, %while3A_142 : i32
      %while3A_144 = arith.addi %while3A_142, %while3A_143 : i32
      %while3A_145 = arith.constant 1 : i32
      %while3A_146 = arith.divsi %while3A_143, %while3A_145 : i32
      %while3A_147 = arith.muli %while3A_146, %while3A_145 : i32
      %while3A_148 = arith.addi %while3A_142, %while3A_147 : i32
      %while3A_149 = arith.constant 1 : i32
      %while3A_150:29 = scf.for %while3A_153 = %while3A_142 to %while3A_148 step %while3A_149 iter_args(%while3A_154 = %while3A_103, %while3A_155 = %while3A_104, %while3A_156 = %while3A_105, %while3A_157 = %while3A_106, %while3A_158 = %while3A_107, %while3A_159 = %while3A_108, %while3A_160 = %while3A_109, %while3A_161 = %while3A_110, %while3A_162 = %while3A_111, %while3A_163 = %while3A_112, %while3A_164 = %while3A_113, %while3A_165 = %while3A_114, %while3A_166 = %while3A_115, %while3A_167 = %while3A_116, %while3A_168 = %while3A_117, %while3A_169 = %while3A_118, %while3A_170 = %while3A_119, %while3A_171 = %while3A_120, %while3A_172 = %while3A_121, %while3A_173 = %while3A_122, %while3A_174 = %while3A_123, %while3A_175 = %while3A_124, %while3A_176 = %while3A_125, %while3A_177 = %while3A_126, %while3A_178 = %while3A_127, %while3A_179 = %while3A_128, %while3A_180 = %while3A_129, %while3A_181 = %while3A_130, %while3A_182 = %while3A_131) -> (i32, vector<16xf32>, vector<16xf32>, vector<16xf32>, vector<16xf32>, vector<16xf32>, vector<16xf32>, vector<16xf32>, vector<16xf32>, vector<16xf32>, vector<16xf32>, vector<16xf32>, vector<16xf32>, vector<16xf32>, vector<16xf32>, vector<16xf32>, vector<16xf32>, vector<16xf32>, vector<16xf32>, vector<16xf32>, vector<16xf32>, vector<16xf32>, vector<16xf32>, vector<16xf32>, vector<16xf32>, vector<16xf32>, vector<16xf32>, vector<16xf32>, vector<16xf32>)  : i32 {
        %add3A_183 = arith.addi %mul3A_133, %while3A_153 : i32
        %get3A_184 = arith.index_cast %add3A_183 : i32 to index
        %get3A_185 = tpu.vector_load %arg10[%get3A_184] {strides = array<i32>} : memref<144xf32, #tpu.memory_space<vmem>>, vector<16xf32>,
        %get3A_186 = vector.shape_cast %get3A_185 : vector<16xf32> to vector<16xf32>
        %slice3A_187 = vector.extract_strided_slice %get3A_186 {offsets = [0], sizes = [1], strides = [1]} : vector<16xf32> to vector<1xf32>
        %squeeze3A_188 = vector.extract %slice3A_187[0] : f32 from vector<1xf32>
        %get3A_189 = arith.index_cast %add3A_183 : i32 to index
        %get3A_190 = tpu.vector_load %arg9[%get3A_189] {strides = array<i32>} : memref<144xi32, #tpu.memory_space<vmem>>, vector<16xi32>,
        %get3A_191 = vector.shape_cast %get3A_190 : vector<16xi32> to vector<16xi32>
        %slice3A_192 = vector.extract_strided_slice %get3A_191 {offsets = [0], sizes = [1], strides = [1]} : vector<16xi32> to vector<1xi32>
        %squeeze3A_193 = vector.extract %slice3A_192[0] : i32 from vector<1xi32>
        %mul3A_194 = arith.constant 4 : i32
        %mul3A_195 = arith.muli %squeeze3A_193, %mul3A_194 : i32
        %get3A_196 = arith.index_cast %mul3A_195 : i32 to index
        %get3A_197 = tpu.vector_load %arg8[%get3A_196] {strides = array<i32>} : memref<80016xf32, #tpu.memory_space<vmem>>, vector<16xf32>,
        %get3A_198 = vector.shape_cast %get3A_197 : vector<16xf32> to vector<16xf32>
        %slice3A_199 = vector.extract_strided_slice %get3A_198 {offsets = [0], sizes = [1], strides = [1]} : vector<16xf32> to vector<1xf32>
        %squeeze3A_200 = vector.extract %slice3A_199[0] : f32 from vector<1xf32>
        %slice3A_201 = vector.extract_strided_slice %get3A_198 {offsets = [1], sizes = [1], strides = [1]} : vector<16xf32> to vector<1xf32>
        %squeeze3A_202 = vector.extract %slice3A_201[0] : f32 from vector<1xf32>
        %slice3A_203 = vector.extract_strided_slice %get3A_198 {offsets = [2], sizes = [1], strides = [1]} : vector<16xf32> to vector<1xf32>
        %squeeze3A_204 = vector.extract %slice3A_203[0] : f32 from vector<1xf32>
        %slice3A_205 = vector.extract_strided_slice %get3A_198 {offsets = [3], sizes = [1], strides = [1]} : vector<16xf32> to vector<1xf32>
        %squeeze3A_206 = vector.extract %slice3A_205[0] : f32 from vector<1xf32>
        %sub3A_207 = arith.subf %squeeze3A_204, %squeeze3A_200 : f32
        %sub3A_208 = arith.subf %squeeze3A_206, %squeeze3A_202 : f32
        %mul3A_209 = arith.mulf %sub3A_207, %sub3A_208 : f32
        %broadcast_in_dim3A_210 = arith.constant -1.000000e+00 : f32
        %broadcast_in_dim3A_211 = vector.broadcast %broadcast_in_dim3A_210 : f32 to vector<16xf32>
        %sub3A_212 = arith.subf %while3A_157, %while3A_155 : vector<16xf32>
        %sub3A_213 = arith.subf %while3A_158, %while3A_156 : vector<16xf32>
        %mul3A_214 = arith.mulf %sub3A_212, %sub3A_213 : vector<16xf32>
        %max3A_215 = vector.broadcast %squeeze3A_200 : f32 to vector<16xf32>
        %max3A_216 = arith.maximumf %max3A_215, %while3A_155 : vector<16xf32>
        %max3A_217 = vector.broadcast %squeeze3A_202 : f32 to vector<16xf32>
        %max3A_218 = arith.maximumf %max3A_217, %while3A_156 : vector<16xf32>
        %min3A_219 = vector.broadcast %squeeze3A_204 : f32 to vector<16xf32>
        %min3A_220 = arith.minimumf %min3A_219, %while3A_157 : vector<16xf32>
        %min3A_221 = vector.broadcast %squeeze3A_206 : f32 to vector<16xf32>
        %min3A_222 = arith.minimumf %min3A_221, %while3A_158 : vector<16xf32>
        %sub3A_223 = arith.subf %min3A_220, %max3A_216 : vector<16xf32>
        %max3A_224 = arith.constant 0.000000e+00 : f32
        %max3A_225 = vector.broadcast %max3A_224 : f32 to vector<16xf32>
        %max3A_226 = arith.maximumf %sub3A_223, %max3A_225 : vector<16xf32>
        %sub3A_227 = arith.subf %min3A_222, %max3A_218 : vector<16xf32>
        %max3A_228 = arith.constant 0.000000e+00 : f32
        %max3A_229 = vector.broadcast %max3A_228 : f32 to vector<16xf32>
        %max3A_230 = arith.maximumf %sub3A_227, %max3A_229 : vector<16xf32>
        %mul3A_231 = arith.mulf %max3A_226, %max3A_230 : vector<16xf32>
        %add3A_232 = vector.broadcast %mul3A_209 : f32 to vector<16xf32>
        %add3A_233 = arith.addf %add3A_232, %mul3A_214 : vector<16xf32>
        %sub3A_234 = arith.subf %add3A_233, %mul3A_231 : vector<16xf32>
        %max3A_235 = arith.constant 9.99999997E-7 : f32
        %max3A_236 = vector.broadcast %max3A_235 : f32 to vector<16xf32>
        %max3A_237 = arith.maximumf %sub3A_234, %max3A_236 : vector<16xf32>
        %mul3A_238 = vector.broadcast %squeeze3A : f32 to vector<16xf32>
        %mul3A_239 = arith.mulf %mul3A_238, %max3A_237 : vector<16xf32>
        %sub3A_240 = arith.subf %mul3A_231, %mul3A_239 : vector<16xf32>
        %max3A_241 = arith.maximumf %broadcast_in_dim3A_211, %sub3A_240 : vector<16xf32>
        %sub3A_242 = arith.subf %while3A_161, %while3A_159 : vector<16xf32>
        %sub3A_243 = arith.subf %while3A_162, %while3A_160 : vector<16xf32>
        %mul3A_244 = arith.mulf %sub3A_242, %sub3A_243 : vector<16xf32>
        %max3A_245 = vector.broadcast %squeeze3A_200 : f32 to vector<16xf32>
        %max3A_246 = arith.maximumf %max3A_245, %while3A_159 : vector<16xf32>
        %max3A_247 = vector.broadcast %squeeze3A_202 : f32 to vector<16xf32>
        %max3A_248 = arith.maximumf %max3A_247, %while3A_160 : vector<16xf32>
        %min3A_249 = vector.broadcast %squeeze3A_204 : f32 to vector<16xf32>
        %min3A_250 = arith.minimumf %min3A_249, %while3A_161 : vector<16xf32>
        %min3A_251 = vector.broadcast %squeeze3A_206 : f32 to vector<16xf32>
        %min3A_252 = arith.minimumf %min3A_251, %while3A_162 : vector<16xf32>
        %sub3A_253 = arith.subf %min3A_250, %max3A_246 : vector<16xf32>
        %max3A_254 = arith.constant 0.000000e+00 : f32
        %max3A_255 = vector.broadcast %max3A_254 : f32 to vector<16xf32>
        %max3A_256 = arith.maximumf %sub3A_253, %max3A_255 : vector<16xf32>
        %sub3A_257 = arith.subf %min3A_252, %max3A_248 : vector<16xf32>
        %max3A_258 = arith.constant 0.000000e+00 : f32
        %max3A_259 = vector.broadcast %max3A_258 : f32 to vector<16xf32>
        %max3A_260 = arith.maximumf %sub3A_257, %max3A_259 : vector<16xf32>
        %mul3A_261 = arith.mulf %max3A_256, %max3A_260 : vector<16xf32>
        %add3A_262 = vector.broadcast %mul3A_209 : f32 to vector<16xf32>
        %add3A_263 = arith.addf %add3A_262, %mul3A_244 : vector<16xf32>
        %sub3A_264 = arith.subf %add3A_263, %mul3A_261 : vector<16xf32>
        %max3A_265 = arith.constant 9.99999997E-7 : f32
        %max3A_266 = vector.broadcast %max3A_265 : f32 to vector<16xf32>
        %max3A_267 = arith.maximumf %sub3A_264, %max3A_266 : vector<16xf32>
        %mul3A_268 = vector.broadcast %squeeze3A : f32 to vector<16xf32>
        %mul3A_269 = arith.mulf %mul3A_268, %max3A_267 : vector<16xf32>
        %sub3A_270 = arith.subf %mul3A_261, %mul3A_269 : vector<16xf32>
        %max3A_271 = arith.maximumf %max3A_241, %sub3A_270 : vector<16xf32>
        %sub3A_272 = arith.subf %while3A_165, %while3A_163 : vector<16xf32>
        %sub3A_273 = arith.subf %while3A_166, %while3A_164 : vector<16xf32>
        %mul3A_274 = arith.mulf %sub3A_272, %sub3A_273 : vector<16xf32>
        %max3A_275 = vector.broadcast %squeeze3A_200 : f32 to vector<16xf32>
        %max3A_276 = arith.maximumf %max3A_275, %while3A_163 : vector<16xf32>
        %max3A_277 = vector.broadcast %squeeze3A_202 : f32 to vector<16xf32>
        %max3A_278 = arith.maximumf %max3A_277, %while3A_164 : vector<16xf32>
        %min3A_279 = vector.broadcast %squeeze3A_204 : f32 to vector<16xf32>
        %min3A_280 = arith.minimumf %min3A_279, %while3A_165 : vector<16xf32>
        %min3A_281 = vector.broadcast %squeeze3A_206 : f32 to vector<16xf32>
        %min3A_282 = arith.minimumf %min3A_281, %while3A_166 : vector<16xf32>
        %sub3A_283 = arith.subf %min3A_280, %max3A_276 : vector<16xf32>
        %max3A_284 = arith.constant 0.000000e+00 : f32
        %max3A_285 = vector.broadcast %max3A_284 : f32 to vector<16xf32>
        %max3A_286 = arith.maximumf %sub3A_283, %max3A_285 : vector<16xf32>
        %sub3A_287 = arith.subf %min3A_282, %max3A_278 : vector<16xf32>
        %max3A_288 = arith.constant 0.000000e+00 : f32
        %max3A_289 = vector.broadcast %max3A_288 : f32 to vector<16xf32>
        %max3A_290 = arith.maximumf %sub3A_287, %max3A_289 : vector<16xf32>
        %mul3A_291 = arith.mulf %max3A_286, %max3A_290 : vector<16xf32>
        %add3A_292 = vector.broadcast %mul3A_209 : f32 to vector<16xf32>
        %add3A_293 = arith.addf %add3A_292, %mul3A_274 : vector<16xf32>
        %sub3A_294 = arith.subf %add3A_293, %mul3A_291 : vector<16xf32>
        %max3A_295 = arith.constant 9.99999997E-7 : f32
        %max3A_296 = vector.broadcast %max3A_295 : f32 to vector<16xf32>
        %max3A_297 = arith.maximumf %sub3A_294, %max3A_296 : vector<16xf32>
        %mul3A_298 = vector.broadcast %squeeze3A : f32 to vector<16xf32>
        %mul3A_299 = arith.mulf %mul3A_298, %max3A_297 : vector<16xf32>
        %sub3A_300 = arith.subf %mul3A_291, %mul3A_299 : vector<16xf32>
        %max3A_301 = arith.maximumf %max3A_271, %sub3A_300 : vector<16xf32>
        %sub3A_302 = arith.subf %while3A_169, %while3A_167 : vector<16xf32>
        %sub3A_303 = arith.subf %while3A_170, %while3A_168 : vector<16xf32>
        %mul3A_304 = arith.mulf %sub3A_302, %sub3A_303 : vector<16xf32>
        %max3A_305 = vector.broadcast %squeeze3A_200 : f32 to vector<16xf32>
        %max3A_306 = arith.maximumf %max3A_305, %while3A_167 : vector<16xf32>
        %max3A_307 = vector.broadcast %squeeze3A_202 : f32 to vector<16xf32>
        %max3A_308 = arith.maximumf %max3A_307, %while3A_168 : vector<16xf32>
        %min3A_309 = vector.broadcast %squeeze3A_204 : f32 to vector<16xf32>
        %min3A_310 = arith.minimumf %min3A_309, %while3A_169 : vector<16xf32>
        %min3A_311 = vector.broadcast %squeeze3A_206 : f32 to vector<16xf32>
        %min3A_312 = arith.minimumf %min3A_311, %while3A_170 : vector<16xf32>
        %sub3A_313 = arith.subf %min3A_310, %max3A_306 : vector<16xf32>
        %max3A_314 = arith.constant 0.000000e+00 : f32
        %max3A_315 = vector.broadcast %max3A_314 : f32 to vector<16xf32>
        %max3A_316 = arith.maximumf %sub3A_313, %max3A_315 : vector<16xf32>
        %sub3A_317 = arith.subf %min3A_312, %max3A_308 : vector<16xf32>
        %max3A_318 = arith.constant 0.000000e+00 : f32
        %max3A_319 = vector.broadcast %max3A_318 : f32 to vector<16xf32>
        %max3A_320 = arith.maximumf %sub3A_317, %max3A_319 : vector<16xf32>
        %mul3A_321 = arith.mulf %max3A_316, %max3A_320 : vector<16xf32>
        %add3A_322 = vector.broadcast %mul3A_209 : f32 to vector<16xf32>
        %add3A_323 = arith.addf %add3A_322, %mul3A_304 : vector<16xf32>
        %sub3A_324 = arith.subf %add3A_323, %mul3A_321 : vector<16xf32>
        %max3A_325 = arith.constant 9.99999997E-7 : f32
        %max3A_326 = vector.broadcast %max3A_325 : f32 to vector<16xf32>
        %max3A_327 = arith.maximumf %sub3A_324, %max3A_326 : vector<16xf32>
        %mul3A_328 = vector.broadcast %squeeze3A : f32 to vector<16xf32>
        %mul3A_329 = arith.mulf %mul3A_328, %max3A_327 : vector<16xf32>
        %sub3A_330 = arith.subf %mul3A_321, %mul3A_329 : vector<16xf32>
        %max3A_331 = arith.maximumf %max3A_301, %sub3A_330 : vector<16xf32>
        %sub3A_332 = arith.subf %while3A_173, %while3A_171 : vector<16xf32>
        %sub3A_333 = arith.subf %while3A_174, %while3A_172 : vector<16xf32>
        %mul3A_334 = arith.mulf %sub3A_332, %sub3A_333 : vector<16xf32>
        %max3A_335 = vector.broadcast %squeeze3A_200 : f32 to vector<16xf32>
        %max3A_336 = arith.maximumf %max3A_335, %while3A_171 : vector<16xf32>
        %max3A_337 = vector.broadcast %squeeze3A_202 : f32 to vector<16xf32>
        %max3A_338 = arith.maximumf %max3A_337, %while3A_172 : vector<16xf32>
        %min3A_339 = vector.broadcast %squeeze3A_204 : f32 to vector<16xf32>
        %min3A_340 = arith.minimumf %min3A_339, %while3A_173 : vector<16xf32>
        %min3A_341 = vector.broadcast %squeeze3A_206 : f32 to vector<16xf32>
        %min3A_342 = arith.minimumf %min3A_341, %while3A_174 : vector<16xf32>
        %sub3A_343 = arith.subf %min3A_340, %max3A_336 : vector<16xf32>
        %max3A_344 = arith.constant 0.000000e+00 : f32
        %max3A_345 = vector.broadcast %max3A_344 : f32 to vector<16xf32>
        %max3A_346 = arith.maximumf %sub3A_343, %max3A_345 : vector<16xf32>
        %sub3A_347 = arith.subf %min3A_342, %max3A_338 : vector<16xf32>
        %max3A_348 = arith.constant 0.000000e+00 : f32
        %max3A_349 = vector.broadcast %max3A_348 : f32 to vector<16xf32>
        %max3A_350 = arith.maximumf %sub3A_347, %max3A_349 : vector<16xf32>
        %mul3A_351 = arith.mulf %max3A_346, %max3A_350 : vector<16xf32>
        %add3A_352 = vector.broadcast %mul3A_209 : f32 to vector<16xf32>
        %add3A_353 = arith.addf %add3A_352, %mul3A_334 : vector<16xf32>
        %sub3A_354 = arith.subf %add3A_353, %mul3A_351 : vector<16xf32>
        %max3A_355 = arith.constant 9.99999997E-7 : f32
        %max3A_356 = vector.broadcast %max3A_355 : f32 to vector<16xf32>
        %max3A_357 = arith.maximumf %sub3A_354, %max3A_356 : vector<16xf32>
        %mul3A_358 = vector.broadcast %squeeze3A : f32 to vector<16xf32>
        %mul3A_359 = arith.mulf %mul3A_358, %max3A_357 : vector<16xf32>
        %sub3A_360 = arith.subf %mul3A_351, %mul3A_359 : vector<16xf32>
        %max3A_361 = arith.maximumf %max3A_331, %sub3A_360 : vector<16xf32>
        %sub3A_362 = arith.subf %while3A_177, %while3A_175 : vector<16xf32>
        %sub3A_363 = arith.subf %while3A_178, %while3A_176 : vector<16xf32>
        %mul3A_364 = arith.mulf %sub3A_362, %sub3A_363 : vector<16xf32>
        %max3A_365 = vector.broadcast %squeeze3A_200 : f32 to vector<16xf32>
        %max3A_366 = arith.maximumf %max3A_365, %while3A_175 : vector<16xf32>
        %max3A_367 = vector.broadcast %squeeze3A_202 : f32 to vector<16xf32>
        %max3A_368 = arith.maximumf %max3A_367, %while3A_176 : vector<16xf32>
        %min3A_369 = vector.broadcast %squeeze3A_204 : f32 to vector<16xf32>
        %min3A_370 = arith.minimumf %min3A_369, %while3A_177 : vector<16xf32>
        %min3A_371 = vector.broadcast %squeeze3A_206 : f32 to vector<16xf32>
        %min3A_372 = arith.minimumf %min3A_371, %while3A_178 : vector<16xf32>
        %sub3A_373 = arith.subf %min3A_370, %max3A_366 : vector<16xf32>
        %max3A_374 = arith.constant 0.000000e+00 : f32
        %max3A_375 = vector.broadcast %max3A_374 : f32 to vector<16xf32>
        %max3A_376 = arith.maximumf %sub3A_373, %max3A_375 : vector<16xf32>
        %sub3A_377 = arith.subf %min3A_372, %max3A_368 : vector<16xf32>
        %max3A_378 = arith.constant 0.000000e+00 : f32
        %max3A_379 = vector.broadcast %max3A_378 : f32 to vector<16xf32>
        %max3A_380 = arith.maximumf %sub3A_377, %max3A_379 : vector<16xf32>
        %mul3A_381 = arith.mulf %max3A_376, %max3A_380 : vector<16xf32>
        %add3A_382 = vector.broadcast %mul3A_209 : f32 to vector<16xf32>
        %add3A_383 = arith.addf %add3A_382, %mul3A_364 : vector<16xf32>
        %sub3A_384 = arith.subf %add3A_383, %mul3A_381 : vector<16xf32>
        %max3A_385 = arith.constant 9.99999997E-7 : f32
        %max3A_386 = vector.broadcast %max3A_385 : f32 to vector<16xf32>
        %max3A_387 = arith.maximumf %sub3A_384, %max3A_386 : vector<16xf32>
        %mul3A_388 = vector.broadcast %squeeze3A : f32 to vector<16xf32>
        %mul3A_389 = arith.mulf %mul3A_388, %max3A_387 : vector<16xf32>
        %sub3A_390 = arith.subf %mul3A_381, %mul3A_389 : vector<16xf32>
        %max3A_391 = arith.maximumf %max3A_361, %sub3A_390 : vector<16xf32>
        %sub3A_392 = arith.subf %while3A_181, %while3A_179 : vector<16xf32>
        %sub3A_393 = arith.subf %while3A_182, %while3A_180 : vector<16xf32>
        %mul3A_394 = arith.mulf %sub3A_392, %sub3A_393 : vector<16xf32>
        %max3A_395 = vector.broadcast %squeeze3A_200 : f32 to vector<16xf32>
        %max3A_396 = arith.maximumf %max3A_395, %while3A_179 : vector<16xf32>
        %max3A_397 = vector.broadcast %squeeze3A_202 : f32 to vector<16xf32>
        %max3A_398 = arith.maximumf %max3A_397, %while3A_180 : vector<16xf32>
        %min3A_399 = vector.broadcast %squeeze3A_204 : f32 to vector<16xf32>
        %min3A_400 = arith.minimumf %min3A_399, %while3A_181 : vector<16xf32>
        %min3A_401 = vector.broadcast %squeeze3A_206 : f32 to vector<16xf32>
        %min3A_402 = arith.minimumf %min3A_401, %while3A_182 : vector<16xf32>
        %sub3A_403 = arith.subf %min3A_400, %max3A_396 : vector<16xf32>
        %max3A_404 = arith.constant 0.000000e+00 : f32
        %max3A_405 = vector.broadcast %max3A_404 : f32 to vector<16xf32>
        %max3A_406 = arith.maximumf %sub3A_403, %max3A_405 : vector<16xf32>
        %sub3A_407 = arith.subf %min3A_402, %max3A_398 : vector<16xf32>
        %max3A_408 = arith.constant 0.000000e+00 : f32
        %max3A_409 = vector.broadcast %max3A_408 : f32 to vector<16xf32>
        %max3A_410 = arith.maximumf %sub3A_407, %max3A_409 : vector<16xf32>
        %mul3A_411 = arith.mulf %max3A_406, %max3A_410 : vector<16xf32>
        %add3A_412 = vector.broadcast %mul3A_209 : f32 to vector<16xf32>
        %add3A_413 = arith.addf %add3A_412, %mul3A_394 : vector<16xf32>
        %sub3A_414 = arith.subf %add3A_413, %mul3A_411 : vector<16xf32>
        %max3A_415 = arith.constant 9.99999997E-7 : f32
        %max3A_416 = vector.broadcast %max3A_415 : f32 to vector<16xf32>
        %max3A_417 = arith.maximumf %sub3A_414, %max3A_416 : vector<16xf32>
        %mul3A_418 = vector.broadcast %squeeze3A : f32 to vector<16xf32>
        %mul3A_419 = arith.mulf %mul3A_418, %max3A_417 : vector<16xf32>
        %sub3A_420 = arith.subf %mul3A_411, %mul3A_419 : vector<16xf32>
        %max3A_421 = arith.maximumf %max3A_391, %sub3A_420 : vector<16xf32>
        %swap3A_422 = arith.constant 0 : index
        %swap3A_423 = tpu.vector_load %arg13[%swap3A_422] {strides = array<i32>} : memref<32xf32, #tpu.memory_space<vmem>>, vector<16xf32>,
        %swap3A_424 = vector.shape_cast %swap3A_423 : vector<16xf32> to vector<16xf32>
        %swap3A_425 = vector.shape_cast %max3A_421 : vector<16xf32> to vector<16xf32>
        tpu.vector_store %arg13[%swap3A_422], %swap3A_425 {strides = array<i32>} : memref<32xf32, #tpu.memory_space<vmem>>, vector<16xf32>,
        %get3A_426 = arith.constant 8 : index
        %get3A_427 = tpu.vector_load %arg13[%get3A_426] {strides = array<i32>} : memref<32xf32, #tpu.memory_space<vmem>>, vector<16xf32>,
        %get3A_428 = vector.shape_cast %get3A_427 : vector<16xf32> to vector<16xf32>
        %max3A_429 = arith.maximumf %max3A_421, %get3A_428 : vector<16xf32>
        %swap3A_430 = arith.constant 0 : index
        %swap3A_431 = tpu.vector_load %arg13[%swap3A_430] {strides = array<i32>} : memref<32xf32, #tpu.memory_space<vmem>>, vector<16xf32>,
        %swap3A_432 = vector.shape_cast %swap3A_431 : vector<16xf32> to vector<16xf32>
        %swap3A_433 = vector.shape_cast %max3A_429 : vector<16xf32> to vector<16xf32>
        tpu.vector_store %arg13[%swap3A_430], %swap3A_433 {strides = array<i32>} : memref<32xf32, #tpu.memory_space<vmem>>, vector<16xf32>,
        %get3A_434 = arith.constant 4 : index
        %get3A_435 = tpu.vector_load %arg13[%get3A_434] {strides = array<i32>} : memref<32xf32, #tpu.memory_space<vmem>>, vector<16xf32>,
        %get3A_436 = vector.shape_cast %get3A_435 : vector<16xf32> to vector<16xf32>
        %max3A_437 = arith.maximumf %max3A_429, %get3A_436 : vector<16xf32>
        %swap3A_438 = arith.constant 0 : index
        %swap3A_439 = tpu.vector_load %arg13[%swap3A_438] {strides = array<i32>} : memref<32xf32, #tpu.memory_space<vmem>>, vector<16xf32>,
        %swap3A_440 = vector.shape_cast %swap3A_439 : vector<16xf32> to vector<16xf32>
        %swap3A_441 = vector.shape_cast %max3A_437 : vector<16xf32> to vector<16xf32>
        tpu.vector_store %arg13[%swap3A_438], %swap3A_441 {strides = array<i32>} : memref<32xf32, #tpu.memory_space<vmem>>, vector<16xf32>,
        %get3A_442 = arith.constant 2 : index
        %get3A_443 = tpu.vector_load %arg13[%get3A_442] {strides = array<i32>} : memref<32xf32, #tpu.memory_space<vmem>>, vector<16xf32>,
        %get3A_444 = vector.shape_cast %get3A_443 : vector<16xf32> to vector<16xf32>
        %max3A_445 = arith.maximumf %max3A_437, %get3A_444 : vector<16xf32>
        %swap3A_446 = arith.constant 0 : index
        %swap3A_447 = tpu.vector_load %arg13[%swap3A_446] {strides = array<i32>} : memref<32xf32, #tpu.memory_space<vmem>>, vector<16xf32>,
        %swap3A_448 = vector.shape_cast %swap3A_447 : vector<16xf32> to vector<16xf32>
        %swap3A_449 = vector.shape_cast %max3A_445 : vector<16xf32> to vector<16xf32>
        tpu.vector_store %arg13[%swap3A_446], %swap3A_449 {strides = array<i32>} : memref<32xf32, #tpu.memory_space<vmem>>, vector<16xf32>,
        %get3A_450 = arith.constant 1 : index
        %get3A_451 = tpu.vector_load %arg13[%get3A_450] {strides = array<i32>} : memref<32xf32, #tpu.memory_space<vmem>>, vector<16xf32>,
        %get3A_452 = vector.shape_cast %get3A_451 : vector<16xf32> to vector<16xf32>
        %max3A_453 = arith.maximumf %max3A_445, %get3A_452 : vector<16xf32>
        %slice3A_454 = vector.extract_strided_slice %max3A_453 {offsets = [0], sizes = [1], strides = [1]} : vector<16xf32> to vector<1xf32>
        %squeeze3A_455 = vector.extract %slice3A_454[0] : f32 from vector<1xf32>
        %ge3A = arith.constant 0.000000e+00 : f32
        %ge3A_456 = arith.cmpf oge, %squeeze3A_455, %ge3A : f32
        %gt3A_457 = arith.cmpf ogt, %squeeze3A_188, %squeeze3A_15 : f32
        %lt3A_458 = arith.cmpi slt, %while3A_154, %min3A_18 : i32
        %and3A_459 = arith.andi %gt3A_457, %lt3A_458 : i1
        %not3A = arith.constant true
        %not3A_460 = arith.xori %ge3A_456, %not3A : i1
        %and3A_461 = arith.andi %and3A_459, %not3A_460 : i1
        %jit3A_462 = arith.constant 1.000000e+00 : f32
        %jit3A_463 = arith.constant 0.000000e+00 : f32
        %select_n3A_464 = arith.select %and3A_461, %jit3A_462, %jit3A_463 : f32
        %jit3A_465 = arith.constant 1 : i32
        %jit3A_466 = arith.constant 0 : i32
        %select_n3A_467 = arith.select %and3A_461, %jit3A_465, %jit3A_466 : i32
        %convert_element_type3A_468 = arith.sitofp %while3A_154 : i32 to f32
        %sub3A_469 = arith.constant 0.000000e+00 : f32
        %sub3A_470 = arith.subf %convert_element_type3A_468, %sub3A_469 : f32
        %sub3A_471 = vector.broadcast %sub3A_470 : f32 to vector<16xf32>
        %sub3A_472 = arith.subf %convert_element_type3A_19, %sub3A_471 : vector<16xf32>
        %abs3A = math.absf %sub3A_472 : vector<16xf32>
        %sub3A_473 = arith.constant 1.000000e+00 : f32
        %sub3A_474 = vector.broadcast %sub3A_473 : f32 to vector<16xf32>
        %sub3A_475 = arith.subf %sub3A_474, %abs3A : vector<16xf32>
        %max3A_476 = arith.constant 0.000000e+00 : f32
        %max3A_477 = vector.broadcast %max3A_476 : f32 to vector<16xf32>
        %max3A_478 = arith.maximumf %sub3A_475, %max3A_477 : vector<16xf32>
        %mul3A_479 = vector.broadcast %select_n3A_464 : f32 to vector<16xf32>
        %mul3A_480 = arith.mulf %max3A_478, %mul3A_479 : vector<16xf32>
        %sub3A_481 = vector.broadcast %squeeze3A_200 : f32 to vector<16xf32>
        %sub3A_482 = arith.subf %sub3A_481, %while3A_155 : vector<16xf32>
        %mul3A_483 = arith.mulf %mul3A_480, %sub3A_482 : vector<16xf32>
        %add3A_484 = arith.addf %while3A_155, %mul3A_483 : vector<16xf32>
        %sub3A_485 = vector.broadcast %squeeze3A_202 : f32 to vector<16xf32>
        %sub3A_486 = arith.subf %sub3A_485, %while3A_156 : vector<16xf32>
        %mul3A_487 = arith.mulf %mul3A_480, %sub3A_486 : vector<16xf32>
        %add3A_488 = arith.addf %while3A_156, %mul3A_487 : vector<16xf32>
        %sub3A_489 = vector.broadcast %squeeze3A_204 : f32 to vector<16xf32>
        %sub3A_490 = arith.subf %sub3A_489, %while3A_157 : vector<16xf32>
        %mul3A_491 = arith.mulf %mul3A_480, %sub3A_490 : vector<16xf32>
        %add3A_492 = arith.addf %while3A_157, %mul3A_491 : vector<16xf32>
        %sub3A_493 = vector.broadcast %squeeze3A_206 : f32 to vector<16xf32>
        %sub3A_494 = arith.subf %sub3A_493, %while3A_158 : vector<16xf32>
        %mul3A_495 = arith.mulf %mul3A_480, %sub3A_494 : vector<16xf32>
        %add3A_496 = arith.addf %while3A_158, %mul3A_495 : vector<16xf32>
        %sub3A_497 = arith.constant 1.600000e+01 : f32
        %sub3A_498 = arith.subf %convert_element_type3A_468, %sub3A_497 : f32
        %sub3A_499 = vector.broadcast %sub3A_498 : f32 to vector<16xf32>
        %sub3A_500 = arith.subf %convert_element_type3A_19, %sub3A_499 : vector<16xf32>
        %abs3A_501 = math.absf %sub3A_500 : vector<16xf32>
        %sub3A_502 = arith.constant 1.000000e+00 : f32
        %sub3A_503 = vector.broadcast %sub3A_502 : f32 to vector<16xf32>
        %sub3A_504 = arith.subf %sub3A_503, %abs3A_501 : vector<16xf32>
        %max3A_505 = arith.constant 0.000000e+00 : f32
        %max3A_506 = vector.broadcast %max3A_505 : f32 to vector<16xf32>
        %max3A_507 = arith.maximumf %sub3A_504, %max3A_506 : vector<16xf32>
        %mul3A_508 = vector.broadcast %select_n3A_464 : f32 to vector<16xf32>
        %mul3A_509 = arith.mulf %max3A_507, %mul3A_508 : vector<16xf32>
        %sub3A_510 = vector.broadcast %squeeze3A_200 : f32 to vector<16xf32>
        %sub3A_511 = arith.subf %sub3A_510, %while3A_159 : vector<16xf32>
        %mul3A_512 = arith.mulf %mul3A_509, %sub3A_511 : vector<16xf32>
        %add3A_513 = arith.addf %while3A_159, %mul3A_512 : vector<16xf32>
        %sub3A_514 = vector.broadcast %squeeze3A_202 : f32 to vector<16xf32>
        %sub3A_515 = arith.subf %sub3A_514, %while3A_160 : vector<16xf32>
        %mul3A_516 = arith.mulf %mul3A_509, %sub3A_515 : vector<16xf32>
        %add3A_517 = arith.addf %while3A_160, %mul3A_516 : vector<16xf32>
        %sub3A_518 = vector.broadcast %squeeze3A_204 : f32 to vector<16xf32>
        %sub3A_519 = arith.subf %sub3A_518, %while3A_161 : vector<16xf32>
        %mul3A_520 = arith.mulf %mul3A_509, %sub3A_519 : vector<16xf32>
        %add3A_521 = arith.addf %while3A_161, %mul3A_520 : vector<16xf32>
        %sub3A_522 = vector.broadcast %squeeze3A_206 : f32 to vector<16xf32>
        %sub3A_523 = arith.subf %sub3A_522, %while3A_162 : vector<16xf32>
        %mul3A_524 = arith.mulf %mul3A_509, %sub3A_523 : vector<16xf32>
        %add3A_525 = arith.addf %while3A_162, %mul3A_524 : vector<16xf32>
        %sub3A_526 = arith.constant 3.200000e+01 : f32
        %sub3A_527 = arith.subf %convert_element_type3A_468, %sub3A_526 : f32
        %sub3A_528 = vector.broadcast %sub3A_527 : f32 to vector<16xf32>
        %sub3A_529 = arith.subf %convert_element_type3A_19, %sub3A_528 : vector<16xf32>
        %abs3A_530 = math.absf %sub3A_529 : vector<16xf32>
        %sub3A_531 = arith.constant 1.000000e+00 : f32
        %sub3A_532 = vector.broadcast %sub3A_531 : f32 to vector<16xf32>
        %sub3A_533 = arith.subf %sub3A_532, %abs3A_530 : vector<16xf32>
        %max3A_534 = arith.constant 0.000000e+00 : f32
        %max3A_535 = vector.broadcast %max3A_534 : f32 to vector<16xf32>
        %max3A_536 = arith.maximumf %sub3A_533, %max3A_535 : vector<16xf32>
        %mul3A_537 = vector.broadcast %select_n3A_464 : f32 to vector<16xf32>
        %mul3A_538 = arith.mulf %max3A_536, %mul3A_537 : vector<16xf32>
        %sub3A_539 = vector.broadcast %squeeze3A_200 : f32 to vector<16xf32>
        %sub3A_540 = arith.subf %sub3A_539, %while3A_163 : vector<16xf32>
        %mul3A_541 = arith.mulf %mul3A_538, %sub3A_540 : vector<16xf32>
        %add3A_542 = arith.addf %while3A_163, %mul3A_541 : vector<16xf32>
        %sub3A_543 = vector.broadcast %squeeze3A_202 : f32 to vector<16xf32>
        %sub3A_544 = arith.subf %sub3A_543, %while3A_164 : vector<16xf32>
        %mul3A_545 = arith.mulf %mul3A_538, %sub3A_544 : vector<16xf32>
        %add3A_546 = arith.addf %while3A_164, %mul3A_545 : vector<16xf32>
        %sub3A_547 = vector.broadcast %squeeze3A_204 : f32 to vector<16xf32>
        %sub3A_548 = arith.subf %sub3A_547, %while3A_165 : vector<16xf32>
        %mul3A_549 = arith.mulf %mul3A_538, %sub3A_548 : vector<16xf32>
        %add3A_550 = arith.addf %while3A_165, %mul3A_549 : vector<16xf32>
        %sub3A_551 = vector.broadcast %squeeze3A_206 : f32 to vector<16xf32>
        %sub3A_552 = arith.subf %sub3A_551, %while3A_166 : vector<16xf32>
        %mul3A_553 = arith.mulf %mul3A_538, %sub3A_552 : vector<16xf32>
        %add3A_554 = arith.addf %while3A_166, %mul3A_553 : vector<16xf32>
        %sub3A_555 = arith.constant 4.800000e+01 : f32
        %sub3A_556 = arith.subf %convert_element_type3A_468, %sub3A_555 : f32
        %sub3A_557 = vector.broadcast %sub3A_556 : f32 to vector<16xf32>
        %sub3A_558 = arith.subf %convert_element_type3A_19, %sub3A_557 : vector<16xf32>
        %abs3A_559 = math.absf %sub3A_558 : vector<16xf32>
        %sub3A_560 = arith.constant 1.000000e+00 : f32
        %sub3A_561 = vector.broadcast %sub3A_560 : f32 to vector<16xf32>
        %sub3A_562 = arith.subf %sub3A_561, %abs3A_559 : vector<16xf32>
        %max3A_563 = arith.constant 0.000000e+00 : f32
        %max3A_564 = vector.broadcast %max3A_563 : f32 to vector<16xf32>
        %max3A_565 = arith.maximumf %sub3A_562, %max3A_564 : vector<16xf32>
        %mul3A_566 = vector.broadcast %select_n3A_464 : f32 to vector<16xf32>
        %mul3A_567 = arith.mulf %max3A_565, %mul3A_566 : vector<16xf32>
        %sub3A_568 = vector.broadcast %squeeze3A_200 : f32 to vector<16xf32>
        %sub3A_569 = arith.subf %sub3A_568, %while3A_167 : vector<16xf32>
        %mul3A_570 = arith.mulf %mul3A_567, %sub3A_569 : vector<16xf32>
        %add3A_571 = arith.addf %while3A_167, %mul3A_570 : vector<16xf32>
        %sub3A_572 = vector.broadcast %squeeze3A_202 : f32 to vector<16xf32>
        %sub3A_573 = arith.subf %sub3A_572, %while3A_168 : vector<16xf32>
        %mul3A_574 = arith.mulf %mul3A_567, %sub3A_573 : vector<16xf32>
        %add3A_575 = arith.addf %while3A_168, %mul3A_574 : vector<16xf32>
        %sub3A_576 = vector.broadcast %squeeze3A_204 : f32 to vector<16xf32>
        %sub3A_577 = arith.subf %sub3A_576, %while3A_169 : vector<16xf32>
        %mul3A_578 = arith.mulf %mul3A_567, %sub3A_577 : vector<16xf32>
        %add3A_579 = arith.addf %while3A_169, %mul3A_578 : vector<16xf32>
        %sub3A_580 = vector.broadcast %squeeze3A_206 : f32 to vector<16xf32>
        %sub3A_581 = arith.subf %sub3A_580, %while3A_170 : vector<16xf32>
        %mul3A_582 = arith.mulf %mul3A_567, %sub3A_581 : vector<16xf32>
        %add3A_583 = arith.addf %while3A_170, %mul3A_582 : vector<16xf32>
        %sub3A_584 = arith.constant 6.400000e+01 : f32
        %sub3A_585 = arith.subf %convert_element_type3A_468, %sub3A_584 : f32
        %sub3A_586 = vector.broadcast %sub3A_585 : f32 to vector<16xf32>
        %sub3A_587 = arith.subf %convert_element_type3A_19, %sub3A_586 : vector<16xf32>
        %abs3A_588 = math.absf %sub3A_587 : vector<16xf32>
        %sub3A_589 = arith.constant 1.000000e+00 : f32
        %sub3A_590 = vector.broadcast %sub3A_589 : f32 to vector<16xf32>
        %sub3A_591 = arith.subf %sub3A_590, %abs3A_588 : vector<16xf32>
        %max3A_592 = arith.constant 0.000000e+00 : f32
        %max3A_593 = vector.broadcast %max3A_592 : f32 to vector<16xf32>
        %max3A_594 = arith.maximumf %sub3A_591, %max3A_593 : vector<16xf32>
        %mul3A_595 = vector.broadcast %select_n3A_464 : f32 to vector<16xf32>
        %mul3A_596 = arith.mulf %max3A_594, %mul3A_595 : vector<16xf32>
        %sub3A_597 = vector.broadcast %squeeze3A_200 : f32 to vector<16xf32>
        %sub3A_598 = arith.subf %sub3A_597, %while3A_171 : vector<16xf32>
        %mul3A_599 = arith.mulf %mul3A_596, %sub3A_598 : vector<16xf32>
        %add3A_600 = arith.addf %while3A_171, %mul3A_599 : vector<16xf32>
        %sub3A_601 = vector.broadcast %squeeze3A_202 : f32 to vector<16xf32>
        %sub3A_602 = arith.subf %sub3A_601, %while3A_172 : vector<16xf32>
        %mul3A_603 = arith.mulf %mul3A_596, %sub3A_602 : vector<16xf32>
        %add3A_604 = arith.addf %while3A_172, %mul3A_603 : vector<16xf32>
        %sub3A_605 = vector.broadcast %squeeze3A_204 : f32 to vector<16xf32>
        %sub3A_606 = arith.subf %sub3A_605, %while3A_173 : vector<16xf32>
        %mul3A_607 = arith.mulf %mul3A_596, %sub3A_606 : vector<16xf32>
        %add3A_608 = arith.addf %while3A_173, %mul3A_607 : vector<16xf32>
        %sub3A_609 = vector.broadcast %squeeze3A_206 : f32 to vector<16xf32>
        %sub3A_610 = arith.subf %sub3A_609, %while3A_174 : vector<16xf32>
        %mul3A_611 = arith.mulf %mul3A_596, %sub3A_610 : vector<16xf32>
        %add3A_612 = arith.addf %while3A_174, %mul3A_611 : vector<16xf32>
        %sub3A_613 = arith.constant 8.000000e+01 : f32
        %sub3A_614 = arith.subf %convert_element_type3A_468, %sub3A_613 : f32
        %sub3A_615 = vector.broadcast %sub3A_614 : f32 to vector<16xf32>
        %sub3A_616 = arith.subf %convert_element_type3A_19, %sub3A_615 : vector<16xf32>
        %abs3A_617 = math.absf %sub3A_616 : vector<16xf32>
        %sub3A_618 = arith.constant 1.000000e+00 : f32
        %sub3A_619 = vector.broadcast %sub3A_618 : f32 to vector<16xf32>
        %sub3A_620 = arith.subf %sub3A_619, %abs3A_617 : vector<16xf32>
        %max3A_621 = arith.constant 0.000000e+00 : f32
        %max3A_622 = vector.broadcast %max3A_621 : f32 to vector<16xf32>
        %max3A_623 = arith.maximumf %sub3A_620, %max3A_622 : vector<16xf32>
        %mul3A_624 = vector.broadcast %select_n3A_464 : f32 to vector<16xf32>
        %mul3A_625 = arith.mulf %max3A_623, %mul3A_624 : vector<16xf32>
        %sub3A_626 = vector.broadcast %squeeze3A_200 : f32 to vector<16xf32>
        %sub3A_627 = arith.subf %sub3A_626, %while3A_175 : vector<16xf32>
        %mul3A_628 = arith.mulf %mul3A_625, %sub3A_627 : vector<16xf32>
        %add3A_629 = arith.addf %while3A_175, %mul3A_628 : vector<16xf32>
        %sub3A_630 = vector.broadcast %squeeze3A_202 : f32 to vector<16xf32>
        %sub3A_631 = arith.subf %sub3A_630, %while3A_176 : vector<16xf32>
        %mul3A_632 = arith.mulf %mul3A_625, %sub3A_631 : vector<16xf32>
        %add3A_633 = arith.addf %while3A_176, %mul3A_632 : vector<16xf32>
        %sub3A_634 = vector.broadcast %squeeze3A_204 : f32 to vector<16xf32>
        %sub3A_635 = arith.subf %sub3A_634, %while3A_177 : vector<16xf32>
        %mul3A_636 = arith.mulf %mul3A_625, %sub3A_635 : vector<16xf32>
        %add3A_637 = arith.addf %while3A_177, %mul3A_636 : vector<16xf32>
        %sub3A_638 = vector.broadcast %squeeze3A_206 : f32 to vector<16xf32>
        %sub3A_639 = arith.subf %sub3A_638, %while3A_178 : vector<16xf32>
        %mul3A_640 = arith.mulf %mul3A_625, %sub3A_639 : vector<16xf32>
        %add3A_641 = arith.addf %while3A_178, %mul3A_640 : vector<16xf32>
        %sub3A_642 = arith.constant 9.600000e+01 : f32
        %sub3A_643 = arith.subf %convert_element_type3A_468, %sub3A_642 : f32
        %sub3A_644 = vector.broadcast %sub3A_643 : f32 to vector<16xf32>
        %sub3A_645 = arith.subf %convert_element_type3A_19, %sub3A_644 : vector<16xf32>
        %abs3A_646 = math.absf %sub3A_645 : vector<16xf32>
        %sub3A_647 = arith.constant 1.000000e+00 : f32
        %sub3A_648 = vector.broadcast %sub3A_647 : f32 to vector<16xf32>
        %sub3A_649 = arith.subf %sub3A_648, %abs3A_646 : vector<16xf32>
        %max3A_650 = arith.constant 0.000000e+00 : f32
        %max3A_651 = vector.broadcast %max3A_650 : f32 to vector<16xf32>
        %max3A_652 = arith.maximumf %sub3A_649, %max3A_651 : vector<16xf32>
        %mul3A_653 = vector.broadcast %select_n3A_464 : f32 to vector<16xf32>
        %mul3A_654 = arith.mulf %max3A_652, %mul3A_653 : vector<16xf32>
        %sub3A_655 = vector.broadcast %squeeze3A_200 : f32 to vector<16xf32>
        %sub3A_656 = arith.subf %sub3A_655, %while3A_179 : vector<16xf32>
        %mul3A_657 = arith.mulf %mul3A_654, %sub3A_656 : vector<16xf32>
        %add3A_658 = arith.addf %while3A_179, %mul3A_657 : vector<16xf32>
        %sub3A_659 = vector.broadcast %squeeze3A_202 : f32 to vector<16xf32>
        %sub3A_660 = arith.subf %sub3A_659, %while3A_180 : vector<16xf32>
        %mul3A_661 = arith.mulf %mul3A_654, %sub3A_660 : vector<16xf32>
        %add3A_662 = arith.addf %while3A_180, %mul3A_661 : vector<16xf32>
        %sub3A_663 = vector.broadcast %squeeze3A_204 : f32 to vector<16xf32>
        %sub3A_664 = arith.subf %sub3A_663, %while3A_181 : vector<16xf32>
        %mul3A_665 = arith.mulf %mul3A_654, %sub3A_664 : vector<16xf32>
        %add3A_666 = arith.addf %while3A_181, %mul3A_665 : vector<16xf32>
        %sub3A_667 = vector.broadcast %squeeze3A_206 : f32 to vector<16xf32>
        %sub3A_668 = arith.subf %sub3A_667, %while3A_182 : vector<16xf32>
        %mul3A_669 = arith.mulf %mul3A_654, %sub3A_668 : vector<16xf32>
        %add3A_670 = arith.addf %while3A_182, %mul3A_669 : vector<16xf32>
        %mul3A_671 = vector.broadcast %select_n3A_467 : i32 to vector<16xi32>
        %mul3A_672 = arith.muli %max3A_23, %mul3A_671 : vector<16xi32>
        %get3A_673 = arith.index_cast %while3A_154 : i32 to index
        %get3A_674 = tpu.vector_load %arg12[%get3A_673] {strides = array<i32>} : memref<128xi32, #tpu.memory_space<vmem>>, vector<16xi32>,
        %get3A_675 = vector.shape_cast %get3A_674 : vector<16xi32> to vector<16xi32>
        %get3A_676 = arith.index_cast %while3A_154 : i32 to index
        %get3A_677 = tpu.vector_load %arg12[%get3A_676] {strides = array<i32>} : memref<128xi32, #tpu.memory_space<vmem>>, vector<16xi32>,
        %get3A_678 = vector.shape_cast %get3A_677 : vector<16xi32> to vector<16xi32>
        %sub3A_679 = vector.broadcast %squeeze3A_193 : i32 to vector<16xi32>
        %sub3A_680 = arith.subi %sub3A_679, %get3A_678 : vector<16xi32>
        %mul3A_681 = arith.muli %mul3A_672, %sub3A_680 : vector<16xi32>
        %add3A_682 = arith.addi %get3A_675, %mul3A_681 : vector<16xi32>
        %swap3A_683 = arith.index_cast %while3A_154 : i32 to index
        %swap3A_684 = tpu.vector_load %arg12[%swap3A_683] {strides = array<i32>} : memref<128xi32, #tpu.memory_space<vmem>>, vector<16xi32>,
        %swap3A_685 = vector.shape_cast %swap3A_684 : vector<16xi32> to vector<16xi32>
        %swap3A_686 = vector.shape_cast %add3A_682 : vector<16xi32> to vector<16xi32>
        tpu.vector_store %arg12[%swap3A_683], %swap3A_686 {strides = array<i32>} : memref<128xi32, #tpu.memory_space<vmem>>, vector<16xi32>,
        %add3A_687 = arith.addi %while3A_154, %select_n3A_467 : i32
        scf.yield %add3A_687, %add3A_484, %add3A_488, %add3A_492, %add3A_496, %add3A_513, %add3A_517, %add3A_521, %add3A_525, %add3A_542, %add3A_546, %add3A_550, %add3A_554, %add3A_571, %add3A_575, %add3A_579, %add3A_583, %add3A_600, %add3A_604, %add3A_608, %add3A_612, %add3A_629, %add3A_633, %add3A_637, %add3A_641, %add3A_658, %add3A_662, %add3A_666, %add3A_670 : i32, vector<16xf32>, vector<16xf32>, vector<16xf32>, vector<16xf32>, vector<16xf32>, vector<16xf32>, vector<16xf32>, vector<16xf32>, vector<16xf32>, vector<16xf32>, vector<16xf32>, vector<16xf32>, vector<16xf32>, vector<16xf32>, vector<16xf32>, vector<16xf32>, vector<16xf32>, vector<16xf32>, vector<16xf32>, vector<16xf32>, vector<16xf32>, vector<16xf32>, vector<16xf32>, vector<16xf32>, vector<16xf32>, vector<16xf32>, vector<16xf32>, vector<16xf32>
      }
      %while3A_151 = arith.constant 1 : i32
      %while3A_152:29 = scf.for %while3A_153 = %while3A_148 to %while3A_144 step %while3A_151 iter_args(%while3A_154 = %while3A_150#0, %while3A_155 = %while3A_150#1, %while3A_156 = %while3A_150#2, %while3A_157 = %while3A_150#3, %while3A_158 = %while3A_150#4, %while3A_159 = %while3A_150#5, %while3A_160 = %while3A_150#6, %while3A_161 = %while3A_150#7, %while3A_162 = %while3A_150#8, %while3A_163 = %while3A_150#9, %while3A_164 = %while3A_150#10, %while3A_165 = %while3A_150#11, %while3A_166 = %while3A_150#12, %while3A_167 = %while3A_150#13, %while3A_168 = %while3A_150#14, %while3A_169 = %while3A_150#15, %while3A_170 = %while3A_150#16, %while3A_171 = %while3A_150#17, %while3A_172 = %while3A_150#18, %while3A_173 = %while3A_150#19, %while3A_174 = %while3A_150#20, %while3A_175 = %while3A_150#21, %while3A_176 = %while3A_150#22, %while3A_177 = %while3A_150#23, %while3A_178 = %while3A_150#24, %while3A_179 = %while3A_150#25, %while3A_180 = %while3A_150#26, %while3A_181 = %while3A_150#27, %while3A_182 = %while3A_150#28) -> (i32, vector<16xf32>, vector<16xf32>, vector<16xf32>, vector<16xf32>, vector<16xf32>, vector<16xf32>, vector<16xf32>, vector<16xf32>, vector<16xf32>, vector<16xf32>, vector<16xf32>, vector<16xf32>, vector<16xf32>, vector<16xf32>, vector<16xf32>, vector<16xf32>, vector<16xf32>, vector<16xf32>, vector<16xf32>, vector<16xf32>, vector<16xf32>, vector<16xf32>, vector<16xf32>, vector<16xf32>, vector<16xf32>, vector<16xf32>, vector<16xf32>, vector<16xf32>)  : i32 {
        %add3A_183 = arith.addi %mul3A_133, %while3A_153 : i32
        %get3A_184 = arith.index_cast %add3A_183 : i32 to index
        %get3A_185 = tpu.vector_load %arg10[%get3A_184] {strides = array<i32>} : memref<144xf32, #tpu.memory_space<vmem>>, vector<16xf32>,
        %get3A_186 = vector.shape_cast %get3A_185 : vector<16xf32> to vector<16xf32>
        %slice3A_187 = vector.extract_strided_slice %get3A_186 {offsets = [0], sizes = [1], strides = [1]} : vector<16xf32> to vector<1xf32>
        %squeeze3A_188 = vector.extract %slice3A_187[0] : f32 from vector<1xf32>
        %get3A_189 = arith.index_cast %add3A_183 : i32 to index
        %get3A_190 = tpu.vector_load %arg9[%get3A_189] {strides = array<i32>} : memref<144xi32, #tpu.memory_space<vmem>>, vector<16xi32>,
        %get3A_191 = vector.shape_cast %get3A_190 : vector<16xi32> to vector<16xi32>
        %slice3A_192 = vector.extract_strided_slice %get3A_191 {offsets = [0], sizes = [1], strides = [1]} : vector<16xi32> to vector<1xi32>
        %squeeze3A_193 = vector.extract %slice3A_192[0] : i32 from vector<1xi32>
        %mul3A_194 = arith.constant 4 : i32
        %mul3A_195 = arith.muli %squeeze3A_193, %mul3A_194 : i32
        %get3A_196 = arith.index_cast %mul3A_195 : i32 to index
        %get3A_197 = tpu.vector_load %arg8[%get3A_196] {strides = array<i32>} : memref<80016xf32, #tpu.memory_space<vmem>>, vector<16xf32>,
        %get3A_198 = vector.shape_cast %get3A_197 : vector<16xf32> to vector<16xf32>
        %slice3A_199 = vector.extract_strided_slice %get3A_198 {offsets = [0], sizes = [1], strides = [1]} : vector<16xf32> to vector<1xf32>
        %squeeze3A_200 = vector.extract %slice3A_199[0] : f32 from vector<1xf32>
        %slice3A_201 = vector.extract_strided_slice %get3A_198 {offsets = [1], sizes = [1], strides = [1]} : vector<16xf32> to vector<1xf32>
        %squeeze3A_202 = vector.extract %slice3A_201[0] : f32 from vector<1xf32>
        %slice3A_203 = vector.extract_strided_slice %get3A_198 {offsets = [2], sizes = [1], strides = [1]} : vector<16xf32> to vector<1xf32>
        %squeeze3A_204 = vector.extract %slice3A_203[0] : f32 from vector<1xf32>
        %slice3A_205 = vector.extract_strided_slice %get3A_198 {offsets = [3], sizes = [1], strides = [1]} : vector<16xf32> to vector<1xf32>
        %squeeze3A_206 = vector.extract %slice3A_205[0] : f32 from vector<1xf32>
        %sub3A_207 = arith.subf %squeeze3A_204, %squeeze3A_200 : f32
        %sub3A_208 = arith.subf %squeeze3A_206, %squeeze3A_202 : f32
        %mul3A_209 = arith.mulf %sub3A_207, %sub3A_208 : f32
        %broadcast_in_dim3A_210 = arith.constant -1.000000e+00 : f32
        %broadcast_in_dim3A_211 = vector.broadcast %broadcast_in_dim3A_210 : f32 to vector<16xf32>
        %sub3A_212 = arith.subf %while3A_157, %while3A_155 : vector<16xf32>
        %sub3A_213 = arith.subf %while3A_158, %while3A_156 : vector<16xf32>
        %mul3A_214 = arith.mulf %sub3A_212, %sub3A_213 : vector<16xf32>
        %max3A_215 = vector.broadcast %squeeze3A_200 : f32 to vector<16xf32>
        %max3A_216 = arith.maximumf %max3A_215, %while3A_155 : vector<16xf32>
        %max3A_217 = vector.broadcast %squeeze3A_202 : f32 to vector<16xf32>
        %max3A_218 = arith.maximumf %max3A_217, %while3A_156 : vector<16xf32>
        %min3A_219 = vector.broadcast %squeeze3A_204 : f32 to vector<16xf32>
        %min3A_220 = arith.minimumf %min3A_219, %while3A_157 : vector<16xf32>
        %min3A_221 = vector.broadcast %squeeze3A_206 : f32 to vector<16xf32>
        %min3A_222 = arith.minimumf %min3A_221, %while3A_158 : vector<16xf32>
        %sub3A_223 = arith.subf %min3A_220, %max3A_216 : vector<16xf32>
        %max3A_224 = arith.constant 0.000000e+00 : f32
        %max3A_225 = vector.broadcast %max3A_224 : f32 to vector<16xf32>
        %max3A_226 = arith.maximumf %sub3A_223, %max3A_225 : vector<16xf32>
        %sub3A_227 = arith.subf %min3A_222, %max3A_218 : vector<16xf32>
        %max3A_228 = arith.constant 0.000000e+00 : f32
        %max3A_229 = vector.broadcast %max3A_228 : f32 to vector<16xf32>
        %max3A_230 = arith.maximumf %sub3A_227, %max3A_229 : vector<16xf32>
        %mul3A_231 = arith.mulf %max3A_226, %max3A_230 : vector<16xf32>
        %add3A_232 = vector.broadcast %mul3A_209 : f32 to vector<16xf32>
        %add3A_233 = arith.addf %add3A_232, %mul3A_214 : vector<16xf32>
        %sub3A_234 = arith.subf %add3A_233, %mul3A_231 : vector<16xf32>
        %max3A_235 = arith.constant 9.99999997E-7 : f32
        %max3A_236 = vector.broadcast %max3A_235 : f32 to vector<16xf32>
        %max3A_237 = arith.maximumf %sub3A_234, %max3A_236 : vector<16xf32>
        %mul3A_238 = vector.broadcast %squeeze3A : f32 to vector<16xf32>
        %mul3A_239 = arith.mulf %mul3A_238, %max3A_237 : vector<16xf32>
        %sub3A_240 = arith.subf %mul3A_231, %mul3A_239 : vector<16xf32>
        %max3A_241 = arith.maximumf %broadcast_in_dim3A_211, %sub3A_240 : vector<16xf32>
        %sub3A_242 = arith.subf %while3A_161, %while3A_159 : vector<16xf32>
        %sub3A_243 = arith.subf %while3A_162, %while3A_160 : vector<16xf32>
        %mul3A_244 = arith.mulf %sub3A_242, %sub3A_243 : vector<16xf32>
        %max3A_245 = vector.broadcast %squeeze3A_200 : f32 to vector<16xf32>
        %max3A_246 = arith.maximumf %max3A_245, %while3A_159 : vector<16xf32>
        %max3A_247 = vector.broadcast %squeeze3A_202 : f32 to vector<16xf32>
        %max3A_248 = arith.maximumf %max3A_247, %while3A_160 : vector<16xf32>
        %min3A_249 = vector.broadcast %squeeze3A_204 : f32 to vector<16xf32>
        %min3A_250 = arith.minimumf %min3A_249, %while3A_161 : vector<16xf32>
        %min3A_251 = vector.broadcast %squeeze3A_206 : f32 to vector<16xf32>
        %min3A_252 = arith.minimumf %min3A_251, %while3A_162 : vector<16xf32>
        %sub3A_253 = arith.subf %min3A_250, %max3A_246 : vector<16xf32>
        %max3A_254 = arith.constant 0.000000e+00 : f32
        %max3A_255 = vector.broadcast %max3A_254 : f32 to vector<16xf32>
        %max3A_256 = arith.maximumf %sub3A_253, %max3A_255 : vector<16xf32>
        %sub3A_257 = arith.subf %min3A_252, %max3A_248 : vector<16xf32>
        %max3A_258 = arith.constant 0.000000e+00 : f32
        %max3A_259 = vector.broadcast %max3A_258 : f32 to vector<16xf32>
        %max3A_260 = arith.maximumf %sub3A_257, %max3A_259 : vector<16xf32>
        %mul3A_261 = arith.mulf %max3A_256, %max3A_260 : vector<16xf32>
        %add3A_262 = vector.broadcast %mul3A_209 : f32 to vector<16xf32>
        %add3A_263 = arith.addf %add3A_262, %mul3A_244 : vector<16xf32>
        %sub3A_264 = arith.subf %add3A_263, %mul3A_261 : vector<16xf32>
        %max3A_265 = arith.constant 9.99999997E-7 : f32
        %max3A_266 = vector.broadcast %max3A_265 : f32 to vector<16xf32>
        %max3A_267 = arith.maximumf %sub3A_264, %max3A_266 : vector<16xf32>
        %mul3A_268 = vector.broadcast %squeeze3A : f32 to vector<16xf32>
        %mul3A_269 = arith.mulf %mul3A_268, %max3A_267 : vector<16xf32>
        %sub3A_270 = arith.subf %mul3A_261, %mul3A_269 : vector<16xf32>
        %max3A_271 = arith.maximumf %max3A_241, %sub3A_270 : vector<16xf32>
        %sub3A_272 = arith.subf %while3A_165, %while3A_163 : vector<16xf32>
        %sub3A_273 = arith.subf %while3A_166, %while3A_164 : vector<16xf32>
        %mul3A_274 = arith.mulf %sub3A_272, %sub3A_273 : vector<16xf32>
        %max3A_275 = vector.broadcast %squeeze3A_200 : f32 to vector<16xf32>
        %max3A_276 = arith.maximumf %max3A_275, %while3A_163 : vector<16xf32>
        %max3A_277 = vector.broadcast %squeeze3A_202 : f32 to vector<16xf32>
        %max3A_278 = arith.maximumf %max3A_277, %while3A_164 : vector<16xf32>
        %min3A_279 = vector.broadcast %squeeze3A_204 : f32 to vector<16xf32>
        %min3A_280 = arith.minimumf %min3A_279, %while3A_165 : vector<16xf32>
        %min3A_281 = vector.broadcast %squeeze3A_206 : f32 to vector<16xf32>
        %min3A_282 = arith.minimumf %min3A_281, %while3A_166 : vector<16xf32>
        %sub3A_283 = arith.subf %min3A_280, %max3A_276 : vector<16xf32>
        %max3A_284 = arith.constant 0.000000e+00 : f32
        %max3A_285 = vector.broadcast %max3A_284 : f32 to vector<16xf32>
        %max3A_286 = arith.maximumf %sub3A_283, %max3A_285 : vector<16xf32>
        %sub3A_287 = arith.subf %min3A_282, %max3A_278 : vector<16xf32>
        %max3A_288 = arith.constant 0.000000e+00 : f32
        %max3A_289 = vector.broadcast %max3A_288 : f32 to vector<16xf32>
        %max3A_290 = arith.maximumf %sub3A_287, %max3A_289 : vector<16xf32>
        %mul3A_291 = arith.mulf %max3A_286, %max3A_290 : vector<16xf32>
        %add3A_292 = vector.broadcast %mul3A_209 : f32 to vector<16xf32>
        %add3A_293 = arith.addf %add3A_292, %mul3A_274 : vector<16xf32>
        %sub3A_294 = arith.subf %add3A_293, %mul3A_291 : vector<16xf32>
        %max3A_295 = arith.constant 9.99999997E-7 : f32
        %max3A_296 = vector.broadcast %max3A_295 : f32 to vector<16xf32>
        %max3A_297 = arith.maximumf %sub3A_294, %max3A_296 : vector<16xf32>
        %mul3A_298 = vector.broadcast %squeeze3A : f32 to vector<16xf32>
        %mul3A_299 = arith.mulf %mul3A_298, %max3A_297 : vector<16xf32>
        %sub3A_300 = arith.subf %mul3A_291, %mul3A_299 : vector<16xf32>
        %max3A_301 = arith.maximumf %max3A_271, %sub3A_300 : vector<16xf32>
        %sub3A_302 = arith.subf %while3A_169, %while3A_167 : vector<16xf32>
        %sub3A_303 = arith.subf %while3A_170, %while3A_168 : vector<16xf32>
        %mul3A_304 = arith.mulf %sub3A_302, %sub3A_303 : vector<16xf32>
        %max3A_305 = vector.broadcast %squeeze3A_200 : f32 to vector<16xf32>
        %max3A_306 = arith.maximumf %max3A_305, %while3A_167 : vector<16xf32>
        %max3A_307 = vector.broadcast %squeeze3A_202 : f32 to vector<16xf32>
        %max3A_308 = arith.maximumf %max3A_307, %while3A_168 : vector<16xf32>
        %min3A_309 = vector.broadcast %squeeze3A_204 : f32 to vector<16xf32>
        %min3A_310 = arith.minimumf %min3A_309, %while3A_169 : vector<16xf32>
        %min3A_311 = vector.broadcast %squeeze3A_206 : f32 to vector<16xf32>
        %min3A_312 = arith.minimumf %min3A_311, %while3A_170 : vector<16xf32>
        %sub3A_313 = arith.subf %min3A_310, %max3A_306 : vector<16xf32>
        %max3A_314 = arith.constant 0.000000e+00 : f32
        %max3A_315 = vector.broadcast %max3A_314 : f32 to vector<16xf32>
        %max3A_316 = arith.maximumf %sub3A_313, %max3A_315 : vector<16xf32>
        %sub3A_317 = arith.subf %min3A_312, %max3A_308 : vector<16xf32>
        %max3A_318 = arith.constant 0.000000e+00 : f32
        %max3A_319 = vector.broadcast %max3A_318 : f32 to vector<16xf32>
        %max3A_320 = arith.maximumf %sub3A_317, %max3A_319 : vector<16xf32>
        %mul3A_321 = arith.mulf %max3A_316, %max3A_320 : vector<16xf32>
        %add3A_322 = vector.broadcast %mul3A_209 : f32 to vector<16xf32>
        %add3A_323 = arith.addf %add3A_322, %mul3A_304 : vector<16xf32>
        %sub3A_324 = arith.subf %add3A_323, %mul3A_321 : vector<16xf32>
        %max3A_325 = arith.constant 9.99999997E-7 : f32
        %max3A_326 = vector.broadcast %max3A_325 : f32 to vector<16xf32>
        %max3A_327 = arith.maximumf %sub3A_324, %max3A_326 : vector<16xf32>
        %mul3A_328 = vector.broadcast %squeeze3A : f32 to vector<16xf32>
        %mul3A_329 = arith.mulf %mul3A_328, %max3A_327 : vector<16xf32>
        %sub3A_330 = arith.subf %mul3A_321, %mul3A_329 : vector<16xf32>
        %max3A_331 = arith.maximumf %max3A_301, %sub3A_330 : vector<16xf32>
        %sub3A_332 = arith.subf %while3A_173, %while3A_171 : vector<16xf32>
        %sub3A_333 = arith.subf %while3A_174, %while3A_172 : vector<16xf32>
        %mul3A_334 = arith.mulf %sub3A_332, %sub3A_333 : vector<16xf32>
        %max3A_335 = vector.broadcast %squeeze3A_200 : f32 to vector<16xf32>
        %max3A_336 = arith.maximumf %max3A_335, %while3A_171 : vector<16xf32>
        %max3A_337 = vector.broadcast %squeeze3A_202 : f32 to vector<16xf32>
        %max3A_338 = arith.maximumf %max3A_337, %while3A_172 : vector<16xf32>
        %min3A_339 = vector.broadcast %squeeze3A_204 : f32 to vector<16xf32>
        %min3A_340 = arith.minimumf %min3A_339, %while3A_173 : vector<16xf32>
        %min3A_341 = vector.broadcast %squeeze3A_206 : f32 to vector<16xf32>
        %min3A_342 = arith.minimumf %min3A_341, %while3A_174 : vector<16xf32>
        %sub3A_343 = arith.subf %min3A_340, %max3A_336 : vector<16xf32>
        %max3A_344 = arith.constant 0.000000e+00 : f32
        %max3A_345 = vector.broadcast %max3A_344 : f32 to vector<16xf32>
        %max3A_346 = arith.maximumf %sub3A_343, %max3A_345 : vector<16xf32>
        %sub3A_347 = arith.subf %min3A_342, %max3A_338 : vector<16xf32>
        %max3A_348 = arith.constant 0.000000e+00 : f32
        %max3A_349 = vector.broadcast %max3A_348 : f32 to vector<16xf32>
        %max3A_350 = arith.maximumf %sub3A_347, %max3A_349 : vector<16xf32>
        %mul3A_351 = arith.mulf %max3A_346, %max3A_350 : vector<16xf32>
        %add3A_352 = vector.broadcast %mul3A_209 : f32 to vector<16xf32>
        %add3A_353 = arith.addf %add3A_352, %mul3A_334 : vector<16xf32>
        %sub3A_354 = arith.subf %add3A_353, %mul3A_351 : vector<16xf32>
        %max3A_355 = arith.constant 9.99999997E-7 : f32
        %max3A_356 = vector.broadcast %max3A_355 : f32 to vector<16xf32>
        %max3A_357 = arith.maximumf %sub3A_354, %max3A_356 : vector<16xf32>
        %mul3A_358 = vector.broadcast %squeeze3A : f32 to vector<16xf32>
        %mul3A_359 = arith.mulf %mul3A_358, %max3A_357 : vector<16xf32>
        %sub3A_360 = arith.subf %mul3A_351, %mul3A_359 : vector<16xf32>
        %max3A_361 = arith.maximumf %max3A_331, %sub3A_360 : vector<16xf32>
        %sub3A_362 = arith.subf %while3A_177, %while3A_175 : vector<16xf32>
        %sub3A_363 = arith.subf %while3A_178, %while3A_176 : vector<16xf32>
        %mul3A_364 = arith.mulf %sub3A_362, %sub3A_363 : vector<16xf32>
        %max3A_365 = vector.broadcast %squeeze3A_200 : f32 to vector<16xf32>
        %max3A_366 = arith.maximumf %max3A_365, %while3A_175 : vector<16xf32>
        %max3A_367 = vector.broadcast %squeeze3A_202 : f32 to vector<16xf32>
        %max3A_368 = arith.maximumf %max3A_367, %while3A_176 : vector<16xf32>
        %min3A_369 = vector.broadcast %squeeze3A_204 : f32 to vector<16xf32>
        %min3A_370 = arith.minimumf %min3A_369, %while3A_177 : vector<16xf32>
        %min3A_371 = vector.broadcast %squeeze3A_206 : f32 to vector<16xf32>
        %min3A_372 = arith.minimumf %min3A_371, %while3A_178 : vector<16xf32>
        %sub3A_373 = arith.subf %min3A_370, %max3A_366 : vector<16xf32>
        %max3A_374 = arith.constant 0.000000e+00 : f32
        %max3A_375 = vector.broadcast %max3A_374 : f32 to vector<16xf32>
        %max3A_376 = arith.maximumf %sub3A_373, %max3A_375 : vector<16xf32>
        %sub3A_377 = arith.subf %min3A_372, %max3A_368 : vector<16xf32>
        %max3A_378 = arith.constant 0.000000e+00 : f32
        %max3A_379 = vector.broadcast %max3A_378 : f32 to vector<16xf32>
        %max3A_380 = arith.maximumf %sub3A_377, %max3A_379 : vector<16xf32>
        %mul3A_381 = arith.mulf %max3A_376, %max3A_380 : vector<16xf32>
        %add3A_382 = vector.broadcast %mul3A_209 : f32 to vector<16xf32>
        %add3A_383 = arith.addf %add3A_382, %mul3A_364 : vector<16xf32>
        %sub3A_384 = arith.subf %add3A_383, %mul3A_381 : vector<16xf32>
        %max3A_385 = arith.constant 9.99999997E-7 : f32
        %max3A_386 = vector.broadcast %max3A_385 : f32 to vector<16xf32>
        %max3A_387 = arith.maximumf %sub3A_384, %max3A_386 : vector<16xf32>
        %mul3A_388 = vector.broadcast %squeeze3A : f32 to vector<16xf32>
        %mul3A_389 = arith.mulf %mul3A_388, %max3A_387 : vector<16xf32>
        %sub3A_390 = arith.subf %mul3A_381, %mul3A_389 : vector<16xf32>
        %max3A_391 = arith.maximumf %max3A_361, %sub3A_390 : vector<16xf32>
        %sub3A_392 = arith.subf %while3A_181, %while3A_179 : vector<16xf32>
        %sub3A_393 = arith.subf %while3A_182, %while3A_180 : vector<16xf32>
        %mul3A_394 = arith.mulf %sub3A_392, %sub3A_393 : vector<16xf32>
        %max3A_395 = vector.broadcast %squeeze3A_200 : f32 to vector<16xf32>
        %max3A_396 = arith.maximumf %max3A_395, %while3A_179 : vector<16xf32>
        %max3A_397 = vector.broadcast %squeeze3A_202 : f32 to vector<16xf32>
        %max3A_398 = arith.maximumf %max3A_397, %while3A_180 : vector<16xf32>
        %min3A_399 = vector.broadcast %squeeze3A_204 : f32 to vector<16xf32>
        %min3A_400 = arith.minimumf %min3A_399, %while3A_181 : vector<16xf32>
        %min3A_401 = vector.broadcast %squeeze3A_206 : f32 to vector<16xf32>
        %min3A_402 = arith.minimumf %min3A_401, %while3A_182 : vector<16xf32>
        %sub3A_403 = arith.subf %min3A_400, %max3A_396 : vector<16xf32>
        %max3A_404 = arith.constant 0.000000e+00 : f32
        %max3A_405 = vector.broadcast %max3A_404 : f32 to vector<16xf32>
        %max3A_406 = arith.maximumf %sub3A_403, %max3A_405 : vector<16xf32>
        %sub3A_407 = arith.subf %min3A_402, %max3A_398 : vector<16xf32>
        %max3A_408 = arith.constant 0.000000e+00 : f32
        %max3A_409 = vector.broadcast %max3A_408 : f32 to vector<16xf32>
        %max3A_410 = arith.maximumf %sub3A_407, %max3A_409 : vector<16xf32>
        %mul3A_411 = arith.mulf %max3A_406, %max3A_410 : vector<16xf32>
        %add3A_412 = vector.broadcast %mul3A_209 : f32 to vector<16xf32>
        %add3A_413 = arith.addf %add3A_412, %mul3A_394 : vector<16xf32>
        %sub3A_414 = arith.subf %add3A_413, %mul3A_411 : vector<16xf32>
        %max3A_415 = arith.constant 9.99999997E-7 : f32
        %max3A_416 = vector.broadcast %max3A_415 : f32 to vector<16xf32>
        %max3A_417 = arith.maximumf %sub3A_414, %max3A_416 : vector<16xf32>
        %mul3A_418 = vector.broadcast %squeeze3A : f32 to vector<16xf32>
        %mul3A_419 = arith.mulf %mul3A_418, %max3A_417 : vector<16xf32>
        %sub3A_420 = arith.subf %mul3A_411, %mul3A_419 : vector<16xf32>
        %max3A_421 = arith.maximumf %max3A_391, %sub3A_420 : vector<16xf32>
        %swap3A_422 = arith.constant 0 : index
        %swap3A_423 = tpu.vector_load %arg13[%swap3A_422] {strides = array<i32>} : memref<32xf32, #tpu.memory_space<vmem>>, vector<16xf32>,
        %swap3A_424 = vector.shape_cast %swap3A_423 : vector<16xf32> to vector<16xf32>
        %swap3A_425 = vector.shape_cast %max3A_421 : vector<16xf32> to vector<16xf32>
        tpu.vector_store %arg13[%swap3A_422], %swap3A_425 {strides = array<i32>} : memref<32xf32, #tpu.memory_space<vmem>>, vector<16xf32>,
        %get3A_426 = arith.constant 8 : index
        %get3A_427 = tpu.vector_load %arg13[%get3A_426] {strides = array<i32>} : memref<32xf32, #tpu.memory_space<vmem>>, vector<16xf32>,
        %get3A_428 = vector.shape_cast %get3A_427 : vector<16xf32> to vector<16xf32>
        %max3A_429 = arith.maximumf %max3A_421, %get3A_428 : vector<16xf32>
        %swap3A_430 = arith.constant 0 : index
        %swap3A_431 = tpu.vector_load %arg13[%swap3A_430] {strides = array<i32>} : memref<32xf32, #tpu.memory_space<vmem>>, vector<16xf32>,
        %swap3A_432 = vector.shape_cast %swap3A_431 : vector<16xf32> to vector<16xf32>
        %swap3A_433 = vector.shape_cast %max3A_429 : vector<16xf32> to vector<16xf32>
        tpu.vector_store %arg13[%swap3A_430], %swap3A_433 {strides = array<i32>} : memref<32xf32, #tpu.memory_space<vmem>>, vector<16xf32>,
        %get3A_434 = arith.constant 4 : index
        %get3A_435 = tpu.vector_load %arg13[%get3A_434] {strides = array<i32>} : memref<32xf32, #tpu.memory_space<vmem>>, vector<16xf32>,
        %get3A_436 = vector.shape_cast %get3A_435 : vector<16xf32> to vector<16xf32>
        %max3A_437 = arith.maximumf %max3A_429, %get3A_436 : vector<16xf32>
        %swap3A_438 = arith.constant 0 : index
        %swap3A_439 = tpu.vector_load %arg13[%swap3A_438] {strides = array<i32>} : memref<32xf32, #tpu.memory_space<vmem>>, vector<16xf32>,
        %swap3A_440 = vector.shape_cast %swap3A_439 : vector<16xf32> to vector<16xf32>
        %swap3A_441 = vector.shape_cast %max3A_437 : vector<16xf32> to vector<16xf32>
        tpu.vector_store %arg13[%swap3A_438], %swap3A_441 {strides = array<i32>} : memref<32xf32, #tpu.memory_space<vmem>>, vector<16xf32>,
        %get3A_442 = arith.constant 2 : index
        %get3A_443 = tpu.vector_load %arg13[%get3A_442] {strides = array<i32>} : memref<32xf32, #tpu.memory_space<vmem>>, vector<16xf32>,
        %get3A_444 = vector.shape_cast %get3A_443 : vector<16xf32> to vector<16xf32>
        %max3A_445 = arith.maximumf %max3A_437, %get3A_444 : vector<16xf32>
        %swap3A_446 = arith.constant 0 : index
        %swap3A_447 = tpu.vector_load %arg13[%swap3A_446] {strides = array<i32>} : memref<32xf32, #tpu.memory_space<vmem>>, vector<16xf32>,
        %swap3A_448 = vector.shape_cast %swap3A_447 : vector<16xf32> to vector<16xf32>
        %swap3A_449 = vector.shape_cast %max3A_445 : vector<16xf32> to vector<16xf32>
        tpu.vector_store %arg13[%swap3A_446], %swap3A_449 {strides = array<i32>} : memref<32xf32, #tpu.memory_space<vmem>>, vector<16xf32>,
        %get3A_450 = arith.constant 1 : index
        %get3A_451 = tpu.vector_load %arg13[%get3A_450] {strides = array<i32>} : memref<32xf32, #tpu.memory_space<vmem>>, vector<16xf32>,
        %get3A_452 = vector.shape_cast %get3A_451 : vector<16xf32> to vector<16xf32>
        %max3A_453 = arith.maximumf %max3A_445, %get3A_452 : vector<16xf32>
        %slice3A_454 = vector.extract_strided_slice %max3A_453 {offsets = [0], sizes = [1], strides = [1]} : vector<16xf32> to vector<1xf32>
        %squeeze3A_455 = vector.extract %slice3A_454[0] : f32 from vector<1xf32>
        %ge3A = arith.constant 0.000000e+00 : f32
        %ge3A_456 = arith.cmpf oge, %squeeze3A_455, %ge3A : f32
        %gt3A_457 = arith.cmpf ogt, %squeeze3A_188, %squeeze3A_15 : f32
        %lt3A_458 = arith.cmpi slt, %while3A_154, %min3A_18 : i32
        %and3A_459 = arith.andi %gt3A_457, %lt3A_458 : i1
        %not3A = arith.constant true
        %not3A_460 = arith.xori %ge3A_456, %not3A : i1
        %and3A_461 = arith.andi %and3A_459, %not3A_460 : i1
        %jit3A_462 = arith.constant 1.000000e+00 : f32
        %jit3A_463 = arith.constant 0.000000e+00 : f32
        %select_n3A_464 = arith.select %and3A_461, %jit3A_462, %jit3A_463 : f32
        %jit3A_465 = arith.constant 1 : i32
        %jit3A_466 = arith.constant 0 : i32
        %select_n3A_467 = arith.select %and3A_461, %jit3A_465, %jit3A_466 : i32
        %convert_element_type3A_468 = arith.sitofp %while3A_154 : i32 to f32
        %sub3A_469 = arith.constant 0.000000e+00 : f32
        %sub3A_470 = arith.subf %convert_element_type3A_468, %sub3A_469 : f32
        %sub3A_471 = vector.broadcast %sub3A_470 : f32 to vector<16xf32>
        %sub3A_472 = arith.subf %convert_element_type3A_19, %sub3A_471 : vector<16xf32>
        %abs3A = math.absf %sub3A_472 : vector<16xf32>
        %sub3A_473 = arith.constant 1.000000e+00 : f32
        %sub3A_474 = vector.broadcast %sub3A_473 : f32 to vector<16xf32>
        %sub3A_475 = arith.subf %sub3A_474, %abs3A : vector<16xf32>
        %max3A_476 = arith.constant 0.000000e+00 : f32
        %max3A_477 = vector.broadcast %max3A_476 : f32 to vector<16xf32>
        %max3A_478 = arith.maximumf %sub3A_475, %max3A_477 : vector<16xf32>
        %mul3A_479 = vector.broadcast %select_n3A_464 : f32 to vector<16xf32>
        %mul3A_480 = arith.mulf %max3A_478, %mul3A_479 : vector<16xf32>
        %sub3A_481 = vector.broadcast %squeeze3A_200 : f32 to vector<16xf32>
        %sub3A_482 = arith.subf %sub3A_481, %while3A_155 : vector<16xf32>
        %mul3A_483 = arith.mulf %mul3A_480, %sub3A_482 : vector<16xf32>
        %add3A_484 = arith.addf %while3A_155, %mul3A_483 : vector<16xf32>
        %sub3A_485 = vector.broadcast %squeeze3A_202 : f32 to vector<16xf32>
        %sub3A_486 = arith.subf %sub3A_485, %while3A_156 : vector<16xf32>
        %mul3A_487 = arith.mulf %mul3A_480, %sub3A_486 : vector<16xf32>
        %add3A_488 = arith.addf %while3A_156, %mul3A_487 : vector<16xf32>
        %sub3A_489 = vector.broadcast %squeeze3A_204 : f32 to vector<16xf32>
        %sub3A_490 = arith.subf %sub3A_489, %while3A_157 : vector<16xf32>
        %mul3A_491 = arith.mulf %mul3A_480, %sub3A_490 : vector<16xf32>
        %add3A_492 = arith.addf %while3A_157, %mul3A_491 : vector<16xf32>
        %sub3A_493 = vector.broadcast %squeeze3A_206 : f32 to vector<16xf32>
        %sub3A_494 = arith.subf %sub3A_493, %while3A_158 : vector<16xf32>
        %mul3A_495 = arith.mulf %mul3A_480, %sub3A_494 : vector<16xf32>
        %add3A_496 = arith.addf %while3A_158, %mul3A_495 : vector<16xf32>
        %sub3A_497 = arith.constant 1.600000e+01 : f32
        %sub3A_498 = arith.subf %convert_element_type3A_468, %sub3A_497 : f32
        %sub3A_499 = vector.broadcast %sub3A_498 : f32 to vector<16xf32>
        %sub3A_500 = arith.subf %convert_element_type3A_19, %sub3A_499 : vector<16xf32>
        %abs3A_501 = math.absf %sub3A_500 : vector<16xf32>
        %sub3A_502 = arith.constant 1.000000e+00 : f32
        %sub3A_503 = vector.broadcast %sub3A_502 : f32 to vector<16xf32>
        %sub3A_504 = arith.subf %sub3A_503, %abs3A_501 : vector<16xf32>
        %max3A_505 = arith.constant 0.000000e+00 : f32
        %max3A_506 = vector.broadcast %max3A_505 : f32 to vector<16xf32>
        %max3A_507 = arith.maximumf %sub3A_504, %max3A_506 : vector<16xf32>
        %mul3A_508 = vector.broadcast %select_n3A_464 : f32 to vector<16xf32>
        %mul3A_509 = arith.mulf %max3A_507, %mul3A_508 : vector<16xf32>
        %sub3A_510 = vector.broadcast %squeeze3A_200 : f32 to vector<16xf32>
        %sub3A_511 = arith.subf %sub3A_510, %while3A_159 : vector<16xf32>
        %mul3A_512 = arith.mulf %mul3A_509, %sub3A_511 : vector<16xf32>
        %add3A_513 = arith.addf %while3A_159, %mul3A_512 : vector<16xf32>
        %sub3A_514 = vector.broadcast %squeeze3A_202 : f32 to vector<16xf32>
        %sub3A_515 = arith.subf %sub3A_514, %while3A_160 : vector<16xf32>
        %mul3A_516 = arith.mulf %mul3A_509, %sub3A_515 : vector<16xf32>
        %add3A_517 = arith.addf %while3A_160, %mul3A_516 : vector<16xf32>
        %sub3A_518 = vector.broadcast %squeeze3A_204 : f32 to vector<16xf32>
        %sub3A_519 = arith.subf %sub3A_518, %while3A_161 : vector<16xf32>
        %mul3A_520 = arith.mulf %mul3A_509, %sub3A_519 : vector<16xf32>
        %add3A_521 = arith.addf %while3A_161, %mul3A_520 : vector<16xf32>
        %sub3A_522 = vector.broadcast %squeeze3A_206 : f32 to vector<16xf32>
        %sub3A_523 = arith.subf %sub3A_522, %while3A_162 : vector<16xf32>
        %mul3A_524 = arith.mulf %mul3A_509, %sub3A_523 : vector<16xf32>
        %add3A_525 = arith.addf %while3A_162, %mul3A_524 : vector<16xf32>
        %sub3A_526 = arith.constant 3.200000e+01 : f32
        %sub3A_527 = arith.subf %convert_element_type3A_468, %sub3A_526 : f32
        %sub3A_528 = vector.broadcast %sub3A_527 : f32 to vector<16xf32>
        %sub3A_529 = arith.subf %convert_element_type3A_19, %sub3A_528 : vector<16xf32>
        %abs3A_530 = math.absf %sub3A_529 : vector<16xf32>
        %sub3A_531 = arith.constant 1.000000e+00 : f32
        %sub3A_532 = vector.broadcast %sub3A_531 : f32 to vector<16xf32>
        %sub3A_533 = arith.subf %sub3A_532, %abs3A_530 : vector<16xf32>
        %max3A_534 = arith.constant 0.000000e+00 : f32
        %max3A_535 = vector.broadcast %max3A_534 : f32 to vector<16xf32>
        %max3A_536 = arith.maximumf %sub3A_533, %max3A_535 : vector<16xf32>
        %mul3A_537 = vector.broadcast %select_n3A_464 : f32 to vector<16xf32>
        %mul3A_538 = arith.mulf %max3A_536, %mul3A_537 : vector<16xf32>
        %sub3A_539 = vector.broadcast %squeeze3A_200 : f32 to vector<16xf32>
        %sub3A_540 = arith.subf %sub3A_539, %while3A_163 : vector<16xf32>
        %mul3A_541 = arith.mulf %mul3A_538, %sub3A_540 : vector<16xf32>
        %add3A_542 = arith.addf %while3A_163, %mul3A_541 : vector<16xf32>
        %sub3A_543 = vector.broadcast %squeeze3A_202 : f32 to vector<16xf32>
        %sub3A_544 = arith.subf %sub3A_543, %while3A_164 : vector<16xf32>
        %mul3A_545 = arith.mulf %mul3A_538, %sub3A_544 : vector<16xf32>
        %add3A_546 = arith.addf %while3A_164, %mul3A_545 : vector<16xf32>
        %sub3A_547 = vector.broadcast %squeeze3A_204 : f32 to vector<16xf32>
        %sub3A_548 = arith.subf %sub3A_547, %while3A_165 : vector<16xf32>
        %mul3A_549 = arith.mulf %mul3A_538, %sub3A_548 : vector<16xf32>
        %add3A_550 = arith.addf %while3A_165, %mul3A_549 : vector<16xf32>
        %sub3A_551 = vector.broadcast %squeeze3A_206 : f32 to vector<16xf32>
        %sub3A_552 = arith.subf %sub3A_551, %while3A_166 : vector<16xf32>
        %mul3A_553 = arith.mulf %mul3A_538, %sub3A_552 : vector<16xf32>
        %add3A_554 = arith.addf %while3A_166, %mul3A_553 : vector<16xf32>
        %sub3A_555 = arith.constant 4.800000e+01 : f32
        %sub3A_556 = arith.subf %convert_element_type3A_468, %sub3A_555 : f32
        %sub3A_557 = vector.broadcast %sub3A_556 : f32 to vector<16xf32>
        %sub3A_558 = arith.subf %convert_element_type3A_19, %sub3A_557 : vector<16xf32>
        %abs3A_559 = math.absf %sub3A_558 : vector<16xf32>
        %sub3A_560 = arith.constant 1.000000e+00 : f32
        %sub3A_561 = vector.broadcast %sub3A_560 : f32 to vector<16xf32>
        %sub3A_562 = arith.subf %sub3A_561, %abs3A_559 : vector<16xf32>
        %max3A_563 = arith.constant 0.000000e+00 : f32
        %max3A_564 = vector.broadcast %max3A_563 : f32 to vector<16xf32>
        %max3A_565 = arith.maximumf %sub3A_562, %max3A_564 : vector<16xf32>
        %mul3A_566 = vector.broadcast %select_n3A_464 : f32 to vector<16xf32>
        %mul3A_567 = arith.mulf %max3A_565, %mul3A_566 : vector<16xf32>
        %sub3A_568 = vector.broadcast %squeeze3A_200 : f32 to vector<16xf32>
        %sub3A_569 = arith.subf %sub3A_568, %while3A_167 : vector<16xf32>
        %mul3A_570 = arith.mulf %mul3A_567, %sub3A_569 : vector<16xf32>
        %add3A_571 = arith.addf %while3A_167, %mul3A_570 : vector<16xf32>
        %sub3A_572 = vector.broadcast %squeeze3A_202 : f32 to vector<16xf32>
        %sub3A_573 = arith.subf %sub3A_572, %while3A_168 : vector<16xf32>
        %mul3A_574 = arith.mulf %mul3A_567, %sub3A_573 : vector<16xf32>
        %add3A_575 = arith.addf %while3A_168, %mul3A_574 : vector<16xf32>
        %sub3A_576 = vector.broadcast %squeeze3A_204 : f32 to vector<16xf32>
        %sub3A_577 = arith.subf %sub3A_576, %while3A_169 : vector<16xf32>
        %mul3A_578 = arith.mulf %mul3A_567, %sub3A_577 : vector<16xf32>
        %add3A_579 = arith.addf %while3A_169, %mul3A_578 : vector<16xf32>
        %sub3A_580 = vector.broadcast %squeeze3A_206 : f32 to vector<16xf32>
        %sub3A_581 = arith.subf %sub3A_580, %while3A_170 : vector<16xf32>
        %mul3A_582 = arith.mulf %mul3A_567, %sub3A_581 : vector<16xf32>
        %add3A_583 = arith.addf %while3A_170, %mul3A_582 : vector<16xf32>
        %sub3A_584 = arith.constant 6.400000e+01 : f32
        %sub3A_585 = arith.subf %convert_element_type3A_468, %sub3A_584 : f32
        %sub3A_586 = vector.broadcast %sub3A_585 : f32 to vector<16xf32>
        %sub3A_587 = arith.subf %convert_element_type3A_19, %sub3A_586 : vector<16xf32>
        %abs3A_588 = math.absf %sub3A_587 : vector<16xf32>
        %sub3A_589 = arith.constant 1.000000e+00 : f32
        %sub3A_590 = vector.broadcast %sub3A_589 : f32 to vector<16xf32>
        %sub3A_591 = arith.subf %sub3A_590, %abs3A_588 : vector<16xf32>
        %max3A_592 = arith.constant 0.000000e+00 : f32
        %max3A_593 = vector.broadcast %max3A_592 : f32 to vector<16xf32>
        %max3A_594 = arith.maximumf %sub3A_591, %max3A_593 : vector<16xf32>
        %mul3A_595 = vector.broadcast %select_n3A_464 : f32 to vector<16xf32>
        %mul3A_596 = arith.mulf %max3A_594, %mul3A_595 : vector<16xf32>
        %sub3A_597 = vector.broadcast %squeeze3A_200 : f32 to vector<16xf32>
        %sub3A_598 = arith.subf %sub3A_597, %while3A_171 : vector<16xf32>
        %mul3A_599 = arith.mulf %mul3A_596, %sub3A_598 : vector<16xf32>
        %add3A_600 = arith.addf %while3A_171, %mul3A_599 : vector<16xf32>
        %sub3A_601 = vector.broadcast %squeeze3A_202 : f32 to vector<16xf32>
        %sub3A_602 = arith.subf %sub3A_601, %while3A_172 : vector<16xf32>
        %mul3A_603 = arith.mulf %mul3A_596, %sub3A_602 : vector<16xf32>
        %add3A_604 = arith.addf %while3A_172, %mul3A_603 : vector<16xf32>
        %sub3A_605 = vector.broadcast %squeeze3A_204 : f32 to vector<16xf32>
        %sub3A_606 = arith.subf %sub3A_605, %while3A_173 : vector<16xf32>
        %mul3A_607 = arith.mulf %mul3A_596, %sub3A_606 : vector<16xf32>
        %add3A_608 = arith.addf %while3A_173, %mul3A_607 : vector<16xf32>
        %sub3A_609 = vector.broadcast %squeeze3A_206 : f32 to vector<16xf32>
        %sub3A_610 = arith.subf %sub3A_609, %while3A_174 : vector<16xf32>
        %mul3A_611 = arith.mulf %mul3A_596, %sub3A_610 : vector<16xf32>
        %add3A_612 = arith.addf %while3A_174, %mul3A_611 : vector<16xf32>
        %sub3A_613 = arith.constant 8.000000e+01 : f32
        %sub3A_614 = arith.subf %convert_element_type3A_468, %sub3A_613 : f32
        %sub3A_615 = vector.broadcast %sub3A_614 : f32 to vector<16xf32>
        %sub3A_616 = arith.subf %convert_element_type3A_19, %sub3A_615 : vector<16xf32>
        %abs3A_617 = math.absf %sub3A_616 : vector<16xf32>
        %sub3A_618 = arith.constant 1.000000e+00 : f32
        %sub3A_619 = vector.broadcast %sub3A_618 : f32 to vector<16xf32>
        %sub3A_620 = arith.subf %sub3A_619, %abs3A_617 : vector<16xf32>
        %max3A_621 = arith.constant 0.000000e+00 : f32
        %max3A_622 = vector.broadcast %max3A_621 : f32 to vector<16xf32>
        %max3A_623 = arith.maximumf %sub3A_620, %max3A_622 : vector<16xf32>
        %mul3A_624 = vector.broadcast %select_n3A_464 : f32 to vector<16xf32>
        %mul3A_625 = arith.mulf %max3A_623, %mul3A_624 : vector<16xf32>
        %sub3A_626 = vector.broadcast %squeeze3A_200 : f32 to vector<16xf32>
        %sub3A_627 = arith.subf %sub3A_626, %while3A_175 : vector<16xf32>
        %mul3A_628 = arith.mulf %mul3A_625, %sub3A_627 : vector<16xf32>
        %add3A_629 = arith.addf %while3A_175, %mul3A_628 : vector<16xf32>
        %sub3A_630 = vector.broadcast %squeeze3A_202 : f32 to vector<16xf32>
        %sub3A_631 = arith.subf %sub3A_630, %while3A_176 : vector<16xf32>
        %mul3A_632 = arith.mulf %mul3A_625, %sub3A_631 : vector<16xf32>
        %add3A_633 = arith.addf %while3A_176, %mul3A_632 : vector<16xf32>
        %sub3A_634 = vector.broadcast %squeeze3A_204 : f32 to vector<16xf32>
        %sub3A_635 = arith.subf %sub3A_634, %while3A_177 : vector<16xf32>
        %mul3A_636 = arith.mulf %mul3A_625, %sub3A_635 : vector<16xf32>
        %add3A_637 = arith.addf %while3A_177, %mul3A_636 : vector<16xf32>
        %sub3A_638 = vector.broadcast %squeeze3A_206 : f32 to vector<16xf32>
        %sub3A_639 = arith.subf %sub3A_638, %while3A_178 : vector<16xf32>
        %mul3A_640 = arith.mulf %mul3A_625, %sub3A_639 : vector<16xf32>
        %add3A_641 = arith.addf %while3A_178, %mul3A_640 : vector<16xf32>
        %sub3A_642 = arith.constant 9.600000e+01 : f32
        %sub3A_643 = arith.subf %convert_element_type3A_468, %sub3A_642 : f32
        %sub3A_644 = vector.broadcast %sub3A_643 : f32 to vector<16xf32>
        %sub3A_645 = arith.subf %convert_element_type3A_19, %sub3A_644 : vector<16xf32>
        %abs3A_646 = math.absf %sub3A_645 : vector<16xf32>
        %sub3A_647 = arith.constant 1.000000e+00 : f32
        %sub3A_648 = vector.broadcast %sub3A_647 : f32 to vector<16xf32>
        %sub3A_649 = arith.subf %sub3A_648, %abs3A_646 : vector<16xf32>
        %max3A_650 = arith.constant 0.000000e+00 : f32
        %max3A_651 = vector.broadcast %max3A_650 : f32 to vector<16xf32>
        %max3A_652 = arith.maximumf %sub3A_649, %max3A_651 : vector<16xf32>
        %mul3A_653 = vector.broadcast %select_n3A_464 : f32 to vector<16xf32>
        %mul3A_654 = arith.mulf %max3A_652, %mul3A_653 : vector<16xf32>
        %sub3A_655 = vector.broadcast %squeeze3A_200 : f32 to vector<16xf32>
        %sub3A_656 = arith.subf %sub3A_655, %while3A_179 : vector<16xf32>
        %mul3A_657 = arith.mulf %mul3A_654, %sub3A_656 : vector<16xf32>
        %add3A_658 = arith.addf %while3A_179, %mul3A_657 : vector<16xf32>
        %sub3A_659 = vector.broadcast %squeeze3A_202 : f32 to vector<16xf32>
        %sub3A_660 = arith.subf %sub3A_659, %while3A_180 : vector<16xf32>
        %mul3A_661 = arith.mulf %mul3A_654, %sub3A_660 : vector<16xf32>
        %add3A_662 = arith.addf %while3A_180, %mul3A_661 : vector<16xf32>
        %sub3A_663 = vector.broadcast %squeeze3A_204 : f32 to vector<16xf32>
        %sub3A_664 = arith.subf %sub3A_663, %while3A_181 : vector<16xf32>
        %mul3A_665 = arith.mulf %mul3A_654, %sub3A_664 : vector<16xf32>
        %add3A_666 = arith.addf %while3A_181, %mul3A_665 : vector<16xf32>
        %sub3A_667 = vector.broadcast %squeeze3A_206 : f32 to vector<16xf32>
        %sub3A_668 = arith.subf %sub3A_667, %while3A_182 : vector<16xf32>
        %mul3A_669 = arith.mulf %mul3A_654, %sub3A_668 : vector<16xf32>
        %add3A_670 = arith.addf %while3A_182, %mul3A_669 : vector<16xf32>
        %mul3A_671 = vector.broadcast %select_n3A_467 : i32 to vector<16xi32>
        %mul3A_672 = arith.muli %max3A_23, %mul3A_671 : vector<16xi32>
        %get3A_673 = arith.index_cast %while3A_154 : i32 to index
        %get3A_674 = tpu.vector_load %arg12[%get3A_673] {strides = array<i32>} : memref<128xi32, #tpu.memory_space<vmem>>, vector<16xi32>,
        %get3A_675 = vector.shape_cast %get3A_674 : vector<16xi32> to vector<16xi32>
        %get3A_676 = arith.index_cast %while3A_154 : i32 to index
        %get3A_677 = tpu.vector_load %arg12[%get3A_676] {strides = array<i32>} : memref<128xi32, #tpu.memory_space<vmem>>, vector<16xi32>,
        %get3A_678 = vector.shape_cast %get3A_677 : vector<16xi32> to vector<16xi32>
        %sub3A_679 = vector.broadcast %squeeze3A_193 : i32 to vector<16xi32>
        %sub3A_680 = arith.subi %sub3A_679, %get3A_678 : vector<16xi32>
        %mul3A_681 = arith.muli %mul3A_672, %sub3A_680 : vector<16xi32>
        %add3A_682 = arith.addi %get3A_675, %mul3A_681 : vector<16xi32>
        %swap3A_683 = arith.index_cast %while3A_154 : i32 to index
        %swap3A_684 = tpu.vector_load %arg12[%swap3A_683] {strides = array<i32>} : memref<128xi32, #tpu.memory_space<vmem>>, vector<16xi32>,
        %swap3A_685 = vector.shape_cast %swap3A_684 : vector<16xi32> to vector<16xi32>
        %swap3A_686 = vector.shape_cast %add3A_682 : vector<16xi32> to vector<16xi32>
        tpu.vector_store %arg12[%swap3A_683], %swap3A_686 {strides = array<i32>} : memref<128xi32, #tpu.memory_space<vmem>>, vector<16xi32>,
        %add3A_687 = arith.addi %while3A_154, %select_n3A_467 : i32
        scf.yield %add3A_687, %add3A_484, %add3A_488, %add3A_492, %add3A_496, %add3A_513, %add3A_517, %add3A_521, %add3A_525, %add3A_542, %add3A_546, %add3A_550, %add3A_554, %add3A_571, %add3A_575, %add3A_579, %add3A_583, %add3A_600, %add3A_604, %add3A_608, %add3A_612, %add3A_629, %add3A_633, %add3A_637, %add3A_641, %add3A_658, %add3A_662, %add3A_666, %add3A_670 : i32, vector<16xf32>, vector<16xf32>, vector<16xf32>, vector<16xf32>, vector<16xf32>, vector<16xf32>, vector<16xf32>, vector<16xf32>, vector<16xf32>, vector<16xf32>, vector<16xf32>, vector<16xf32>, vector<16xf32>, vector<16xf32>, vector<16xf32>, vector<16xf32>, vector<16xf32>, vector<16xf32>, vector<16xf32>, vector<16xf32>, vector<16xf32>, vector<16xf32>, vector<16xf32>, vector<16xf32>, vector<16xf32>, vector<16xf32>, vector<16xf32>, vector<16xf32>
      }
      scf.yield %while3A_152#0, %while3A_152#1, %while3A_152#2, %while3A_152#3, %while3A_152#4, %while3A_152#5, %while3A_152#6, %while3A_152#7, %while3A_152#8, %while3A_152#9, %while3A_152#10, %while3A_152#11, %while3A_152#12, %while3A_152#13, %while3A_152#14, %while3A_152#15, %while3A_152#16, %while3A_152#17, %while3A_152#18, %while3A_152#19, %while3A_152#20, %while3A_152#21, %while3A_152#22, %while3A_152#23, %while3A_152#24, %while3A_152#25, %while3A_152#26, %while3A_152#27, %while3A_152#28 : i32, vector<16xf32>, vector<16xf32>, vector<16xf32>, vector<16xf32>, vector<16xf32>, vector<16xf32>, vector<16xf32>, vector<16xf32>, vector<16xf32>, vector<16xf32>, vector<16xf32>, vector<16xf32>, vector<16xf32>, vector<16xf32>, vector<16xf32>, vector<16xf32>, vector<16xf32>, vector<16xf32>, vector<16xf32>, vector<16xf32>, vector<16xf32>, vector<16xf32>, vector<16xf32>, vector<16xf32>, vector<16xf32>, vector<16xf32>, vector<16xf32>, vector<16xf32>
    }
    %while3A_90 = arith.constant 1 : i32
    %while3A_91:29 = scf.for %while3A_102 = %while3A_87 to %while3A_83 step %while3A_90 iter_args(%while3A_103 = %while3A_89#0, %while3A_104 = %while3A_89#1, %while3A_105 = %while3A_89#2, %while3A_106 = %while3A_89#3, %while3A_107 = %while3A_89#4, %while3A_108 = %while3A_89#5, %while3A_109 = %while3A_89#6, %while3A_110 = %while3A_89#7, %while3A_111 = %while3A_89#8, %while3A_112 = %while3A_89#9, %while3A_113 = %while3A_89#10, %while3A_114 = %while3A_89#11, %while3A_115 = %while3A_89#12, %while3A_116 = %while3A_89#13, %while3A_117 = %while3A_89#14, %while3A_118 = %while3A_89#15, %while3A_119 = %while3A_89#16, %while3A_120 = %while3A_89#17, %while3A_121 = %while3A_89#18, %while3A_122 = %while3A_89#19, %while3A_123 = %while3A_89#20, %while3A_124 = %while3A_89#21, %while3A_125 = %while3A_89#22, %while3A_126 = %while3A_89#23, %while3A_127 = %while3A_89#24, %while3A_128 = %while3A_89#25, %while3A_129 = %while3A_89#26, %while3A_130 = %while3A_89#27, %while3A_131 = %while3A_89#28) -> (i32, vector<16xf32>, vector<16xf32>, vector<16xf32>, vector<16xf32>, vector<16xf32>, vector<16xf32>, vector<16xf32>, vector<16xf32>, vector<16xf32>, vector<16xf32>, vector<16xf32>, vector<16xf32>, vector<16xf32>, vector<16xf32>, vector<16xf32>, vector<16xf32>, vector<16xf32>, vector<16xf32>, vector<16xf32>, vector<16xf32>, vector<16xf32>, vector<16xf32>, vector<16xf32>, vector<16xf32>, vector<16xf32>, vector<16xf32>, vector<16xf32>, vector<16xf32>)  : i32 {
      %mul3A_132 = arith.constant 128 : i32
      %mul3A_133 = arith.muli %while3A_102, %mul3A_132 : i32
      %get3A_134 = arith.index_cast %mul3A_133 : i32 to index
      %get3A_135 = tpu.vector_load %arg10[%get3A_134] {strides = array<i32>} : memref<144xf32, #tpu.memory_space<vmem>>, vector<16xf32>,
      %get3A_136 = vector.shape_cast %get3A_135 : vector<16xf32> to vector<16xf32>
      %slice3A_137 = vector.extract_strided_slice %get3A_136 {offsets = [0], sizes = [1], strides = [1]} : vector<16xf32> to vector<1xf32>
      %squeeze3A_138 = vector.extract %slice3A_137[0] : f32 from vector<1xf32>
      %lt3A = arith.cmpi slt, %while3A_103, %min3A_18 : i32
      %gt3A = arith.cmpf ogt, %squeeze3A_138, %squeeze3A_15 : f32
      %and3A = arith.andi %lt3A, %gt3A : i1
      %jit3A_139 = arith.constant 128 : i32
      %jit3A_140 = arith.constant 0 : i32
      %select_n3A_141 = arith.select %and3A, %jit3A_139, %jit3A_140 : i32
      %while3A_142 = arith.constant 0 : i32
      %while3A_143 = arith.subi %select_n3A_141, %while3A_142 : i32
      %while3A_144 = arith.addi %while3A_142, %while3A_143 : i32
      %while3A_145 = arith.constant 1 : i32
      %while3A_146 = arith.divsi %while3A_143, %while3A_145 : i32
      %while3A_147 = arith.muli %while3A_146, %while3A_145 : i32
      %while3A_148 = arith.addi %while3A_142, %while3A_147 : i32
      %while3A_149 = arith.constant 1 : i32
      %while3A_150:29 = scf.for %while3A_153 = %while3A_142 to %while3A_148 step %while3A_149 iter_args(%while3A_154 = %while3A_103, %while3A_155 = %while3A_104, %while3A_156 = %while3A_105, %while3A_157 = %while3A_106, %while3A_158 = %while3A_107, %while3A_159 = %while3A_108, %while3A_160 = %while3A_109, %while3A_161 = %while3A_110, %while3A_162 = %while3A_111, %while3A_163 = %while3A_112, %while3A_164 = %while3A_113, %while3A_165 = %while3A_114, %while3A_166 = %while3A_115, %while3A_167 = %while3A_116, %while3A_168 = %while3A_117, %while3A_169 = %while3A_118, %while3A_170 = %while3A_119, %while3A_171 = %while3A_120, %while3A_172 = %while3A_121, %while3A_173 = %while3A_122, %while3A_174 = %while3A_123, %while3A_175 = %while3A_124, %while3A_176 = %while3A_125, %while3A_177 = %while3A_126, %while3A_178 = %while3A_127, %while3A_179 = %while3A_128, %while3A_180 = %while3A_129, %while3A_181 = %while3A_130, %while3A_182 = %while3A_131) -> (i32, vector<16xf32>, vector<16xf32>, vector<16xf32>, vector<16xf32>, vector<16xf32>, vector<16xf32>, vector<16xf32>, vector<16xf32>, vector<16xf32>, vector<16xf32>, vector<16xf32>, vector<16xf32>, vector<16xf32>, vector<16xf32>, vector<16xf32>, vector<16xf32>, vector<16xf32>, vector<16xf32>, vector<16xf32>, vector<16xf32>, vector<16xf32>, vector<16xf32>, vector<16xf32>, vector<16xf32>, vector<16xf32>, vector<16xf32>, vector<16xf32>, vector<16xf32>)  : i32 {
        %add3A_183 = arith.addi %mul3A_133, %while3A_153 : i32
        %get3A_184 = arith.index_cast %add3A_183 : i32 to index
        %get3A_185 = tpu.vector_load %arg10[%get3A_184] {strides = array<i32>} : memref<144xf32, #tpu.memory_space<vmem>>, vector<16xf32>,
        %get3A_186 = vector.shape_cast %get3A_185 : vector<16xf32> to vector<16xf32>
        %slice3A_187 = vector.extract_strided_slice %get3A_186 {offsets = [0], sizes = [1], strides = [1]} : vector<16xf32> to vector<1xf32>
        %squeeze3A_188 = vector.extract %slice3A_187[0] : f32 from vector<1xf32>
        %get3A_189 = arith.index_cast %add3A_183 : i32 to index
        %get3A_190 = tpu.vector_load %arg9[%get3A_189] {strides = array<i32>} : memref<144xi32, #tpu.memory_space<vmem>>, vector<16xi32>,
        %get3A_191 = vector.shape_cast %get3A_190 : vector<16xi32> to vector<16xi32>
        %slice3A_192 = vector.extract_strided_slice %get3A_191 {offsets = [0], sizes = [1], strides = [1]} : vector<16xi32> to vector<1xi32>
        %squeeze3A_193 = vector.extract %slice3A_192[0] : i32 from vector<1xi32>
        %mul3A_194 = arith.constant 4 : i32
        %mul3A_195 = arith.muli %squeeze3A_193, %mul3A_194 : i32
        %get3A_196 = arith.index_cast %mul3A_195 : i32 to index
        %get3A_197 = tpu.vector_load %arg8[%get3A_196] {strides = array<i32>} : memref<80016xf32, #tpu.memory_space<vmem>>, vector<16xf32>,
        %get3A_198 = vector.shape_cast %get3A_197 : vector<16xf32> to vector<16xf32>
        %slice3A_199 = vector.extract_strided_slice %get3A_198 {offsets = [0], sizes = [1], strides = [1]} : vector<16xf32> to vector<1xf32>
        %squeeze3A_200 = vector.extract %slice3A_199[0] : f32 from vector<1xf32>
        %slice3A_201 = vector.extract_strided_slice %get3A_198 {offsets = [1], sizes = [1], strides = [1]} : vector<16xf32> to vector<1xf32>
        %squeeze3A_202 = vector.extract %slice3A_201[0] : f32 from vector<1xf32>
        %slice3A_203 = vector.extract_strided_slice %get3A_198 {offsets = [2], sizes = [1], strides = [1]} : vector<16xf32> to vector<1xf32>
        %squeeze3A_204 = vector.extract %slice3A_203[0] : f32 from vector<1xf32>
        %slice3A_205 = vector.extract_strided_slice %get3A_198 {offsets = [3], sizes = [1], strides = [1]} : vector<16xf32> to vector<1xf32>
        %squeeze3A_206 = vector.extract %slice3A_205[0] : f32 from vector<1xf32>
        %sub3A_207 = arith.subf %squeeze3A_204, %squeeze3A_200 : f32
        %sub3A_208 = arith.subf %squeeze3A_206, %squeeze3A_202 : f32
        %mul3A_209 = arith.mulf %sub3A_207, %sub3A_208 : f32
        %broadcast_in_dim3A_210 = arith.constant -1.000000e+00 : f32
        %broadcast_in_dim3A_211 = vector.broadcast %broadcast_in_dim3A_210 : f32 to vector<16xf32>
        %sub3A_212 = arith.subf %while3A_157, %while3A_155 : vector<16xf32>
        %sub3A_213 = arith.subf %while3A_158, %while3A_156 : vector<16xf32>
        %mul3A_214 = arith.mulf %sub3A_212, %sub3A_213 : vector<16xf32>
        %max3A_215 = vector.broadcast %squeeze3A_200 : f32 to vector<16xf32>
        %max3A_216 = arith.maximumf %max3A_215, %while3A_155 : vector<16xf32>
        %max3A_217 = vector.broadcast %squeeze3A_202 : f32 to vector<16xf32>
        %max3A_218 = arith.maximumf %max3A_217, %while3A_156 : vector<16xf32>
        %min3A_219 = vector.broadcast %squeeze3A_204 : f32 to vector<16xf32>
        %min3A_220 = arith.minimumf %min3A_219, %while3A_157 : vector<16xf32>
        %min3A_221 = vector.broadcast %squeeze3A_206 : f32 to vector<16xf32>
        %min3A_222 = arith.minimumf %min3A_221, %while3A_158 : vector<16xf32>
        %sub3A_223 = arith.subf %min3A_220, %max3A_216 : vector<16xf32>
        %max3A_224 = arith.constant 0.000000e+00 : f32
        %max3A_225 = vector.broadcast %max3A_224 : f32 to vector<16xf32>
        %max3A_226 = arith.maximumf %sub3A_223, %max3A_225 : vector<16xf32>
        %sub3A_227 = arith.subf %min3A_222, %max3A_218 : vector<16xf32>
        %max3A_228 = arith.constant 0.000000e+00 : f32
        %max3A_229 = vector.broadcast %max3A_228 : f32 to vector<16xf32>
        %max3A_230 = arith.maximumf %sub3A_227, %max3A_229 : vector<16xf32>
        %mul3A_231 = arith.mulf %max3A_226, %max3A_230 : vector<16xf32>
        %add3A_232 = vector.broadcast %mul3A_209 : f32 to vector<16xf32>
        %add3A_233 = arith.addf %add3A_232, %mul3A_214 : vector<16xf32>
        %sub3A_234 = arith.subf %add3A_233, %mul3A_231 : vector<16xf32>
        %max3A_235 = arith.constant 9.99999997E-7 : f32
        %max3A_236 = vector.broadcast %max3A_235 : f32 to vector<16xf32>
        %max3A_237 = arith.maximumf %sub3A_234, %max3A_236 : vector<16xf32>
        %mul3A_238 = vector.broadcast %squeeze3A : f32 to vector<16xf32>
        %mul3A_239 = arith.mulf %mul3A_238, %max3A_237 : vector<16xf32>
        %sub3A_240 = arith.subf %mul3A_231, %mul3A_239 : vector<16xf32>
        %max3A_241 = arith.maximumf %broadcast_in_dim3A_211, %sub3A_240 : vector<16xf32>
        %sub3A_242 = arith.subf %while3A_161, %while3A_159 : vector<16xf32>
        %sub3A_243 = arith.subf %while3A_162, %while3A_160 : vector<16xf32>
        %mul3A_244 = arith.mulf %sub3A_242, %sub3A_243 : vector<16xf32>
        %max3A_245 = vector.broadcast %squeeze3A_200 : f32 to vector<16xf32>
        %max3A_246 = arith.maximumf %max3A_245, %while3A_159 : vector<16xf32>
        %max3A_247 = vector.broadcast %squeeze3A_202 : f32 to vector<16xf32>
        %max3A_248 = arith.maximumf %max3A_247, %while3A_160 : vector<16xf32>
        %min3A_249 = vector.broadcast %squeeze3A_204 : f32 to vector<16xf32>
        %min3A_250 = arith.minimumf %min3A_249, %while3A_161 : vector<16xf32>
        %min3A_251 = vector.broadcast %squeeze3A_206 : f32 to vector<16xf32>
        %min3A_252 = arith.minimumf %min3A_251, %while3A_162 : vector<16xf32>
        %sub3A_253 = arith.subf %min3A_250, %max3A_246 : vector<16xf32>
        %max3A_254 = arith.constant 0.000000e+00 : f32
        %max3A_255 = vector.broadcast %max3A_254 : f32 to vector<16xf32>
        %max3A_256 = arith.maximumf %sub3A_253, %max3A_255 : vector<16xf32>
        %sub3A_257 = arith.subf %min3A_252, %max3A_248 : vector<16xf32>
        %max3A_258 = arith.constant 0.000000e+00 : f32
        %max3A_259 = vector.broadcast %max3A_258 : f32 to vector<16xf32>
        %max3A_260 = arith.maximumf %sub3A_257, %max3A_259 : vector<16xf32>
        %mul3A_261 = arith.mulf %max3A_256, %max3A_260 : vector<16xf32>
        %add3A_262 = vector.broadcast %mul3A_209 : f32 to vector<16xf32>
        %add3A_263 = arith.addf %add3A_262, %mul3A_244 : vector<16xf32>
        %sub3A_264 = arith.subf %add3A_263, %mul3A_261 : vector<16xf32>
        %max3A_265 = arith.constant 9.99999997E-7 : f32
        %max3A_266 = vector.broadcast %max3A_265 : f32 to vector<16xf32>
        %max3A_267 = arith.maximumf %sub3A_264, %max3A_266 : vector<16xf32>
        %mul3A_268 = vector.broadcast %squeeze3A : f32 to vector<16xf32>
        %mul3A_269 = arith.mulf %mul3A_268, %max3A_267 : vector<16xf32>
        %sub3A_270 = arith.subf %mul3A_261, %mul3A_269 : vector<16xf32>
        %max3A_271 = arith.maximumf %max3A_241, %sub3A_270 : vector<16xf32>
        %sub3A_272 = arith.subf %while3A_165, %while3A_163 : vector<16xf32>
        %sub3A_273 = arith.subf %while3A_166, %while3A_164 : vector<16xf32>
        %mul3A_274 = arith.mulf %sub3A_272, %sub3A_273 : vector<16xf32>
        %max3A_275 = vector.broadcast %squeeze3A_200 : f32 to vector<16xf32>
        %max3A_276 = arith.maximumf %max3A_275, %while3A_163 : vector<16xf32>
        %max3A_277 = vector.broadcast %squeeze3A_202 : f32 to vector<16xf32>
        %max3A_278 = arith.maximumf %max3A_277, %while3A_164 : vector<16xf32>
        %min3A_279 = vector.broadcast %squeeze3A_204 : f32 to vector<16xf32>
        %min3A_280 = arith.minimumf %min3A_279, %while3A_165 : vector<16xf32>
        %min3A_281 = vector.broadcast %squeeze3A_206 : f32 to vector<16xf32>
        %min3A_282 = arith.minimumf %min3A_281, %while3A_166 : vector<16xf32>
        %sub3A_283 = arith.subf %min3A_280, %max3A_276 : vector<16xf32>
        %max3A_284 = arith.constant 0.000000e+00 : f32
        %max3A_285 = vector.broadcast %max3A_284 : f32 to vector<16xf32>
        %max3A_286 = arith.maximumf %sub3A_283, %max3A_285 : vector<16xf32>
        %sub3A_287 = arith.subf %min3A_282, %max3A_278 : vector<16xf32>
        %max3A_288 = arith.constant 0.000000e+00 : f32
        %max3A_289 = vector.broadcast %max3A_288 : f32 to vector<16xf32>
        %max3A_290 = arith.maximumf %sub3A_287, %max3A_289 : vector<16xf32>
        %mul3A_291 = arith.mulf %max3A_286, %max3A_290 : vector<16xf32>
        %add3A_292 = vector.broadcast %mul3A_209 : f32 to vector<16xf32>
        %add3A_293 = arith.addf %add3A_292, %mul3A_274 : vector<16xf32>
        %sub3A_294 = arith.subf %add3A_293, %mul3A_291 : vector<16xf32>
        %max3A_295 = arith.constant 9.99999997E-7 : f32
        %max3A_296 = vector.broadcast %max3A_295 : f32 to vector<16xf32>
        %max3A_297 = arith.maximumf %sub3A_294, %max3A_296 : vector<16xf32>
        %mul3A_298 = vector.broadcast %squeeze3A : f32 to vector<16xf32>
        %mul3A_299 = arith.mulf %mul3A_298, %max3A_297 : vector<16xf32>
        %sub3A_300 = arith.subf %mul3A_291, %mul3A_299 : vector<16xf32>
        %max3A_301 = arith.maximumf %max3A_271, %sub3A_300 : vector<16xf32>
        %sub3A_302 = arith.subf %while3A_169, %while3A_167 : vector<16xf32>
        %sub3A_303 = arith.subf %while3A_170, %while3A_168 : vector<16xf32>
        %mul3A_304 = arith.mulf %sub3A_302, %sub3A_303 : vector<16xf32>
        %max3A_305 = vector.broadcast %squeeze3A_200 : f32 to vector<16xf32>
        %max3A_306 = arith.maximumf %max3A_305, %while3A_167 : vector<16xf32>
        %max3A_307 = vector.broadcast %squeeze3A_202 : f32 to vector<16xf32>
        %max3A_308 = arith.maximumf %max3A_307, %while3A_168 : vector<16xf32>
        %min3A_309 = vector.broadcast %squeeze3A_204 : f32 to vector<16xf32>
        %min3A_310 = arith.minimumf %min3A_309, %while3A_169 : vector<16xf32>
        %min3A_311 = vector.broadcast %squeeze3A_206 : f32 to vector<16xf32>
        %min3A_312 = arith.minimumf %min3A_311, %while3A_170 : vector<16xf32>
        %sub3A_313 = arith.subf %min3A_310, %max3A_306 : vector<16xf32>
        %max3A_314 = arith.constant 0.000000e+00 : f32
        %max3A_315 = vector.broadcast %max3A_314 : f32 to vector<16xf32>
        %max3A_316 = arith.maximumf %sub3A_313, %max3A_315 : vector<16xf32>
        %sub3A_317 = arith.subf %min3A_312, %max3A_308 : vector<16xf32>
        %max3A_318 = arith.constant 0.000000e+00 : f32
        %max3A_319 = vector.broadcast %max3A_318 : f32 to vector<16xf32>
        %max3A_320 = arith.maximumf %sub3A_317, %max3A_319 : vector<16xf32>
        %mul3A_321 = arith.mulf %max3A_316, %max3A_320 : vector<16xf32>
        %add3A_322 = vector.broadcast %mul3A_209 : f32 to vector<16xf32>
        %add3A_323 = arith.addf %add3A_322, %mul3A_304 : vector<16xf32>
        %sub3A_324 = arith.subf %add3A_323, %mul3A_321 : vector<16xf32>
        %max3A_325 = arith.constant 9.99999997E-7 : f32
        %max3A_326 = vector.broadcast %max3A_325 : f32 to vector<16xf32>
        %max3A_327 = arith.maximumf %sub3A_324, %max3A_326 : vector<16xf32>
        %mul3A_328 = vector.broadcast %squeeze3A : f32 to vector<16xf32>
        %mul3A_329 = arith.mulf %mul3A_328, %max3A_327 : vector<16xf32>
        %sub3A_330 = arith.subf %mul3A_321, %mul3A_329 : vector<16xf32>
        %max3A_331 = arith.maximumf %max3A_301, %sub3A_330 : vector<16xf32>
        %sub3A_332 = arith.subf %while3A_173, %while3A_171 : vector<16xf32>
        %sub3A_333 = arith.subf %while3A_174, %while3A_172 : vector<16xf32>
        %mul3A_334 = arith.mulf %sub3A_332, %sub3A_333 : vector<16xf32>
        %max3A_335 = vector.broadcast %squeeze3A_200 : f32 to vector<16xf32>
        %max3A_336 = arith.maximumf %max3A_335, %while3A_171 : vector<16xf32>
        %max3A_337 = vector.broadcast %squeeze3A_202 : f32 to vector<16xf32>
        %max3A_338 = arith.maximumf %max3A_337, %while3A_172 : vector<16xf32>
        %min3A_339 = vector.broadcast %squeeze3A_204 : f32 to vector<16xf32>
        %min3A_340 = arith.minimumf %min3A_339, %while3A_173 : vector<16xf32>
        %min3A_341 = vector.broadcast %squeeze3A_206 : f32 to vector<16xf32>
        %min3A_342 = arith.minimumf %min3A_341, %while3A_174 : vector<16xf32>
        %sub3A_343 = arith.subf %min3A_340, %max3A_336 : vector<16xf32>
        %max3A_344 = arith.constant 0.000000e+00 : f32
        %max3A_345 = vector.broadcast %max3A_344 : f32 to vector<16xf32>
        %max3A_346 = arith.maximumf %sub3A_343, %max3A_345 : vector<16xf32>
        %sub3A_347 = arith.subf %min3A_342, %max3A_338 : vector<16xf32>
        %max3A_348 = arith.constant 0.000000e+00 : f32
        %max3A_349 = vector.broadcast %max3A_348 : f32 to vector<16xf32>
        %max3A_350 = arith.maximumf %sub3A_347, %max3A_349 : vector<16xf32>
        %mul3A_351 = arith.mulf %max3A_346, %max3A_350 : vector<16xf32>
        %add3A_352 = vector.broadcast %mul3A_209 : f32 to vector<16xf32>
        %add3A_353 = arith.addf %add3A_352, %mul3A_334 : vector<16xf32>
        %sub3A_354 = arith.subf %add3A_353, %mul3A_351 : vector<16xf32>
        %max3A_355 = arith.constant 9.99999997E-7 : f32
        %max3A_356 = vector.broadcast %max3A_355 : f32 to vector<16xf32>
        %max3A_357 = arith.maximumf %sub3A_354, %max3A_356 : vector<16xf32>
        %mul3A_358 = vector.broadcast %squeeze3A : f32 to vector<16xf32>
        %mul3A_359 = arith.mulf %mul3A_358, %max3A_357 : vector<16xf32>
        %sub3A_360 = arith.subf %mul3A_351, %mul3A_359 : vector<16xf32>
        %max3A_361 = arith.maximumf %max3A_331, %sub3A_360 : vector<16xf32>
        %sub3A_362 = arith.subf %while3A_177, %while3A_175 : vector<16xf32>
        %sub3A_363 = arith.subf %while3A_178, %while3A_176 : vector<16xf32>
        %mul3A_364 = arith.mulf %sub3A_362, %sub3A_363 : vector<16xf32>
        %max3A_365 = vector.broadcast %squeeze3A_200 : f32 to vector<16xf32>
        %max3A_366 = arith.maximumf %max3A_365, %while3A_175 : vector<16xf32>
        %max3A_367 = vector.broadcast %squeeze3A_202 : f32 to vector<16xf32>
        %max3A_368 = arith.maximumf %max3A_367, %while3A_176 : vector<16xf32>
        %min3A_369 = vector.broadcast %squeeze3A_204 : f32 to vector<16xf32>
        %min3A_370 = arith.minimumf %min3A_369, %while3A_177 : vector<16xf32>
        %min3A_371 = vector.broadcast %squeeze3A_206 : f32 to vector<16xf32>
        %min3A_372 = arith.minimumf %min3A_371, %while3A_178 : vector<16xf32>
        %sub3A_373 = arith.subf %min3A_370, %max3A_366 : vector<16xf32>
        %max3A_374 = arith.constant 0.000000e+00 : f32
        %max3A_375 = vector.broadcast %max3A_374 : f32 to vector<16xf32>
        %max3A_376 = arith.maximumf %sub3A_373, %max3A_375 : vector<16xf32>
        %sub3A_377 = arith.subf %min3A_372, %max3A_368 : vector<16xf32>
        %max3A_378 = arith.constant 0.000000e+00 : f32
        %max3A_379 = vector.broadcast %max3A_378 : f32 to vector<16xf32>
        %max3A_380 = arith.maximumf %sub3A_377, %max3A_379 : vector<16xf32>
        %mul3A_381 = arith.mulf %max3A_376, %max3A_380 : vector<16xf32>
        %add3A_382 = vector.broadcast %mul3A_209 : f32 to vector<16xf32>
        %add3A_383 = arith.addf %add3A_382, %mul3A_364 : vector<16xf32>
        %sub3A_384 = arith.subf %add3A_383, %mul3A_381 : vector<16xf32>
        %max3A_385 = arith.constant 9.99999997E-7 : f32
        %max3A_386 = vector.broadcast %max3A_385 : f32 to vector<16xf32>
        %max3A_387 = arith.maximumf %sub3A_384, %max3A_386 : vector<16xf32>
        %mul3A_388 = vector.broadcast %squeeze3A : f32 to vector<16xf32>
        %mul3A_389 = arith.mulf %mul3A_388, %max3A_387 : vector<16xf32>
        %sub3A_390 = arith.subf %mul3A_381, %mul3A_389 : vector<16xf32>
        %max3A_391 = arith.maximumf %max3A_361, %sub3A_390 : vector<16xf32>
        %sub3A_392 = arith.subf %while3A_181, %while3A_179 : vector<16xf32>
        %sub3A_393 = arith.subf %while3A_182, %while3A_180 : vector<16xf32>
        %mul3A_394 = arith.mulf %sub3A_392, %sub3A_393 : vector<16xf32>
        %max3A_395 = vector.broadcast %squeeze3A_200 : f32 to vector<16xf32>
        %max3A_396 = arith.maximumf %max3A_395, %while3A_179 : vector<16xf32>
        %max3A_397 = vector.broadcast %squeeze3A_202 : f32 to vector<16xf32>
        %max3A_398 = arith.maximumf %max3A_397, %while3A_180 : vector<16xf32>
        %min3A_399 = vector.broadcast %squeeze3A_204 : f32 to vector<16xf32>
        %min3A_400 = arith.minimumf %min3A_399, %while3A_181 : vector<16xf32>
        %min3A_401 = vector.broadcast %squeeze3A_206 : f32 to vector<16xf32>
        %min3A_402 = arith.minimumf %min3A_401, %while3A_182 : vector<16xf32>
        %sub3A_403 = arith.subf %min3A_400, %max3A_396 : vector<16xf32>
        %max3A_404 = arith.constant 0.000000e+00 : f32
        %max3A_405 = vector.broadcast %max3A_404 : f32 to vector<16xf32>
        %max3A_406 = arith.maximumf %sub3A_403, %max3A_405 : vector<16xf32>
        %sub3A_407 = arith.subf %min3A_402, %max3A_398 : vector<16xf32>
        %max3A_408 = arith.constant 0.000000e+00 : f32
        %max3A_409 = vector.broadcast %max3A_408 : f32 to vector<16xf32>
        %max3A_410 = arith.maximumf %sub3A_407, %max3A_409 : vector<16xf32>
        %mul3A_411 = arith.mulf %max3A_406, %max3A_410 : vector<16xf32>
        %add3A_412 = vector.broadcast %mul3A_209 : f32 to vector<16xf32>
        %add3A_413 = arith.addf %add3A_412, %mul3A_394 : vector<16xf32>
        %sub3A_414 = arith.subf %add3A_413, %mul3A_411 : vector<16xf32>
        %max3A_415 = arith.constant 9.99999997E-7 : f32
        %max3A_416 = vector.broadcast %max3A_415 : f32 to vector<16xf32>
        %max3A_417 = arith.maximumf %sub3A_414, %max3A_416 : vector<16xf32>
        %mul3A_418 = vector.broadcast %squeeze3A : f32 to vector<16xf32>
        %mul3A_419 = arith.mulf %mul3A_418, %max3A_417 : vector<16xf32>
        %sub3A_420 = arith.subf %mul3A_411, %mul3A_419 : vector<16xf32>
        %max3A_421 = arith.maximumf %max3A_391, %sub3A_420 : vector<16xf32>
        %swap3A_422 = arith.constant 0 : index
        %swap3A_423 = tpu.vector_load %arg13[%swap3A_422] {strides = array<i32>} : memref<32xf32, #tpu.memory_space<vmem>>, vector<16xf32>,
        %swap3A_424 = vector.shape_cast %swap3A_423 : vector<16xf32> to vector<16xf32>
        %swap3A_425 = vector.shape_cast %max3A_421 : vector<16xf32> to vector<16xf32>
        tpu.vector_store %arg13[%swap3A_422], %swap3A_425 {strides = array<i32>} : memref<32xf32, #tpu.memory_space<vmem>>, vector<16xf32>,
        %get3A_426 = arith.constant 8 : index
        %get3A_427 = tpu.vector_load %arg13[%get3A_426] {strides = array<i32>} : memref<32xf32, #tpu.memory_space<vmem>>, vector<16xf32>,
        %get3A_428 = vector.shape_cast %get3A_427 : vector<16xf32> to vector<16xf32>
        %max3A_429 = arith.maximumf %max3A_421, %get3A_428 : vector<16xf32>
        %swap3A_430 = arith.constant 0 : index
        %swap3A_431 = tpu.vector_load %arg13[%swap3A_430] {strides = array<i32>} : memref<32xf32, #tpu.memory_space<vmem>>, vector<16xf32>,
        %swap3A_432 = vector.shape_cast %swap3A_431 : vector<16xf32> to vector<16xf32>
        %swap3A_433 = vector.shape_cast %max3A_429 : vector<16xf32> to vector<16xf32>
        tpu.vector_store %arg13[%swap3A_430], %swap3A_433 {strides = array<i32>} : memref<32xf32, #tpu.memory_space<vmem>>, vector<16xf32>,
        %get3A_434 = arith.constant 4 : index
        %get3A_435 = tpu.vector_load %arg13[%get3A_434] {strides = array<i32>} : memref<32xf32, #tpu.memory_space<vmem>>, vector<16xf32>,
        %get3A_436 = vector.shape_cast %get3A_435 : vector<16xf32> to vector<16xf32>
        %max3A_437 = arith.maximumf %max3A_429, %get3A_436 : vector<16xf32>
        %swap3A_438 = arith.constant 0 : index
        %swap3A_439 = tpu.vector_load %arg13[%swap3A_438] {strides = array<i32>} : memref<32xf32, #tpu.memory_space<vmem>>, vector<16xf32>,
        %swap3A_440 = vector.shape_cast %swap3A_439 : vector<16xf32> to vector<16xf32>
        %swap3A_441 = vector.shape_cast %max3A_437 : vector<16xf32> to vector<16xf32>
        tpu.vector_store %arg13[%swap3A_438], %swap3A_441 {strides = array<i32>} : memref<32xf32, #tpu.memory_space<vmem>>, vector<16xf32>,
        %get3A_442 = arith.constant 2 : index
        %get3A_443 = tpu.vector_load %arg13[%get3A_442] {strides = array<i32>} : memref<32xf32, #tpu.memory_space<vmem>>, vector<16xf32>,
        %get3A_444 = vector.shape_cast %get3A_443 : vector<16xf32> to vector<16xf32>
        %max3A_445 = arith.maximumf %max3A_437, %get3A_444 : vector<16xf32>
        %swap3A_446 = arith.constant 0 : index
        %swap3A_447 = tpu.vector_load %arg13[%swap3A_446] {strides = array<i32>} : memref<32xf32, #tpu.memory_space<vmem>>, vector<16xf32>,
        %swap3A_448 = vector.shape_cast %swap3A_447 : vector<16xf32> to vector<16xf32>
        %swap3A_449 = vector.shape_cast %max3A_445 : vector<16xf32> to vector<16xf32>
        tpu.vector_store %arg13[%swap3A_446], %swap3A_449 {strides = array<i32>} : memref<32xf32, #tpu.memory_space<vmem>>, vector<16xf32>,
        %get3A_450 = arith.constant 1 : index
        %get3A_451 = tpu.vector_load %arg13[%get3A_450] {strides = array<i32>} : memref<32xf32, #tpu.memory_space<vmem>>, vector<16xf32>,
        %get3A_452 = vector.shape_cast %get3A_451 : vector<16xf32> to vector<16xf32>
        %max3A_453 = arith.maximumf %max3A_445, %get3A_452 : vector<16xf32>
        %slice3A_454 = vector.extract_strided_slice %max3A_453 {offsets = [0], sizes = [1], strides = [1]} : vector<16xf32> to vector<1xf32>
        %squeeze3A_455 = vector.extract %slice3A_454[0] : f32 from vector<1xf32>
        %ge3A = arith.constant 0.000000e+00 : f32
        %ge3A_456 = arith.cmpf oge, %squeeze3A_455, %ge3A : f32
        %gt3A_457 = arith.cmpf ogt, %squeeze3A_188, %squeeze3A_15 : f32
        %lt3A_458 = arith.cmpi slt, %while3A_154, %min3A_18 : i32
        %and3A_459 = arith.andi %gt3A_457, %lt3A_458 : i1
        %not3A = arith.constant true
        %not3A_460 = arith.xori %ge3A_456, %not3A : i1
        %and3A_461 = arith.andi %and3A_459, %not3A_460 : i1
        %jit3A_462 = arith.constant 1.000000e+00 : f32
        %jit3A_463 = arith.constant 0.000000e+00 : f32
        %select_n3A_464 = arith.select %and3A_461, %jit3A_462, %jit3A_463 : f32
        %jit3A_465 = arith.constant 1 : i32
        %jit3A_466 = arith.constant 0 : i32
        %select_n3A_467 = arith.select %and3A_461, %jit3A_465, %jit3A_466 : i32
        %convert_element_type3A_468 = arith.sitofp %while3A_154 : i32 to f32
        %sub3A_469 = arith.constant 0.000000e+00 : f32
        %sub3A_470 = arith.subf %convert_element_type3A_468, %sub3A_469 : f32
        %sub3A_471 = vector.broadcast %sub3A_470 : f32 to vector<16xf32>
        %sub3A_472 = arith.subf %convert_element_type3A_19, %sub3A_471 : vector<16xf32>
        %abs3A = math.absf %sub3A_472 : vector<16xf32>
        %sub3A_473 = arith.constant 1.000000e+00 : f32
        %sub3A_474 = vector.broadcast %sub3A_473 : f32 to vector<16xf32>
        %sub3A_475 = arith.subf %sub3A_474, %abs3A : vector<16xf32>
        %max3A_476 = arith.constant 0.000000e+00 : f32
        %max3A_477 = vector.broadcast %max3A_476 : f32 to vector<16xf32>
        %max3A_478 = arith.maximumf %sub3A_475, %max3A_477 : vector<16xf32>
        %mul3A_479 = vector.broadcast %select_n3A_464 : f32 to vector<16xf32>
        %mul3A_480 = arith.mulf %max3A_478, %mul3A_479 : vector<16xf32>
        %sub3A_481 = vector.broadcast %squeeze3A_200 : f32 to vector<16xf32>
        %sub3A_482 = arith.subf %sub3A_481, %while3A_155 : vector<16xf32>
        %mul3A_483 = arith.mulf %mul3A_480, %sub3A_482 : vector<16xf32>
        %add3A_484 = arith.addf %while3A_155, %mul3A_483 : vector<16xf32>
        %sub3A_485 = vector.broadcast %squeeze3A_202 : f32 to vector<16xf32>
        %sub3A_486 = arith.subf %sub3A_485, %while3A_156 : vector<16xf32>
        %mul3A_487 = arith.mulf %mul3A_480, %sub3A_486 : vector<16xf32>
        %add3A_488 = arith.addf %while3A_156, %mul3A_487 : vector<16xf32>
        %sub3A_489 = vector.broadcast %squeeze3A_204 : f32 to vector<16xf32>
        %sub3A_490 = arith.subf %sub3A_489, %while3A_157 : vector<16xf32>
        %mul3A_491 = arith.mulf %mul3A_480, %sub3A_490 : vector<16xf32>
        %add3A_492 = arith.addf %while3A_157, %mul3A_491 : vector<16xf32>
        %sub3A_493 = vector.broadcast %squeeze3A_206 : f32 to vector<16xf32>
        %sub3A_494 = arith.subf %sub3A_493, %while3A_158 : vector<16xf32>
        %mul3A_495 = arith.mulf %mul3A_480, %sub3A_494 : vector<16xf32>
        %add3A_496 = arith.addf %while3A_158, %mul3A_495 : vector<16xf32>
        %sub3A_497 = arith.constant 1.600000e+01 : f32
        %sub3A_498 = arith.subf %convert_element_type3A_468, %sub3A_497 : f32
        %sub3A_499 = vector.broadcast %sub3A_498 : f32 to vector<16xf32>
        %sub3A_500 = arith.subf %convert_element_type3A_19, %sub3A_499 : vector<16xf32>
        %abs3A_501 = math.absf %sub3A_500 : vector<16xf32>
        %sub3A_502 = arith.constant 1.000000e+00 : f32
        %sub3A_503 = vector.broadcast %sub3A_502 : f32 to vector<16xf32>
        %sub3A_504 = arith.subf %sub3A_503, %abs3A_501 : vector<16xf32>
        %max3A_505 = arith.constant 0.000000e+00 : f32
        %max3A_506 = vector.broadcast %max3A_505 : f32 to vector<16xf32>
        %max3A_507 = arith.maximumf %sub3A_504, %max3A_506 : vector<16xf32>
        %mul3A_508 = vector.broadcast %select_n3A_464 : f32 to vector<16xf32>
        %mul3A_509 = arith.mulf %max3A_507, %mul3A_508 : vector<16xf32>
        %sub3A_510 = vector.broadcast %squeeze3A_200 : f32 to vector<16xf32>
        %sub3A_511 = arith.subf %sub3A_510, %while3A_159 : vector<16xf32>
        %mul3A_512 = arith.mulf %mul3A_509, %sub3A_511 : vector<16xf32>
        %add3A_513 = arith.addf %while3A_159, %mul3A_512 : vector<16xf32>
        %sub3A_514 = vector.broadcast %squeeze3A_202 : f32 to vector<16xf32>
        %sub3A_515 = arith.subf %sub3A_514, %while3A_160 : vector<16xf32>
        %mul3A_516 = arith.mulf %mul3A_509, %sub3A_515 : vector<16xf32>
        %add3A_517 = arith.addf %while3A_160, %mul3A_516 : vector<16xf32>
        %sub3A_518 = vector.broadcast %squeeze3A_204 : f32 to vector<16xf32>
        %sub3A_519 = arith.subf %sub3A_518, %while3A_161 : vector<16xf32>
        %mul3A_520 = arith.mulf %mul3A_509, %sub3A_519 : vector<16xf32>
        %add3A_521 = arith.addf %while3A_161, %mul3A_520 : vector<16xf32>
        %sub3A_522 = vector.broadcast %squeeze3A_206 : f32 to vector<16xf32>
        %sub3A_523 = arith.subf %sub3A_522, %while3A_162 : vector<16xf32>
        %mul3A_524 = arith.mulf %mul3A_509, %sub3A_523 : vector<16xf32>
        %add3A_525 = arith.addf %while3A_162, %mul3A_524 : vector<16xf32>
        %sub3A_526 = arith.constant 3.200000e+01 : f32
        %sub3A_527 = arith.subf %convert_element_type3A_468, %sub3A_526 : f32
        %sub3A_528 = vector.broadcast %sub3A_527 : f32 to vector<16xf32>
        %sub3A_529 = arith.subf %convert_element_type3A_19, %sub3A_528 : vector<16xf32>
        %abs3A_530 = math.absf %sub3A_529 : vector<16xf32>
        %sub3A_531 = arith.constant 1.000000e+00 : f32
        %sub3A_532 = vector.broadcast %sub3A_531 : f32 to vector<16xf32>
        %sub3A_533 = arith.subf %sub3A_532, %abs3A_530 : vector<16xf32>
        %max3A_534 = arith.constant 0.000000e+00 : f32
        %max3A_535 = vector.broadcast %max3A_534 : f32 to vector<16xf32>
        %max3A_536 = arith.maximumf %sub3A_533, %max3A_535 : vector<16xf32>
        %mul3A_537 = vector.broadcast %select_n3A_464 : f32 to vector<16xf32>
        %mul3A_538 = arith.mulf %max3A_536, %mul3A_537 : vector<16xf32>
        %sub3A_539 = vector.broadcast %squeeze3A_200 : f32 to vector<16xf32>
        %sub3A_540 = arith.subf %sub3A_539, %while3A_163 : vector<16xf32>
        %mul3A_541 = arith.mulf %mul3A_538, %sub3A_540 : vector<16xf32>
        %add3A_542 = arith.addf %while3A_163, %mul3A_541 : vector<16xf32>
        %sub3A_543 = vector.broadcast %squeeze3A_202 : f32 to vector<16xf32>
        %sub3A_544 = arith.subf %sub3A_543, %while3A_164 : vector<16xf32>
        %mul3A_545 = arith.mulf %mul3A_538, %sub3A_544 : vector<16xf32>
        %add3A_546 = arith.addf %while3A_164, %mul3A_545 : vector<16xf32>
        %sub3A_547 = vector.broadcast %squeeze3A_204 : f32 to vector<16xf32>
        %sub3A_548 = arith.subf %sub3A_547, %while3A_165 : vector<16xf32>
        %mul3A_549 = arith.mulf %mul3A_538, %sub3A_548 : vector<16xf32>
        %add3A_550 = arith.addf %while3A_165, %mul3A_549 : vector<16xf32>
        %sub3A_551 = vector.broadcast %squeeze3A_206 : f32 to vector<16xf32>
        %sub3A_552 = arith.subf %sub3A_551, %while3A_166 : vector<16xf32>
        %mul3A_553 = arith.mulf %mul3A_538, %sub3A_552 : vector<16xf32>
        %add3A_554 = arith.addf %while3A_166, %mul3A_553 : vector<16xf32>
        %sub3A_555 = arith.constant 4.800000e+01 : f32
        %sub3A_556 = arith.subf %convert_element_type3A_468, %sub3A_555 : f32
        %sub3A_557 = vector.broadcast %sub3A_556 : f32 to vector<16xf32>
        %sub3A_558 = arith.subf %convert_element_type3A_19, %sub3A_557 : vector<16xf32>
        %abs3A_559 = math.absf %sub3A_558 : vector<16xf32>
        %sub3A_560 = arith.constant 1.000000e+00 : f32
        %sub3A_561 = vector.broadcast %sub3A_560 : f32 to vector<16xf32>
        %sub3A_562 = arith.subf %sub3A_561, %abs3A_559 : vector<16xf32>
        %max3A_563 = arith.constant 0.000000e+00 : f32
        %max3A_564 = vector.broadcast %max3A_563 : f32 to vector<16xf32>
        %max3A_565 = arith.maximumf %sub3A_562, %max3A_564 : vector<16xf32>
        %mul3A_566 = vector.broadcast %select_n3A_464 : f32 to vector<16xf32>
        %mul3A_567 = arith.mulf %max3A_565, %mul3A_566 : vector<16xf32>
        %sub3A_568 = vector.broadcast %squeeze3A_200 : f32 to vector<16xf32>
        %sub3A_569 = arith.subf %sub3A_568, %while3A_167 : vector<16xf32>
        %mul3A_570 = arith.mulf %mul3A_567, %sub3A_569 : vector<16xf32>
        %add3A_571 = arith.addf %while3A_167, %mul3A_570 : vector<16xf32>
        %sub3A_572 = vector.broadcast %squeeze3A_202 : f32 to vector<16xf32>
        %sub3A_573 = arith.subf %sub3A_572, %while3A_168 : vector<16xf32>
        %mul3A_574 = arith.mulf %mul3A_567, %sub3A_573 : vector<16xf32>
        %add3A_575 = arith.addf %while3A_168, %mul3A_574 : vector<16xf32>
        %sub3A_576 = vector.broadcast %squeeze3A_204 : f32 to vector<16xf32>
        %sub3A_577 = arith.subf %sub3A_576, %while3A_169 : vector<16xf32>
        %mul3A_578 = arith.mulf %mul3A_567, %sub3A_577 : vector<16xf32>
        %add3A_579 = arith.addf %while3A_169, %mul3A_578 : vector<16xf32>
        %sub3A_580 = vector.broadcast %squeeze3A_206 : f32 to vector<16xf32>
        %sub3A_581 = arith.subf %sub3A_580, %while3A_170 : vector<16xf32>
        %mul3A_582 = arith.mulf %mul3A_567, %sub3A_581 : vector<16xf32>
        %add3A_583 = arith.addf %while3A_170, %mul3A_582 : vector<16xf32>
        %sub3A_584 = arith.constant 6.400000e+01 : f32
        %sub3A_585 = arith.subf %convert_element_type3A_468, %sub3A_584 : f32
        %sub3A_586 = vector.broadcast %sub3A_585 : f32 to vector<16xf32>
        %sub3A_587 = arith.subf %convert_element_type3A_19, %sub3A_586 : vector<16xf32>
        %abs3A_588 = math.absf %sub3A_587 : vector<16xf32>
        %sub3A_589 = arith.constant 1.000000e+00 : f32
        %sub3A_590 = vector.broadcast %sub3A_589 : f32 to vector<16xf32>
        %sub3A_591 = arith.subf %sub3A_590, %abs3A_588 : vector<16xf32>
        %max3A_592 = arith.constant 0.000000e+00 : f32
        %max3A_593 = vector.broadcast %max3A_592 : f32 to vector<16xf32>
        %max3A_594 = arith.maximumf %sub3A_591, %max3A_593 : vector<16xf32>
        %mul3A_595 = vector.broadcast %select_n3A_464 : f32 to vector<16xf32>
        %mul3A_596 = arith.mulf %max3A_594, %mul3A_595 : vector<16xf32>
        %sub3A_597 = vector.broadcast %squeeze3A_200 : f32 to vector<16xf32>
        %sub3A_598 = arith.subf %sub3A_597, %while3A_171 : vector<16xf32>
        %mul3A_599 = arith.mulf %mul3A_596, %sub3A_598 : vector<16xf32>
        %add3A_600 = arith.addf %while3A_171, %mul3A_599 : vector<16xf32>
        %sub3A_601 = vector.broadcast %squeeze3A_202 : f32 to vector<16xf32>
        %sub3A_602 = arith.subf %sub3A_601, %while3A_172 : vector<16xf32>
        %mul3A_603 = arith.mulf %mul3A_596, %sub3A_602 : vector<16xf32>
        %add3A_604 = arith.addf %while3A_172, %mul3A_603 : vector<16xf32>
        %sub3A_605 = vector.broadcast %squeeze3A_204 : f32 to vector<16xf32>
        %sub3A_606 = arith.subf %sub3A_605, %while3A_173 : vector<16xf32>
        %mul3A_607 = arith.mulf %mul3A_596, %sub3A_606 : vector<16xf32>
        %add3A_608 = arith.addf %while3A_173, %mul3A_607 : vector<16xf32>
        %sub3A_609 = vector.broadcast %squeeze3A_206 : f32 to vector<16xf32>
        %sub3A_610 = arith.subf %sub3A_609, %while3A_174 : vector<16xf32>
        %mul3A_611 = arith.mulf %mul3A_596, %sub3A_610 : vector<16xf32>
        %add3A_612 = arith.addf %while3A_174, %mul3A_611 : vector<16xf32>
        %sub3A_613 = arith.constant 8.000000e+01 : f32
        %sub3A_614 = arith.subf %convert_element_type3A_468, %sub3A_613 : f32
        %sub3A_615 = vector.broadcast %sub3A_614 : f32 to vector<16xf32>
        %sub3A_616 = arith.subf %convert_element_type3A_19, %sub3A_615 : vector<16xf32>
        %abs3A_617 = math.absf %sub3A_616 : vector<16xf32>
        %sub3A_618 = arith.constant 1.000000e+00 : f32
        %sub3A_619 = vector.broadcast %sub3A_618 : f32 to vector<16xf32>
        %sub3A_620 = arith.subf %sub3A_619, %abs3A_617 : vector<16xf32>
        %max3A_621 = arith.constant 0.000000e+00 : f32
        %max3A_622 = vector.broadcast %max3A_621 : f32 to vector<16xf32>
        %max3A_623 = arith.maximumf %sub3A_620, %max3A_622 : vector<16xf32>
        %mul3A_624 = vector.broadcast %select_n3A_464 : f32 to vector<16xf32>
        %mul3A_625 = arith.mulf %max3A_623, %mul3A_624 : vector<16xf32>
        %sub3A_626 = vector.broadcast %squeeze3A_200 : f32 to vector<16xf32>
        %sub3A_627 = arith.subf %sub3A_626, %while3A_175 : vector<16xf32>
        %mul3A_628 = arith.mulf %mul3A_625, %sub3A_627 : vector<16xf32>
        %add3A_629 = arith.addf %while3A_175, %mul3A_628 : vector<16xf32>
        %sub3A_630 = vector.broadcast %squeeze3A_202 : f32 to vector<16xf32>
        %sub3A_631 = arith.subf %sub3A_630, %while3A_176 : vector<16xf32>
        %mul3A_632 = arith.mulf %mul3A_625, %sub3A_631 : vector<16xf32>
        %add3A_633 = arith.addf %while3A_176, %mul3A_632 : vector<16xf32>
        %sub3A_634 = vector.broadcast %squeeze3A_204 : f32 to vector<16xf32>
        %sub3A_635 = arith.subf %sub3A_634, %while3A_177 : vector<16xf32>
        %mul3A_636 = arith.mulf %mul3A_625, %sub3A_635 : vector<16xf32>
        %add3A_637 = arith.addf %while3A_177, %mul3A_636 : vector<16xf32>
        %sub3A_638 = vector.broadcast %squeeze3A_206 : f32 to vector<16xf32>
        %sub3A_639 = arith.subf %sub3A_638, %while3A_178 : vector<16xf32>
        %mul3A_640 = arith.mulf %mul3A_625, %sub3A_639 : vector<16xf32>
        %add3A_641 = arith.addf %while3A_178, %mul3A_640 : vector<16xf32>
        %sub3A_642 = arith.constant 9.600000e+01 : f32
        %sub3A_643 = arith.subf %convert_element_type3A_468, %sub3A_642 : f32
        %sub3A_644 = vector.broadcast %sub3A_643 : f32 to vector<16xf32>
        %sub3A_645 = arith.subf %convert_element_type3A_19, %sub3A_644 : vector<16xf32>
        %abs3A_646 = math.absf %sub3A_645 : vector<16xf32>
        %sub3A_647 = arith.constant 1.000000e+00 : f32
        %sub3A_648 = vector.broadcast %sub3A_647 : f32 to vector<16xf32>
        %sub3A_649 = arith.subf %sub3A_648, %abs3A_646 : vector<16xf32>
        %max3A_650 = arith.constant 0.000000e+00 : f32
        %max3A_651 = vector.broadcast %max3A_650 : f32 to vector<16xf32>
        %max3A_652 = arith.maximumf %sub3A_649, %max3A_651 : vector<16xf32>
        %mul3A_653 = vector.broadcast %select_n3A_464 : f32 to vector<16xf32>
        %mul3A_654 = arith.mulf %max3A_652, %mul3A_653 : vector<16xf32>
        %sub3A_655 = vector.broadcast %squeeze3A_200 : f32 to vector<16xf32>
        %sub3A_656 = arith.subf %sub3A_655, %while3A_179 : vector<16xf32>
        %mul3A_657 = arith.mulf %mul3A_654, %sub3A_656 : vector<16xf32>
        %add3A_658 = arith.addf %while3A_179, %mul3A_657 : vector<16xf32>
        %sub3A_659 = vector.broadcast %squeeze3A_202 : f32 to vector<16xf32>
        %sub3A_660 = arith.subf %sub3A_659, %while3A_180 : vector<16xf32>
        %mul3A_661 = arith.mulf %mul3A_654, %sub3A_660 : vector<16xf32>
        %add3A_662 = arith.addf %while3A_180, %mul3A_661 : vector<16xf32>
        %sub3A_663 = vector.broadcast %squeeze3A_204 : f32 to vector<16xf32>
        %sub3A_664 = arith.subf %sub3A_663, %while3A_181 : vector<16xf32>
        %mul3A_665 = arith.mulf %mul3A_654, %sub3A_664 : vector<16xf32>
        %add3A_666 = arith.addf %while3A_181, %mul3A_665 : vector<16xf32>
        %sub3A_667 = vector.broadcast %squeeze3A_206 : f32 to vector<16xf32>
        %sub3A_668 = arith.subf %sub3A_667, %while3A_182 : vector<16xf32>
        %mul3A_669 = arith.mulf %mul3A_654, %sub3A_668 : vector<16xf32>
        %add3A_670 = arith.addf %while3A_182, %mul3A_669 : vector<16xf32>
        %mul3A_671 = vector.broadcast %select_n3A_467 : i32 to vector<16xi32>
        %mul3A_672 = arith.muli %max3A_23, %mul3A_671 : vector<16xi32>
        %get3A_673 = arith.index_cast %while3A_154 : i32 to index
        %get3A_674 = tpu.vector_load %arg12[%get3A_673] {strides = array<i32>} : memref<128xi32, #tpu.memory_space<vmem>>, vector<16xi32>,
        %get3A_675 = vector.shape_cast %get3A_674 : vector<16xi32> to vector<16xi32>
        %get3A_676 = arith.index_cast %while3A_154 : i32 to index
        %get3A_677 = tpu.vector_load %arg12[%get3A_676] {strides = array<i32>} : memref<128xi32, #tpu.memory_space<vmem>>, vector<16xi32>,
        %get3A_678 = vector.shape_cast %get3A_677 : vector<16xi32> to vector<16xi32>
        %sub3A_679 = vector.broadcast %squeeze3A_193 : i32 to vector<16xi32>
        %sub3A_680 = arith.subi %sub3A_679, %get3A_678 : vector<16xi32>
        %mul3A_681 = arith.muli %mul3A_672, %sub3A_680 : vector<16xi32>
        %add3A_682 = arith.addi %get3A_675, %mul3A_681 : vector<16xi32>
        %swap3A_683 = arith.index_cast %while3A_154 : i32 to index
        %swap3A_684 = tpu.vector_load %arg12[%swap3A_683] {strides = array<i32>} : memref<128xi32, #tpu.memory_space<vmem>>, vector<16xi32>,
        %swap3A_685 = vector.shape_cast %swap3A_684 : vector<16xi32> to vector<16xi32>
        %swap3A_686 = vector.shape_cast %add3A_682 : vector<16xi32> to vector<16xi32>
        tpu.vector_store %arg12[%swap3A_683], %swap3A_686 {strides = array<i32>} : memref<128xi32, #tpu.memory_space<vmem>>, vector<16xi32>,
        %add3A_687 = arith.addi %while3A_154, %select_n3A_467 : i32
        scf.yield %add3A_687, %add3A_484, %add3A_488, %add3A_492, %add3A_496, %add3A_513, %add3A_517, %add3A_521, %add3A_525, %add3A_542, %add3A_546, %add3A_550, %add3A_554, %add3A_571, %add3A_575, %add3A_579, %add3A_583, %add3A_600, %add3A_604, %add3A_608, %add3A_612, %add3A_629, %add3A_633, %add3A_637, %add3A_641, %add3A_658, %add3A_662, %add3A_666, %add3A_670 : i32, vector<16xf32>, vector<16xf32>, vector<16xf32>, vector<16xf32>, vector<16xf32>, vector<16xf32>, vector<16xf32>, vector<16xf32>, vector<16xf32>, vector<16xf32>, vector<16xf32>, vector<16xf32>, vector<16xf32>, vector<16xf32>, vector<16xf32>, vector<16xf32>, vector<16xf32>, vector<16xf32>, vector<16xf32>, vector<16xf32>, vector<16xf32>, vector<16xf32>, vector<16xf32>, vector<16xf32>, vector<16xf32>, vector<16xf32>, vector<16xf32>, vector<16xf32>
      }
      %while3A_151 = arith.constant 1 : i32
      %while3A_152:29 = scf.for %while3A_153 = %while3A_148 to %while3A_144 step %while3A_151 iter_args(%while3A_154 = %while3A_150#0, %while3A_155 = %while3A_150#1, %while3A_156 = %while3A_150#2, %while3A_157 = %while3A_150#3, %while3A_158 = %while3A_150#4, %while3A_159 = %while3A_150#5, %while3A_160 = %while3A_150#6, %while3A_161 = %while3A_150#7, %while3A_162 = %while3A_150#8, %while3A_163 = %while3A_150#9, %while3A_164 = %while3A_150#10, %while3A_165 = %while3A_150#11, %while3A_166 = %while3A_150#12, %while3A_167 = %while3A_150#13, %while3A_168 = %while3A_150#14, %while3A_169 = %while3A_150#15, %while3A_170 = %while3A_150#16, %while3A_171 = %while3A_150#17, %while3A_172 = %while3A_150#18, %while3A_173 = %while3A_150#19, %while3A_174 = %while3A_150#20, %while3A_175 = %while3A_150#21, %while3A_176 = %while3A_150#22, %while3A_177 = %while3A_150#23, %while3A_178 = %while3A_150#24, %while3A_179 = %while3A_150#25, %while3A_180 = %while3A_150#26, %while3A_181 = %while3A_150#27, %while3A_182 = %while3A_150#28) -> (i32, vector<16xf32>, vector<16xf32>, vector<16xf32>, vector<16xf32>, vector<16xf32>, vector<16xf32>, vector<16xf32>, vector<16xf32>, vector<16xf32>, vector<16xf32>, vector<16xf32>, vector<16xf32>, vector<16xf32>, vector<16xf32>, vector<16xf32>, vector<16xf32>, vector<16xf32>, vector<16xf32>, vector<16xf32>, vector<16xf32>, vector<16xf32>, vector<16xf32>, vector<16xf32>, vector<16xf32>, vector<16xf32>, vector<16xf32>, vector<16xf32>, vector<16xf32>)  : i32 {
        %add3A_183 = arith.addi %mul3A_133, %while3A_153 : i32
        %get3A_184 = arith.index_cast %add3A_183 : i32 to index
        %get3A_185 = tpu.vector_load %arg10[%get3A_184] {strides = array<i32>} : memref<144xf32, #tpu.memory_space<vmem>>, vector<16xf32>,
        %get3A_186 = vector.shape_cast %get3A_185 : vector<16xf32> to vector<16xf32>
        %slice3A_187 = vector.extract_strided_slice %get3A_186 {offsets = [0], sizes = [1], strides = [1]} : vector<16xf32> to vector<1xf32>
        %squeeze3A_188 = vector.extract %slice3A_187[0] : f32 from vector<1xf32>
        %get3A_189 = arith.index_cast %add3A_183 : i32 to index
        %get3A_190 = tpu.vector_load %arg9[%get3A_189] {strides = array<i32>} : memref<144xi32, #tpu.memory_space<vmem>>, vector<16xi32>,
        %get3A_191 = vector.shape_cast %get3A_190 : vector<16xi32> to vector<16xi32>
        %slice3A_192 = vector.extract_strided_slice %get3A_191 {offsets = [0], sizes = [1], strides = [1]} : vector<16xi32> to vector<1xi32>
        %squeeze3A_193 = vector.extract %slice3A_192[0] : i32 from vector<1xi32>
        %mul3A_194 = arith.constant 4 : i32
        %mul3A_195 = arith.muli %squeeze3A_193, %mul3A_194 : i32
        %get3A_196 = arith.index_cast %mul3A_195 : i32 to index
        %get3A_197 = tpu.vector_load %arg8[%get3A_196] {strides = array<i32>} : memref<80016xf32, #tpu.memory_space<vmem>>, vector<16xf32>,
        %get3A_198 = vector.shape_cast %get3A_197 : vector<16xf32> to vector<16xf32>
        %slice3A_199 = vector.extract_strided_slice %get3A_198 {offsets = [0], sizes = [1], strides = [1]} : vector<16xf32> to vector<1xf32>
        %squeeze3A_200 = vector.extract %slice3A_199[0] : f32 from vector<1xf32>
        %slice3A_201 = vector.extract_strided_slice %get3A_198 {offsets = [1], sizes = [1], strides = [1]} : vector<16xf32> to vector<1xf32>
        %squeeze3A_202 = vector.extract %slice3A_201[0] : f32 from vector<1xf32>
        %slice3A_203 = vector.extract_strided_slice %get3A_198 {offsets = [2], sizes = [1], strides = [1]} : vector<16xf32> to vector<1xf32>
        %squeeze3A_204 = vector.extract %slice3A_203[0] : f32 from vector<1xf32>
        %slice3A_205 = vector.extract_strided_slice %get3A_198 {offsets = [3], sizes = [1], strides = [1]} : vector<16xf32> to vector<1xf32>
        %squeeze3A_206 = vector.extract %slice3A_205[0] : f32 from vector<1xf32>
        %sub3A_207 = arith.subf %squeeze3A_204, %squeeze3A_200 : f32
        %sub3A_208 = arith.subf %squeeze3A_206, %squeeze3A_202 : f32
        %mul3A_209 = arith.mulf %sub3A_207, %sub3A_208 : f32
        %broadcast_in_dim3A_210 = arith.constant -1.000000e+00 : f32
        %broadcast_in_dim3A_211 = vector.broadcast %broadcast_in_dim3A_210 : f32 to vector<16xf32>
        %sub3A_212 = arith.subf %while3A_157, %while3A_155 : vector<16xf32>
        %sub3A_213 = arith.subf %while3A_158, %while3A_156 : vector<16xf32>
        %mul3A_214 = arith.mulf %sub3A_212, %sub3A_213 : vector<16xf32>
        %max3A_215 = vector.broadcast %squeeze3A_200 : f32 to vector<16xf32>
        %max3A_216 = arith.maximumf %max3A_215, %while3A_155 : vector<16xf32>
        %max3A_217 = vector.broadcast %squeeze3A_202 : f32 to vector<16xf32>
        %max3A_218 = arith.maximumf %max3A_217, %while3A_156 : vector<16xf32>
        %min3A_219 = vector.broadcast %squeeze3A_204 : f32 to vector<16xf32>
        %min3A_220 = arith.minimumf %min3A_219, %while3A_157 : vector<16xf32>
        %min3A_221 = vector.broadcast %squeeze3A_206 : f32 to vector<16xf32>
        %min3A_222 = arith.minimumf %min3A_221, %while3A_158 : vector<16xf32>
        %sub3A_223 = arith.subf %min3A_220, %max3A_216 : vector<16xf32>
        %max3A_224 = arith.constant 0.000000e+00 : f32
        %max3A_225 = vector.broadcast %max3A_224 : f32 to vector<16xf32>
        %max3A_226 = arith.maximumf %sub3A_223, %max3A_225 : vector<16xf32>
        %sub3A_227 = arith.subf %min3A_222, %max3A_218 : vector<16xf32>
        %max3A_228 = arith.constant 0.000000e+00 : f32
        %max3A_229 = vector.broadcast %max3A_228 : f32 to vector<16xf32>
        %max3A_230 = arith.maximumf %sub3A_227, %max3A_229 : vector<16xf32>
        %mul3A_231 = arith.mulf %max3A_226, %max3A_230 : vector<16xf32>
        %add3A_232 = vector.broadcast %mul3A_209 : f32 to vector<16xf32>
        %add3A_233 = arith.addf %add3A_232, %mul3A_214 : vector<16xf32>
        %sub3A_234 = arith.subf %add3A_233, %mul3A_231 : vector<16xf32>
        %max3A_235 = arith.constant 9.99999997E-7 : f32
        %max3A_236 = vector.broadcast %max3A_235 : f32 to vector<16xf32>
        %max3A_237 = arith.maximumf %sub3A_234, %max3A_236 : vector<16xf32>
        %mul3A_238 = vector.broadcast %squeeze3A : f32 to vector<16xf32>
        %mul3A_239 = arith.mulf %mul3A_238, %max3A_237 : vector<16xf32>
        %sub3A_240 = arith.subf %mul3A_231, %mul3A_239 : vector<16xf32>
        %max3A_241 = arith.maximumf %broadcast_in_dim3A_211, %sub3A_240 : vector<16xf32>
        %sub3A_242 = arith.subf %while3A_161, %while3A_159 : vector<16xf32>
        %sub3A_243 = arith.subf %while3A_162, %while3A_160 : vector<16xf32>
        %mul3A_244 = arith.mulf %sub3A_242, %sub3A_243 : vector<16xf32>
        %max3A_245 = vector.broadcast %squeeze3A_200 : f32 to vector<16xf32>
        %max3A_246 = arith.maximumf %max3A_245, %while3A_159 : vector<16xf32>
        %max3A_247 = vector.broadcast %squeeze3A_202 : f32 to vector<16xf32>
        %max3A_248 = arith.maximumf %max3A_247, %while3A_160 : vector<16xf32>
        %min3A_249 = vector.broadcast %squeeze3A_204 : f32 to vector<16xf32>
        %min3A_250 = arith.minimumf %min3A_249, %while3A_161 : vector<16xf32>
        %min3A_251 = vector.broadcast %squeeze3A_206 : f32 to vector<16xf32>
        %min3A_252 = arith.minimumf %min3A_251, %while3A_162 : vector<16xf32>
        %sub3A_253 = arith.subf %min3A_250, %max3A_246 : vector<16xf32>
        %max3A_254 = arith.constant 0.000000e+00 : f32
        %max3A_255 = vector.broadcast %max3A_254 : f32 to vector<16xf32>
        %max3A_256 = arith.maximumf %sub3A_253, %max3A_255 : vector<16xf32>
        %sub3A_257 = arith.subf %min3A_252, %max3A_248 : vector<16xf32>
        %max3A_258 = arith.constant 0.000000e+00 : f32
        %max3A_259 = vector.broadcast %max3A_258 : f32 to vector<16xf32>
        %max3A_260 = arith.maximumf %sub3A_257, %max3A_259 : vector<16xf32>
        %mul3A_261 = arith.mulf %max3A_256, %max3A_260 : vector<16xf32>
        %add3A_262 = vector.broadcast %mul3A_209 : f32 to vector<16xf32>
        %add3A_263 = arith.addf %add3A_262, %mul3A_244 : vector<16xf32>
        %sub3A_264 = arith.subf %add3A_263, %mul3A_261 : vector<16xf32>
        %max3A_265 = arith.constant 9.99999997E-7 : f32
        %max3A_266 = vector.broadcast %max3A_265 : f32 to vector<16xf32>
        %max3A_267 = arith.maximumf %sub3A_264, %max3A_266 : vector<16xf32>
        %mul3A_268 = vector.broadcast %squeeze3A : f32 to vector<16xf32>
        %mul3A_269 = arith.mulf %mul3A_268, %max3A_267 : vector<16xf32>
        %sub3A_270 = arith.subf %mul3A_261, %mul3A_269 : vector<16xf32>
        %max3A_271 = arith.maximumf %max3A_241, %sub3A_270 : vector<16xf32>
        %sub3A_272 = arith.subf %while3A_165, %while3A_163 : vector<16xf32>
        %sub3A_273 = arith.subf %while3A_166, %while3A_164 : vector<16xf32>
        %mul3A_274 = arith.mulf %sub3A_272, %sub3A_273 : vector<16xf32>
        %max3A_275 = vector.broadcast %squeeze3A_200 : f32 to vector<16xf32>
        %max3A_276 = arith.maximumf %max3A_275, %while3A_163 : vector<16xf32>
        %max3A_277 = vector.broadcast %squeeze3A_202 : f32 to vector<16xf32>
        %max3A_278 = arith.maximumf %max3A_277, %while3A_164 : vector<16xf32>
        %min3A_279 = vector.broadcast %squeeze3A_204 : f32 to vector<16xf32>
        %min3A_280 = arith.minimumf %min3A_279, %while3A_165 : vector<16xf32>
        %min3A_281 = vector.broadcast %squeeze3A_206 : f32 to vector<16xf32>
        %min3A_282 = arith.minimumf %min3A_281, %while3A_166 : vector<16xf32>
        %sub3A_283 = arith.subf %min3A_280, %max3A_276 : vector<16xf32>
        %max3A_284 = arith.constant 0.000000e+00 : f32
        %max3A_285 = vector.broadcast %max3A_284 : f32 to vector<16xf32>
        %max3A_286 = arith.maximumf %sub3A_283, %max3A_285 : vector<16xf32>
        %sub3A_287 = arith.subf %min3A_282, %max3A_278 : vector<16xf32>
        %max3A_288 = arith.constant 0.000000e+00 : f32
        %max3A_289 = vector.broadcast %max3A_288 : f32 to vector<16xf32>
        %max3A_290 = arith.maximumf %sub3A_287, %max3A_289 : vector<16xf32>
        %mul3A_291 = arith.mulf %max3A_286, %max3A_290 : vector<16xf32>
        %add3A_292 = vector.broadcast %mul3A_209 : f32 to vector<16xf32>
        %add3A_293 = arith.addf %add3A_292, %mul3A_274 : vector<16xf32>
        %sub3A_294 = arith.subf %add3A_293, %mul3A_291 : vector<16xf32>
        %max3A_295 = arith.constant 9.99999997E-7 : f32
        %max3A_296 = vector.broadcast %max3A_295 : f32 to vector<16xf32>
        %max3A_297 = arith.maximumf %sub3A_294, %max3A_296 : vector<16xf32>
        %mul3A_298 = vector.broadcast %squeeze3A : f32 to vector<16xf32>
        %mul3A_299 = arith.mulf %mul3A_298, %max3A_297 : vector<16xf32>
        %sub3A_300 = arith.subf %mul3A_291, %mul3A_299 : vector<16xf32>
        %max3A_301 = arith.maximumf %max3A_271, %sub3A_300 : vector<16xf32>
        %sub3A_302 = arith.subf %while3A_169, %while3A_167 : vector<16xf32>
        %sub3A_303 = arith.subf %while3A_170, %while3A_168 : vector<16xf32>
        %mul3A_304 = arith.mulf %sub3A_302, %sub3A_303 : vector<16xf32>
        %max3A_305 = vector.broadcast %squeeze3A_200 : f32 to vector<16xf32>
        %max3A_306 = arith.maximumf %max3A_305, %while3A_167 : vector<16xf32>
        %max3A_307 = vector.broadcast %squeeze3A_202 : f32 to vector<16xf32>
        %max3A_308 = arith.maximumf %max3A_307, %while3A_168 : vector<16xf32>
        %min3A_309 = vector.broadcast %squeeze3A_204 : f32 to vector<16xf32>
        %min3A_310 = arith.minimumf %min3A_309, %while3A_169 : vector<16xf32>
        %min3A_311 = vector.broadcast %squeeze3A_206 : f32 to vector<16xf32>
        %min3A_312 = arith.minimumf %min3A_311, %while3A_170 : vector<16xf32>
        %sub3A_313 = arith.subf %min3A_310, %max3A_306 : vector<16xf32>
        %max3A_314 = arith.constant 0.000000e+00 : f32
        %max3A_315 = vector.broadcast %max3A_314 : f32 to vector<16xf32>
        %max3A_316 = arith.maximumf %sub3A_313, %max3A_315 : vector<16xf32>
        %sub3A_317 = arith.subf %min3A_312, %max3A_308 : vector<16xf32>
        %max3A_318 = arith.constant 0.000000e+00 : f32
        %max3A_319 = vector.broadcast %max3A_318 : f32 to vector<16xf32>
        %max3A_320 = arith.maximumf %sub3A_317, %max3A_319 : vector<16xf32>
        %mul3A_321 = arith.mulf %max3A_316, %max3A_320 : vector<16xf32>
        %add3A_322 = vector.broadcast %mul3A_209 : f32 to vector<16xf32>
        %add3A_323 = arith.addf %add3A_322, %mul3A_304 : vector<16xf32>
        %sub3A_324 = arith.subf %add3A_323, %mul3A_321 : vector<16xf32>
        %max3A_325 = arith.constant 9.99999997E-7 : f32
        %max3A_326 = vector.broadcast %max3A_325 : f32 to vector<16xf32>
        %max3A_327 = arith.maximumf %sub3A_324, %max3A_326 : vector<16xf32>
        %mul3A_328 = vector.broadcast %squeeze3A : f32 to vector<16xf32>
        %mul3A_329 = arith.mulf %mul3A_328, %max3A_327 : vector<16xf32>
        %sub3A_330 = arith.subf %mul3A_321, %mul3A_329 : vector<16xf32>
        %max3A_331 = arith.maximumf %max3A_301, %sub3A_330 : vector<16xf32>
        %sub3A_332 = arith.subf %while3A_173, %while3A_171 : vector<16xf32>
        %sub3A_333 = arith.subf %while3A_174, %while3A_172 : vector<16xf32>
        %mul3A_334 = arith.mulf %sub3A_332, %sub3A_333 : vector<16xf32>
        %max3A_335 = vector.broadcast %squeeze3A_200 : f32 to vector<16xf32>
        %max3A_336 = arith.maximumf %max3A_335, %while3A_171 : vector<16xf32>
        %max3A_337 = vector.broadcast %squeeze3A_202 : f32 to vector<16xf32>
        %max3A_338 = arith.maximumf %max3A_337, %while3A_172 : vector<16xf32>
        %min3A_339 = vector.broadcast %squeeze3A_204 : f32 to vector<16xf32>
        %min3A_340 = arith.minimumf %min3A_339, %while3A_173 : vector<16xf32>
        %min3A_341 = vector.broadcast %squeeze3A_206 : f32 to vector<16xf32>
        %min3A_342 = arith.minimumf %min3A_341, %while3A_174 : vector<16xf32>
        %sub3A_343 = arith.subf %min3A_340, %max3A_336 : vector<16xf32>
        %max3A_344 = arith.constant 0.000000e+00 : f32
        %max3A_345 = vector.broadcast %max3A_344 : f32 to vector<16xf32>
        %max3A_346 = arith.maximumf %sub3A_343, %max3A_345 : vector<16xf32>
        %sub3A_347 = arith.subf %min3A_342, %max3A_338 : vector<16xf32>
        %max3A_348 = arith.constant 0.000000e+00 : f32
        %max3A_349 = vector.broadcast %max3A_348 : f32 to vector<16xf32>
        %max3A_350 = arith.maximumf %sub3A_347, %max3A_349 : vector<16xf32>
        %mul3A_351 = arith.mulf %max3A_346, %max3A_350 : vector<16xf32>
        %add3A_352 = vector.broadcast %mul3A_209 : f32 to vector<16xf32>
        %add3A_353 = arith.addf %add3A_352, %mul3A_334 : vector<16xf32>
        %sub3A_354 = arith.subf %add3A_353, %mul3A_351 : vector<16xf32>
        %max3A_355 = arith.constant 9.99999997E-7 : f32
        %max3A_356 = vector.broadcast %max3A_355 : f32 to vector<16xf32>
        %max3A_357 = arith.maximumf %sub3A_354, %max3A_356 : vector<16xf32>
        %mul3A_358 = vector.broadcast %squeeze3A : f32 to vector<16xf32>
        %mul3A_359 = arith.mulf %mul3A_358, %max3A_357 : vector<16xf32>
        %sub3A_360 = arith.subf %mul3A_351, %mul3A_359 : vector<16xf32>
        %max3A_361 = arith.maximumf %max3A_331, %sub3A_360 : vector<16xf32>
        %sub3A_362 = arith.subf %while3A_177, %while3A_175 : vector<16xf32>
        %sub3A_363 = arith.subf %while3A_178, %while3A_176 : vector<16xf32>
        %mul3A_364 = arith.mulf %sub3A_362, %sub3A_363 : vector<16xf32>
        %max3A_365 = vector.broadcast %squeeze3A_200 : f32 to vector<16xf32>
        %max3A_366 = arith.maximumf %max3A_365, %while3A_175 : vector<16xf32>
        %max3A_367 = vector.broadcast %squeeze3A_202 : f32 to vector<16xf32>
        %max3A_368 = arith.maximumf %max3A_367, %while3A_176 : vector<16xf32>
        %min3A_369 = vector.broadcast %squeeze3A_204 : f32 to vector<16xf32>
        %min3A_370 = arith.minimumf %min3A_369, %while3A_177 : vector<16xf32>
        %min3A_371 = vector.broadcast %squeeze3A_206 : f32 to vector<16xf32>
        %min3A_372 = arith.minimumf %min3A_371, %while3A_178 : vector<16xf32>
        %sub3A_373 = arith.subf %min3A_370, %max3A_366 : vector<16xf32>
        %max3A_374 = arith.constant 0.000000e+00 : f32
        %max3A_375 = vector.broadcast %max3A_374 : f32 to vector<16xf32>
        %max3A_376 = arith.maximumf %sub3A_373, %max3A_375 : vector<16xf32>
        %sub3A_377 = arith.subf %min3A_372, %max3A_368 : vector<16xf32>
        %max3A_378 = arith.constant 0.000000e+00 : f32
        %max3A_379 = vector.broadcast %max3A_378 : f32 to vector<16xf32>
        %max3A_380 = arith.maximumf %sub3A_377, %max3A_379 : vector<16xf32>
        %mul3A_381 = arith.mulf %max3A_376, %max3A_380 : vector<16xf32>
        %add3A_382 = vector.broadcast %mul3A_209 : f32 to vector<16xf32>
        %add3A_383 = arith.addf %add3A_382, %mul3A_364 : vector<16xf32>
        %sub3A_384 = arith.subf %add3A_383, %mul3A_381 : vector<16xf32>
        %max3A_385 = arith.constant 9.99999997E-7 : f32
        %max3A_386 = vector.broadcast %max3A_385 : f32 to vector<16xf32>
        %max3A_387 = arith.maximumf %sub3A_384, %max3A_386 : vector<16xf32>
        %mul3A_388 = vector.broadcast %squeeze3A : f32 to vector<16xf32>
        %mul3A_389 = arith.mulf %mul3A_388, %max3A_387 : vector<16xf32>
        %sub3A_390 = arith.subf %mul3A_381, %mul3A_389 : vector<16xf32>
        %max3A_391 = arith.maximumf %max3A_361, %sub3A_390 : vector<16xf32>
        %sub3A_392 = arith.subf %while3A_181, %while3A_179 : vector<16xf32>
        %sub3A_393 = arith.subf %while3A_182, %while3A_180 : vector<16xf32>
        %mul3A_394 = arith.mulf %sub3A_392, %sub3A_393 : vector<16xf32>
        %max3A_395 = vector.broadcast %squeeze3A_200 : f32 to vector<16xf32>
        %max3A_396 = arith.maximumf %max3A_395, %while3A_179 : vector<16xf32>
        %max3A_397 = vector.broadcast %squeeze3A_202 : f32 to vector<16xf32>
        %max3A_398 = arith.maximumf %max3A_397, %while3A_180 : vector<16xf32>
        %min3A_399 = vector.broadcast %squeeze3A_204 : f32 to vector<16xf32>
        %min3A_400 = arith.minimumf %min3A_399, %while3A_181 : vector<16xf32>
        %min3A_401 = vector.broadcast %squeeze3A_206 : f32 to vector<16xf32>
        %min3A_402 = arith.minimumf %min3A_401, %while3A_182 : vector<16xf32>
        %sub3A_403 = arith.subf %min3A_400, %max3A_396 : vector<16xf32>
        %max3A_404 = arith.constant 0.000000e+00 : f32
        %max3A_405 = vector.broadcast %max3A_404 : f32 to vector<16xf32>
        %max3A_406 = arith.maximumf %sub3A_403, %max3A_405 : vector<16xf32>
        %sub3A_407 = arith.subf %min3A_402, %max3A_398 : vector<16xf32>
        %max3A_408 = arith.constant 0.000000e+00 : f32
        %max3A_409 = vector.broadcast %max3A_408 : f32 to vector<16xf32>
        %max3A_410 = arith.maximumf %sub3A_407, %max3A_409 : vector<16xf32>
        %mul3A_411 = arith.mulf %max3A_406, %max3A_410 : vector<16xf32>
        %add3A_412 = vector.broadcast %mul3A_209 : f32 to vector<16xf32>
        %add3A_413 = arith.addf %add3A_412, %mul3A_394 : vector<16xf32>
        %sub3A_414 = arith.subf %add3A_413, %mul3A_411 : vector<16xf32>
        %max3A_415 = arith.constant 9.99999997E-7 : f32
        %max3A_416 = vector.broadcast %max3A_415 : f32 to vector<16xf32>
        %max3A_417 = arith.maximumf %sub3A_414, %max3A_416 : vector<16xf32>
        %mul3A_418 = vector.broadcast %squeeze3A : f32 to vector<16xf32>
        %mul3A_419 = arith.mulf %mul3A_418, %max3A_417 : vector<16xf32>
        %sub3A_420 = arith.subf %mul3A_411, %mul3A_419 : vector<16xf32>
        %max3A_421 = arith.maximumf %max3A_391, %sub3A_420 : vector<16xf32>
        %swap3A_422 = arith.constant 0 : index
        %swap3A_423 = tpu.vector_load %arg13[%swap3A_422] {strides = array<i32>} : memref<32xf32, #tpu.memory_space<vmem>>, vector<16xf32>,
        %swap3A_424 = vector.shape_cast %swap3A_423 : vector<16xf32> to vector<16xf32>
        %swap3A_425 = vector.shape_cast %max3A_421 : vector<16xf32> to vector<16xf32>
        tpu.vector_store %arg13[%swap3A_422], %swap3A_425 {strides = array<i32>} : memref<32xf32, #tpu.memory_space<vmem>>, vector<16xf32>,
        %get3A_426 = arith.constant 8 : index
        %get3A_427 = tpu.vector_load %arg13[%get3A_426] {strides = array<i32>} : memref<32xf32, #tpu.memory_space<vmem>>, vector<16xf32>,
        %get3A_428 = vector.shape_cast %get3A_427 : vector<16xf32> to vector<16xf32>
        %max3A_429 = arith.maximumf %max3A_421, %get3A_428 : vector<16xf32>
        %swap3A_430 = arith.constant 0 : index
        %swap3A_431 = tpu.vector_load %arg13[%swap3A_430] {strides = array<i32>} : memref<32xf32, #tpu.memory_space<vmem>>, vector<16xf32>,
        %swap3A_432 = vector.shape_cast %swap3A_431 : vector<16xf32> to vector<16xf32>
        %swap3A_433 = vector.shape_cast %max3A_429 : vector<16xf32> to vector<16xf32>
        tpu.vector_store %arg13[%swap3A_430], %swap3A_433 {strides = array<i32>} : memref<32xf32, #tpu.memory_space<vmem>>, vector<16xf32>,
        %get3A_434 = arith.constant 4 : index
        %get3A_435 = tpu.vector_load %arg13[%get3A_434] {strides = array<i32>} : memref<32xf32, #tpu.memory_space<vmem>>, vector<16xf32>,
        %get3A_436 = vector.shape_cast %get3A_435 : vector<16xf32> to vector<16xf32>
        %max3A_437 = arith.maximumf %max3A_429, %get3A_436 : vector<16xf32>
        %swap3A_438 = arith.constant 0 : index
        %swap3A_439 = tpu.vector_load %arg13[%swap3A_438] {strides = array<i32>} : memref<32xf32, #tpu.memory_space<vmem>>, vector<16xf32>,
        %swap3A_440 = vector.shape_cast %swap3A_439 : vector<16xf32> to vector<16xf32>
        %swap3A_441 = vector.shape_cast %max3A_437 : vector<16xf32> to vector<16xf32>
        tpu.vector_store %arg13[%swap3A_438], %swap3A_441 {strides = array<i32>} : memref<32xf32, #tpu.memory_space<vmem>>, vector<16xf32>,
        %get3A_442 = arith.constant 2 : index
        %get3A_443 = tpu.vector_load %arg13[%get3A_442] {strides = array<i32>} : memref<32xf32, #tpu.memory_space<vmem>>, vector<16xf32>,
        %get3A_444 = vector.shape_cast %get3A_443 : vector<16xf32> to vector<16xf32>
        %max3A_445 = arith.maximumf %max3A_437, %get3A_444 : vector<16xf32>
        %swap3A_446 = arith.constant 0 : index
        %swap3A_447 = tpu.vector_load %arg13[%swap3A_446] {strides = array<i32>} : memref<32xf32, #tpu.memory_space<vmem>>, vector<16xf32>,
        %swap3A_448 = vector.shape_cast %swap3A_447 : vector<16xf32> to vector<16xf32>
        %swap3A_449 = vector.shape_cast %max3A_445 : vector<16xf32> to vector<16xf32>
        tpu.vector_store %arg13[%swap3A_446], %swap3A_449 {strides = array<i32>} : memref<32xf32, #tpu.memory_space<vmem>>, vector<16xf32>,
        %get3A_450 = arith.constant 1 : index
        %get3A_451 = tpu.vector_load %arg13[%get3A_450] {strides = array<i32>} : memref<32xf32, #tpu.memory_space<vmem>>, vector<16xf32>,
        %get3A_452 = vector.shape_cast %get3A_451 : vector<16xf32> to vector<16xf32>
        %max3A_453 = arith.maximumf %max3A_445, %get3A_452 : vector<16xf32>
        %slice3A_454 = vector.extract_strided_slice %max3A_453 {offsets = [0], sizes = [1], strides = [1]} : vector<16xf32> to vector<1xf32>
        %squeeze3A_455 = vector.extract %slice3A_454[0] : f32 from vector<1xf32>
        %ge3A = arith.constant 0.000000e+00 : f32
        %ge3A_456 = arith.cmpf oge, %squeeze3A_455, %ge3A : f32
        %gt3A_457 = arith.cmpf ogt, %squeeze3A_188, %squeeze3A_15 : f32
        %lt3A_458 = arith.cmpi slt, %while3A_154, %min3A_18 : i32
        %and3A_459 = arith.andi %gt3A_457, %lt3A_458 : i1
        %not3A = arith.constant true
        %not3A_460 = arith.xori %ge3A_456, %not3A : i1
        %and3A_461 = arith.andi %and3A_459, %not3A_460 : i1
        %jit3A_462 = arith.constant 1.000000e+00 : f32
        %jit3A_463 = arith.constant 0.000000e+00 : f32
        %select_n3A_464 = arith.select %and3A_461, %jit3A_462, %jit3A_463 : f32
        %jit3A_465 = arith.constant 1 : i32
        %jit3A_466 = arith.constant 0 : i32
        %select_n3A_467 = arith.select %and3A_461, %jit3A_465, %jit3A_466 : i32
        %convert_element_type3A_468 = arith.sitofp %while3A_154 : i32 to f32
        %sub3A_469 = arith.constant 0.000000e+00 : f32
        %sub3A_470 = arith.subf %convert_element_type3A_468, %sub3A_469 : f32
        %sub3A_471 = vector.broadcast %sub3A_470 : f32 to vector<16xf32>
        %sub3A_472 = arith.subf %convert_element_type3A_19, %sub3A_471 : vector<16xf32>
        %abs3A = math.absf %sub3A_472 : vector<16xf32>
        %sub3A_473 = arith.constant 1.000000e+00 : f32
        %sub3A_474 = vector.broadcast %sub3A_473 : f32 to vector<16xf32>
        %sub3A_475 = arith.subf %sub3A_474, %abs3A : vector<16xf32>
        %max3A_476 = arith.constant 0.000000e+00 : f32
        %max3A_477 = vector.broadcast %max3A_476 : f32 to vector<16xf32>
        %max3A_478 = arith.maximumf %sub3A_475, %max3A_477 : vector<16xf32>
        %mul3A_479 = vector.broadcast %select_n3A_464 : f32 to vector<16xf32>
        %mul3A_480 = arith.mulf %max3A_478, %mul3A_479 : vector<16xf32>
        %sub3A_481 = vector.broadcast %squeeze3A_200 : f32 to vector<16xf32>
        %sub3A_482 = arith.subf %sub3A_481, %while3A_155 : vector<16xf32>
        %mul3A_483 = arith.mulf %mul3A_480, %sub3A_482 : vector<16xf32>
        %add3A_484 = arith.addf %while3A_155, %mul3A_483 : vector<16xf32>
        %sub3A_485 = vector.broadcast %squeeze3A_202 : f32 to vector<16xf32>
        %sub3A_486 = arith.subf %sub3A_485, %while3A_156 : vector<16xf32>
        %mul3A_487 = arith.mulf %mul3A_480, %sub3A_486 : vector<16xf32>
        %add3A_488 = arith.addf %while3A_156, %mul3A_487 : vector<16xf32>
        %sub3A_489 = vector.broadcast %squeeze3A_204 : f32 to vector<16xf32>
        %sub3A_490 = arith.subf %sub3A_489, %while3A_157 : vector<16xf32>
        %mul3A_491 = arith.mulf %mul3A_480, %sub3A_490 : vector<16xf32>
        %add3A_492 = arith.addf %while3A_157, %mul3A_491 : vector<16xf32>
        %sub3A_493 = vector.broadcast %squeeze3A_206 : f32 to vector<16xf32>
        %sub3A_494 = arith.subf %sub3A_493, %while3A_158 : vector<16xf32>
        %mul3A_495 = arith.mulf %mul3A_480, %sub3A_494 : vector<16xf32>
        %add3A_496 = arith.addf %while3A_158, %mul3A_495 : vector<16xf32>
        %sub3A_497 = arith.constant 1.600000e+01 : f32
        %sub3A_498 = arith.subf %convert_element_type3A_468, %sub3A_497 : f32
        %sub3A_499 = vector.broadcast %sub3A_498 : f32 to vector<16xf32>
        %sub3A_500 = arith.subf %convert_element_type3A_19, %sub3A_499 : vector<16xf32>
        %abs3A_501 = math.absf %sub3A_500 : vector<16xf32>
        %sub3A_502 = arith.constant 1.000000e+00 : f32
        %sub3A_503 = vector.broadcast %sub3A_502 : f32 to vector<16xf32>
        %sub3A_504 = arith.subf %sub3A_503, %abs3A_501 : vector<16xf32>
        %max3A_505 = arith.constant 0.000000e+00 : f32
        %max3A_506 = vector.broadcast %max3A_505 : f32 to vector<16xf32>
        %max3A_507 = arith.maximumf %sub3A_504, %max3A_506 : vector<16xf32>
        %mul3A_508 = vector.broadcast %select_n3A_464 : f32 to vector<16xf32>
        %mul3A_509 = arith.mulf %max3A_507, %mul3A_508 : vector<16xf32>
        %sub3A_510 = vector.broadcast %squeeze3A_200 : f32 to vector<16xf32>
        %sub3A_511 = arith.subf %sub3A_510, %while3A_159 : vector<16xf32>
        %mul3A_512 = arith.mulf %mul3A_509, %sub3A_511 : vector<16xf32>
        %add3A_513 = arith.addf %while3A_159, %mul3A_512 : vector<16xf32>
        %sub3A_514 = vector.broadcast %squeeze3A_202 : f32 to vector<16xf32>
        %sub3A_515 = arith.subf %sub3A_514, %while3A_160 : vector<16xf32>
        %mul3A_516 = arith.mulf %mul3A_509, %sub3A_515 : vector<16xf32>
        %add3A_517 = arith.addf %while3A_160, %mul3A_516 : vector<16xf32>
        %sub3A_518 = vector.broadcast %squeeze3A_204 : f32 to vector<16xf32>
        %sub3A_519 = arith.subf %sub3A_518, %while3A_161 : vector<16xf32>
        %mul3A_520 = arith.mulf %mul3A_509, %sub3A_519 : vector<16xf32>
        %add3A_521 = arith.addf %while3A_161, %mul3A_520 : vector<16xf32>
        %sub3A_522 = vector.broadcast %squeeze3A_206 : f32 to vector<16xf32>
        %sub3A_523 = arith.subf %sub3A_522, %while3A_162 : vector<16xf32>
        %mul3A_524 = arith.mulf %mul3A_509, %sub3A_523 : vector<16xf32>
        %add3A_525 = arith.addf %while3A_162, %mul3A_524 : vector<16xf32>
        %sub3A_526 = arith.constant 3.200000e+01 : f32
        %sub3A_527 = arith.subf %convert_element_type3A_468, %sub3A_526 : f32
        %sub3A_528 = vector.broadcast %sub3A_527 : f32 to vector<16xf32>
        %sub3A_529 = arith.subf %convert_element_type3A_19, %sub3A_528 : vector<16xf32>
        %abs3A_530 = math.absf %sub3A_529 : vector<16xf32>
        %sub3A_531 = arith.constant 1.000000e+00 : f32
        %sub3A_532 = vector.broadcast %sub3A_531 : f32 to vector<16xf32>
        %sub3A_533 = arith.subf %sub3A_532, %abs3A_530 : vector<16xf32>
        %max3A_534 = arith.constant 0.000000e+00 : f32
        %max3A_535 = vector.broadcast %max3A_534 : f32 to vector<16xf32>
        %max3A_536 = arith.maximumf %sub3A_533, %max3A_535 : vector<16xf32>
        %mul3A_537 = vector.broadcast %select_n3A_464 : f32 to vector<16xf32>
        %mul3A_538 = arith.mulf %max3A_536, %mul3A_537 : vector<16xf32>
        %sub3A_539 = vector.broadcast %squeeze3A_200 : f32 to vector<16xf32>
        %sub3A_540 = arith.subf %sub3A_539, %while3A_163 : vector<16xf32>
        %mul3A_541 = arith.mulf %mul3A_538, %sub3A_540 : vector<16xf32>
        %add3A_542 = arith.addf %while3A_163, %mul3A_541 : vector<16xf32>
        %sub3A_543 = vector.broadcast %squeeze3A_202 : f32 to vector<16xf32>
        %sub3A_544 = arith.subf %sub3A_543, %while3A_164 : vector<16xf32>
        %mul3A_545 = arith.mulf %mul3A_538, %sub3A_544 : vector<16xf32>
        %add3A_546 = arith.addf %while3A_164, %mul3A_545 : vector<16xf32>
        %sub3A_547 = vector.broadcast %squeeze3A_204 : f32 to vector<16xf32>
        %sub3A_548 = arith.subf %sub3A_547, %while3A_165 : vector<16xf32>
        %mul3A_549 = arith.mulf %mul3A_538, %sub3A_548 : vector<16xf32>
        %add3A_550 = arith.addf %while3A_165, %mul3A_549 : vector<16xf32>
        %sub3A_551 = vector.broadcast %squeeze3A_206 : f32 to vector<16xf32>
        %sub3A_552 = arith.subf %sub3A_551, %while3A_166 : vector<16xf32>
        %mul3A_553 = arith.mulf %mul3A_538, %sub3A_552 : vector<16xf32>
        %add3A_554 = arith.addf %while3A_166, %mul3A_553 : vector<16xf32>
        %sub3A_555 = arith.constant 4.800000e+01 : f32
        %sub3A_556 = arith.subf %convert_element_type3A_468, %sub3A_555 : f32
        %sub3A_557 = vector.broadcast %sub3A_556 : f32 to vector<16xf32>
        %sub3A_558 = arith.subf %convert_element_type3A_19, %sub3A_557 : vector<16xf32>
        %abs3A_559 = math.absf %sub3A_558 : vector<16xf32>
        %sub3A_560 = arith.constant 1.000000e+00 : f32
        %sub3A_561 = vector.broadcast %sub3A_560 : f32 to vector<16xf32>
        %sub3A_562 = arith.subf %sub3A_561, %abs3A_559 : vector<16xf32>
        %max3A_563 = arith.constant 0.000000e+00 : f32
        %max3A_564 = vector.broadcast %max3A_563 : f32 to vector<16xf32>
        %max3A_565 = arith.maximumf %sub3A_562, %max3A_564 : vector<16xf32>
        %mul3A_566 = vector.broadcast %select_n3A_464 : f32 to vector<16xf32>
        %mul3A_567 = arith.mulf %max3A_565, %mul3A_566 : vector<16xf32>
        %sub3A_568 = vector.broadcast %squeeze3A_200 : f32 to vector<16xf32>
        %sub3A_569 = arith.subf %sub3A_568, %while3A_167 : vector<16xf32>
        %mul3A_570 = arith.mulf %mul3A_567, %sub3A_569 : vector<16xf32>
        %add3A_571 = arith.addf %while3A_167, %mul3A_570 : vector<16xf32>
        %sub3A_572 = vector.broadcast %squeeze3A_202 : f32 to vector<16xf32>
        %sub3A_573 = arith.subf %sub3A_572, %while3A_168 : vector<16xf32>
        %mul3A_574 = arith.mulf %mul3A_567, %sub3A_573 : vector<16xf32>
        %add3A_575 = arith.addf %while3A_168, %mul3A_574 : vector<16xf32>
        %sub3A_576 = vector.broadcast %squeeze3A_204 : f32 to vector<16xf32>
        %sub3A_577 = arith.subf %sub3A_576, %while3A_169 : vector<16xf32>
        %mul3A_578 = arith.mulf %mul3A_567, %sub3A_577 : vector<16xf32>
        %add3A_579 = arith.addf %while3A_169, %mul3A_578 : vector<16xf32>
        %sub3A_580 = vector.broadcast %squeeze3A_206 : f32 to vector<16xf32>
        %sub3A_581 = arith.subf %sub3A_580, %while3A_170 : vector<16xf32>
        %mul3A_582 = arith.mulf %mul3A_567, %sub3A_581 : vector<16xf32>
        %add3A_583 = arith.addf %while3A_170, %mul3A_582 : vector<16xf32>
        %sub3A_584 = arith.constant 6.400000e+01 : f32
        %sub3A_585 = arith.subf %convert_element_type3A_468, %sub3A_584 : f32
        %sub3A_586 = vector.broadcast %sub3A_585 : f32 to vector<16xf32>
        %sub3A_587 = arith.subf %convert_element_type3A_19, %sub3A_586 : vector<16xf32>
        %abs3A_588 = math.absf %sub3A_587 : vector<16xf32>
        %sub3A_589 = arith.constant 1.000000e+00 : f32
        %sub3A_590 = vector.broadcast %sub3A_589 : f32 to vector<16xf32>
        %sub3A_591 = arith.subf %sub3A_590, %abs3A_588 : vector<16xf32>
        %max3A_592 = arith.constant 0.000000e+00 : f32
        %max3A_593 = vector.broadcast %max3A_592 : f32 to vector<16xf32>
        %max3A_594 = arith.maximumf %sub3A_591, %max3A_593 : vector<16xf32>
        %mul3A_595 = vector.broadcast %select_n3A_464 : f32 to vector<16xf32>
        %mul3A_596 = arith.mulf %max3A_594, %mul3A_595 : vector<16xf32>
        %sub3A_597 = vector.broadcast %squeeze3A_200 : f32 to vector<16xf32>
        %sub3A_598 = arith.subf %sub3A_597, %while3A_171 : vector<16xf32>
        %mul3A_599 = arith.mulf %mul3A_596, %sub3A_598 : vector<16xf32>
        %add3A_600 = arith.addf %while3A_171, %mul3A_599 : vector<16xf32>
        %sub3A_601 = vector.broadcast %squeeze3A_202 : f32 to vector<16xf32>
        %sub3A_602 = arith.subf %sub3A_601, %while3A_172 : vector<16xf32>
        %mul3A_603 = arith.mulf %mul3A_596, %sub3A_602 : vector<16xf32>
        %add3A_604 = arith.addf %while3A_172, %mul3A_603 : vector<16xf32>
        %sub3A_605 = vector.broadcast %squeeze3A_204 : f32 to vector<16xf32>
        %sub3A_606 = arith.subf %sub3A_605, %while3A_173 : vector<16xf32>
        %mul3A_607 = arith.mulf %mul3A_596, %sub3A_606 : vector<16xf32>
        %add3A_608 = arith.addf %while3A_173, %mul3A_607 : vector<16xf32>
        %sub3A_609 = vector.broadcast %squeeze3A_206 : f32 to vector<16xf32>
        %sub3A_610 = arith.subf %sub3A_609, %while3A_174 : vector<16xf32>
        %mul3A_611 = arith.mulf %mul3A_596, %sub3A_610 : vector<16xf32>
        %add3A_612 = arith.addf %while3A_174, %mul3A_611 : vector<16xf32>
        %sub3A_613 = arith.constant 8.000000e+01 : f32
        %sub3A_614 = arith.subf %convert_element_type3A_468, %sub3A_613 : f32
        %sub3A_615 = vector.broadcast %sub3A_614 : f32 to vector<16xf32>
        %sub3A_616 = arith.subf %convert_element_type3A_19, %sub3A_615 : vector<16xf32>
        %abs3A_617 = math.absf %sub3A_616 : vector<16xf32>
        %sub3A_618 = arith.constant 1.000000e+00 : f32
        %sub3A_619 = vector.broadcast %sub3A_618 : f32 to vector<16xf32>
        %sub3A_620 = arith.subf %sub3A_619, %abs3A_617 : vector<16xf32>
        %max3A_621 = arith.constant 0.000000e+00 : f32
        %max3A_622 = vector.broadcast %max3A_621 : f32 to vector<16xf32>
        %max3A_623 = arith.maximumf %sub3A_620, %max3A_622 : vector<16xf32>
        %mul3A_624 = vector.broadcast %select_n3A_464 : f32 to vector<16xf32>
        %mul3A_625 = arith.mulf %max3A_623, %mul3A_624 : vector<16xf32>
        %sub3A_626 = vector.broadcast %squeeze3A_200 : f32 to vector<16xf32>
        %sub3A_627 = arith.subf %sub3A_626, %while3A_175 : vector<16xf32>
        %mul3A_628 = arith.mulf %mul3A_625, %sub3A_627 : vector<16xf32>
        %add3A_629 = arith.addf %while3A_175, %mul3A_628 : vector<16xf32>
        %sub3A_630 = vector.broadcast %squeeze3A_202 : f32 to vector<16xf32>
        %sub3A_631 = arith.subf %sub3A_630, %while3A_176 : vector<16xf32>
        %mul3A_632 = arith.mulf %mul3A_625, %sub3A_631 : vector<16xf32>
        %add3A_633 = arith.addf %while3A_176, %mul3A_632 : vector<16xf32>
        %sub3A_634 = vector.broadcast %squeeze3A_204 : f32 to vector<16xf32>
        %sub3A_635 = arith.subf %sub3A_634, %while3A_177 : vector<16xf32>
        %mul3A_636 = arith.mulf %mul3A_625, %sub3A_635 : vector<16xf32>
        %add3A_637 = arith.addf %while3A_177, %mul3A_636 : vector<16xf32>
        %sub3A_638 = vector.broadcast %squeeze3A_206 : f32 to vector<16xf32>
        %sub3A_639 = arith.subf %sub3A_638, %while3A_178 : vector<16xf32>
        %mul3A_640 = arith.mulf %mul3A_625, %sub3A_639 : vector<16xf32>
        %add3A_641 = arith.addf %while3A_178, %mul3A_640 : vector<16xf32>
        %sub3A_642 = arith.constant 9.600000e+01 : f32
        %sub3A_643 = arith.subf %convert_element_type3A_468, %sub3A_642 : f32
        %sub3A_644 = vector.broadcast %sub3A_643 : f32 to vector<16xf32>
        %sub3A_645 = arith.subf %convert_element_type3A_19, %sub3A_644 : vector<16xf32>
        %abs3A_646 = math.absf %sub3A_645 : vector<16xf32>
        %sub3A_647 = arith.constant 1.000000e+00 : f32
        %sub3A_648 = vector.broadcast %sub3A_647 : f32 to vector<16xf32>
        %sub3A_649 = arith.subf %sub3A_648, %abs3A_646 : vector<16xf32>
        %max3A_650 = arith.constant 0.000000e+00 : f32
        %max3A_651 = vector.broadcast %max3A_650 : f32 to vector<16xf32>
        %max3A_652 = arith.maximumf %sub3A_649, %max3A_651 : vector<16xf32>
        %mul3A_653 = vector.broadcast %select_n3A_464 : f32 to vector<16xf32>
        %mul3A_654 = arith.mulf %max3A_652, %mul3A_653 : vector<16xf32>
        %sub3A_655 = vector.broadcast %squeeze3A_200 : f32 to vector<16xf32>
        %sub3A_656 = arith.subf %sub3A_655, %while3A_179 : vector<16xf32>
        %mul3A_657 = arith.mulf %mul3A_654, %sub3A_656 : vector<16xf32>
        %add3A_658 = arith.addf %while3A_179, %mul3A_657 : vector<16xf32>
        %sub3A_659 = vector.broadcast %squeeze3A_202 : f32 to vector<16xf32>
        %sub3A_660 = arith.subf %sub3A_659, %while3A_180 : vector<16xf32>
        %mul3A_661 = arith.mulf %mul3A_654, %sub3A_660 : vector<16xf32>
        %add3A_662 = arith.addf %while3A_180, %mul3A_661 : vector<16xf32>
        %sub3A_663 = vector.broadcast %squeeze3A_204 : f32 to vector<16xf32>
        %sub3A_664 = arith.subf %sub3A_663, %while3A_181 : vector<16xf32>
        %mul3A_665 = arith.mulf %mul3A_654, %sub3A_664 : vector<16xf32>
        %add3A_666 = arith.addf %while3A_181, %mul3A_665 : vector<16xf32>
        %sub3A_667 = vector.broadcast %squeeze3A_206 : f32 to vector<16xf32>
        %sub3A_668 = arith.subf %sub3A_667, %while3A_182 : vector<16xf32>
        %mul3A_669 = arith.mulf %mul3A_654, %sub3A_668 : vector<16xf32>
        %add3A_670 = arith.addf %while3A_182, %mul3A_669 : vector<16xf32>
        %mul3A_671 = vector.broadcast %select_n3A_467 : i32 to vector<16xi32>
        %mul3A_672 = arith.muli %max3A_23, %mul3A_671 : vector<16xi32>
        %get3A_673 = arith.index_cast %while3A_154 : i32 to index
        %get3A_674 = tpu.vector_load %arg12[%get3A_673] {strides = array<i32>} : memref<128xi32, #tpu.memory_space<vmem>>, vector<16xi32>,
        %get3A_675 = vector.shape_cast %get3A_674 : vector<16xi32> to vector<16xi32>
        %get3A_676 = arith.index_cast %while3A_154 : i32 to index
        %get3A_677 = tpu.vector_load %arg12[%get3A_676] {strides = array<i32>} : memref<128xi32, #tpu.memory_space<vmem>>, vector<16xi32>,
        %get3A_678 = vector.shape_cast %get3A_677 : vector<16xi32> to vector<16xi32>
        %sub3A_679 = vector.broadcast %squeeze3A_193 : i32 to vector<16xi32>
        %sub3A_680 = arith.subi %sub3A_679, %get3A_678 : vector<16xi32>
        %mul3A_681 = arith.muli %mul3A_672, %sub3A_680 : vector<16xi32>
        %add3A_682 = arith.addi %get3A_675, %mul3A_681 : vector<16xi32>
        %swap3A_683 = arith.index_cast %while3A_154 : i32 to index
        %swap3A_684 = tpu.vector_load %arg12[%swap3A_683] {strides = array<i32>} : memref<128xi32, #tpu.memory_space<vmem>>, vector<16xi32>,
        %swap3A_685 = vector.shape_cast %swap3A_684 : vector<16xi32> to vector<16xi32>
        %swap3A_686 = vector.shape_cast %add3A_682 : vector<16xi32> to vector<16xi32>
        tpu.vector_store %arg12[%swap3A_683], %swap3A_686 {strides = array<i32>} : memref<128xi32, #tpu.memory_space<vmem>>, vector<16xi32>,
        %add3A_687 = arith.addi %while3A_154, %select_n3A_467 : i32
        scf.yield %add3A_687, %add3A_484, %add3A_488, %add3A_492, %add3A_496, %add3A_513, %add3A_517, %add3A_521, %add3A_525, %add3A_542, %add3A_546, %add3A_550, %add3A_554, %add3A_571, %add3A_575, %add3A_579, %add3A_583, %add3A_600, %add3A_604, %add3A_608, %add3A_612, %add3A_629, %add3A_633, %add3A_637, %add3A_641, %add3A_658, %add3A_662, %add3A_666, %add3A_670 : i32, vector<16xf32>, vector<16xf32>, vector<16xf32>, vector<16xf32>, vector<16xf32>, vector<16xf32>, vector<16xf32>, vector<16xf32>, vector<16xf32>, vector<16xf32>, vector<16xf32>, vector<16xf32>, vector<16xf32>, vector<16xf32>, vector<16xf32>, vector<16xf32>, vector<16xf32>, vector<16xf32>, vector<16xf32>, vector<16xf32>, vector<16xf32>, vector<16xf32>, vector<16xf32>, vector<16xf32>, vector<16xf32>, vector<16xf32>, vector<16xf32>, vector<16xf32>
      }
      scf.yield %while3A_152#0, %while3A_152#1, %while3A_152#2, %while3A_152#3, %while3A_152#4, %while3A_152#5, %while3A_152#6, %while3A_152#7, %while3A_152#8, %while3A_152#9, %while3A_152#10, %while3A_152#11, %while3A_152#12, %while3A_152#13, %while3A_152#14, %while3A_152#15, %while3A_152#16, %while3A_152#17, %while3A_152#18, %while3A_152#19, %while3A_152#20, %while3A_152#21, %while3A_152#22, %while3A_152#23, %while3A_152#24, %while3A_152#25, %while3A_152#26, %while3A_152#27, %while3A_152#28 : i32, vector<16xf32>, vector<16xf32>, vector<16xf32>, vector<16xf32>, vector<16xf32>, vector<16xf32>, vector<16xf32>, vector<16xf32>, vector<16xf32>, vector<16xf32>, vector<16xf32>, vector<16xf32>, vector<16xf32>, vector<16xf32>, vector<16xf32>, vector<16xf32>, vector<16xf32>, vector<16xf32>, vector<16xf32>, vector<16xf32>, vector<16xf32>, vector<16xf32>, vector<16xf32>, vector<16xf32>, vector<16xf32>, vector<16xf32>, vector<16xf32>, vector<16xf32>
    }
    %while3A_92 = arith.constant 0 : i32
    %while3A_93 = arith.constant 0 : i32
    %while3A_94 = arith.subi %select_n3A, %while3A_93 : i32
    %while3A_95 = arith.addi %while3A_93, %while3A_94 : i32
    %while3A_96 = arith.constant 1 : i32
    %while3A_97 = arith.divsi %while3A_94, %while3A_96 : i32
    %while3A_98 = arith.muli %while3A_97, %while3A_96 : i32
    %while3A_99 = arith.addi %while3A_93, %while3A_98 : i32
    %while3A_100 = arith.constant 1 : i32
    scf.for %while3A_102 = %while3A_93 to %while3A_99 step %while3A_100  : i32 {
      "tpu.region"() ({
        %run_scoped3A = tpu.sem_alloc : memref<!tpu.dma_semaphore, #tpu.memory_space<semaphore_mem>>
        tpu.enqueue_dma source(%arg12 : memref<128xi32, #tpu.memory_space<vmem>>) target(%arg6 : memref<128xi32, #tpu.memory_space<hbm>>) target_semaphore(%run_scoped3A : memref<!tpu.dma_semaphore, #tpu.memory_space<semaphore_mem>>)
        tpu.wait_dma2 semaphore(%run_scoped3A : memref<!tpu.dma_semaphore, #tpu.memory_space<semaphore_mem>>) src(%arg12 : memref<128xi32, #tpu.memory_space<vmem>>) dst(%arg6 : memref<128xi32, #tpu.memory_space<hbm>>)
        tpu.yield
      }) : () -> ()
      %broadcast_in_dim3A_103 = arith.constant 0 : i32
      %broadcast_in_dim3A_104 = vector.broadcast %broadcast_in_dim3A_103 : i32 to vector<16xi32>
      %add3A_105 = vector.broadcast %while3A_91#0 : i32 to vector<16xi32>
      %add3A_106 = arith.addi %broadcast_in_dim3A_104, %add3A_105 : vector<16xi32>
      %swap3A_107 = arith.constant 0 : index
      %swap3A_108 = tpu.vector_load %arg14[%swap3A_107] {strides = array<i32>} : memref<16xi32, #tpu.memory_space<vmem>>, vector<16xi32>,
      %swap3A_109 = vector.shape_cast %swap3A_108 : vector<16xi32> to vector<16xi32>
      %swap3A_110 = vector.shape_cast %add3A_106 : vector<16xi32> to vector<16xi32>
      tpu.vector_store %arg14[%swap3A_107], %swap3A_110 {strides = array<i32>} : memref<16xi32, #tpu.memory_space<vmem>>, vector<16xi32>,
      "tpu.region"() ({
        %run_scoped3A = tpu.sem_alloc : memref<!tpu.dma_semaphore, #tpu.memory_space<semaphore_mem>>
        tpu.enqueue_dma source(%arg14 : memref<16xi32, #tpu.memory_space<vmem>>) target(%arg7 : memref<16xi32, #tpu.memory_space<hbm>>) target_semaphore(%run_scoped3A : memref<!tpu.dma_semaphore, #tpu.memory_space<semaphore_mem>>)
        tpu.wait_dma2 semaphore(%run_scoped3A : memref<!tpu.dma_semaphore, #tpu.memory_space<semaphore_mem>>) src(%arg14 : memref<16xi32, #tpu.memory_space<vmem>>) dst(%arg7 : memref<16xi32, #tpu.memory_space<hbm>>)
        tpu.yield
      }) : () -> ()
    }
    %while3A_101 = arith.constant 1 : i32
    scf.for %while3A_102 = %while3A_99 to %while3A_95 step %while3A_101  : i32 {
      "tpu.region"() ({
        %run_scoped3A = tpu.sem_alloc : memref<!tpu.dma_semaphore, #tpu.memory_space<semaphore_mem>>
        tpu.enqueue_dma source(%arg12 : memref<128xi32, #tpu.memory_space<vmem>>) target(%arg6 : memref<128xi32, #tpu.memory_space<hbm>>) target_semaphore(%run_scoped3A : memref<!tpu.dma_semaphore, #tpu.memory_space<semaphore_mem>>)
        tpu.wait_dma2 semaphore(%run_scoped3A : memref<!tpu.dma_semaphore, #tpu.memory_space<semaphore_mem>>) src(%arg12 : memref<128xi32, #tpu.memory_space<vmem>>) dst(%arg6 : memref<128xi32, #tpu.memory_space<hbm>>)
        tpu.yield
      }) : () -> ()
      %broadcast_in_dim3A_103 = arith.constant 0 : i32
      %broadcast_in_dim3A_104 = vector.broadcast %broadcast_in_dim3A_103 : i32 to vector<16xi32>
      %add3A_105 = vector.broadcast %while3A_91#0 : i32 to vector<16xi32>
      %add3A_106 = arith.addi %broadcast_in_dim3A_104, %add3A_105 : vector<16xi32>
      %swap3A_107 = arith.constant 0 : index
      %swap3A_108 = tpu.vector_load %arg14[%swap3A_107] {strides = array<i32>} : memref<16xi32, #tpu.memory_space<vmem>>, vector<16xi32>,
      %swap3A_109 = vector.shape_cast %swap3A_108 : vector<16xi32> to vector<16xi32>
      %swap3A_110 = vector.shape_cast %add3A_106 : vector<16xi32> to vector<16xi32>
      tpu.vector_store %arg14[%swap3A_107], %swap3A_110 {strides = array<i32>} : memref<16xi32, #tpu.memory_space<vmem>>, vector<16xi32>,
      "tpu.region"() ({
        %run_scoped3A = tpu.sem_alloc : memref<!tpu.dma_semaphore, #tpu.memory_space<semaphore_mem>>
        tpu.enqueue_dma source(%arg14 : memref<16xi32, #tpu.memory_space<vmem>>) target(%arg7 : memref<16xi32, #tpu.memory_space<hbm>>) target_semaphore(%run_scoped3A : memref<!tpu.dma_semaphore, #tpu.memory_space<semaphore_mem>>)
        tpu.wait_dma2 semaphore(%run_scoped3A : memref<!tpu.dma_semaphore, #tpu.memory_space<semaphore_mem>>) src(%arg14 : memref<16xi32, #tpu.memory_space<vmem>>) dst(%arg7 : memref<16xi32, #tpu.memory_space<hbm>>)
        tpu.yield
      }) : () -> ()
    }
    return
  }
}

</mosaic_0001>

<sc_bundles>
// kernel: branch_0_fun.3.cloned.1.call-start
scs
__scs_entry_jumppad:
0x0: {  	(pc) =	sbr.rel $0x88, $3  }
0x1: {  	(tag) =	ssettag $0x0;
	lr =	simm.s32 $0x1  }
0x2: {  	[smem:$0x3F9C] =	sst lr;
	_ =	strace $0xD0000000  }
0x3: {  	_ = 	snop  }
0x4: {  	_ = 	snop  }
0x5: {  	_ = 	snop  }
0x6: {  	_ = 	snop  }
0x7: {  	_ = 	snop  }
__scs_overlays_trampoline_lowered:
0x8: {  	[smem:$0x3FAB] =	sst s0  }
0x9: {  	[smem:$0x3FAC] =	sst s1  }
0xa: {  	[smem:$0x3FAD] =	sst s2  }
0xb: {  	[smem:$0x3FAE] =	sst s3  }
0xc: {  	[smem:$0x3FAF] =	sst s4  }
0xd: {  	[smem:$0x3FB0] =	sst s5  }
0xe: {  	[smem:$0x3FB1] =	sst s6  }
0xf: {  	[smem:$0x3FB2] =	sst s7  }
0x10: {  	[smem:$0x3FB3] =	sst s8  }
0x11: {  	[smem:$0x3FB4] =	sst s9;
	s0 =	simm.s32 @!p0 $0x0  }
0x12: {  	s1 =	sld [smem:$0x3F9A];
	s0 =	simm.s32 @p0 $0x1  }
0x13: {  	[smem:$0x3FB5] =	sst s0;
	s0 =	simm.s32 @!p1 $0x0  }
0x14: {  	s2 =	sld [smem:$0x3F99];
	s0 =	simm.s32 @p1 $0x1  }
0x15: {  	[smem:$0x3FB6] =	sst s0;
	s0 =	simm.s32 @!p2 $0x0  }
0x16: {  	s3 =	sld [smem:$0x3FDB];
	s0 =	simm.s32 @p2 $0x1  }
0x17: {  	s4 =	simm.s32 $0x1BF5;
	[smem:$0x3FB8] =	sst s0  }
0x18: {  	s0 =	sld [smem:$0x3F9B];
	_ =	swait.ge [sflag:s4], $0x0  }
0x19: {  	s7 =	sld [smem:$0x3F9C]  }
0x1a: {  	s8 =	sadd.s32 $0xFFFFE003, lr  }
0x1b: {  	s9 =	sadd.s32 $0xFFFFFEF7, lr;
	s5 =	simm.s32 $0xFFFFFFFF;
	p2 =	slt.u32 s8, $0xFFFFF086  }
0x1c: {  	p1 =	slt.u32 s9, $0xF7A;
	s5 =	simm.s32 @!p2 $0x0  }
0x1d: {  	s5 =	simm.s32 @p1 $0x1;
	p0 =	seq.s32 s7, s2  }
0x1e: {  	s7 =	smul.u32 @!p0 $0xF7A, s2;
	p2 =	seq.s32 @!p0 s5, $0x0  }
0x1f: {  	s9 =	smul.u32 $0xF7A, s1;
	s8 =	simm.s32 @!p0 $0x1BF5;
	p2 =	por !p2, p0  }
0x20: {  	[sflag:s8] =	ssyncset.s32 @!p0 $0xFFFFF086;
	s6 =	sadd.s32 @!p0 s3, s7;
	s7 =	simm.s32 @!p0 $0x108  }
0x21: {  	s3 =	sadd.s32 s3, s9;
	s6 =	sadd.s32 @!p0 $0x88, s6;
	s7 =	simm.s32 @p2 $0x1082  }
0x22: {  	[simem:s7], [sflag:s8] =	dma.local @!p0 [hbm:s6], $0xF7A  }
0x23: {  	s9 =	sor.u32 $0xD0000000, s2;
	s6 =	simm.s32 $0x108;
	_ =	swait.ge @!p0 [sflag:s8], $0x0  }
0x24: {  	s3 =	sadd.s32 $0x88, s3;
	s6 =	simm.s32 @!p1 $0x1082;
	[sflag:s4] =	ssyncset.s32 $0xFFFFF086  }
0x25: {  	[simem:s6], [sflag:s4] =	dma.local [hbm:s3], $0xF7A  }
0x26: {  	[smem:$0x3F9C] =	sst s1;
	(tag) =	ssettag s2;
	_ =	strace s9  }
0x27: {  	s1 =	sld [smem:$0x3FAC]  }
0x28: {  	s2 =	sld [smem:$0x3FAD]  }
0x29: {  	s4 =	sld [smem:$0x3FAF]  }
0x2a: {  	p0 =	seq.s32 s5, $0x0;
	s5 =	sld [smem:$0x3FB0]  }
0x2b: {  	s6 =	sld [smem:$0x3FB1]  }
0x2c: {  	s7 =	sld [smem:$0x3FB2]  }
0x2d: {  	s3 =	simm.s32 $0x108;
	s8 =	sld [smem:$0x3FB3]  }
0x2e: {  	s3 =	simm.s32 @!p0 $0x1082;
	s9 =	sld [smem:$0x3FB4]  }
0x2f: {  	lr =	sadd.s32 s0, s3;
	s0 =	sld [smem:$0x3FAB]  }
0x30: {  	s3 =	sld [smem:$0x3FAE]  }
0x31: {  	[smem:$0x3FB7] =	sst s10  }
0x32: {  	s10 =	sld [smem:$0x3FB5];
	_ =	sdelay $0x3  }
0x33: {  	p0 =	seq.s32 s10, $0x1;
	s10 =	sld [smem:$0x3FB7];
	_ =	sdelay $0x3  }
0x34: {  	[smem:$0x3FB7] =	sst s10  }
0x35: {  	s10 =	sld [smem:$0x3FB6];
	_ =	sdelay $0x3  }
0x36: {  	p1 =	seq.s32 s10, $0x1;
	s10 =	sld [smem:$0x3FB7];
	_ =	sdelay $0x3  }
0x37: {  	[smem:$0x3FB7] =	sst s10  }
0x38: {  	s10 =	sld [smem:$0x3FB8]  }
0x39: {  	_ = 	snop;
	(pc) =	sbr.ind lr, $3  }
0x3a: {  	_ = 	snop  }
0x3b: {  	_ = 	snop  }
0x3c: {  	p2 =	seq.s32 s10, $0x1;
	s10 =	sld [smem:$0x3FB7]  }
0x3d: {  	_ =	shalt  }
0x3e: {  	_ =	shalt  }
0x3f: {  	_ =	shalt  }
0x40: {  	_ =	shalt  }
0x41: {  	_ =	shalt  }
0x42: {  	_ =	shalt  }
0x43: {  	_ =	shalt  }
0x44: {  	_ =	shalt  }
0x45: {  	_ =	shalt  }
0x46: {  	_ =	shalt  }
0x47: {  	_ =	shalt  }
0x48: {  	_ =	shalt  }
0x49: {  	_ =	shalt  }
0x4a: {  	_ =	shalt  }
0x4b: {  	_ =	shalt  }
0x4c: {  	_ =	shalt  }
0x4d: {  	_ =	shalt  }
0x4e: {  	_ =	shalt  }
0x4f: {  	_ =	shalt  }
0x50: {  	_ =	shalt  }
0x51: {  	_ =	shalt  }
0x52: {  	_ =	shalt  }
0x53: {  	_ =	shalt  }
0x54: {  	_ =	shalt  }
0x55: {  	_ =	shalt  }
0x56: {  	_ =	shalt  }
0x57: {  	_ =	shalt  }
0x58: {  	_ =	shalt  }
0x59: {  	_ =	shalt  }
0x5a: {  	_ =	shalt  }
0x5b: {  	_ =	shalt  }
0x5c: {  	_ =	shalt  }
0x5d: {  	_ =	shalt  }
0x5e: {  	_ =	shalt  }
0x5f: {  	_ =	shalt  }
0x60: {  	_ =	shalt  }
0x61: {  	_ =	shalt  }
0x62: {  	_ =	shalt  }
0x63: {  	_ =	shalt  }
0x64: {  	_ =	shalt  }
0x65: {  	_ =	shalt  }
0x66: {  	_ =	shalt  }
0x67: {  	_ =	shalt  }
0x68: {  	_ =	shalt  }
0x69: {  	_ =	shalt  }
0x6a: {  	_ =	shalt  }
0x6b: {  	_ =	shalt  }
0x6c: {  	_ =	shalt  }
0x6d: {  	_ =	shalt  }
0x6e: {  	_ =	shalt  }
0x6f: {  	_ =	shalt  }
0x70: {  	_ =	shalt  }
0x71: {  	_ =	shalt  }
0x72: {  	_ =	shalt  }
0x73: {  	_ =	shalt  }
0x74: {  	_ =	shalt  }
0x75: {  	_ =	shalt  }
0x76: {  	_ =	shalt  }
0x77: {  	_ =	shalt  }
0x78: {  	_ =	shalt  }
0x79: {  	_ =	shalt  }
0x7a: {  	_ =	shalt  }
0x7b: {  	_ =	shalt  }
0x7c: {  	_ =	shalt  }
0x7d: {  	_ =	shalt  }
0x7e: {  	_ =	shalt  }
0x7f: {  	_ =	shalt  }
0x80: {  	_ =	shalt  }
0x81: {  	_ =	shalt  }
0x82: {  	_ =	shalt  }
0x83: {  	_ =	shalt  }
0x84: {  	_ =	shalt  }
0x85: {  	_ =	shalt  }
0x86: {  	_ =	shalt  }
0x87: {  	_ =	shalt  }
.Lfunc_end0:
.L_simem_size_0:
called_computation_lowered:
.L_overlay_start_0:
0x88: {  	s2 =	sld [smem:$0x3FD9]  }
0x89: {  	s3 =	sld [smem:$0x3FFE];
	_ =	sdelay $0x1  }
0x8a: {  	s1 =	srdreg.scid  }
0x8b: {  	s0 =	sand.u32 $0x1, s1  }
0x8c: {  	s14 =	sshll.u32 s0, $0xA;
	s2 =	sadd.s32 s3, s2  }
0x8d: {  	s2 =	sadd.s32 s2, s14  }
0x8e: {  	[smem:$0x3FC3] =	sst s2  }
0x8f: {  	_ = 	snop  }
0x90: {  	s2 =	sld [smem:$0x3FD0];
	_ =	sdelay $0x2  }
0x91: {  	s15 =	simm.s32 $0xA;
	s4 =	simm.s32 $0x10  }
0x92: {  	[smem:s4], [sflag:s15] =	dma.local [hbm:s2], $0x1  }
0x93: {  	_ =	swait.eq [sflag:s15], $0x1  }
0x94: {  	[sflag:s15] =	ssyncset.done $0x0  }
0x95: {  	s16 =	sld [smem:$0x10];
	[sflag:s15] =	ssyncadd.s32 $0xFFFFFFFF  }
0x96: {  	s17 =	sld [smem:$0x11];
	(tm) =	ssettm $0x1  }
0x97: {  	s18 =	sld [smem:$0x3FFB];
	_ =	sdelay $0x3  }
0x98: {  	_ =	strace s18  }
0x99: {  	s4 =	sld [smem:$0x3FFC];
	_ =	sdelay $0x3  }
0x9a: {  	_ =	strace s4  }
0x9b: {  	s4 =	sld [smem:$0x3FFD];
	_ =	sdelay $0x3  }
0x9c: {  	_ =	strace s4  }
0x9d: {  	_ =	strace $0x8FFFFFFF  }
0x9e: {  	s19 =	sld [smem:$0x3FDB];
	_ =	sdelay $0x1  }
0x9f: {  	s5 =	simm.s32 $_scs_section_size  }
0xa0: {  	s6 =	simm.s32 $_size__tile_overlayer_lowered;
	s7 =	simm.s32 $_tile_overlayer_lowered  }
0xa1: {  	s22 =	simm.s32 $0x1BFF;
	s21 =	sshll.u32 s7, $0x1;
	s4 =	sadd.s32 s5, s19  }
0xa2: {  	s8 =	simm.s32 $0x0;
	s20 =	sshll.u32 s6, $0x1;
	s6 =	sadd.s32 s21, s4  }
0xa3: {  	[timem:s8], [sflag:s22] =	dma.local [hbm:s6], s20  }
0xa4: {  	_ =	swait.ge [sflag:s22], s20  }
0xa5: {  	s5 =	ssub.s32 $0x0, s20;
	[sflag:s22] =	ssyncset.done $0x0  }
0xa6: {  	[sflag:s22] =	ssyncadd.s32 s5;
	_ =	sdelay $0x1  }
0xa7: {  	s23 =	simm.s32 $0x1B8B  }
0xa8: {  	_ =	swait.ge [sflag:s23], $0x1  }
0xa9: {  	[sflag:s23] =	ssyncset.done $0x0  }
0xaa: {  	s25 =	simm.s32 $0x1B8E;
	s24 =	sld [smem:$0x3FFE];
	[sflag:s23] =	ssyncadd.s32 $0xFFFFFFFF  }
0xab: {  	s26 =	simm.s32 $execute0_lowered;
	[smem:$0x3FD2] =	sst s25  }
0xac: {  	s6 =	sshll.u32 s26, $0x1;
	_ =	strace $0x80000046;
	[dreg:$0x1] =	wrdreg $0xFFFFFFFF  }
0xad: {  	s28 =	simm.s32 $_size_execute0_lowered;
	s4 =	sadd.s32 s4, s6;
	[dreg:$0x0] =	wrdreg $0x0  }
0xae: {  	s6 =	sshll.u32 s28, $0x1;
	[dreg:$0x2] =	wrdreg s4  }
0xaf: {  	[dreg:$0x3] =	wrdreg s6  }
0xb0: {  	[dreg:$0x4] =	wrdreg $0xC0  }
0xb1: {  	_ =	task [dreg:s8], $0x5FFFF  }
0xb2: {  	[dreg:$0x1] =	wrdreg $0xFFFFFFFF  }
0xb3: {  	[dreg:$0x0] =	wrdreg $0x60  }
0xb4: {  	[dreg:$0x2] =	wrdreg s24  }
0xb5: {  	[dreg:$0x3] =	wrdreg s16  }
0xb6: {  	[dreg:$0x4] =	wrdreg s17  }
0xb7: {  	[dreg:$0x5] =	wrdreg $0x9  }
0xb8: {  	_ =	task.clear_ibuf [dreg:s8], $0x6FFFF;
	_ =	strace $0x90000046  }
0xb9: {  	s29 =	simm.s32 $0x9;
	_ =	strace $0x80000048  }
0xba: {  	_ =	swait.ge [sflag:s29], $0x1  }
0xbb: {  	[sflag:s29] =	ssyncadd.s32 $0xFFFFFFFF  }
0xbc: {  	_ =	strace $0x90000048  }
0xbd: {  	_ =	sfence  }
0xbe: {  	s30 =	sld [smem:$0x0];
	_ =	sdelay $0x2  }
0xbf: {  	s31 =	sshll.u32 s1, $0xD;
	s1 =	sshrl.u32 s1, $0x2  }
0xc0: {  	s3 =	sand.u32 $0x4000, s31;
	s1 =	sadd.s32 s1, s30  }
0xc1: {  	s0 =	sor.u32 s3, s0;
	s1 =	sshll.u32 s1, $0x11  }
0xc2: {  	s0 =	sor.u32 s1, s0  }
0xc3: {  	s0 =	sadd.s32 $0x8F2B, s0  }
0xc4: {  	[sflag:s0] =	ssyncadd.remote.s32 $0x1  }
0xc5: {  	_ =	sfence.sel $0xFFFF  }
0xc6: {  	[dreg:$0x0] =	wrdreg $0xFFFFFFFF;
	(pc) =	sbr.abs _section_cstart, $3  }
0xc7: {  	[dreg:$0x1] =	wrdreg $0xFFFFFFFF  }
0xc8: {  	_ =	task.clear_ibuf [dreg:s8], $0x2FFFF;
	_ =	strace $0x9FFFFFFF  }
0xc9: {  	(tm) =	ssettm $0x7FFFFFFF  }
tec
execute0_lowered:
.L_overlay_start_1:
0x0: {  	(tag) =	ssettag $0x1  }
0x1: {  	v0 =	vimm.f32 $1.500000000e+01;
	vm0 =	vcmask $0x300  }
0x2: {  	vm1 =	vcmask $0x704;
	v0 =	vsel vm0, $0x0, v0  }
0x3: {  	vm15 =	vcmask $0xB08;
	v0 =	vsel vm1, $0x3F800000, v0  }
0x4: {  	vm4 =	vcmask $0xF0C;
	v0 =	vsel vm15, $0x40000000, v0  }
0x5: {  	vm5 =	vcmask $0x1310;
	v0 =	vsel vm4, $0x40400000, v0  }
0x6: {  	s0 =	rddreg [dreg:$0x0];
	vm6 =	vcmask $0x1714;
	v0 =	vsel vm5, $0x40800000, v0  }
0x7: {  	s2 =	rddreg [dreg:$0x1];
	vm7 =	vcmask $0x1B18;
	v0 =	vsel vm6, $0x40A00000, v0  }
0x8: {  	s3 =	rddreg [dreg:$0x2];
	vm8 =	vcmask $0x1F1C;
	v0 =	vsel vm7, $0x40C00000, v0  }
0x9: {  	s1 =	rddreg [dreg:$0x3];
	s4 =	srdreg.scid;
	vm9 =	vcmask $0x2320;
	v0 =	vsel vm8, $0x40E00000, v0  }
0xa: {  	_ =	strace $0x80000047;
	vm10 =	vcmask $0x2724;
	s6 =	stileid.u32;
	s12 =	simm.f32 $1.000000000e+00;
	v0 =	vsel vm9, $0x41000000, v0  }
0xb: {  	vm11 =	vcmask $0x2B28;
	s13 =	simm.s32 $0x0;
	s8 =	sand.u32 $0x1, s4;
	s4 =	sadd.s32 $0x2E00, s0;
	v0 =	vsel vm10, $0x41100000, v0  }
.Ltmp0:
0xc: {  	vm12 =	vcmask $0x2F2C;
	s5 =	sadd.s32 $0x3800, s0;
	s7 =	sadd.s32 $0x2C00, s0;
	v0 =	vsel vm11, $0x41200000, v0;
	(pc) =	sbr.rel .LBB2_1-.Ltmp0, $4  }
0xd: {  	vm13 =	vcmask $0x3330;
	s31 =	sshll.u32 s6, $0x1;
	[dreg:$0x4] =	wrdreg s12;
	s9 =	ssub.s32 $0x2, s8;
	v0 =	vsel vm12, $0x41300000, v0  }
0xe: {  	vm14 =	vcmask $0x3734;
	s12 =	simm.s32 $0x1D880;
	s11 =	ssub.s32 $0x0, s8;
	s10 =	sshrl.u32 s9, $0x1;
	v1 =	vsel vm13, $0x41400000, v0  }
0xf: {  	p0 =	sne.s32 s31, s11;
	vm15 =	vcmask $0x3B38;
	s11 =	simm.s32 $0x1D780;
	s9 =	ssub.s32 s9, s10;
	v0 =	vimm.s32 $0x0;
	v2 =	vsel vm14, $0x41500000, v1  }
0x10: {  	s10 =	simm.s32 $0x1;
	s8 =	smax.u32 s9, $0x1;
	s9 =	simm.s32 $0x0;
	v1 =	vimm.f32 $-3.000000010e+38;
	v3 =	vsel vm0, $0xFFFFFFFF, v0;
	v2 =	vsel vm15, $0x41600000, v2  }
.LBB2_7:
0x11: {  	[hbm4b:s2+s9] =	stream.linear.scatter [tilespmem:s11], [sflag:$0x1], $0x80, $0x38;
	[tilespmem:$0x1D900] =	vst v63  }
0x12: {  	_ =	swait.ge [sflag:s10], $0x80  }
0x13: {  	[sflag:s10] =	ssyncset.done $0x0  }
0x14: {  	v4 =	vmov s16;
	[sflag:s10] =	ssyncadd.s32 $0xFFFFFF80  }
0x15: {  	[tilespmem:$0x1D880] =	vst v4  }
0x16: {  	[hbm4b:s3+s9] =	stream.linear.scatter [tilespmem:s12], [sflag:$0x1], $0x80, $0x38;
	[tilespmem:$0x1D900] =	vst v63  }
0x17: {  	_ =	swait.ge [sflag:s10], $0x80  }
0x18: {  	[sflag:s10] =	ssyncset.done $0x0  }
0x19: {  	[sflag:s10] =	ssyncadd.s32 $0xFFFFFF80  }
.LBB2_8:
0x1a: {  	s13 =	sadd.s32 $0x1, s13  }
0x1b: {  	p1 =	sne.s32 s13, s8  }
.Ltmp1:
0x1c: {  	_ = 	snop;
	(pc) =	sbr.rel @!p1 .LBB2_9-.Ltmp1, $1  }
0x1d: {  	_ =	sdelay $0x3  }
.LBB2_1:
0x1e: {  	s14 =	simm.s32 @!p0 $0x0;
	s15 =	simm.s32 @!p0 $0x1  }
0x1f: {  	[tilespmem:s14], [sflag:$0x1] =	stream.linear.gather @!p0 [hbm4b:s0+s14], $0x13880, $0x38;
	[tilespmem:$0x1D900] =	vst v63  }
0x20: {  	_ =	swait.ge @!p0 [sflag:s15], $0x13880  }
0x21: {  	[sflag:s15] =	ssyncset.done @!p0 $0x0  }
0x22: {  	s16 =	simm.s32 @!p0 $0x13900;
	[sflag:s15] =	ssyncadd.s32 @!p0 $0xFFFEC780  }
0x23: {  	[tilespmem:s16], [sflag:$0x1] =	stream.linear.gather @!p0 [hbm4b:s4+s14], $0x4E80, $0x38;
	[tilespmem:$0x1D900] =	vst v63  }
0x24: {  	_ =	swait.ge @!p0 [sflag:s15], $0x4E80  }
0x25: {  	[sflag:s15] =	ssyncset.done @!p0 $0x0  }
0x26: {  	s16 =	simm.s32 @!p0 $0x18800;
	[sflag:s15] =	ssyncadd.s32 @!p0 $0xFFFFB180  }
0x27: {  	[tilespmem:s16], [sflag:$0x1] =	stream.linear.gather @!p0 [hbm4b:s5+s14], $0x4E80, $0x38;
	[tilespmem:$0x1D900] =	vst v63  }
0x28: {  	_ =	swait.ge @!p0 [sflag:s15], $0x4E80  }
0x29: {  	[sflag:s15] =	ssyncset.done @!p0 $0x0  }
0x2a: {  	s16 =	simm.s32 @!p0 $0x1D700;
	[sflag:s15] =	ssyncadd.s32 @!p0 $0xFFFFB180  }
0x2b: {  	[tilespmem:s16], [sflag:$0x1] =	stream.linear.gather @!p0 [hbm4b:s7+s14], $0x80, $0x38;
	[tilespmem:$0x1D900] =	vst v63  }
0x2c: {  	_ =	swait.ge @!p0 [sflag:s15], $0x80  }
0x2d: {  	[sflag:s15] =	ssyncset.done @!p0 $0x0  }
0x2e: {  	[sflag:s15] =	ssyncadd.s32 @!p0 $0xFFFFFF80  }
0x2f: {  	v4 =	vld [tilespmem:$0x1D700];
	_ =	sdelay $0x4  }
0x30: {  	(v2sf) =	vpush v4, $0x1  }
0x31: {  	(v2sf) =	vpush v4, $0x2;
	_ =	sdelay $0x2  }
0x32: {  	v5 =	vimm.f32 @!p0 $0.0e+00  }
0x33: {  	[tilespmem:$0x13880] =	vst @!p0 v5  }
0x34: {  	[tilespmem:$0x1D780] =	vst v0  }
0x35: {  	[tilespmem:$0x1D790] =	vst v0  }
0x36: {  	[tilespmem:$0x1D7A0] =	vst v0  }
0x37: {  	[tilespmem:$0x1D7B0] =	vst v0  }
0x38: {  	[tilespmem:$0x1D7C0] =	vst v0  }
0x39: {  	[tilespmem:$0x1D7D0] =	vst v0  }
.Ltmp2:
0x3a: {  	[tilespmem:$0x1D7E0] =	vst v0;
	(pc) =	sbr.rel @p0 .LBB2_8-.Ltmp2, $4  }
0x3b: {  	[tilespmem:$0x1D7F0] =	vst v0  }
0x3c: {  	v5 =	vimm.s32 @!p0 $0x0;
	[tilespmem:$0x1D810] =	vst v1  }
0x3d: {  	[tilespmem:$0x18780] =	vst @!p0 v5;
	v5 =	vimm.f32 @!p0 $-3.000000010e+38;
	s14 =	spop (v2sf)  }
0x3e: {  	[tilespmem:$0x1D680] =	vst @!p0 v5;
	s15 =	spop (v2sf)  }
0x3f: {  	v4 =	vbroadcast v4, $0x0;
	v5 =	vimm.f32 $2.000000000e+09  }
0x40: {  	v6 =	vimm.f32 $2.000000000e+09;
	v7 =	vimm.f32 $2.000000000e+09;
	v8 =	vimm.f32 $2.000000000e+09  }
0x41: {  	v9 =	vimm.f32 $2.000000000e+09;
	v10 =	vimm.f32 $2.000000000e+09;
	v11 =	vimm.f32 $2.000000000e+09  }
0x42: {  	v12 =	vimm.f32 $2.000000000e+09;
	v13 =	vimm.f32 $2.000000000e+09;
	v14 =	vimm.f32 $2.000000000e+09  }
0x43: {  	v15 =	vimm.f32 $2.000000000e+09;
	v16 =	vimm.f32 $2.000000000e+09;
	v17 =	vimm.f32 $2.000000000e+09  }
.Ltmp3:
0x44: {  	v18 =	vimm.f32 $2.000000000e+09;
	v19 =	vimm.f32 $2.000000000e+09;
	v20 =	vimm.f32 $2.000000000e+09;
	(pc) =	sbr.rel .LBB2_3-.Ltmp3, $4  }
0x45: {  	s15 =	scvt.f32.s32 s15;
	v21 =	vimm.f32 $2.000000000e+09;
	v22 =	vimm.f32 $2.000000000e+09;
	v23 =	vimm.f32 $2.000000000e+09  }
0x46: {  	v24 =	vimm.f32 $2.000000000e+09;
	v25 =	vimm.f32 $2.000000000e+09;
	v26 =	vimm.f32 $2.000000000e+09  }
0x47: {  	s16 =	simm.s32 $0x0;
	v27 =	vimm.f32 $2.000000000e+09;
	v28 =	vimm.f32 $2.000000000e+09;
	v29 =	vimm.f32 $2.000000000e+09;
	s17 =	simm.s32 $0x13900;
	p1 =	slt.s32 s15, $0x70  }
0x48: {  	s18 =	simm.s32 $0x18800;
	v30 =	vimm.f32 $2.000000000e+09;
	v31 =	vimm.f32 $2.000000000e+09;
	v32 =	vimm.f32 $2.000000000e+09;
	s19 =	simm.s32 $0x0;
	s15 =	simm.s32 @!p1 $0x70  }
.LBB2_10:
0x49: {  	v32 =	vpsel p1, v32, v32  }
0x4a: {  	v31 =	vpsel p1, v31, v31;
	v30 =	vpsel p1, v30, v30;
	v29 =	vpsel p1, v29, v29  }
0x4b: {  	v28 =	vpsel p1, v28, v28;
	v27 =	vpsel p1, v27, v27;
	v26 =	vpsel p1, v26, v26  }
0x4c: {  	v25 =	vpsel p1, v25, v25;
	v24 =	vpsel p1, v24, v24;
	v23 =	vpsel p1, v23, v23  }
0x4d: {  	v22 =	vpsel p1, v22, v22;
	v21 =	vpsel p1, v21, v21;
	v20 =	vpsel p1, v20, v20  }
0x4e: {  	v19 =	vpsel p1, v19, v19;
	v18 =	vpsel p1, v18, v18;
	v17 =	vpsel p1, v17, v17  }
0x4f: {  	v16 =	vpsel p1, v16, v16;
	v15 =	vpsel p1, v15, v15;
	v14 =	vpsel p1, v14, v14  }
0x50: {  	v13 =	vpsel p1, v13, v13;
	v12 =	vpsel p1, v12, v12;
	v11 =	vpsel p1, v11, v11  }
0x51: {  	v10 =	vpsel p1, v10, v10;
	v9 =	vpsel p1, v9, v9;
	v8 =	vpsel p1, v8, v8  }
0x52: {  	s16 =	smov.u32 @p1 s16;
	v7 =	vpsel p1, v7, v7;
	v6 =	vpsel p1, v6, v6;
	v5 =	vpsel p1, v5, v5  }
.LBB2_6:
0x53: {  	s19 =	sadd.s32 $0x1, s19  }
0x54: {  	p1 =	seq.s32 s19, $0x9D  }
.Ltmp4:
0x55: {  	_ = 	snop;
	(pc) =	sbr.rel @p1 .LBB2_7-.Ltmp4, $2  }
0x56: {  	_ =	sdelay $0x2  }
0x57: {  	s17 =	sadd.s32 $0x80, s17;
	s18 =	sadd.s32 $0x80, s18  }
.LBB2_3:
0x58: {  	s20 =	sshll.u32 s19, $0x7  }
0x59: {  	s20 =	sand.u32 $0x3FFFFF80, s20  }
0x5a: {  	v33 =	vld [tilespmem:s20+$0x18800];
	_ =	sdelay $0x4  }
0x5b: {  	(v2sf) =	vpush v33, $0x0;
	_ =	sdelay $0xe  }
0x5c: {  	p1 =	sge.s32 s16, s15;
	s20 =	spop (v2sf)  }
0x5d: {  	p2 =	sgt.f32 @!p1 s20, s14;
	_ =	sdelay $0x1  }
0x5e: {  	p2 =	por p1, !p2  }
.Ltmp5:
0x5f: {  	_ = 	snop;
	(pc) =	sbr.rel @p2 .LBB2_10-.Ltmp5, $1  }
0x60: {  	_ =	sdelay $0x3  }
0x61: {  	s20 =	simm.s32 $0x0  }
.LBB2_5:
0x62: {  	s21 =	sshra.s32 s20, $0x2  }
0x63: {  	s22 =	sadd.s32 s21, s18  }
0x64: {  	s21 =	sadd.s32 s21, s17;
	v34 =	vld [tilespmem:s22+$0x0]  }
0x65: {  	v33 =	vld [tilespmem:s21+$0x0];
	_ =	sdelay $0x3  }
0x66: {  	(v2sf) =	vpush v34, $0x0  }
0x67: {  	(v2sf) =	vpush v33, $0x0;
	_ =	sdelay $0xd  }
0x68: {  	s29 =	spop (v2sf)  }
0x69: {  	s30 =	spop (v2sf)  }
0x6a: {  	s22 =	sshll.u32 s30, $0x4  }
0x6b: {  	s22 =	sshra.s32 s22, $0x2  }
0x6c: {  	v37 =	vld [tilespmem:s22+$0x0];
	_ =	sdelay $0x4  }
0x6d: {  	(v2sf) =	vpush v37, $0x0  }
0x6e: {  	(v2sf) =	vpush v37, $0x1  }
0x6f: {  	(v2sf) =	vpush v37, $0x2  }
0x70: {  	(v2sf) =	vpush v37, $0x3;
	_ =	sdelay $0x3  }
0x71: {  	v38 =	vsub.f32 v30, v32  }
0x72: {  	v39 =	vsub.f32 v29, v31;
	v58 =	vsub.f32 v26, v28;
	v34 =	vbroadcast v37, $0x0  }
0x73: {  	v59 =	vsub.f32 v25, v27;
	v35 =	vbroadcast v37, $0x1;
	v36 =	vbroadcast v37, $0x2  }
0x74: {  	v51 =	vsub.f32 v22, v24;
	v52 =	vsub.f32 v21, v23;
	v38 =	vmul.f32 v39, v38  }
0x75: {  	v40 =	vmax.f32 v34, v32;
	v41 =	vmax.f32 v35, v31;
	v42 =	vmin.f32 v36, v30  }
0x76: {  	v60 =	vmax.f32 v34, v28;
	v44 =	vmax.f32 v35, v27;
	v45 =	vmin.f32 v36, v26  }
0x77: {  	v47 =	vmin.f32 v36, v22;
	v48 =	vmax.f32 v35, v23;
	v53 =	vmax.f32 v34, v20  }
0x78: {  	v54 =	vmin.f32 v36, v18;
	v37 =	vbroadcast v37, $0x3;
	v56 =	vsub.f32 v42, v40  }
0x79: {  	v55 =	vmax.f32 v35, v19;
	v61 =	vsub.f32 v45, v60;
	v60 =	vmax.f32 v34, v16;
	s31 =	spop (v2sf)  }
0x7a: {  	v43 =	vmin.f32 v37, v29;
	v39 =	vmax.f32 v56, $0.0e+00;
	v46 =	vmin.f32 v37, v25;
	s23 =	spop (v2sf)  }
0x7b: {  	v49 =	vmin.f32 v37, v21;
	v56 =	vmin.f32 v37, v17;
	v57 =	vsub.f32 v43, v41;
	s24 =	spop (v2sf)  }
0x7c: {  	v62 =	vsub.f32 v46, v44;
	v41 =	vmul.f32 v59, v58;
	v50 =	vsub.f32 v49, v48;
	s25 =	spop (v2sf);
	s22 =	ssub.f32 s24, s31  }
0x7d: {  	v46 =	vmax.f32 v34, v24;
	v43 =	vsub.f32 v54, v53;
	v58 =	vsub.f32 v18, v20;
	s23 =	ssub.f32 s25, s23  }
0x7e: {  	v59 =	vsub.f32 v17, v19;
	v54 =	vmax.f32 v35, v15;
	v48 =	vsub.f32 v9, v11  }
0x7f: {  	v49 =	vmax.f32 v34, v12;
	v53 =	vmin.f32 v37, v5;
	v40 =	vmax.f32 v57, $0.0e+00;
	s22 =	smul.f32 s23, s22  }
0x80: {  	v63 =	vmax.f32 v62, $0.0e+00;
	v57 =	vsub.f32 v56, v55;
	v43 =	vmax.f32 v43, $0.0e+00  }
0x81: {  	v42 =	vmul.f32 v59, v58;
	v39 =	vmul.f32 v40, v39;
	v38 =	vadd.f32 s22, v38  }
0x82: {  	v56 =	vsub.f32 v10, v12;
	v40 =	vmax.f32 v61, $0.0e+00;
	v61 =	vmin.f32 v36, v14  }
0x83: {  	v40 =	vmul.f32 v63, v40;
	v41 =	vadd.f32 s22, v41;
	v38 =	vsub.f32 v38, v39  }
0x84: {  	v55 =	vmin.f32 v37, v13;
	v59 =	vsub.f32 v6, v8;
	v62 =	vsub.f32 v61, v60  }
0x85: {  	v63 =	vsub.f32 v14, v16;
	v41 =	vsub.f32 v41, v40;
	v38 =	vmax.f32 v38, $9.999999970e-07  }
0x86: {  	v60 =	vsub.f32 v5, v7;
	v42 =	vadd.f32 s22, v42;
	v38 =	vmul.f32 v38, v4  }
0x87: {  	v45 =	vmax.f32 v41, $9.999999970e-07;
	v41 =	vmul.f32 v52, v51;
	v51 =	vmin.f32 v36, v10  }
0x88: {  	v49 =	vsub.f32 v51, v49;
	v38 =	vsub.f32 v39, v38;
	v39 =	vmul.f32 v45, v4  }
0x89: {  	v61 =	vmax.f32 v34, v8;
	v41 =	vadd.f32 s22, v41;
	v45 =	vsub.f32 v55, v54  }
0x8a: {  	v52 =	vmin.f32 v37, v9;
	v39 =	vsub.f32 v40, v39;
	v40 =	vsub.f32 v47, v46  }
0x8b: {  	v38 =	vmax.f32 v38, $-1.000000000e+00;
	v47 =	vsub.f32 v13, v15;
	v45 =	vmax.f32 v45, $0.0e+00  }
0x8c: {  	v38 =	vmax.f32 v38, v39;
	v40 =	vmax.f32 v40, $0.0e+00;
	v39 =	vmax.f32 v50, $0.0e+00  }
0x8d: {  	v50 =	vmax.f32 v35, v11;
	v44 =	vmul.f32 v47, v63;
	v63 =	vmin.f32 v36, v6  }
0x8e: {  	v39 =	vmul.f32 v39, v40;
	v40 =	vmax.f32 v57, $0.0e+00;
	v50 =	vsub.f32 v52, v50  }
0x8f: {  	v57 =	vmax.f32 v49, $0.0e+00;
	v54 =	vsub.f32 v63, v61;
	v40 =	vmul.f32 v40, v43  }
0x90: {  	v43 =	vmax.f32 v62, $0.0e+00;
	v62 =	vmax.f32 v35, v7;
	v44 =	vadd.f32 s22, v44  }
0x91: {  	v43 =	vmul.f32 v45, v43;
	v45 =	vmul.f32 v48, v56;
	v58 =	vmax.f32 v50, $0.0e+00  }
0x92: {  	v55 =	vsub.f32 v53, v62;
	v48 =	vmul.f32 v60, v59;
	v41 =	vsub.f32 v41, v39  }
0x93: {  	v47 =	vmax.f32 v54, $0.0e+00;
	v46 =	vmul.f32 v58, v57;
	v42 =	vsub.f32 v42, v40  }
0x94: {  	v56 =	vmax.f32 v55, $0.0e+00;
	v45 =	vadd.f32 s22, v45;
	v41 =	vmax.f32 v41, $9.999999970e-07  }
0x95: {  	v44 =	vsub.f32 v44, v43;
	v48 =	vadd.f32 s22, v48;
	v47 =	vmul.f32 v56, v47  }
0x96: {  	v41 =	vmul.f32 v41, v4;
	v42 =	vmax.f32 v42, $9.999999970e-07;
	v45 =	vsub.f32 v45, v46  }
0x97: {  	v42 =	vmul.f32 v42, v4;
	v44 =	vmax.f32 v44, $9.999999970e-07;
	v48 =	vsub.f32 v48, v47  }
0x98: {  	v39 =	vsub.f32 v39, v41;
	v57 =	vmul.f32 v44, v4;
	v58 =	vmax.f32 v45, $9.999999970e-07  }
0x99: {  	v40 =	vsub.f32 v40, v42;
	v59 =	vmul.f32 v58, v4;
	v60 =	vmax.f32 v48, $9.999999970e-07  }
0x9a: {  	v38 =	vmax.f32 v38, v39;
	v61 =	vsub.f32 v43, v57;
	v62 =	vmul.f32 v60, v4  }
0x9b: {  	v38 =	vmax.f32 v38, v40;
	v63 =	vsub.f32 v46, v59  }
0x9c: {  	v38 =	vmax.f32 v38, v61;
	v44 =	vsub.f32 v47, v62  }
0x9d: {  	v38 =	vmax.f32 v38, v63  }
0x9e: {  	v38 =	vmax.f32 v38, v44  }
0x9f: {  	[tilespmem:$0x1D800] =	vst v38  }
0xa0: {  	v45 =	vld [tilespmem:$0x1D808];
	_ =	sdelay $0x4  }
0xa1: {  	v38 =	vmax.f32 v38, v45  }
0xa2: {  	[tilespmem:$0x1D800] =	vst v38  }
0xa3: {  	v46 =	vld [tilespmem:$0x1D804];
	_ =	sdelay $0x4  }
0xa4: {  	v38 =	vmax.f32 v38, v46  }
0xa5: {  	[tilespmem:$0x1D800] =	vst v38  }
0xa6: {  	v47 =	vld [tilespmem:$0x1D802];
	_ =	sdelay $0x4  }
0xa7: {  	v38 =	vmax.f32 v38, v47  }
0xa8: {  	[tilespmem:$0x1D800] =	vst v38  }
0xa9: {  	v48 =	vld [tilespmem:$0x1D801];
	_ =	sdelay $0x4  }
0xaa: {  	v38 =	vmax.f32 v38, v48  }
0xab: {  	(v2sf) =	vpush v38, $0x0;
	_ =	sdelay $0xc  }
0xac: {  	s24 =	scvt.s32.f32 s16;
	_ =	sdelay $0x1  }
0xad: {  	p1 =	sgt.f32 s29, s14;
	v49 =	vmov s24;
	s25 =	spop (v2sf)  }
0xae: {  	p3 =	slt.s32 s16, s15;
	v38 =	vsub.f32 v2, v49;
	p2 =	sge.f32 s25, $0.0e+00  }
0xaf: {  	p1 =	por !p3, !p1;
	s26 =	sadd.f32 $-1.600000000e+01, s24;
	v52 =	vsub.f32 v35, v31  }
0xb0: {  	p1 =	por !p1, !p1;
	v50 =	vsub.f32 v34, v32;
	v53 =	vsub.f32 v36, v30;
	v38 =	vand.u32 $0x7FFFFFFF, v38;
	p2 =	por !p2, !p2  }
0xb1: {  	v51 =	vmov s26;
	v57 =	vsub.f32 v37, v29;
	v38 =	vsub.f32 $1.000000000e+00, v38;
	p1 =	por !p1, !p2  }
0xb2: {  	s21 =	rddreg [dreg:$0x4];
	v33 =	vbroadcast v33, $0x0;
	v58 =	vsub.f32 v34, v28;
	v40 =	vsub.f32 v2, v51;
	p1 =	por !p1, !p1  }
0xb3: {  	s28 =	sadd.f32 $-3.200000000e+01, s24;
	v60 =	vsub.f32 v36, v26;
	v51 =	vsub.f32 v35, v23;
	v38 =	vmax.f32 v38, $0.0e+00;
	s21 =	simm.s32 @!p1 $0x0  }
0xb4: {  	v59 =	vsub.f32 v35, v27;
	v40 =	vand.u32 $0x7FFFFFFF, v40;
	v38 =	vmul.f32 s21, v38  }
0xb5: {  	s29 =	sadd.f32 $-4.800000000e+01, s24;
	v56 =	vmov s28;
	v62 =	vsub.f32 v37, v25;
	v54 =	vsub.f32 $1.000000000e+00, v40  }
0xb6: {  	v46 =	vsub.f32 v37, v17;
	v39 =	vmul.f32 v38, v50;
	v41 =	vmul.f32 v38, v52  }
0xb7: {  	v55 =	vmul.f32 v38, v53;
	v50 =	vsub.f32 v34, v24;
	v52 =	vmov s29  }
0xb8: {  	v38 =	vmul.f32 v38, v57;
	v43 =	vsub.f32 v2, v52;
	v32 =	vadd.f32 v39, v32  }
0xb9: {  	v31 =	vadd.f32 v41, v31;
	v39 =	vmax.f32 v54, $0.0e+00;
	v41 =	vsub.f32 v2, v56  }
0xba: {  	v53 =	vsub.f32 v36, v22;
	v30 =	vadd.f32 v55, v30;
	v39 =	vmul.f32 s21, v39  }
0xbb: {  	v29 =	vadd.f32 v38, v29;
	v57 =	vand.u32 $0x7FFFFFFF, v43;
	v41 =	vand.u32 $0x7FFFFFFF, v41  }
0xbc: {  	v40 =	vmul.f32 v39, v58;
	v41 =	vsub.f32 $1.000000000e+00, v41;
	v61 =	vmul.f32 v39, v59  }
0xbd: {  	s30 =	sadd.f32 $-6.400000000e+01, s24;
	v63 =	vmul.f32 v39, v60;
	v58 =	vsub.f32 $1.000000000e+00, v57;
	v60 =	vsub.f32 v37, v21  }
0xbe: {  	v48 =	vmul.f32 v39, v62;
	v62 =	vsub.f32 v35, v19;
	v28 =	vadd.f32 v40, v28  }
0xbf: {  	v59 =	vmov s30;
	v27 =	vadd.f32 v61, v27;
	v26 =	vadd.f32 v63, v26  }
0xc0: {  	v41 =	vmax.f32 v41, $0.0e+00;
	v25 =	vadd.f32 v48, v25;
	v40 =	vsub.f32 v2, v59  }
0xc1: {  	s22 =	sadd.f32 $-9.600000000e+01, s24;
	v38 =	vmax.f32 v58, $0.0e+00;
	v61 =	vsub.f32 v34, v20;
	v63 =	vsub.f32 v36, v18  }
0xc2: {  	v48 =	vsub.f32 v34, v16;
	v58 =	vsub.f32 v34, v12;
	v49 =	vmul.f32 s21, v41  }
0xc3: {  	v57 =	vmov s22;
	v59 =	vsub.f32 v35, v11;
	v34 =	vsub.f32 v34, v8  }
0xc4: {  	v38 =	vmul.f32 s21, v38;
	v40 =	vand.u32 $0x7FFFFFFF, v40;
	v54 =	vmul.f32 v49, v50  }
0xc5: {  	v55 =	vmul.f32 v49, v51;
	v56 =	vmul.f32 v49, v53;
	v40 =	vsub.f32 $1.000000000e+00, v40  }
0xc6: {  	v39 =	vmul.f32 v49, v60;
	v49 =	vsub.f32 v35, v15;
	v51 =	vsub.f32 v36, v14  }
0xc7: {  	v42 =	vmul.f32 v38, v61;
	v53 =	vsub.f32 v37, v13;
	v60 =	vsub.f32 v36, v10  }
0xc8: {  	v43 =	vmul.f32 v38, v62;
	v62 =	vsub.f32 v37, v9;
	v35 =	vsub.f32 v35, v7  }
0xc9: {  	s31 =	sadd.f32 $-8.000000000e+01, s24;
	v45 =	vmul.f32 v38, v63;
	v36 =	vsub.f32 v36, v6;
	v37 =	vsub.f32 v37, v5  }
0xca: {  	v38 =	vmul.f32 v38, v46;
	v24 =	vadd.f32 v54, v24;
	v23 =	vadd.f32 v55, v23  }
0xcb: {  	v50 =	vmov s31;
	v22 =	vadd.f32 v56, v22;
	v21 =	vadd.f32 v39, v21  }
0xcc: {  	v61 =	vld [tilespmem:s16+$0x1D780];
	v20 =	vadd.f32 v42, v20;
	v40 =	vmax.f32 v40, $0.0e+00;
	v42 =	vsub.f32 v2, v50  }
0xcd: {  	v19 =	vadd.f32 v43, v19;
	v39 =	vsub.f32 v2, v57;
	v47 =	vmul.f32 s21, v40  }
0xce: {  	v18 =	vadd.f32 v45, v18;
	v17 =	vadd.f32 v38, v17;
	v42 =	vand.u32 $0x7FFFFFFF, v42  }
0xcf: {  	v39 =	vand.u32 $0x7FFFFFFF, v39;
	v52 =	vmul.f32 v47, v48;
	v55 =	vsub.f32 $1.000000000e+00, v42  }
0xd0: {  	s22 =	simm.s32 $0x1;
	v41 =	vmul.f32 v47, v49;
	v43 =	vmul.f32 v47, v51;
	v39 =	vsub.f32 $1.000000000e+00, v39  }
0xd1: {  	s22 =	simm.s32 @!p1 $0x0;
	v54 =	vmul.f32 v47, v53;
	v33 =	vsub.s32 v33, v61;
	v56 =	vmax.f32 v55, $0.0e+00  }
0xd2: {  	v33 =	vmul.u32 s22, v33;
	v39 =	vmax.f32 v39, $0.0e+00;
	v38 =	vmul.f32 s21, v56  }
0xd3: {  	v16 =	vadd.f32 v52, v16;
	v15 =	vadd.f32 v41, v15;
	v63 =	vmul.f32 s21, v39  }
0xd4: {  	v14 =	vadd.f32 v43, v14;
	v40 =	vmul.f32 v38, v58;
	v41 =	vmul.f32 v38, v59  }
0xd5: {  	p1 =	sne.s32 s20, $0x1FC;
	v13 =	vadd.f32 v54, v13;
	v42 =	vmul.f32 v38, v60;
	v38 =	vmul.f32 v38, v62  }
.Ltmp6:
0xd6: {  	v33 =	vand.u32 v3, v33;
	v34 =	vmul.f32 v63, v34;
	v35 =	vmul.f32 v63, v35;
	(pc) =	sbr.rel @p1 .LBB2_5-.Ltmp6, $4  }
0xd7: {  	v36 =	vmul.f32 v63, v36;
	v12 =	vadd.f32 v40, v12;
	v11 =	vadd.f32 v41, v11  }
0xd8: {  	v37 =	vmul.f32 v63, v37;
	v10 =	vadd.f32 v42, v10;
	v9 =	vadd.f32 v38, v9  }
0xd9: {  	v33 =	vadd.s32 v61, v33;
	v8 =	vadd.f32 v34, v8;
	v7 =	vadd.f32 v35, v7  }
0xda: {  	s20 =	sadd.s32 $0x4, s20;
	[tilespmem:s16+$0x1D780] =	vst v33;
	s16 =	sadd.s32 s22, s16;
	v6 =	vadd.f32 v36, v6;
	v5 =	vadd.f32 v37, v5  }
.Ltmp7:
0xdb: {  	_ = 	snop;
	(pc) =	sbr.rel .LBB2_6-.Ltmp7, $1  }
0xdc: {  	_ =	sdelay $0x3  }
.LBB2_9:
0xdd: {  	_ =	sfence.sel $0x180000  }
0xde: {  	[bflag:$0x0] =	sbarrier.arrive $0xFFFF  }
0xdf: {  	p0 =	sne.s32 s6, $0x0;
	_ =	strace $0x90000047  }
0xe0: {  	s0 =	sadd.s32 @!p0 $0x100000, s1;
	[bflag:$0x2] =	sbarrier.arrive $0xFFFF  }
0xe1: {  	[sflag:s0] =	ssyncadd.tile.s32 @!p0 $0x1;
	_ =	shalt  }
.Lfunc_end2:
_tile_overlayer_lowered:
.L_overlay_start_2:
0xe2: {  	(tag) =	ssettag $0x2  }
0xe3: {  	s0 =	rddreg [dreg:$0x0];
	s2 =	stileid.u32  }
0xe4: {  	s1 =	rddreg [dreg:$0x1];
	p0 =	sne.s32 s2, $0x0  }
0xe5: {  	s3 =	rddreg [dreg:$0x2];
	[bflag:$0x3] =	sbarrier.arrive $0xFFFF;
	s2 =	simm.s32 @!p0 $0x1C01  }
0xe6: {  	[timem:s3], [sflag:s2] =	dma.local @!p0 [hbm:s0], s1  }
0xe7: {  	s0 =	simm.s32 @!p0 $0x1  }
0xe8: {  	_ =	swait.ge @!p0 [sflag:s0], s1  }
0xe9: {  	s1 =	ssub.s32 @!p0 $0x0, s1;
	[sflag:s0] =	ssyncset.done @!p0 $0x0  }
0xea: {  	[sflag:s0] =	ssyncadd.s32 @!p0 s1  }
0xeb: {  	[bflag:$0x3] =	sbarrier.arrive $0xFFFF  }
0xec: {  	_ =	shalt  }

// kernel: kernel.3.cloned.1.call-start
scs
__scs_entry_jumppad:
0x0: {  	(pc) =	sbr.rel $0x88, $3  }
0x1: {  	(tag) =	ssettag $0x0;
	lr =	simm.s32 $0x1  }
0x2: {  	[smem:$0x3F9C] =	sst lr;
	_ =	strace $0xD0000000  }
0x3: {  	_ = 	snop  }
0x4: {  	_ = 	snop  }
0x5: {  	_ = 	snop  }
0x6: {  	_ = 	snop  }
0x7: {  	_ = 	snop  }
__scs_overlays_trampoline_lowered:
0x8: {  	[smem:$0x3FAB] =	sst s0  }
0x9: {  	[smem:$0x3FAC] =	sst s1  }
0xa: {  	[smem:$0x3FAD] =	sst s2  }
0xb: {  	[smem:$0x3FAE] =	sst s3  }
0xc: {  	[smem:$0x3FAF] =	sst s4  }
0xd: {  	[smem:$0x3FB0] =	sst s5  }
0xe: {  	[smem:$0x3FB1] =	sst s6  }
0xf: {  	[smem:$0x3FB2] =	sst s7  }
0x10: {  	[smem:$0x3FB3] =	sst s8  }
0x11: {  	[smem:$0x3FB4] =	sst s9;
	s0 =	simm.s32 @!p0 $0x0  }
0x12: {  	s1 =	sld [smem:$0x3F9A];
	s0 =	simm.s32 @p0 $0x1  }
0x13: {  	[smem:$0x3FB5] =	sst s0;
	s0 =	simm.s32 @!p1 $0x0  }
0x14: {  	s2 =	sld [smem:$0x3F99];
	s0 =	simm.s32 @p1 $0x1  }
0x15: {  	[smem:$0x3FB6] =	sst s0;
	s0 =	simm.s32 @!p2 $0x0  }
0x16: {  	s3 =	sld [smem:$0x3FDB];
	s0 =	simm.s32 @p2 $0x1  }
0x17: {  	s4 =	simm.s32 $0x1BF5;
	[smem:$0x3FB8] =	sst s0  }
0x18: {  	s0 =	sld [smem:$0x3F9B];
	_ =	swait.ge [sflag:s4], $0x0  }
0x19: {  	s7 =	sld [smem:$0x3F9C]  }
0x1a: {  	s8 =	sadd.s32 $0xFFFFE003, lr  }
0x1b: {  	s9 =	sadd.s32 $0xFFFFFEF7, lr;
	s5 =	simm.s32 $0xFFFFFFFF;
	p2 =	slt.u32 s8, $0xFFFFF086  }
0x1c: {  	p1 =	slt.u32 s9, $0xF7A;
	s5 =	simm.s32 @!p2 $0x0  }
0x1d: {  	s5 =	simm.s32 @p1 $0x1;
	p0 =	seq.s32 s7, s2  }
0x1e: {  	s7 =	smul.u32 @!p0 $0xF7A, s2;
	p2 =	seq.s32 @!p0 s5, $0x0  }
0x1f: {  	s9 =	smul.u32 $0xF7A, s1;
	s8 =	simm.s32 @!p0 $0x1BF5;
	p2 =	por !p2, p0  }
0x20: {  	[sflag:s8] =	ssyncset.s32 @!p0 $0xFFFFF086;
	s6 =	sadd.s32 @!p0 s3, s7;
	s7 =	simm.s32 @!p0 $0x108  }
0x21: {  	s3 =	sadd.s32 s3, s9;
	s6 =	sadd.s32 @!p0 $0x88, s6;
	s7 =	simm.s32 @p2 $0x1082  }
0x22: {  	[simem:s7], [sflag:s8] =	dma.local @!p0 [hbm:s6], $0xF7A  }
0x23: {  	s9 =	sor.u32 $0xD0000000, s2;
	s6 =	simm.s32 $0x108;
	_ =	swait.ge @!p0 [sflag:s8], $0x0  }
0x24: {  	s3 =	sadd.s32 $0x88, s3;
	s6 =	simm.s32 @!p1 $0x1082;
	[sflag:s4] =	ssyncset.s32 $0xFFFFF086  }
0x25: {  	[simem:s6], [sflag:s4] =	dma.local [hbm:s3], $0xF7A  }
0x26: {  	[smem:$0x3F9C] =	sst s1;
	(tag) =	ssettag s2;
	_ =	strace s9  }
0x27: {  	s1 =	sld [smem:$0x3FAC]  }
0x28: {  	s2 =	sld [smem:$0x3FAD]  }
0x29: {  	s4 =	sld [smem:$0x3FAF]  }
0x2a: {  	p0 =	seq.s32 s5, $0x0;
	s5 =	sld [smem:$0x3FB0]  }
0x2b: {  	s6 =	sld [smem:$0x3FB1]  }
0x2c: {  	s7 =	sld [smem:$0x3FB2]  }
0x2d: {  	s3 =	simm.s32 $0x108;
	s8 =	sld [smem:$0x3FB3]  }
0x2e: {  	s3 =	simm.s32 @!p0 $0x1082;
	s9 =	sld [smem:$0x3FB4]  }
0x2f: {  	lr =	sadd.s32 s0, s3;
	s0 =	sld [smem:$0x3FAB]  }
0x30: {  	s3 =	sld [smem:$0x3FAE]  }
0x31: {  	[smem:$0x3FB7] =	sst s10  }
0x32: {  	s10 =	sld [smem:$0x3FB5];
	_ =	sdelay $0x3  }
0x33: {  	p0 =	seq.s32 s10, $0x1;
	s10 =	sld [smem:$0x3FB7];
	_ =	sdelay $0x3  }
0x34: {  	[smem:$0x3FB7] =	sst s10  }
0x35: {  	s10 =	sld [smem:$0x3FB6];
	_ =	sdelay $0x3  }
0x36: {  	p1 =	seq.s32 s10, $0x1;
	s10 =	sld [smem:$0x3FB7];
	_ =	sdelay $0x3  }
0x37: {  	[smem:$0x3FB7] =	sst s10  }
0x38: {  	s10 =	sld [smem:$0x3FB8]  }
0x39: {  	_ = 	snop;
	(pc) =	sbr.ind lr, $3  }
0x3a: {  	_ = 	snop  }
0x3b: {  	_ = 	snop  }
0x3c: {  	p2 =	seq.s32 s10, $0x1;
	s10 =	sld [smem:$0x3FB7]  }
0x3d: {  	_ =	shalt  }
0x3e: {  	_ =	shalt  }
0x3f: {  	_ =	shalt  }
0x40: {  	_ =	shalt  }
0x41: {  	_ =	shalt  }
0x42: {  	_ =	shalt  }
0x43: {  	_ =	shalt  }
0x44: {  	_ =	shalt  }
0x45: {  	_ =	shalt  }
0x46: {  	_ =	shalt  }
0x47: {  	_ =	shalt  }
0x48: {  	_ =	shalt  }
0x49: {  	_ =	shalt  }
0x4a: {  	_ =	shalt  }
0x4b: {  	_ =	shalt  }
0x4c: {  	_ =	shalt  }
0x4d: {  	_ =	shalt  }
0x4e: {  	_ =	shalt  }
0x4f: {  	_ =	shalt  }
0x50: {  	_ =	shalt  }
0x51: {  	_ =	shalt  }
0x52: {  	_ =	shalt  }
0x53: {  	_ =	shalt  }
0x54: {  	_ =	shalt  }
0x55: {  	_ =	shalt  }
0x56: {  	_ =	shalt  }
0x57: {  	_ =	shalt  }
0x58: {  	_ =	shalt  }
0x59: {  	_ =	shalt  }
0x5a: {  	_ =	shalt  }
0x5b: {  	_ =	shalt  }
0x5c: {  	_ =	shalt  }
0x5d: {  	_ =	shalt  }
0x5e: {  	_ =	shalt  }
0x5f: {  	_ =	shalt  }
0x60: {  	_ =	shalt  }
0x61: {  	_ =	shalt  }
0x62: {  	_ =	shalt  }
0x63: {  	_ =	shalt  }
0x64: {  	_ =	shalt  }
0x65: {  	_ =	shalt  }
0x66: {  	_ =	shalt  }
0x67: {  	_ =	shalt  }
0x68: {  	_ =	shalt  }
0x69: {  	_ =	shalt  }
0x6a: {  	_ =	shalt  }
0x6b: {  	_ =	shalt  }
0x6c: {  	_ =	shalt  }
0x6d: {  	_ =	shalt  }
0x6e: {  	_ =	shalt  }
0x6f: {  	_ =	shalt  }
0x70: {  	_ =	shalt  }
0x71: {  	_ =	shalt  }
0x72: {  	_ =	shalt  }
0x73: {  	_ =	shalt  }
0x74: {  	_ =	shalt  }
0x75: {  	_ =	shalt  }
0x76: {  	_ =	shalt  }
0x77: {  	_ =	shalt  }
0x78: {  	_ =	shalt  }
0x79: {  	_ =	shalt  }
0x7a: {  	_ =	shalt  }
0x7b: {  	_ =	shalt  }
0x7c: {  	_ =	shalt  }
0x7d: {  	_ =	shalt  }
0x7e: {  	_ =	shalt  }
0x7f: {  	_ =	shalt  }
0x80: {  	_ =	shalt  }
0x81: {  	_ =	shalt  }
0x82: {  	_ =	shalt  }
0x83: {  	_ =	shalt  }
0x84: {  	_ =	shalt  }
0x85: {  	_ =	shalt  }
0x86: {  	_ =	shalt  }
0x87: {  	_ =	shalt  }
.Lfunc_end0:
.L_simem_size_0:
called_computation.1_lowered:
.L_overlay_start_0:
0x88: {  	s2 =	sld [smem:$0x3FD9]  }
0x89: {  	s3 =	sld [smem:$0x3FFE];
	_ =	sdelay $0x1  }
0x8a: {  	s1 =	srdreg.scid  }
0x8b: {  	s0 =	sand.u32 $0x1, s1  }
0x8c: {  	s14 =	sshll.u32 s0, $0xA;
	s2 =	sadd.s32 s3, s2  }
0x8d: {  	s2 =	sadd.s32 s2, s14  }
0x8e: {  	[smem:$0x3FC3] =	sst s2  }
0x8f: {  	_ = 	snop  }
0x90: {  	s2 =	sld [smem:$0x3FD0];
	_ =	sdelay $0x2  }
0x91: {  	s15 =	simm.s32 $0xA;
	s4 =	simm.s32 $0x10  }
0x92: {  	[smem:s4], [sflag:s15] =	dma.local [hbm:s2], $0x1  }
0x93: {  	_ =	swait.eq [sflag:s15], $0x1  }
0x94: {  	[sflag:s15] =	ssyncset.done $0x0  }
0x95: {  	s16 =	sld [smem:$0x10];
	[sflag:s15] =	ssyncadd.s32 $0xFFFFFFFF  }
0x96: {  	s17 =	sld [smem:$0x11];
	(tm) =	ssettm $0x1  }
0x97: {  	s18 =	sld [smem:$0x3FFB];
	_ =	sdelay $0x3  }
0x98: {  	_ =	strace s18  }
0x99: {  	s4 =	sld [smem:$0x3FFC];
	_ =	sdelay $0x3  }
0x9a: {  	_ =	strace s4  }
0x9b: {  	s4 =	sld [smem:$0x3FFD];
	_ =	sdelay $0x3  }
0x9c: {  	_ =	strace s4  }
0x9d: {  	_ =	strace $0x8FFFFFFF  }
0x9e: {  	s19 =	sld [smem:$0x3FDB];
	_ =	sdelay $0x1  }
0x9f: {  	s5 =	simm.s32 $_scs_section_size  }
0xa0: {  	s6 =	simm.s32 $_size__tile_overlayer_lowered;
	s7 =	simm.s32 $_tile_overlayer_lowered  }
0xa1: {  	s22 =	simm.s32 $0x1BFF;
	s21 =	sshll.u32 s7, $0x1;
	s4 =	sadd.s32 s5, s19  }
0xa2: {  	s8 =	simm.s32 $0x0;
	s20 =	sshll.u32 s6, $0x1;
	s6 =	sadd.s32 s21, s4  }
0xa3: {  	[timem:s8], [sflag:s22] =	dma.local [hbm:s6], s20  }
0xa4: {  	_ =	swait.ge [sflag:s22], s20  }
0xa5: {  	s5 =	ssub.s32 $0x0, s20;
	[sflag:s22] =	ssyncset.done $0x0  }
0xa6: {  	[sflag:s22] =	ssyncadd.s32 s5;
	_ =	sdelay $0x1  }
0xa7: {  	s23 =	simm.s32 $0x1B8B  }
0xa8: {  	_ =	swait.ge [sflag:s23], $0x1  }
0xa9: {  	[sflag:s23] =	ssyncset.done $0x0  }
0xaa: {  	s25 =	simm.s32 $0x1B8E;
	s24 =	sld [smem:$0x3FFE];
	[sflag:s23] =	ssyncadd.s32 $0xFFFFFFFF  }
0xab: {  	s26 =	simm.s32 $execute0_lowered;
	[smem:$0x3FD2] =	sst s25  }
0xac: {  	s6 =	sshll.u32 s26, $0x1;
	_ =	strace $0x80000049;
	[dreg:$0x1] =	wrdreg $0xFFFFFFFF  }
0xad: {  	s28 =	simm.s32 $_size_execute0_lowered;
	s4 =	sadd.s32 s4, s6;
	[dreg:$0x0] =	wrdreg $0x0  }
0xae: {  	s6 =	sshll.u32 s28, $0x1;
	[dreg:$0x2] =	wrdreg s4  }
0xaf: {  	[dreg:$0x3] =	wrdreg s6  }
0xb0: {  	[dreg:$0x4] =	wrdreg $0xC0  }
0xb1: {  	_ =	task [dreg:s8], $0x5FFFF  }
0xb2: {  	[dreg:$0x1] =	wrdreg $0xFFFFFFFF  }
0xb3: {  	[dreg:$0x0] =	wrdreg $0x60  }
0xb4: {  	[dreg:$0x2] =	wrdreg s24  }
0xb5: {  	[dreg:$0x3] =	wrdreg s17  }
0xb6: {  	[dreg:$0x4] =	wrdreg s16  }
0xb7: {  	[dreg:$0x5] =	wrdreg $0x9  }
0xb8: {  	_ =	task.clear_ibuf [dreg:s8], $0x6FFFF;
	_ =	strace $0x90000049  }
0xb9: {  	s29 =	simm.s32 $0x9;
	_ =	strace $0x8000004B  }
0xba: {  	_ =	swait.ge [sflag:s29], $0x1  }
0xbb: {  	[sflag:s29] =	ssyncadd.s32 $0xFFFFFFFF  }
0xbc: {  	_ =	strace $0x9000004B  }
0xbd: {  	_ =	sfence  }
0xbe: {  	s30 =	sld [smem:$0x0];
	_ =	sdelay $0x2  }
0xbf: {  	s31 =	sshll.u32 s1, $0xD;
	s1 =	sshrl.u32 s1, $0x2  }
0xc0: {  	s3 =	sand.u32 $0x4000, s31;
	s1 =	sadd.s32 s1, s30  }
0xc1: {  	s0 =	sor.u32 s3, s0;
	s1 =	sshll.u32 s1, $0x11  }
0xc2: {  	s0 =	sor.u32 s1, s0  }
0xc3: {  	s0 =	sadd.s32 $0x8F2B, s0  }
0xc4: {  	[sflag:s0] =	ssyncadd.remote.s32 $0x1  }
0xc5: {  	_ =	sfence.sel $0xFFFF  }
0xc6: {  	[dreg:$0x0] =	wrdreg $0xFFFFFFFF;
	(pc) =	sbr.abs _section_cstart, $3  }
0xc7: {  	[dreg:$0x1] =	wrdreg $0xFFFFFFFF  }
0xc8: {  	_ =	task.clear_ibuf [dreg:s8], $0x2FFFF;
	_ =	strace $0x9FFFFFFF  }
0xc9: {  	(tm) =	ssettm $0x7FFFFFFF  }
tec
execute0_lowered:
.L_overlay_start_1:
0x0: {  	(tag) =	ssettag $0x1  }
0x1: {  	v0 =	vimm.f32 $1.500000000e+01;
	vm0 =	vcmask $0x300  }
0x2: {  	vm1 =	vcmask $0x704;
	v0 =	vsel vm0, $0x0, v0  }
0x3: {  	vm15 =	vcmask $0xB08;
	v0 =	vsel vm1, $0x3F800000, v0  }
0x4: {  	vm4 =	vcmask $0xF0C;
	v0 =	vsel vm15, $0x40000000, v0  }
0x5: {  	vm5 =	vcmask $0x1310;
	v0 =	vsel vm4, $0x40400000, v0  }
0x6: {  	s0 =	rddreg [dreg:$0x0];
	vm6 =	vcmask $0x1714;
	v0 =	vsel vm5, $0x40800000, v0  }
0x7: {  	s2 =	rddreg [dreg:$0x1];
	vm7 =	vcmask $0x1B18;
	v0 =	vsel vm6, $0x40A00000, v0  }
0x8: {  	s3 =	rddreg [dreg:$0x2];
	vm8 =	vcmask $0x1F1C;
	v0 =	vsel vm7, $0x40C00000, v0  }
0x9: {  	s1 =	rddreg [dreg:$0x3];
	s4 =	srdreg.scid;
	vm9 =	vcmask $0x2320;
	v0 =	vsel vm8, $0x40E00000, v0  }
0xa: {  	_ =	strace $0x8000004A;
	vm10 =	vcmask $0x2724;
	s6 =	stileid.u32;
	s12 =	simm.f32 $1.000000000e+00;
	v0 =	vsel vm9, $0x41000000, v0  }
0xb: {  	vm11 =	vcmask $0x2B28;
	s13 =	simm.s32 $0x0;
	s8 =	sand.u32 $0x1, s4;
	s4 =	sadd.s32 $0x2C00, s0;
	v0 =	vsel vm10, $0x41100000, v0  }
.Ltmp0:
0xc: {  	vm12 =	vcmask $0x2F2C;
	s5 =	sadd.s32 $0x2A00, s0;
	s7 =	sadd.s32 $0x2E00, s0;
	v0 =	vsel vm11, $0x41200000, v0;
	(pc) =	sbr.rel .LBB2_1-.Ltmp0, $4  }
0xd: {  	vm13 =	vcmask $0x3330;
	s31 =	sshll.u32 s6, $0x1;
	[dreg:$0x5] =	wrdreg s12;
	s9 =	ssub.s32 $0x2, s8;
	v0 =	vsel vm12, $0x41300000, v0  }
0xe: {  	vm14 =	vcmask $0x3734;
	s12 =	simm.s32 $0x13C80;
	s11 =	ssub.s32 $0x0, s8;
	s10 =	sshrl.u32 s9, $0x1;
	v1 =	vsel vm13, $0x41400000, v0  }
0xf: {  	p0 =	sne.s32 s31, s11;
	vm15 =	vcmask $0x3B38;
	s11 =	simm.s32 $0x13B80;
	s9 =	ssub.s32 s9, s10;
	v0 =	vimm.s32 $0x0;
	v2 =	vsel vm14, $0x41500000, v1  }
0x10: {  	s10 =	simm.s32 $0x1;
	s8 =	smax.u32 s9, $0x1;
	s9 =	simm.s32 $0x0;
	v1 =	vimm.f32 $-3.000000010e+38;
	v3 =	vsel vm0, $0xFFFFFFFF, v0;
	v2 =	vsel vm15, $0x41600000, v2  }
.LBB2_5:
0x11: {  	s15 =	simm.s32 @p1 $0x0  }
.LBB2_6:
0x12: {  	[hbm4b:s5+s9] =	stream.linear.scatter [tilespmem:s11], [sflag:$0x1], $0x80, $0x38;
	[tilespmem:$0x13D00] =	vst v63  }
0x13: {  	_ =	swait.ge [sflag:s10], $0x80  }
0x14: {  	[sflag:s10] =	ssyncset.done $0x0  }
0x15: {  	v4 =	vmov s15;
	[sflag:s10] =	ssyncadd.s32 $0xFFFFFF80  }
0x16: {  	[tilespmem:$0x13C80] =	vst v4  }
0x17: {  	[hbm4b:s7+s9] =	stream.linear.scatter [tilespmem:s12], [sflag:$0x1], $0x80, $0x38;
	[tilespmem:$0x13D00] =	vst v63  }
0x18: {  	_ =	swait.ge [sflag:s10], $0x80  }
0x19: {  	[sflag:s10] =	ssyncset.done $0x0  }
0x1a: {  	[sflag:s10] =	ssyncadd.s32 $0xFFFFFF80  }
.LBB2_7:
0x1b: {  	s13 =	sadd.s32 $0x1, s13  }
0x1c: {  	p1 =	sne.s32 s13, s8  }
.Ltmp1:
0x1d: {  	_ = 	snop;
	(pc) =	sbr.rel @!p1 .LBB2_8-.Ltmp1, $1  }
0x1e: {  	_ =	sdelay $0x3  }
.LBB2_1:
0x1f: {  	s14 =	simm.s32 @!p0 $0x0;
	s15 =	simm.s32 @!p0 $0x1  }
0x20: {  	[tilespmem:s14], [sflag:$0x1] =	stream.linear.gather @!p0 [hbm4b:s0+s14], $0x13880, $0x38;
	[tilespmem:$0x13D00] =	vst v63  }
0x21: {  	_ =	swait.ge @!p0 [sflag:s15], $0x13880  }
0x22: {  	[sflag:s15] =	ssyncset.done @!p0 $0x0  }
0x23: {  	s16 =	simm.s32 @!p0 $0x13900;
	[sflag:s15] =	ssyncadd.s32 @!p0 $0xFFFEC780  }
0x24: {  	[tilespmem:s16], [sflag:$0x1] =	stream.linear.gather @!p0 [hbm4b:s2+s14], $0x80, $0x38;
	[tilespmem:$0x13D00] =	vst v63  }
0x25: {  	_ =	swait.ge @!p0 [sflag:s15], $0x80  }
0x26: {  	[sflag:s15] =	ssyncset.done @!p0 $0x0  }
0x27: {  	s16 =	simm.s32 @!p0 $0x13A00;
	[sflag:s15] =	ssyncadd.s32 @!p0 $0xFFFFFF80  }
0x28: {  	[tilespmem:s16], [sflag:$0x1] =	stream.linear.gather @!p0 [hbm4b:s3+s14], $0x80, $0x38;
	[tilespmem:$0x13D00] =	vst v63  }
0x29: {  	_ =	swait.ge @!p0 [sflag:s15], $0x80  }
0x2a: {  	[sflag:s15] =	ssyncset.done @!p0 $0x0  }
0x2b: {  	s16 =	simm.s32 @!p0 $0x13B00;
	[sflag:s15] =	ssyncadd.s32 @!p0 $0xFFFFFF80  }
0x2c: {  	[tilespmem:s16], [sflag:$0x1] =	stream.linear.gather @!p0 [hbm4b:s4+s14], $0x80, $0x38;
	[tilespmem:$0x13D00] =	vst v63  }
0x2d: {  	_ =	swait.ge @!p0 [sflag:s15], $0x80  }
0x2e: {  	[sflag:s15] =	ssyncset.done @!p0 $0x0  }
0x2f: {  	[sflag:s15] =	ssyncadd.s32 @!p0 $0xFFFFFF80  }
0x30: {  	v4 =	vld [tilespmem:$0x13B00];
	_ =	sdelay $0x4  }
0x31: {  	(v2sf) =	vpush v4, $0x1  }
0x32: {  	(v2sf) =	vpush v4, $0x2;
	_ =	sdelay $0x2  }
0x33: {  	v5 =	vimm.f32 @!p0 $0.0e+00  }
0x34: {  	[tilespmem:$0x13880] =	vst @!p0 v5  }
0x35: {  	[tilespmem:$0x13B80] =	vst v0  }
0x36: {  	[tilespmem:$0x13B90] =	vst v0  }
0x37: {  	[tilespmem:$0x13BA0] =	vst v0  }
0x38: {  	[tilespmem:$0x13BB0] =	vst v0  }
0x39: {  	[tilespmem:$0x13BC0] =	vst v0  }
0x3a: {  	[tilespmem:$0x13BD0] =	vst v0  }
.Ltmp2:
0x3b: {  	[tilespmem:$0x13BE0] =	vst v0;
	(pc) =	sbr.rel @p0 .LBB2_7-.Ltmp2, $4  }
0x3c: {  	[tilespmem:$0x13BF0] =	vst v0  }
0x3d: {  	v5 =	vimm.s32 @!p0 $0x0;
	[tilespmem:$0x13C10] =	vst v1  }
0x3e: {  	[tilespmem:$0x13980] =	vst @!p0 v5;
	v5 =	vimm.f32 @!p0 $-3.000000010e+38;
	s14 =	spop (v2sf)  }
0x3f: {  	[tilespmem:$0x13A80] =	vst @!p0 v5;
	s15 =	spop (v2sf)  }
0x40: {  	v5 =	vld [tilespmem:$0x13A00];
	_ =	sdelay $0x4  }
0x41: {  	(v2sf) =	vpush v5, $0x0;
	_ =	sdelay $0xc  }
0x42: {  	s16 =	scvt.f32.s32 s15;
	_ =	sdelay $0x1  }
0x43: {  	p1 =	slt.s32 s16, $0x1;
	s15 =	spop (v2sf)  }
0x44: {  	p2 =	sgt.f32 @!p1 s15, s14;
	_ =	sdelay $0x1  }
0x45: {  	p2 =	por p1, !p2  }
.Ltmp3:
0x46: {  	_ = 	snop;
	(pc) =	sbr.rel @p2 .LBB2_5-.Ltmp3, $2  }
0x47: {  	_ =	sdelay $0x2  }
0x48: {  	s15 =	simm.s32 $0x0  }
0x49: {  	v4 =	vbroadcast v4, $0x0;
	v5 =	vimm.f32 $2.000000000e+09  }
0x4a: {  	v6 =	vimm.f32 $2.000000000e+09;
	v7 =	vimm.f32 $2.000000000e+09;
	v8 =	vimm.f32 $2.000000000e+09  }
0x4b: {  	v9 =	vimm.f32 $2.000000000e+09;
	v10 =	vimm.f32 $2.000000000e+09;
	v11 =	vimm.f32 $2.000000000e+09  }
0x4c: {  	v12 =	vimm.f32 $2.000000000e+09;
	v13 =	vimm.f32 $2.000000000e+09;
	v14 =	vimm.f32 $2.000000000e+09  }
0x4d: {  	v15 =	vimm.f32 $2.000000000e+09;
	v16 =	vimm.f32 $2.000000000e+09;
	v17 =	vimm.f32 $2.000000000e+09  }
0x4e: {  	v18 =	vimm.f32 $2.000000000e+09;
	v19 =	vimm.f32 $2.000000000e+09;
	v20 =	vimm.f32 $2.000000000e+09  }
0x4f: {  	v21 =	vimm.f32 $2.000000000e+09;
	v22 =	vimm.f32 $2.000000000e+09;
	v23 =	vimm.f32 $2.000000000e+09  }
0x50: {  	p1 =	slt.s32 s16, $0x70;
	v24 =	vimm.f32 $2.000000000e+09;
	v25 =	vimm.f32 $2.000000000e+09;
	v26 =	vimm.f32 $2.000000000e+09  }
0x51: {  	v27 =	vimm.f32 $2.000000000e+09;
	v28 =	vimm.f32 $2.000000000e+09;
	v29 =	vimm.f32 $2.000000000e+09;
	s16 =	simm.s32 @!p1 $0x70  }
0x52: {  	v30 =	vimm.f32 $2.000000000e+09;
	v31 =	vimm.f32 $2.000000000e+09;
	v32 =	vimm.f32 $2.000000000e+09;
	[dreg:$0x4] =	wrdreg s16;
	s16 =	simm.s32 $0x0  }
.LBB2_4:
0x53: {  	s17 =	sshra.s32 s16, $0x2  }
0x54: {  	v34 =	vld [tilespmem:s17+$0x13A00]  }
0x55: {  	v33 =	vld [tilespmem:s17+$0x13900];
	_ =	sdelay $0x3  }
0x56: {  	(v2sf) =	vpush v34, $0x0  }
0x57: {  	(v2sf) =	vpush v33, $0x0;
	_ =	sdelay $0xd  }
0x58: {  	s31 =	spop (v2sf)  }
0x59: {  	s18 =	spop (v2sf)  }
0x5a: {  	s18 =	sshll.u32 s18, $0x4  }
0x5b: {  	s18 =	sshra.s32 s18, $0x2  }
0x5c: {  	v37 =	vld [tilespmem:s18+$0x0];
	_ =	sdelay $0x4  }
0x5d: {  	(v2sf) =	vpush v37, $0x0  }
0x5e: {  	(v2sf) =	vpush v37, $0x1  }
0x5f: {  	(v2sf) =	vpush v37, $0x2  }
0x60: {  	(v2sf) =	vpush v37, $0x3;
	_ =	sdelay $0x3  }
0x61: {  	v38 =	vsub.f32 v30, v32  }
0x62: {  	v39 =	vsub.f32 v29, v31;
	v58 =	vsub.f32 v26, v28;
	v34 =	vbroadcast v37, $0x0  }
0x63: {  	v59 =	vsub.f32 v25, v27;
	v35 =	vbroadcast v37, $0x1;
	v36 =	vbroadcast v37, $0x2  }
0x64: {  	v51 =	vsub.f32 v22, v24;
	v52 =	vsub.f32 v21, v23;
	v38 =	vmul.f32 v39, v38  }
0x65: {  	v40 =	vmax.f32 v34, v32;
	v41 =	vmax.f32 v35, v31;
	v42 =	vmin.f32 v36, v30  }
0x66: {  	v60 =	vmax.f32 v34, v28;
	v44 =	vmax.f32 v35, v27;
	v45 =	vmin.f32 v36, v26  }
0x67: {  	v47 =	vmin.f32 v36, v22;
	v48 =	vmax.f32 v35, v23;
	v53 =	vmax.f32 v34, v20  }
0x68: {  	v54 =	vmin.f32 v36, v18;
	v37 =	vbroadcast v37, $0x3;
	v56 =	vsub.f32 v42, v40  }
0x69: {  	v55 =	vmax.f32 v35, v19;
	v61 =	vsub.f32 v45, v60;
	v60 =	vmax.f32 v34, v16;
	s22 =	spop (v2sf)  }
0x6a: {  	v43 =	vmin.f32 v37, v29;
	v39 =	vmax.f32 v56, $0.0e+00;
	v46 =	vmin.f32 v37, v25;
	s19 =	spop (v2sf)  }
0x6b: {  	v49 =	vmin.f32 v37, v21;
	v56 =	vmin.f32 v37, v17;
	v57 =	vsub.f32 v43, v41;
	s20 =	spop (v2sf)  }
0x6c: {  	v62 =	vsub.f32 v46, v44;
	v41 =	vmul.f32 v59, v58;
	v50 =	vsub.f32 v49, v48;
	s21 =	spop (v2sf);
	s18 =	ssub.f32 s20, s22  }
0x6d: {  	v46 =	vmax.f32 v34, v24;
	v43 =	vsub.f32 v54, v53;
	v58 =	vsub.f32 v18, v20;
	s19 =	ssub.f32 s21, s19  }
0x6e: {  	v59 =	vsub.f32 v17, v19;
	v54 =	vmax.f32 v35, v15;
	v48 =	vsub.f32 v9, v11  }
0x6f: {  	v49 =	vmax.f32 v34, v12;
	v53 =	vmin.f32 v37, v5;
	v40 =	vmax.f32 v57, $0.0e+00;
	s18 =	smul.f32 s19, s18  }
0x70: {  	v63 =	vmax.f32 v62, $0.0e+00;
	v57 =	vsub.f32 v56, v55;
	v43 =	vmax.f32 v43, $0.0e+00  }
0x71: {  	v42 =	vmul.f32 v59, v58;
	v39 =	vmul.f32 v40, v39;
	v38 =	vadd.f32 s18, v38  }
0x72: {  	v56 =	vsub.f32 v10, v12;
	v40 =	vmax.f32 v61, $0.0e+00;
	v61 =	vmin.f32 v36, v14  }
0x73: {  	v40 =	vmul.f32 v63, v40;
	v41 =	vadd.f32 s18, v41;
	v38 =	vsub.f32 v38, v39  }
0x74: {  	v55 =	vmin.f32 v37, v13;
	v59 =	vsub.f32 v6, v8;
	v62 =	vsub.f32 v61, v60  }
0x75: {  	v63 =	vsub.f32 v14, v16;
	v41 =	vsub.f32 v41, v40;
	v38 =	vmax.f32 v38, $9.999999970e-07  }
0x76: {  	v60 =	vsub.f32 v5, v7;
	v42 =	vadd.f32 s18, v42;
	v38 =	vmul.f32 v38, v4  }
0x77: {  	v45 =	vmax.f32 v41, $9.999999970e-07;
	v41 =	vmul.f32 v52, v51;
	v51 =	vmin.f32 v36, v10  }
0x78: {  	v49 =	vsub.f32 v51, v49;
	v38 =	vsub.f32 v39, v38;
	v39 =	vmul.f32 v45, v4  }
0x79: {  	v61 =	vmax.f32 v34, v8;
	v41 =	vadd.f32 s18, v41;
	v45 =	vsub.f32 v55, v54  }
0x7a: {  	v52 =	vmin.f32 v37, v9;
	v39 =	vsub.f32 v40, v39;
	v40 =	vsub.f32 v47, v46  }
0x7b: {  	v38 =	vmax.f32 v38, $-1.000000000e+00;
	v47 =	vsub.f32 v13, v15;
	v45 =	vmax.f32 v45, $0.0e+00  }
0x7c: {  	v38 =	vmax.f32 v38, v39;
	v40 =	vmax.f32 v40, $0.0e+00;
	v39 =	vmax.f32 v50, $0.0e+00  }
0x7d: {  	v50 =	vmax.f32 v35, v11;
	v44 =	vmul.f32 v47, v63;
	v63 =	vmin.f32 v36, v6  }
0x7e: {  	v39 =	vmul.f32 v39, v40;
	v40 =	vmax.f32 v57, $0.0e+00;
	v50 =	vsub.f32 v52, v50  }
0x7f: {  	v57 =	vmax.f32 v49, $0.0e+00;
	v54 =	vsub.f32 v63, v61;
	v40 =	vmul.f32 v40, v43  }
0x80: {  	v43 =	vmax.f32 v62, $0.0e+00;
	v62 =	vmax.f32 v35, v7;
	v44 =	vadd.f32 s18, v44  }
0x81: {  	v43 =	vmul.f32 v45, v43;
	v45 =	vmul.f32 v48, v56;
	v58 =	vmax.f32 v50, $0.0e+00  }
0x82: {  	v55 =	vsub.f32 v53, v62;
	v48 =	vmul.f32 v60, v59;
	v41 =	vsub.f32 v41, v39  }
0x83: {  	v47 =	vmax.f32 v54, $0.0e+00;
	v46 =	vmul.f32 v58, v57;
	v42 =	vsub.f32 v42, v40  }
0x84: {  	v56 =	vmax.f32 v55, $0.0e+00;
	v45 =	vadd.f32 s18, v45;
	v41 =	vmax.f32 v41, $9.999999970e-07  }
0x85: {  	v44 =	vsub.f32 v44, v43;
	v48 =	vadd.f32 s18, v48;
	v47 =	vmul.f32 v56, v47  }
0x86: {  	v41 =	vmul.f32 v41, v4;
	v42 =	vmax.f32 v42, $9.999999970e-07;
	v45 =	vsub.f32 v45, v46  }
0x87: {  	v42 =	vmul.f32 v42, v4;
	v44 =	vmax.f32 v44, $9.999999970e-07;
	v48 =	vsub.f32 v48, v47  }
0x88: {  	v39 =	vsub.f32 v39, v41;
	v57 =	vmul.f32 v44, v4;
	v58 =	vmax.f32 v45, $9.999999970e-07  }
0x89: {  	v40 =	vsub.f32 v40, v42;
	v59 =	vmul.f32 v58, v4;
	v60 =	vmax.f32 v48, $9.999999970e-07  }
0x8a: {  	v38 =	vmax.f32 v38, v39;
	v61 =	vsub.f32 v43, v57;
	v62 =	vmul.f32 v60, v4  }
0x8b: {  	v38 =	vmax.f32 v38, v40;
	v63 =	vsub.f32 v46, v59  }
0x8c: {  	v38 =	vmax.f32 v38, v61;
	v44 =	vsub.f32 v47, v62  }
0x8d: {  	v38 =	vmax.f32 v38, v63  }
0x8e: {  	v38 =	vmax.f32 v38, v44  }
0x8f: {  	[tilespmem:$0x13C00] =	vst v38  }
0x90: {  	v45 =	vld [tilespmem:$0x13C08];
	_ =	sdelay $0x4  }
0x91: {  	v38 =	vmax.f32 v38, v45  }
0x92: {  	[tilespmem:$0x13C00] =	vst v38  }
0x93: {  	v46 =	vld [tilespmem:$0x13C04];
	_ =	sdelay $0x4  }
0x94: {  	v38 =	vmax.f32 v38, v46  }
0x95: {  	[tilespmem:$0x13C00] =	vst v38  }
0x96: {  	v47 =	vld [tilespmem:$0x13C02];
	_ =	sdelay $0x4  }
0x97: {  	v38 =	vmax.f32 v38, v47  }
0x98: {  	[tilespmem:$0x13C00] =	vst v38  }
0x99: {  	v48 =	vld [tilespmem:$0x13C01];
	_ =	sdelay $0x4  }
0x9a: {  	v38 =	vmax.f32 v38, v48  }
0x9b: {  	(v2sf) =	vpush v38, $0x0;
	_ =	sdelay $0xc  }
0x9c: {  	s24 =	scvt.s32.f32 s15  }
0x9d: {  	s23 =	rddreg [dreg:$0x4]  }
0x9e: {  	p1 =	sgt.f32 s31, s14;
	v49 =	vmov s24;
	s25 =	spop (v2sf)  }
0x9f: {  	p3 =	slt.s32 s15, s23;
	v38 =	vsub.f32 v2, v49;
	p2 =	sge.f32 s25, $0.0e+00  }
0xa0: {  	s26 =	sadd.f32 $-1.600000000e+01, s24;
	p1 =	por !p3, !p1;
	v52 =	vsub.f32 v35, v31  }
0xa1: {  	p1 =	por !p1, !p1;
	v50 =	vsub.f32 v34, v32;
	v53 =	vsub.f32 v36, v30;
	v38 =	vand.u32 $0x7FFFFFFF, v38;
	p2 =	por !p2, !p2  }
0xa2: {  	v51 =	vmov s26;
	v57 =	vsub.f32 v37, v29;
	v38 =	vsub.f32 $1.000000000e+00, v38;
	p1 =	por !p1, !p2  }
0xa3: {  	s17 =	rddreg [dreg:$0x5];
	v33 =	vbroadcast v33, $0x0;
	v58 =	vsub.f32 v34, v28;
	v40 =	vsub.f32 v2, v51;
	p1 =	por !p1, !p1  }
0xa4: {  	s28 =	sadd.f32 $-3.200000000e+01, s24;
	v60 =	vsub.f32 v36, v26;
	v51 =	vsub.f32 v35, v23;
	v38 =	vmax.f32 v38, $0.0e+00;
	s17 =	simm.s32 @!p1 $0x0  }
0xa5: {  	v59 =	vsub.f32 v35, v27;
	v40 =	vand.u32 $0x7FFFFFFF, v40;
	v38 =	vmul.f32 s17, v38  }
0xa6: {  	s29 =	sadd.f32 $-4.800000000e+01, s24;
	v56 =	vmov s28;
	v62 =	vsub.f32 v37, v25;
	v54 =	vsub.f32 $1.000000000e+00, v40  }
0xa7: {  	v46 =	vsub.f32 v37, v17;
	v39 =	vmul.f32 v38, v50;
	v41 =	vmul.f32 v38, v52  }
0xa8: {  	v55 =	vmul.f32 v38, v53;
	v50 =	vsub.f32 v34, v24;
	v52 =	vmov s29  }
0xa9: {  	v38 =	vmul.f32 v38, v57;
	v43 =	vsub.f32 v2, v52;
	v32 =	vadd.f32 v39, v32  }
0xaa: {  	v31 =	vadd.f32 v41, v31;
	v39 =	vmax.f32 v54, $0.0e+00;
	v41 =	vsub.f32 v2, v56  }
0xab: {  	v53 =	vsub.f32 v36, v22;
	v30 =	vadd.f32 v55, v30;
	v39 =	vmul.f32 s17, v39  }
0xac: {  	v29 =	vadd.f32 v38, v29;
	v57 =	vand.u32 $0x7FFFFFFF, v43;
	v41 =	vand.u32 $0x7FFFFFFF, v41  }
0xad: {  	v40 =	vmul.f32 v39, v58;
	v41 =	vsub.f32 $1.000000000e+00, v41;
	v61 =	vmul.f32 v39, v59  }
0xae: {  	s30 =	sadd.f32 $-6.400000000e+01, s24;
	v63 =	vmul.f32 v39, v60;
	v58 =	vsub.f32 $1.000000000e+00, v57;
	v60 =	vsub.f32 v37, v21  }
0xaf: {  	v48 =	vmul.f32 v39, v62;
	v62 =	vsub.f32 v35, v19;
	v28 =	vadd.f32 v40, v28  }
0xb0: {  	v59 =	vmov s30;
	v27 =	vadd.f32 v61, v27;
	v26 =	vadd.f32 v63, v26  }
0xb1: {  	v41 =	vmax.f32 v41, $0.0e+00;
	v25 =	vadd.f32 v48, v25;
	v40 =	vsub.f32 v2, v59  }
0xb2: {  	s18 =	sadd.f32 $-9.600000000e+01, s24;
	v38 =	vmax.f32 v58, $0.0e+00;
	v61 =	vsub.f32 v34, v20;
	v63 =	vsub.f32 v36, v18  }
0xb3: {  	v48 =	vsub.f32 v34, v16;
	v58 =	vsub.f32 v34, v12;
	v49 =	vmul.f32 s17, v41  }
0xb4: {  	v57 =	vmov s18;
	v59 =	vsub.f32 v35, v11;
	v34 =	vsub.f32 v34, v8  }
0xb5: {  	v38 =	vmul.f32 s17, v38;
	v40 =	vand.u32 $0x7FFFFFFF, v40;
	v54 =	vmul.f32 v49, v50  }
0xb6: {  	v55 =	vmul.f32 v49, v51;
	v56 =	vmul.f32 v49, v53;
	v40 =	vsub.f32 $1.000000000e+00, v40  }
0xb7: {  	v39 =	vmul.f32 v49, v60;
	v49 =	vsub.f32 v35, v15;
	v51 =	vsub.f32 v36, v14  }
0xb8: {  	v42 =	vmul.f32 v38, v61;
	v53 =	vsub.f32 v37, v13;
	v60 =	vsub.f32 v36, v10  }
0xb9: {  	v43 =	vmul.f32 v38, v62;
	v62 =	vsub.f32 v37, v9;
	v35 =	vsub.f32 v35, v7  }
0xba: {  	s31 =	sadd.f32 $-8.000000000e+01, s24;
	v45 =	vmul.f32 v38, v63;
	v36 =	vsub.f32 v36, v6;
	v37 =	vsub.f32 v37, v5  }
0xbb: {  	v38 =	vmul.f32 v38, v46;
	v24 =	vadd.f32 v54, v24;
	v23 =	vadd.f32 v55, v23  }
0xbc: {  	v50 =	vmov s31;
	v22 =	vadd.f32 v56, v22;
	v21 =	vadd.f32 v39, v21  }
0xbd: {  	v61 =	vld [tilespmem:s15+$0x13B80];
	v20 =	vadd.f32 v42, v20;
	v40 =	vmax.f32 v40, $0.0e+00;
	v42 =	vsub.f32 v2, v50  }
0xbe: {  	v19 =	vadd.f32 v43, v19;
	v39 =	vsub.f32 v2, v57;
	v47 =	vmul.f32 s17, v40  }
0xbf: {  	v18 =	vadd.f32 v45, v18;
	v17 =	vadd.f32 v38, v17;
	v42 =	vand.u32 $0x7FFFFFFF, v42  }
0xc0: {  	v39 =	vand.u32 $0x7FFFFFFF, v39;
	v52 =	vmul.f32 v47, v48;
	v55 =	vsub.f32 $1.000000000e+00, v42  }
0xc1: {  	s18 =	simm.s32 $0x1;
	v41 =	vmul.f32 v47, v49;
	v43 =	vmul.f32 v47, v51;
	v39 =	vsub.f32 $1.000000000e+00, v39  }
0xc2: {  	s18 =	simm.s32 @!p1 $0x0;
	v54 =	vmul.f32 v47, v53;
	v33 =	vsub.s32 v33, v61;
	v56 =	vmax.f32 v55, $0.0e+00  }
0xc3: {  	v33 =	vmul.u32 s18, v33;
	v39 =	vmax.f32 v39, $0.0e+00;
	v38 =	vmul.f32 s17, v56  }
0xc4: {  	v16 =	vadd.f32 v52, v16;
	v15 =	vadd.f32 v41, v15;
	v63 =	vmul.f32 s17, v39  }
0xc5: {  	v14 =	vadd.f32 v43, v14;
	v40 =	vmul.f32 v38, v58;
	v41 =	vmul.f32 v38, v59  }
0xc6: {  	p1 =	seq.s32 s16, $0x1FC;
	v13 =	vadd.f32 v54, v13;
	v42 =	vmul.f32 v38, v60;
	v38 =	vmul.f32 v38, v62  }
.Ltmp4:
0xc7: {  	v33 =	vand.u32 v3, v33;
	v34 =	vmul.f32 v63, v34;
	v35 =	vmul.f32 v63, v35;
	(pc) =	sbr.rel @!p1 .LBB2_4-.Ltmp4, $4  }
0xc8: {  	v36 =	vmul.f32 v63, v36;
	v12 =	vadd.f32 v40, v12;
	v11 =	vadd.f32 v41, v11  }
0xc9: {  	v37 =	vmul.f32 v63, v37;
	v10 =	vadd.f32 v42, v10;
	v9 =	vadd.f32 v38, v9  }
0xca: {  	v33 =	vadd.s32 v61, v33;
	v8 =	vadd.f32 v34, v8;
	v7 =	vadd.f32 v35, v7  }
0xcb: {  	s16 =	sadd.s32 $0x4, s16;
	[tilespmem:s15+$0x13B80] =	vst v33;
	s15 =	sadd.s32 s18, s15;
	v6 =	vadd.f32 v36, v6;
	v5 =	vadd.f32 v37, v5  }
.Ltmp5:
0xcc: {  	_ = 	snop;
	(pc) =	sbr.rel .LBB2_6-.Ltmp5, $1  }
0xcd: {  	_ =	sdelay $0x3  }
.LBB2_8:
0xce: {  	_ =	sfence.sel $0x180000  }
0xcf: {  	[bflag:$0x0] =	sbarrier.arrive $0xFFFF  }
0xd0: {  	p0 =	sne.s32 s6, $0x0;
	_ =	strace $0x9000004A  }
0xd1: {  	s0 =	sadd.s32 @!p0 $0x100000, s1;
	[bflag:$0x2] =	sbarrier.arrive $0xFFFF  }
0xd2: {  	[sflag:s0] =	ssyncadd.tile.s32 @!p0 $0x1;
	_ =	shalt  }
.Lfunc_end2:
_tile_overlayer_lowered:
.L_overlay_start_2:
0xd3: {  	(tag) =	ssettag $0x2  }
0xd4: {  	s0 =	rddreg [dreg:$0x0];
	s2 =	stileid.u32  }
0xd5: {  	s1 =	rddreg [dreg:$0x1];
	p0 =	sne.s32 s2, $0x0  }
0xd6: {  	s3 =	rddreg [dreg:$0x2];
	[bflag:$0x3] =	sbarrier.arrive $0xFFFF;
	s2 =	simm.s32 @!p0 $0x1C01  }
0xd7: {  	[timem:s3], [sflag:s2] =	dma.local @!p0 [hbm:s0], s1  }
0xd8: {  	s0 =	simm.s32 @!p0 $0x1  }
0xd9: {  	_ =	swait.ge @!p0 [sflag:s0], s1  }
0xda: {  	s1 =	ssub.s32 @!p0 $0x0, s1;
	[sflag:s0] =	ssyncset.done @!p0 $0x0  }
0xdb: {  	[sflag:s0] =	ssyncadd.s32 @!p0 s1  }
0xdc: {  	[bflag:$0x3] =	sbarrier.arrive $0xFFFF  }
0xdd: {  	_ =	shalt  }

</sc_bundles>
